<compile_context>
chip_gen: v7x
topology: tpu7x:2x2x1
jax: 0.10.2.dev20260603
libtpu: 0.0.44.dev20260713+nightly
codegen_flags: <defaults>
</compile_context>

<pallas_src>
import functools

import jax
import jax.numpy as jnp
from jax import lax
from jax.experimental import pallas as pl
from jax.experimental.pallas import tpu as pltpu
from jax.experimental.pallas import tpu_sc as plsc

B = 16
K = 500
KP = 512
H = 152
W = 272
HW = H * W
NW = 32
NCH = KP // 16
TBL = 1024


def _shift_lanes(x, idx):
    dnums = lax.GatherDimensionNumbers(
        offset_dims=(), collapsed_slice_dims=(0,), start_index_map=(0,))
    return lax.gather(x, idx[:, None], dnums, (1,),
                      mode=lax.GatherScatterMode.PROMISE_IN_BOUNDS)


def _sc_body(ints_hbm, flts_hbm, flow_hbm, pwh_hbm, out_hbm,
             ids_v, ids2_v, index_v, mask_v, index2_v, wh_v, wh2_v,
             pa_v, pb_v, t1_v, t2_v, outv, sem_a, sem_b, sem_c):
    cid = lax.axis_index("c")
    sid = lax.axis_index("s")
    wid = sid * 2 + cid
    b = wid // 2
    j = wid % 2
    ib = b * 5
    fb = b * 2

    @pl.when(j == 0)
    def _fire0():
        pltpu.async_copy(flow_hbm.at[b, 0], pa_v, sem_b)
        pltpu.async_copy(flow_hbm.at[b, 1], pb_v, sem_c)

    @pl.when(j == 1)
    def _fire1():
        pltpu.async_copy(pwh_hbm.at[b, 1], pa_v, sem_b)
        pltpu.async_copy(pwh_hbm.at[b, 2], pb_v, sem_c)

    cps = [
        pltpu.async_copy(ints_hbm.at[ib + 0], ids_v, sem_a),
        pltpu.async_copy(ints_hbm.at[ib + 1], ids2_v, sem_a),
        pltpu.async_copy(ints_hbm.at[ib + 2], index2_v, sem_a),
        pltpu.async_copy(ints_hbm.at[ib + 3], index_v, sem_a),
        pltpu.async_copy(ints_hbm.at[ib + 4], mask_v, sem_a),
        pltpu.async_copy(flts_hbm.at[fb + 0], wh_v, sem_a),
        pltpu.async_copy(flts_hbm.at[fb + 1], wh2_v, sem_a),
    ]
    for cp in cps:
        cp.wait()

    iota = lax.iota(jnp.int32, 16)
    big = jnp.full((16,), 1 << 20, jnp.int32)
    minus1 = jnp.full((16,), -1, jnp.int32)

    def init_body(jj, carry):
        t1_v[pl.ds(jj * 16, 16)] = big
        t2_v[pl.ds(jj * 16, 16)] = minus1
        return carry

    lax.fori_loop(0, TBL // 16, init_body, 0)

    shift_up = jnp.minimum(iota + 1, 15)
    shift_dn = jnp.maximum(iota - 1, 0)

    def t1_body(i, carry):
        s = (NCH - 1 - i) * 16
        xg = iota + s
        v = ids_v[pl.ds(s, 16)]
        ks, xs = plsc.sort_key_val(v * 16 + iota, xg)
        vs = lax.shift_right_logical(ks, 4)
        winner = (vs != _shift_lanes(vs, shift_dn)) | (iota == 0)
        plsc.store_scatter(t1_v, [vs], xs, mask=winner)
        return carry

    lax.fori_loop(0, NCH, t1_body, 0)

    def t2_body(k, carry):
        s = k * 16
        ig = iota + s
        v = ids2_v[pl.ds(s, 16)]
        ks, isrt = plsc.sort_key_val(v * 16 + iota, ig)
        vs = lax.shift_right_logical(ks, 4)
        winner = (vs != _shift_lanes(vs, shift_up)) | (iota == 15)
        plsc.store_scatter(t2_v, [vs], isrt, mask=winner)
        return carry

    lax.fori_loop(0, NCH, t2_body, 0)

    def common_chunk(s):
        xg = iota + s
        v = ids_v[pl.ds(s, 16)]
        t1 = plsc.load_gather(t1_v, [v])
        t2 = plsc.load_gather(t2_v, [v])
        recv = (v != 0) & (t1 == xg) & (t2 >= 0) & (xg < K)
        w = jnp.maximum(t2, 0)
        m = mask_v[pl.ds(s, 16)].astype(jnp.float32)
        hw = index_v[pl.ds(s, 16)]
        hh = hw // W
        wc = hw % W
        return xg, recv, w, m, hh, wc

    def xy_pass(plane_v, c, acc0, count_m):
        def body(k, carry):
            acc, acc_m = carry
            s = k * 16
            xg, recv, w, m, hh, wc = common_chunk(s)
            f = plsc.load_gather(plane_v, [hh, wc])
            ix2 = plsc.load_gather(index2_v, [w])
            if c == 0:
                val = (ix2 % W).astype(jnp.float32)
            else:
                val = ix2.astype(jnp.float32) / float(W)
            rin = jnp.where(recv, val, 0.0)
            acc = acc + jnp.abs(f * m - rin)
            if count_m:
                acc_m = acc_m + m
            return (acc, acc_m)

        return lax.fori_loop(0, NCH, body,
                             (acc0, jnp.zeros((16,), jnp.float32)))

    def wh_pass(plane_v, c, acc0):
        csplat = jnp.full((16,), c, jnp.int32)

        def body(k, acc):
            s = k * 16
            xg, recv, w, m, hh, wc = common_chunk(s)
            pw = plsc.load_gather(plane_v, [hh, wc])
            rw = jnp.where(recv, plsc.load_gather(wh2_v, [csplat, w]), 0.0)
            whc = plsc.load_gather(wh_v, [csplat, xg])
            d = rw - whc
            term = jnp.where(d != -whc, d, 0.0) * m
            acc = acc + jnp.abs(pw * m - term)
            return acc

        return lax.fori_loop(0, NCH, body, acc0)

    zero = jnp.zeros((16,), jnp.float32)

    @pl.when(j == 0)
    def _j0():
        pltpu.make_async_copy(flow_hbm.at[b, 0], pa_v, sem_b).wait()
        acc_xy, acc_m = xy_pass(pa_v, 0, zero, True)
        c2 = pltpu.async_copy(pwh_hbm.at[b, 0], pa_v, sem_b)
        pltpu.make_async_copy(flow_hbm.at[b, 1], pb_v, sem_c).wait()
        acc_xy, _ = xy_pass(pb_v, 1, acc_xy, False)
        c2.wait()
        acc_wh = wh_pass(pa_v, 0, zero)
        outv[0, :] = acc_xy
        outv[1, :] = acc_wh
        outv[2, :] = acc_m

    @pl.when(j == 1)
    def _j1():
        pltpu.make_async_copy(pwh_hbm.at[b, 1], pa_v, sem_b).wait()
        acc_wh = wh_pass(pa_v, 1, zero)
        c2 = pltpu.async_copy(pwh_hbm.at[b, 3], pa_v, sem_b)
        pltpu.make_async_copy(pwh_hbm.at[b, 2], pb_v, sem_c).wait()
        acc_wh = wh_pass(pb_v, 2, acc_wh)
        c2.wait()
        acc_wh = wh_pass(pa_v, 3, acc_wh)
        outv[0, :] = zero
        outv[1, :] = acc_wh
        outv[2, :] = zero

    pltpu.sync_copy(outv, out_hbm.at[wid])


_sc_call = functools.partial(
    pl.kernel,
    out_type=jax.ShapeDtypeStruct((NW, 3, 16), jnp.float32),
    mesh=plsc.VectorSubcoreMesh(core_axis_name="c", subcore_axis_name="s"),
    compiler_params=pltpu.CompilerParams(needs_layout_passes=False),
    scratch_types=[
        pltpu.VMEM((KP,), jnp.int32),
        pltpu.VMEM((KP,), jnp.int32),
        pltpu.VMEM((KP,), jnp.int32),
        pltpu.VMEM((KP,), jnp.int32),
        pltpu.VMEM((KP,), jnp.int32),
        pltpu.VMEM((4, KP), jnp.float32),
        pltpu.VMEM((4, KP), jnp.float32),
        pltpu.VMEM((H, W), jnp.float32),
        pltpu.VMEM((H, W), jnp.float32),
        pltpu.VMEM((TBL,), jnp.int32),
        pltpu.VMEM((TBL,), jnp.int32),
        pltpu.VMEM((3, 16), jnp.float32),
        pltpu.SemaphoreType.DMA,
        pltpu.SemaphoreType.DMA,
        pltpu.SemaphoreType.DMA,
    ],
)


def kernel(flow, p_wh, mask, index, ids, wh, index2, ids2, wh2):
    ints = jnp.pad(jnp.stack([ids, ids2, index2, index, mask], axis=1),
                   ((0, 0), (0, 0), (0, KP - K))).reshape(B * 5, KP)
    flts = jnp.pad(jnp.stack([wh, wh2], axis=1).transpose(0, 1, 3, 2),
                   ((0, 0), (0, 0), (0, 0), (0, KP - K))).reshape(B * 2, 4, KP)
    parts = _sc_call(_sc_body)(ints, flts, flow, p_wh)
    s = parts.sum(axis=(0, 2))
    loss = s[0] / (2.0 * s[2] + 1e-4)
    wh_loss = s[1] / (4.0 * s[2] + 1e-4)
    return (loss, wh_loss)

# --- scband reference (transcript-rebuilt; emitter-appended) ---
"""Pipeline reference for scband-forward-wh-loss-25761213841996 (READ-ONLY COPY).

The authoritative reference and input builder live on the scoring server;
editing this copy changes nothing except your own understanding.
"""

import jax, jax.numpy as jnp
import numpy as np

B = 16
H = 152
W = 272
K = 500

def _gather_feat(feat, ind):
    b, c, h, w = feat.shape
    feat = feat.reshape(b, c, h * w).transpose(0, 2, 1)
    idx = jnp.broadcast_to(ind[:, :, None], (b, ind.shape[1], c))
    return jnp.take_along_axis(feat, idx, axis=1)

def _reorder_one(ids_b, ids2_b, index2_b, wh2_b):
    # for each i in ids2: find first x with ids[x] == ids2[i] (skip id 0 / no match)
    match = ids_b[None, :] == ids2_b[:, None]  # [K(i), K(x)]
    pos = jnp.argmax(match, axis=1)            # first occurrence
    valid = jnp.any(match, axis=1) & (ids2_b != 0)
    pos_w = jnp.where(valid, pos, K)           # OOB -> dropped
    xcoord = (index2_b % W).astype(jnp.float32)
    ycoord = index2_b.astype(jnp.float32) / float(W)
    vals = jnp.stack([xcoord, ycoord], axis=1)  # [K, 2]
    r_ind = jnp.zeros((K, 2), jnp.float32).at[pos_w].set(vals, mode='drop')
    r_wh = jnp.zeros((K, 4), jnp.float32).at[pos_w].set(wh2_b.astype(jnp.float32), mode='drop')
    return r_ind, r_wh

def setup_inputs(seed: int = 0):
    key = jax.random.key(seed)
    ks = jax.random.split(key, 9)
    flow = jax.random.normal(ks[0], (B, 2, H, W), jnp.float32)
    p_wh = jax.random.normal(ks[1], (B, 4, H, W), jnp.float32)
    mask = jax.random.randint(ks[2], (B, K), 0, 2)
    index = jax.random.randint(ks[3], (B, K), 0, H * W)
    ids = jax.random.randint(ks[4], (B, K), 0, 1000)
    wh = jax.random.normal(ks[5], (B, K, 4), jnp.float32)
    index2 = jax.random.randint(ks[6], (B, K), 0, H * W)
    ids2 = jax.random.randint(ks[7], (B, K), 0, 1000)
    wh2 = jax.random.normal(ks[8], (B, K, 4), jnp.float32)
    return {"flow": flow, "p_wh": p_wh, "mask": mask, "index": index, "ids": ids, "wh": wh, "index2": index2, "ids2": ids2, "wh2": wh2}

def reference(flow, p_wh, mask, index, ids, wh, index2, ids2, wh2):
    pred = _gather_feat(flow, index)                      # [B, K, 2]
    mask2 = jnp.broadcast_to(mask[:, :, None].astype(jnp.float32), pred.shape)
    xy = pred * mask2
    pwh = _gather_feat(p_wh, index)                       # [B, K, 4]
    mask4 = jnp.broadcast_to(mask[:, :, None].astype(jnp.float32), pwh.shape)
    pred_wh = pwh * mask4
    reordered_ind2, reordered_wh2 = jax.vmap(_reorder_one)(ids, ids2, index2, wh2)
    delta_wh = reordered_wh2 - wh
    delta_wh = jnp.where(delta_wh != -wh, delta_wh, 0.0) * mask4
    loss = jnp.sum(jnp.abs(xy - reordered_ind2)) / (jnp.sum(mask2) + 0.0001)
    wh_loss = jnp.sum(jnp.abs(pred_wh - delta_wh)) / (jnp.sum(mask4) + 0.0001)
    return (loss, wh_loss)

if __name__ == "__main__":
    import jax
    _d = setup_inputs()
    print(jax.jit(kernel)(*tuple(_d.values())))

</pallas_src>

<mosaic_0001>
#map = affine_map<(d0, d1) -> (0, 0)>
#map1 = affine_map<(d0, d1) -> (0, 0, 0)>
#map2 = affine_map<(d0, d1) -> (0, 0, 0, 0)>
module attributes {stable_mosaic.version = 14 : i64} {
  func.func @_sc_body(%arg0: i32, %arg1: i32, %arg2: memref<80x512xi32, #tpu.memory_space<hbm>>, %arg3: memref<32x4x512xf32, #tpu.memory_space<hbm>>, %arg4: memref<16x2x152x272xf32, #tpu.memory_space<hbm>>, %arg5: memref<16x4x152x272xf32, #tpu.memory_space<hbm>>, %arg6: memref<32x3x16xf32, #tpu.memory_space<hbm>>, %arg7: memref<512xi32, #tpu.memory_space<vmem>>, %arg8: memref<512xi32, #tpu.memory_space<vmem>>, %arg9: memref<512xi32, #tpu.memory_space<vmem>>, %arg10: memref<512xi32, #tpu.memory_space<vmem>>, %arg11: memref<512xi32, #tpu.memory_space<vmem>>, %arg12: memref<4x512xf32, #tpu.memory_space<vmem>>, %arg13: memref<4x512xf32, #tpu.memory_space<vmem>>, %arg14: memref<152x272xf32, #tpu.memory_space<vmem>>, %arg15: memref<152x272xf32, #tpu.memory_space<vmem>>, %arg16: memref<1024xi32, #tpu.memory_space<vmem>>, %arg17: memref<1024xi32, #tpu.memory_space<vmem>>, %arg18: memref<3x16xf32, #tpu.memory_space<vmem>>, %arg19: memref<!tpu.dma_semaphore, #tpu.memory_space<semaphore_mem>>, %arg20: memref<!tpu.dma_semaphore, #tpu.memory_space<semaphore_mem>>, %arg21: memref<!tpu.dma_semaphore, #tpu.memory_space<semaphore_mem>>) attributes {dimension_semantics = [#tpu.dimension_semantics<core_parallel>, #tpu.dimension_semantics<subcore_parallel>], iteration_bounds = array<i64: 2, 16>, scalar_prefetch = 0 : i64, scratch_operands = 15 : i64, tpu.core_type = #tpu.core_type<sc_vector_subcore>, window_params = [{transform_indices = #map}, {transform_indices = #map1}, {transform_indices = #map2}, {transform_indices = #map2}, {transform_indices = #map1}]} {
    %mul3A = arith.constant 2 : i32
    %mul3A_0 = arith.muli %arg1, %mul3A : i32
    %add3A = arith.addi %mul3A_0, %arg0 : i32
    %jit3A = arith.constant 2 : i32
    %div3A = arith.divsi %add3A, %jit3A : i32
    %sign3A = arith.constant 0 : i32
    %sign3A_1 = arith.cmpi sgt, %add3A, %sign3A : i32
    %sign3A_2 = arith.extui %sign3A_1 : i1 to i32
    %sign3A_3 = arith.constant 0 : i32
    %sign3A_4 = arith.cmpi slt, %add3A, %sign3A_3 : i32
    %sign3A_5 = arith.extui %sign3A_4 : i1 to i32
    %sign3A_6 = arith.subi %sign3A_2, %sign3A_5 : i32
    %sign3A_7 = arith.constant 0 : i32
    %sign3A_8 = arith.cmpi sgt, %jit3A, %sign3A_7 : i32
    %sign3A_9 = arith.extui %sign3A_8 : i1 to i32
    %sign3A_10 = arith.constant 0 : i32
    %sign3A_11 = arith.cmpi slt, %jit3A, %sign3A_10 : i32
    %sign3A_12 = arith.extui %sign3A_11 : i1 to i32
    %sign3A_13 = arith.subi %sign3A_9, %sign3A_12 : i32
    %ne3A = arith.cmpi ne, %sign3A_6, %sign3A_13 : i32
    %rem3A = arith.remsi %add3A, %jit3A : i32
    %ne3A_14 = arith.constant 0 : i32
    %ne3A_15 = arith.cmpi ne, %rem3A, %ne3A_14 : i32
    %and3A = arith.andi %ne3A, %ne3A_15 : i1
    %sub3A = arith.constant 1 : i32
    %sub3A_16 = arith.subi %div3A, %sub3A : i32
    %select_n3A = arith.select %and3A, %sub3A_16, %div3A : i32
    %jit3A_17 = arith.constant 2 : i32
    %eq3A = arith.constant 0 : i32
    %eq3A_18 = arith.cmpi eq, %jit3A_17, %eq3A : i32
    %jit3A_19 = arith.constant 1 : i32
    %select_n3A_20 = arith.select %eq3A_18, %jit3A_19, %jit3A_17 : i32
    %rem3A_21 = arith.remsi %add3A, %select_n3A_20 : i32
    %ne3A_22 = arith.constant 0 : i32
    %ne3A_23 = arith.cmpi ne, %rem3A_21, %ne3A_22 : i32
    %lt3A = arith.constant 0 : i32
    %lt3A_24 = arith.cmpi slt, %rem3A_21, %lt3A : i32
    %lt3A_25 = arith.constant 0 : i32
    %lt3A_26 = arith.cmpi slt, %select_n3A_20, %lt3A_25 : i32
    %ne3A_27 = arith.xori %lt3A_24, %lt3A_26 : i1
    %and3A_28 = arith.andi %ne3A_27, %ne3A_23 : i1
    %add3A_29 = arith.addi %rem3A_21, %select_n3A_20 : i32
    %select_n3A_30 = arith.select %and3A_28, %add3A_29, %rem3A_21 : i32
    %mul3A_31 = arith.constant 5 : i32
    %mul3A_32 = arith.muli %select_n3A, %mul3A_31 : i32
    %mul3A_33 = arith.constant 2 : i32
    %mul3A_34 = arith.muli %select_n3A, %mul3A_33 : i32
    %eq3A_35 = arith.constant 0 : i32
    %eq3A_36 = arith.cmpi eq, %select_n3A_30, %eq3A_35 : i32
    %convert_element_type3A = arith.extui %eq3A_36 : i1 to i32
    %cond3A = arith.constant 0 : i32
    %cond3A_37 = arith.cmpi ne, %convert_element_type3A, %cond3A : i32
    scf.if %cond3A_37 {
      %dma_start3A_189 = arith.constant 0 : i32
      %dma_start3A_190 = arith.constant 0 : i32
      %dma_start3A_191 = arith.constant 0 : i32
      %dma_start3A_192 = tpu.memref_slice %arg4[%select_n3A, %dma_start3A_189, %dma_start3A_190, %dma_start3A_191] : memref<16x2x152x272xf32, #tpu.memory_space<hbm>> -> memref<1x1x152x272xf32, #tpu.memory_space<hbm>>
      %dma_start3A_193 = tpu.memref_squeeze %dma_start3A_192 : memref<1x1x152x272xf32, #tpu.memory_space<hbm>> -> memref<152x272xf32, #tpu.memory_space<hbm>>
      %dma_start3A_194 = arith.constant 0 : i32
      %dma_start3A_195 = arith.constant 0 : i32
      %dma_start3A_196 = tpu.memref_slice %arg4[%select_n3A, %dma_start3A_189, %dma_start3A_194, %dma_start3A_195] : memref<16x2x152x272xf32, #tpu.memory_space<hbm>> -> memref<1x1x152x272xf32, #tpu.memory_space<hbm>>
      %dma_start3A_197 = tpu.memref_squeeze %dma_start3A_196 : memref<1x1x152x272xf32, #tpu.memory_space<hbm>> -> memref<152x272xf32, #tpu.memory_space<hbm>>
      tpu.enqueue_dma source(%dma_start3A_197 : memref<152x272xf32, #tpu.memory_space<hbm>>) target(%arg14 : memref<152x272xf32, #tpu.memory_space<vmem>>) target_semaphore(%arg20 : memref<!tpu.dma_semaphore, #tpu.memory_space<semaphore_mem>>)
      %dma_start3A_198 = arith.constant 1 : i32
      %dma_start3A_199 = arith.constant 0 : i32
      %dma_start3A_200 = arith.constant 0 : i32
      %dma_start3A_201 = tpu.memref_slice %arg4[%select_n3A, %dma_start3A_198, %dma_start3A_199, %dma_start3A_200] : memref<16x2x152x272xf32, #tpu.memory_space<hbm>> -> memref<1x1x152x272xf32, #tpu.memory_space<hbm>>
      %dma_start3A_202 = tpu.memref_squeeze %dma_start3A_201 : memref<1x1x152x272xf32, #tpu.memory_space<hbm>> -> memref<152x272xf32, #tpu.memory_space<hbm>>
      %dma_start3A_203 = arith.constant 0 : i32
      %dma_start3A_204 = arith.constant 0 : i32
      %dma_start3A_205 = tpu.memref_slice %arg4[%select_n3A, %dma_start3A_198, %dma_start3A_203, %dma_start3A_204] : memref<16x2x152x272xf32, #tpu.memory_space<hbm>> -> memref<1x1x152x272xf32, #tpu.memory_space<hbm>>
      %dma_start3A_206 = tpu.memref_squeeze %dma_start3A_205 : memref<1x1x152x272xf32, #tpu.memory_space<hbm>> -> memref<152x272xf32, #tpu.memory_space<hbm>>
      tpu.enqueue_dma source(%dma_start3A_206 : memref<152x272xf32, #tpu.memory_space<hbm>>) target(%arg15 : memref<152x272xf32, #tpu.memory_space<vmem>>) target_semaphore(%arg21 : memref<!tpu.dma_semaphore, #tpu.memory_space<semaphore_mem>>)
    } else {
    }
    %eq3A_38 = arith.constant 1 : i32
    %eq3A_39 = arith.cmpi eq, %select_n3A_30, %eq3A_38 : i32
    %convert_element_type3A_40 = arith.extui %eq3A_39 : i1 to i32
    %cond3A_41 = arith.constant 0 : i32
    %cond3A_42 = arith.cmpi ne, %convert_element_type3A_40, %cond3A_41 : i32
    scf.if %cond3A_42 {
      %dma_start3A_189 = arith.constant 1 : i32
      %dma_start3A_190 = arith.constant 0 : i32
      %dma_start3A_191 = arith.constant 0 : i32
      %dma_start3A_192 = tpu.memref_slice %arg5[%select_n3A, %dma_start3A_189, %dma_start3A_190, %dma_start3A_191] : memref<16x4x152x272xf32, #tpu.memory_space<hbm>> -> memref<1x1x152x272xf32, #tpu.memory_space<hbm>>
      %dma_start3A_193 = tpu.memref_squeeze %dma_start3A_192 : memref<1x1x152x272xf32, #tpu.memory_space<hbm>> -> memref<152x272xf32, #tpu.memory_space<hbm>>
      %dma_start3A_194 = arith.constant 0 : i32
      %dma_start3A_195 = arith.constant 0 : i32
      %dma_start3A_196 = tpu.memref_slice %arg5[%select_n3A, %dma_start3A_189, %dma_start3A_194, %dma_start3A_195] : memref<16x4x152x272xf32, #tpu.memory_space<hbm>> -> memref<1x1x152x272xf32, #tpu.memory_space<hbm>>
      %dma_start3A_197 = tpu.memref_squeeze %dma_start3A_196 : memref<1x1x152x272xf32, #tpu.memory_space<hbm>> -> memref<152x272xf32, #tpu.memory_space<hbm>>
      tpu.enqueue_dma source(%dma_start3A_197 : memref<152x272xf32, #tpu.memory_space<hbm>>) target(%arg14 : memref<152x272xf32, #tpu.memory_space<vmem>>) target_semaphore(%arg20 : memref<!tpu.dma_semaphore, #tpu.memory_space<semaphore_mem>>)
      %dma_start3A_198 = arith.constant 2 : i32
      %dma_start3A_199 = arith.constant 0 : i32
      %dma_start3A_200 = arith.constant 0 : i32
      %dma_start3A_201 = tpu.memref_slice %arg5[%select_n3A, %dma_start3A_198, %dma_start3A_199, %dma_start3A_200] : memref<16x4x152x272xf32, #tpu.memory_space<hbm>> -> memref<1x1x152x272xf32, #tpu.memory_space<hbm>>
      %dma_start3A_202 = tpu.memref_squeeze %dma_start3A_201 : memref<1x1x152x272xf32, #tpu.memory_space<hbm>> -> memref<152x272xf32, #tpu.memory_space<hbm>>
      %dma_start3A_203 = arith.constant 0 : i32
      %dma_start3A_204 = arith.constant 0 : i32
      %dma_start3A_205 = tpu.memref_slice %arg5[%select_n3A, %dma_start3A_198, %dma_start3A_203, %dma_start3A_204] : memref<16x4x152x272xf32, #tpu.memory_space<hbm>> -> memref<1x1x152x272xf32, #tpu.memory_space<hbm>>
      %dma_start3A_206 = tpu.memref_squeeze %dma_start3A_205 : memref<1x1x152x272xf32, #tpu.memory_space<hbm>> -> memref<152x272xf32, #tpu.memory_space<hbm>>
      tpu.enqueue_dma source(%dma_start3A_206 : memref<152x272xf32, #tpu.memory_space<hbm>>) target(%arg15 : memref<152x272xf32, #tpu.memory_space<vmem>>) target_semaphore(%arg21 : memref<!tpu.dma_semaphore, #tpu.memory_space<semaphore_mem>>)
    } else {
    }
    %add3A_43 = arith.constant 0 : i32
    %add3A_44 = arith.addi %mul3A_32, %add3A_43 : i32
    %dma_start3A = arith.constant 0 : i32
    %dma_start3A_45 = tpu.memref_slice %arg2[%add3A_44, %dma_start3A] : memref<80x512xi32, #tpu.memory_space<hbm>> -> memref<1x512xi32, #tpu.memory_space<hbm>>
    %dma_start3A_46 = tpu.memref_squeeze %dma_start3A_45 : memref<1x512xi32, #tpu.memory_space<hbm>> -> memref<512xi32, #tpu.memory_space<hbm>>
    %dma_start3A_47 = arith.constant 0 : i32
    %dma_start3A_48 = tpu.memref_slice %arg2[%add3A_44, %dma_start3A_47] : memref<80x512xi32, #tpu.memory_space<hbm>> -> memref<1x512xi32, #tpu.memory_space<hbm>>
    %dma_start3A_49 = tpu.memref_squeeze %dma_start3A_48 : memref<1x512xi32, #tpu.memory_space<hbm>> -> memref<512xi32, #tpu.memory_space<hbm>>
    tpu.enqueue_dma source(%dma_start3A_49 : memref<512xi32, #tpu.memory_space<hbm>>) target(%arg7 : memref<512xi32, #tpu.memory_space<vmem>>) target_semaphore(%arg19 : memref<!tpu.dma_semaphore, #tpu.memory_space<semaphore_mem>>)
    %add3A_50 = arith.constant 1 : i32
    %add3A_51 = arith.addi %mul3A_32, %add3A_50 : i32
    %dma_start3A_52 = arith.constant 0 : i32
    %dma_start3A_53 = tpu.memref_slice %arg2[%add3A_51, %dma_start3A_52] : memref<80x512xi32, #tpu.memory_space<hbm>> -> memref<1x512xi32, #tpu.memory_space<hbm>>
    %dma_start3A_54 = tpu.memref_squeeze %dma_start3A_53 : memref<1x512xi32, #tpu.memory_space<hbm>> -> memref<512xi32, #tpu.memory_space<hbm>>
    %dma_start3A_55 = arith.constant 0 : i32
    %dma_start3A_56 = tpu.memref_slice %arg2[%add3A_51, %dma_start3A_55] : memref<80x512xi32, #tpu.memory_space<hbm>> -> memref<1x512xi32, #tpu.memory_space<hbm>>
    %dma_start3A_57 = tpu.memref_squeeze %dma_start3A_56 : memref<1x512xi32, #tpu.memory_space<hbm>> -> memref<512xi32, #tpu.memory_space<hbm>>
    tpu.enqueue_dma source(%dma_start3A_57 : memref<512xi32, #tpu.memory_space<hbm>>) target(%arg8 : memref<512xi32, #tpu.memory_space<vmem>>) target_semaphore(%arg19 : memref<!tpu.dma_semaphore, #tpu.memory_space<semaphore_mem>>)
    %add3A_58 = arith.constant 2 : i32
    %add3A_59 = arith.addi %mul3A_32, %add3A_58 : i32
    %dma_start3A_60 = arith.constant 0 : i32
    %dma_start3A_61 = tpu.memref_slice %arg2[%add3A_59, %dma_start3A_60] : memref<80x512xi32, #tpu.memory_space<hbm>> -> memref<1x512xi32, #tpu.memory_space<hbm>>
    %dma_start3A_62 = tpu.memref_squeeze %dma_start3A_61 : memref<1x512xi32, #tpu.memory_space<hbm>> -> memref<512xi32, #tpu.memory_space<hbm>>
    %dma_start3A_63 = arith.constant 0 : i32
    %dma_start3A_64 = tpu.memref_slice %arg2[%add3A_59, %dma_start3A_63] : memref<80x512xi32, #tpu.memory_space<hbm>> -> memref<1x512xi32, #tpu.memory_space<hbm>>
    %dma_start3A_65 = tpu.memref_squeeze %dma_start3A_64 : memref<1x512xi32, #tpu.memory_space<hbm>> -> memref<512xi32, #tpu.memory_space<hbm>>
    tpu.enqueue_dma source(%dma_start3A_65 : memref<512xi32, #tpu.memory_space<hbm>>) target(%arg11 : memref<512xi32, #tpu.memory_space<vmem>>) target_semaphore(%arg19 : memref<!tpu.dma_semaphore, #tpu.memory_space<semaphore_mem>>)
    %add3A_66 = arith.constant 3 : i32
    %add3A_67 = arith.addi %mul3A_32, %add3A_66 : i32
    %dma_start3A_68 = arith.constant 0 : i32
    %dma_start3A_69 = tpu.memref_slice %arg2[%add3A_67, %dma_start3A_68] : memref<80x512xi32, #tpu.memory_space<hbm>> -> memref<1x512xi32, #tpu.memory_space<hbm>>
    %dma_start3A_70 = tpu.memref_squeeze %dma_start3A_69 : memref<1x512xi32, #tpu.memory_space<hbm>> -> memref<512xi32, #tpu.memory_space<hbm>>
    %dma_start3A_71 = arith.constant 0 : i32
    %dma_start3A_72 = tpu.memref_slice %arg2[%add3A_67, %dma_start3A_71] : memref<80x512xi32, #tpu.memory_space<hbm>> -> memref<1x512xi32, #tpu.memory_space<hbm>>
    %dma_start3A_73 = tpu.memref_squeeze %dma_start3A_72 : memref<1x512xi32, #tpu.memory_space<hbm>> -> memref<512xi32, #tpu.memory_space<hbm>>
    tpu.enqueue_dma source(%dma_start3A_73 : memref<512xi32, #tpu.memory_space<hbm>>) target(%arg9 : memref<512xi32, #tpu.memory_space<vmem>>) target_semaphore(%arg19 : memref<!tpu.dma_semaphore, #tpu.memory_space<semaphore_mem>>)
    %add3A_74 = arith.constant 4 : i32
    %add3A_75 = arith.addi %mul3A_32, %add3A_74 : i32
    %dma_start3A_76 = arith.constant 0 : i32
    %dma_start3A_77 = tpu.memref_slice %arg2[%add3A_75, %dma_start3A_76] : memref<80x512xi32, #tpu.memory_space<hbm>> -> memref<1x512xi32, #tpu.memory_space<hbm>>
    %dma_start3A_78 = tpu.memref_squeeze %dma_start3A_77 : memref<1x512xi32, #tpu.memory_space<hbm>> -> memref<512xi32, #tpu.memory_space<hbm>>
    %dma_start3A_79 = arith.constant 0 : i32
    %dma_start3A_80 = tpu.memref_slice %arg2[%add3A_75, %dma_start3A_79] : memref<80x512xi32, #tpu.memory_space<hbm>> -> memref<1x512xi32, #tpu.memory_space<hbm>>
    %dma_start3A_81 = tpu.memref_squeeze %dma_start3A_80 : memref<1x512xi32, #tpu.memory_space<hbm>> -> memref<512xi32, #tpu.memory_space<hbm>>
    tpu.enqueue_dma source(%dma_start3A_81 : memref<512xi32, #tpu.memory_space<hbm>>) target(%arg10 : memref<512xi32, #tpu.memory_space<vmem>>) target_semaphore(%arg19 : memref<!tpu.dma_semaphore, #tpu.memory_space<semaphore_mem>>)
    %add3A_82 = arith.constant 0 : i32
    %add3A_83 = arith.addi %mul3A_34, %add3A_82 : i32
    %dma_start3A_84 = arith.constant 0 : i32
    %dma_start3A_85 = arith.constant 0 : i32
    %dma_start3A_86 = tpu.memref_slice %arg3[%add3A_83, %dma_start3A_84, %dma_start3A_85] : memref<32x4x512xf32, #tpu.memory_space<hbm>> -> memref<1x4x512xf32, #tpu.memory_space<hbm>>
    %dma_start3A_87 = tpu.memref_squeeze %dma_start3A_86 : memref<1x4x512xf32, #tpu.memory_space<hbm>> -> memref<4x512xf32, #tpu.memory_space<hbm>>
    %dma_start3A_88 = arith.constant 0 : i32
    %dma_start3A_89 = arith.constant 0 : i32
    %dma_start3A_90 = tpu.memref_slice %arg3[%add3A_83, %dma_start3A_88, %dma_start3A_89] : memref<32x4x512xf32, #tpu.memory_space<hbm>> -> memref<1x4x512xf32, #tpu.memory_space<hbm>>
    %dma_start3A_91 = tpu.memref_squeeze %dma_start3A_90 : memref<1x4x512xf32, #tpu.memory_space<hbm>> -> memref<4x512xf32, #tpu.memory_space<hbm>>
    tpu.enqueue_dma source(%dma_start3A_91 : memref<4x512xf32, #tpu.memory_space<hbm>>) target(%arg12 : memref<4x512xf32, #tpu.memory_space<vmem>>) target_semaphore(%arg19 : memref<!tpu.dma_semaphore, #tpu.memory_space<semaphore_mem>>)
    %add3A_92 = arith.constant 1 : i32
    %add3A_93 = arith.addi %mul3A_34, %add3A_92 : i32
    %dma_start3A_94 = arith.constant 0 : i32
    %dma_start3A_95 = arith.constant 0 : i32
    %dma_start3A_96 = tpu.memref_slice %arg3[%add3A_93, %dma_start3A_94, %dma_start3A_95] : memref<32x4x512xf32, #tpu.memory_space<hbm>> -> memref<1x4x512xf32, #tpu.memory_space<hbm>>
    %dma_start3A_97 = tpu.memref_squeeze %dma_start3A_96 : memref<1x4x512xf32, #tpu.memory_space<hbm>> -> memref<4x512xf32, #tpu.memory_space<hbm>>
    %dma_start3A_98 = arith.constant 0 : i32
    %dma_start3A_99 = arith.constant 0 : i32
    %dma_start3A_100 = tpu.memref_slice %arg3[%add3A_93, %dma_start3A_98, %dma_start3A_99] : memref<32x4x512xf32, #tpu.memory_space<hbm>> -> memref<1x4x512xf32, #tpu.memory_space<hbm>>
    %dma_start3A_101 = tpu.memref_squeeze %dma_start3A_100 : memref<1x4x512xf32, #tpu.memory_space<hbm>> -> memref<4x512xf32, #tpu.memory_space<hbm>>
    tpu.enqueue_dma source(%dma_start3A_101 : memref<4x512xf32, #tpu.memory_space<hbm>>) target(%arg13 : memref<4x512xf32, #tpu.memory_space<vmem>>) target_semaphore(%arg19 : memref<!tpu.dma_semaphore, #tpu.memory_space<semaphore_mem>>)
    %dma_wait3A = arith.constant 0 : i32
    %dma_wait3A_102 = tpu.memref_slice %arg2[%add3A_44, %dma_wait3A] : memref<80x512xi32, #tpu.memory_space<hbm>> -> memref<1x512xi32, #tpu.memory_space<hbm>>
    %dma_wait3A_103 = tpu.memref_squeeze %dma_wait3A_102 : memref<1x512xi32, #tpu.memory_space<hbm>> -> memref<512xi32, #tpu.memory_space<hbm>>
    %dma_wait3A_104 = arith.constant 0 : i32
    %dma_wait3A_105 = tpu.memref_slice %arg2[%add3A_44, %dma_wait3A_104] : memref<80x512xi32, #tpu.memory_space<hbm>> -> memref<1x512xi32, #tpu.memory_space<hbm>>
    %dma_wait3A_106 = tpu.memref_squeeze %dma_wait3A_105 : memref<1x512xi32, #tpu.memory_space<hbm>> -> memref<512xi32, #tpu.memory_space<hbm>>
    tpu.wait_dma2 semaphore(%arg19 : memref<!tpu.dma_semaphore, #tpu.memory_space<semaphore_mem>>) src(%dma_wait3A_106 : memref<512xi32, #tpu.memory_space<hbm>>) dst(%arg7 : memref<512xi32, #tpu.memory_space<vmem>>)
    %dma_wait3A_107 = arith.constant 0 : i32
    %dma_wait3A_108 = tpu.memref_slice %arg2[%add3A_51, %dma_wait3A_107] : memref<80x512xi32, #tpu.memory_space<hbm>> -> memref<1x512xi32, #tpu.memory_space<hbm>>
    %dma_wait3A_109 = tpu.memref_squeeze %dma_wait3A_108 : memref<1x512xi32, #tpu.memory_space<hbm>> -> memref<512xi32, #tpu.memory_space<hbm>>
    %dma_wait3A_110 = arith.constant 0 : i32
    %dma_wait3A_111 = tpu.memref_slice %arg2[%add3A_51, %dma_wait3A_110] : memref<80x512xi32, #tpu.memory_space<hbm>> -> memref<1x512xi32, #tpu.memory_space<hbm>>
    %dma_wait3A_112 = tpu.memref_squeeze %dma_wait3A_111 : memref<1x512xi32, #tpu.memory_space<hbm>> -> memref<512xi32, #tpu.memory_space<hbm>>
    tpu.wait_dma2 semaphore(%arg19 : memref<!tpu.dma_semaphore, #tpu.memory_space<semaphore_mem>>) src(%dma_wait3A_112 : memref<512xi32, #tpu.memory_space<hbm>>) dst(%arg8 : memref<512xi32, #tpu.memory_space<vmem>>)
    %dma_wait3A_113 = arith.constant 0 : i32
    %dma_wait3A_114 = tpu.memref_slice %arg2[%add3A_59, %dma_wait3A_113] : memref<80x512xi32, #tpu.memory_space<hbm>> -> memref<1x512xi32, #tpu.memory_space<hbm>>
    %dma_wait3A_115 = tpu.memref_squeeze %dma_wait3A_114 : memref<1x512xi32, #tpu.memory_space<hbm>> -> memref<512xi32, #tpu.memory_space<hbm>>
    %dma_wait3A_116 = arith.constant 0 : i32
    %dma_wait3A_117 = tpu.memref_slice %arg2[%add3A_59, %dma_wait3A_116] : memref<80x512xi32, #tpu.memory_space<hbm>> -> memref<1x512xi32, #tpu.memory_space<hbm>>
    %dma_wait3A_118 = tpu.memref_squeeze %dma_wait3A_117 : memref<1x512xi32, #tpu.memory_space<hbm>> -> memref<512xi32, #tpu.memory_space<hbm>>
    tpu.wait_dma2 semaphore(%arg19 : memref<!tpu.dma_semaphore, #tpu.memory_space<semaphore_mem>>) src(%dma_wait3A_118 : memref<512xi32, #tpu.memory_space<hbm>>) dst(%arg11 : memref<512xi32, #tpu.memory_space<vmem>>)
    %dma_wait3A_119 = arith.constant 0 : i32
    %dma_wait3A_120 = tpu.memref_slice %arg2[%add3A_67, %dma_wait3A_119] : memref<80x512xi32, #tpu.memory_space<hbm>> -> memref<1x512xi32, #tpu.memory_space<hbm>>
    %dma_wait3A_121 = tpu.memref_squeeze %dma_wait3A_120 : memref<1x512xi32, #tpu.memory_space<hbm>> -> memref<512xi32, #tpu.memory_space<hbm>>
    %dma_wait3A_122 = arith.constant 0 : i32
    %dma_wait3A_123 = tpu.memref_slice %arg2[%add3A_67, %dma_wait3A_122] : memref<80x512xi32, #tpu.memory_space<hbm>> -> memref<1x512xi32, #tpu.memory_space<hbm>>
    %dma_wait3A_124 = tpu.memref_squeeze %dma_wait3A_123 : memref<1x512xi32, #tpu.memory_space<hbm>> -> memref<512xi32, #tpu.memory_space<hbm>>
    tpu.wait_dma2 semaphore(%arg19 : memref<!tpu.dma_semaphore, #tpu.memory_space<semaphore_mem>>) src(%dma_wait3A_124 : memref<512xi32, #tpu.memory_space<hbm>>) dst(%arg9 : memref<512xi32, #tpu.memory_space<vmem>>)
    %dma_wait3A_125 = arith.constant 0 : i32
    %dma_wait3A_126 = tpu.memref_slice %arg2[%add3A_75, %dma_wait3A_125] : memref<80x512xi32, #tpu.memory_space<hbm>> -> memref<1x512xi32, #tpu.memory_space<hbm>>
    %dma_wait3A_127 = tpu.memref_squeeze %dma_wait3A_126 : memref<1x512xi32, #tpu.memory_space<hbm>> -> memref<512xi32, #tpu.memory_space<hbm>>
    %dma_wait3A_128 = arith.constant 0 : i32
    %dma_wait3A_129 = tpu.memref_slice %arg2[%add3A_75, %dma_wait3A_128] : memref<80x512xi32, #tpu.memory_space<hbm>> -> memref<1x512xi32, #tpu.memory_space<hbm>>
    %dma_wait3A_130 = tpu.memref_squeeze %dma_wait3A_129 : memref<1x512xi32, #tpu.memory_space<hbm>> -> memref<512xi32, #tpu.memory_space<hbm>>
    tpu.wait_dma2 semaphore(%arg19 : memref<!tpu.dma_semaphore, #tpu.memory_space<semaphore_mem>>) src(%dma_wait3A_130 : memref<512xi32, #tpu.memory_space<hbm>>) dst(%arg10 : memref<512xi32, #tpu.memory_space<vmem>>)
    %dma_wait3A_131 = arith.constant 0 : i32
    %dma_wait3A_132 = arith.constant 0 : i32
    %dma_wait3A_133 = tpu.memref_slice %arg3[%add3A_83, %dma_wait3A_131, %dma_wait3A_132] : memref<32x4x512xf32, #tpu.memory_space<hbm>> -> memref<1x4x512xf32, #tpu.memory_space<hbm>>
    %dma_wait3A_134 = tpu.memref_squeeze %dma_wait3A_133 : memref<1x4x512xf32, #tpu.memory_space<hbm>> -> memref<4x512xf32, #tpu.memory_space<hbm>>
    %dma_wait3A_135 = arith.constant 0 : i32
    %dma_wait3A_136 = arith.constant 0 : i32
    %dma_wait3A_137 = tpu.memref_slice %arg3[%add3A_83, %dma_wait3A_135, %dma_wait3A_136] : memref<32x4x512xf32, #tpu.memory_space<hbm>> -> memref<1x4x512xf32, #tpu.memory_space<hbm>>
    %dma_wait3A_138 = tpu.memref_squeeze %dma_wait3A_137 : memref<1x4x512xf32, #tpu.memory_space<hbm>> -> memref<4x512xf32, #tpu.memory_space<hbm>>
    tpu.wait_dma2 semaphore(%arg19 : memref<!tpu.dma_semaphore, #tpu.memory_space<semaphore_mem>>) src(%dma_wait3A_138 : memref<4x512xf32, #tpu.memory_space<hbm>>) dst(%arg12 : memref<4x512xf32, #tpu.memory_space<vmem>>)
    %dma_wait3A_139 = arith.constant 0 : i32
    %dma_wait3A_140 = arith.constant 0 : i32
    %dma_wait3A_141 = tpu.memref_slice %arg3[%add3A_93, %dma_wait3A_139, %dma_wait3A_140] : memref<32x4x512xf32, #tpu.memory_space<hbm>> -> memref<1x4x512xf32, #tpu.memory_space<hbm>>
    %dma_wait3A_142 = tpu.memref_squeeze %dma_wait3A_141 : memref<1x4x512xf32, #tpu.memory_space<hbm>> -> memref<4x512xf32, #tpu.memory_space<hbm>>
    %dma_wait3A_143 = arith.constant 0 : i32
    %dma_wait3A_144 = arith.constant 0 : i32
    %dma_wait3A_145 = tpu.memref_slice %arg3[%add3A_93, %dma_wait3A_143, %dma_wait3A_144] : memref<32x4x512xf32, #tpu.memory_space<hbm>> -> memref<1x4x512xf32, #tpu.memory_space<hbm>>
    %dma_wait3A_146 = tpu.memref_squeeze %dma_wait3A_145 : memref<1x4x512xf32, #tpu.memory_space<hbm>> -> memref<4x512xf32, #tpu.memory_space<hbm>>
    tpu.wait_dma2 semaphore(%arg19 : memref<!tpu.dma_semaphore, #tpu.memory_space<semaphore_mem>>) src(%dma_wait3A_146 : memref<4x512xf32, #tpu.memory_space<hbm>>) dst(%arg13 : memref<4x512xf32, #tpu.memory_space<vmem>>)
    %iota3A = tpu.iota {dimensions = array<i32: 0>} : vector<16xi32>
    %broadcast_in_dim3A = arith.constant 1048576 : i32
    %broadcast_in_dim3A_147 = vector.broadcast %broadcast_in_dim3A : i32 to vector<16xi32>
    %broadcast_in_dim3A_148 = arith.constant -1 : i32
    %broadcast_in_dim3A_149 = vector.broadcast %broadcast_in_dim3A_148 : i32 to vector<16xi32>
    %scan3A = arith.constant 0 : i32
    %scan3A_150 = arith.constant 0 : i32
    %scan3A_151 = arith.constant 64 : i32
    %scan3A_152 = arith.addi %scan3A_150, %scan3A_151 : i32
    %scan3A_153 = arith.constant 1 : i32
    scf.for %scan3A_189 = %scan3A_150 to %scan3A_152 step %scan3A_153  : i32 {
      %mul3A_190 = arith.constant 16 : i32
      %mul3A_191 = arith.muli %scan3A_189, %mul3A_190 : i32
      %swap3A = arith.index_cast %mul3A_191 : i32 to index
      %swap3A_192 = tpu.vector_load %arg16[%swap3A] {strides = array<i32>} : memref<1024xi32, #tpu.memory_space<vmem>>, vector<16xi32>,
      tpu.vector_store %arg16[%swap3A], %broadcast_in_dim3A_147 {strides = array<i32>} : memref<1024xi32, #tpu.memory_space<vmem>>, vector<16xi32>,
      %mul3A_193 = arith.constant 16 : i32
      %mul3A_194 = arith.muli %scan3A_189, %mul3A_193 : i32
      %swap3A_195 = arith.index_cast %mul3A_194 : i32 to index
      %swap3A_196 = tpu.vector_load %arg17[%swap3A_195] {strides = array<i32>} : memref<1024xi32, #tpu.memory_space<vmem>>, vector<16xi32>,
      tpu.vector_store %arg17[%swap3A_195], %broadcast_in_dim3A_149 {strides = array<i32>} : memref<1024xi32, #tpu.memory_space<vmem>>, vector<16xi32>,
    }
    %scan3A_154 = arith.constant 64 : i32
    %add3A_155 = arith.constant 1 : i32
    %add3A_156 = vector.broadcast %add3A_155 : i32 to vector<16xi32>
    %add3A_157 = arith.addi %iota3A, %add3A_156 : vector<16xi32>
    %min3A = arith.constant 15 : i32
    %min3A_158 = vector.broadcast %min3A : i32 to vector<16xi32>
    %min3A_159 = arith.minsi %add3A_157, %min3A_158 : vector<16xi32>
    %sub3A_160 = arith.constant 1 : i32
    %sub3A_161 = vector.broadcast %sub3A_160 : i32 to vector<16xi32>
    %sub3A_162 = arith.subi %iota3A, %sub3A_161 : vector<16xi32>
    %max3A = arith.constant 0 : i32
    %max3A_163 = vector.broadcast %max3A : i32 to vector<16xi32>
    %max3A_164 = arith.maxsi %sub3A_162, %max3A_163 : vector<16xi32>
    %scan3A_165 = arith.constant 0 : i32
    %scan3A_166 = arith.constant 0 : i32
    %scan3A_167 = arith.constant 32 : i32
    %scan3A_168 = arith.addi %scan3A_166, %scan3A_167 : i32
    %scan3A_169 = arith.constant 1 : i32
    scf.for %scan3A_189 = %scan3A_166 to %scan3A_168 step %scan3A_169  : i32 {
      %sub3A_190 = arith.constant 31 : i32
      %sub3A_191 = arith.subi %sub3A_190, %scan3A_189 : i32
      %mul3A_192 = arith.constant 16 : i32
      %mul3A_193 = arith.muli %sub3A_191, %mul3A_192 : i32
      %add3A_194 = vector.broadcast %mul3A_193 : i32 to vector<16xi32>
      %add3A_195 = arith.addi %iota3A, %add3A_194 : vector<16xi32>
      %get3A = arith.index_cast %mul3A_193 : i32 to index
      %get3A_196 = tpu.vector_load %arg7[%get3A] {strides = array<i32>} : memref<512xi32, #tpu.memory_space<vmem>>, vector<16xi32>,
      %mul3A_197 = arith.constant 16 : i32
      %mul3A_198 = vector.broadcast %mul3A_197 : i32 to vector<16xi32>
      %mul3A_199 = arith.muli %get3A_196, %mul3A_198 : vector<16xi32>
      %add3A_200 = arith.addi %mul3A_199, %iota3A : vector<16xi32>
      %masked_sort3A = arith.constant dense<true> : vector<16xi1>
      %masked_sort3A_201 = arith.constant -2147483648 : i32
      %masked_sort3A_202 = vector.broadcast %masked_sort3A_201 : i32 to vector<16xi32>
      %masked_sort3A_203 = arith.xori %add3A_200, %masked_sort3A_202 : vector<16xi32>
      %masked_sort3A_204, %masked_sort3A_205, %masked_sort3A_206 = tpu.sort %masked_sort3A_203, %add3A_195 masked %masked_sort3A : (vector<16xi32>, vector<16xi32>, vector<16xi1>) -> (vector<16xi1>, vector<16xi32>, vector<16xi32>)
      %masked_sort3A_207 = arith.xori %masked_sort3A_205, %masked_sort3A_202 : vector<16xi32>
      %shift_right_logical3A = arith.constant 4 : i32
      %shift_right_logical3A_208 = vector.broadcast %shift_right_logical3A : i32 to vector<16xi32>
      %shift_right_logical3A_209 = arith.shrui %masked_sort3A_207, %shift_right_logical3A_208 : vector<16xi32>
      %broadcast_in_dim3A_210 = vector.shape_cast %max3A_164 : vector<16xi32> to vector<16x1xi32>
      %gather3A = vector.shape_cast %broadcast_in_dim3A_210 : vector<16x1xi32> to vector<16xi32>
      %gather3A_211 = tpu.dynamic_gather %shift_right_logical3A_209[%gather3A] in [0] : vector<16xi32>, vector<16xi32> -> vector<16xi32>
      %ne3A_212 = arith.cmpi ne, %shift_right_logical3A_209, %gather3A_211 : vector<16xi32>
      %eq3A_213 = arith.constant 0 : i32
      %eq3A_214 = vector.broadcast %eq3A_213 : i32 to vector<16xi32>
      %eq3A_215 = arith.cmpi eq, %iota3A, %eq3A_214 : vector<16xi32>
      %or3A = arith.ori %ne3A_212, %eq3A_215 : vector<16xi1>
      tpu.vector_store_idx %arg16[%shift_right_logical3A_209], %masked_sort3A_206 masked %or3A : memref<1024xi32, #tpu.memory_space<vmem>>[vector<16xi32>], vector<16xi32>, vector<16xi1>
    }
    %scan3A_170 = arith.constant 32 : i32
    %scan3A_171 = arith.constant 0 : i32
    %scan3A_172 = arith.constant 0 : i32
    %scan3A_173 = arith.constant 32 : i32
    %scan3A_174 = arith.addi %scan3A_172, %scan3A_173 : i32
    %scan3A_175 = arith.constant 1 : i32
    scf.for %scan3A_189 = %scan3A_172 to %scan3A_174 step %scan3A_175  : i32 {
      %mul3A_190 = arith.constant 16 : i32
      %mul3A_191 = arith.muli %scan3A_189, %mul3A_190 : i32
      %add3A_192 = vector.broadcast %mul3A_191 : i32 to vector<16xi32>
      %add3A_193 = arith.addi %iota3A, %add3A_192 : vector<16xi32>
      %get3A = arith.index_cast %mul3A_191 : i32 to index
      %get3A_194 = tpu.vector_load %arg8[%get3A] {strides = array<i32>} : memref<512xi32, #tpu.memory_space<vmem>>, vector<16xi32>,
      %mul3A_195 = arith.constant 16 : i32
      %mul3A_196 = vector.broadcast %mul3A_195 : i32 to vector<16xi32>
      %mul3A_197 = arith.muli %get3A_194, %mul3A_196 : vector<16xi32>
      %add3A_198 = arith.addi %mul3A_197, %iota3A : vector<16xi32>
      %masked_sort3A = arith.constant dense<true> : vector<16xi1>
      %masked_sort3A_199 = arith.constant -2147483648 : i32
      %masked_sort3A_200 = vector.broadcast %masked_sort3A_199 : i32 to vector<16xi32>
      %masked_sort3A_201 = arith.xori %add3A_198, %masked_sort3A_200 : vector<16xi32>
      %masked_sort3A_202, %masked_sort3A_203, %masked_sort3A_204 = tpu.sort %masked_sort3A_201, %add3A_193 masked %masked_sort3A : (vector<16xi32>, vector<16xi32>, vector<16xi1>) -> (vector<16xi1>, vector<16xi32>, vector<16xi32>)
      %masked_sort3A_205 = arith.xori %masked_sort3A_203, %masked_sort3A_200 : vector<16xi32>
      %shift_right_logical3A = arith.constant 4 : i32
      %shift_right_logical3A_206 = vector.broadcast %shift_right_logical3A : i32 to vector<16xi32>
      %shift_right_logical3A_207 = arith.shrui %masked_sort3A_205, %shift_right_logical3A_206 : vector<16xi32>
      %broadcast_in_dim3A_208 = vector.shape_cast %min3A_159 : vector<16xi32> to vector<16x1xi32>
      %gather3A = vector.shape_cast %broadcast_in_dim3A_208 : vector<16x1xi32> to vector<16xi32>
      %gather3A_209 = tpu.dynamic_gather %shift_right_logical3A_207[%gather3A] in [0] : vector<16xi32>, vector<16xi32> -> vector<16xi32>
      %ne3A_210 = arith.cmpi ne, %shift_right_logical3A_207, %gather3A_209 : vector<16xi32>
      %eq3A_211 = arith.constant 15 : i32
      %eq3A_212 = vector.broadcast %eq3A_211 : i32 to vector<16xi32>
      %eq3A_213 = arith.cmpi eq, %iota3A, %eq3A_212 : vector<16xi32>
      %or3A = arith.ori %ne3A_210, %eq3A_213 : vector<16xi1>
      tpu.vector_store_idx %arg17[%shift_right_logical3A_207], %masked_sort3A_204 masked %or3A : memref<1024xi32, #tpu.memory_space<vmem>>[vector<16xi32>], vector<16xi32>, vector<16xi1>
    }
    %scan3A_176 = arith.constant 32 : i32
    %broadcast_in_dim3A_177 = arith.constant 0.000000e+00 : f32
    %broadcast_in_dim3A_178 = vector.broadcast %broadcast_in_dim3A_177 : f32 to vector<16xf32>
    %eq3A_179 = arith.constant 0 : i32
    %eq3A_180 = arith.cmpi eq, %select_n3A_30, %eq3A_179 : i32
    %convert_element_type3A_181 = arith.extui %eq3A_180 : i1 to i32
    %cond3A_182 = arith.constant 0 : i32
    %cond3A_183 = arith.cmpi ne, %convert_element_type3A_181, %cond3A_182 : i32
    scf.if %cond3A_183 {
      %dma_wait3A_189 = arith.constant 0 : i32
      %dma_wait3A_190 = arith.constant 0 : i32
      %dma_wait3A_191 = arith.constant 0 : i32
      %dma_wait3A_192 = tpu.memref_slice %arg4[%select_n3A, %dma_wait3A_189, %dma_wait3A_190, %dma_wait3A_191] : memref<16x2x152x272xf32, #tpu.memory_space<hbm>> -> memref<1x1x152x272xf32, #tpu.memory_space<hbm>>
      %dma_wait3A_193 = tpu.memref_squeeze %dma_wait3A_192 : memref<1x1x152x272xf32, #tpu.memory_space<hbm>> -> memref<152x272xf32, #tpu.memory_space<hbm>>
      %dma_wait3A_194 = arith.constant 0 : i32
      %dma_wait3A_195 = arith.constant 0 : i32
      %dma_wait3A_196 = tpu.memref_slice %arg4[%select_n3A, %dma_wait3A_189, %dma_wait3A_194, %dma_wait3A_195] : memref<16x2x152x272xf32, #tpu.memory_space<hbm>> -> memref<1x1x152x272xf32, #tpu.memory_space<hbm>>
      %dma_wait3A_197 = tpu.memref_squeeze %dma_wait3A_196 : memref<1x1x152x272xf32, #tpu.memory_space<hbm>> -> memref<152x272xf32, #tpu.memory_space<hbm>>
      tpu.wait_dma2 semaphore(%arg20 : memref<!tpu.dma_semaphore, #tpu.memory_space<semaphore_mem>>) src(%dma_wait3A_197 : memref<152x272xf32, #tpu.memory_space<hbm>>) dst(%arg14 : memref<152x272xf32, #tpu.memory_space<vmem>>)
      %broadcast_in_dim3A_198 = arith.constant 0.000000e+00 : f32
      %broadcast_in_dim3A_199 = vector.broadcast %broadcast_in_dim3A_198 : f32 to vector<16xf32>
      %scan3A_200 = arith.constant 0 : i32
      %scan3A_201 = arith.constant 32 : i32
      %scan3A_202 = arith.addi %scan3A_200, %scan3A_201 : i32
      %scan3A_203 = arith.constant 1 : i32
      %scan3A_204:2 = scf.for %scan3A_260 = %scan3A_200 to %scan3A_202 step %scan3A_203 iter_args(%scan3A_261 = %broadcast_in_dim3A_178, %scan3A_262 = %broadcast_in_dim3A_199) -> (vector<16xf32>, vector<16xf32>)  : i32 {
        %mul3A_263 = arith.constant 16 : i32
        %mul3A_264 = arith.muli %scan3A_260, %mul3A_263 : i32
        %add3A_265 = vector.broadcast %mul3A_264 : i32 to vector<16xi32>
        %add3A_266 = arith.addi %iota3A, %add3A_265 : vector<16xi32>
        %get3A = arith.index_cast %mul3A_264 : i32 to index
        %get3A_267 = tpu.vector_load %arg7[%get3A] {strides = array<i32>} : memref<512xi32, #tpu.memory_space<vmem>>, vector<16xi32>,
        %gather3A = tpu.vector_load_idx %arg16[%get3A_267] : memref<1024xi32, #tpu.memory_space<vmem>>[vector<16xi32>], vector<16xi32>,
        %gather3A_268 = tpu.vector_load_idx %arg17[%get3A_267] : memref<1024xi32, #tpu.memory_space<vmem>>[vector<16xi32>], vector<16xi32>,
        %ne3A_269 = arith.constant 0 : i32
        %ne3A_270 = vector.broadcast %ne3A_269 : i32 to vector<16xi32>
        %ne3A_271 = arith.cmpi ne, %get3A_267, %ne3A_270 : vector<16xi32>
        %eq3A_272 = arith.cmpi eq, %gather3A, %add3A_266 : vector<16xi32>
        %and3A_273 = arith.andi %ne3A_271, %eq3A_272 : vector<16xi1>
        %ge3A = arith.constant 0 : i32
        %ge3A_274 = vector.broadcast %ge3A : i32 to vector<16xi32>
        %ge3A_275 = arith.cmpi sge, %gather3A_268, %ge3A_274 : vector<16xi32>
        %and3A_276 = arith.andi %and3A_273, %ge3A_275 : vector<16xi1>
        %lt3A_277 = arith.constant 500 : i32
        %lt3A_278 = vector.broadcast %lt3A_277 : i32 to vector<16xi32>
        %lt3A_279 = arith.cmpi slt, %add3A_266, %lt3A_278 : vector<16xi32>
        %and3A_280 = arith.andi %and3A_276, %lt3A_279 : vector<16xi1>
        %max3A_281 = arith.constant 0 : i32
        %max3A_282 = vector.broadcast %max3A_281 : i32 to vector<16xi32>
        %max3A_283 = arith.maxsi %gather3A_268, %max3A_282 : vector<16xi32>
        %get3A_284 = arith.index_cast %mul3A_264 : i32 to index
        %get3A_285 = tpu.vector_load %arg10[%get3A_284] {strides = array<i32>} : memref<512xi32, #tpu.memory_space<vmem>>, vector<16xi32>,
        %convert_element_type3A_286 = arith.sitofp %get3A_285 : vector<16xi32> to vector<16xf32>
        %get3A_287 = arith.index_cast %mul3A_264 : i32 to index
        %get3A_288 = tpu.vector_load %arg9[%get3A_287] {strides = array<i32>} : memref<512xi32, #tpu.memory_space<vmem>>, vector<16xi32>,
        %jit3A_289 = arith.constant 272 : i32
        %div3A_290 = vector.broadcast %jit3A_289 : i32 to vector<16xi32>
        %div3A_291 = arith.divsi %get3A_288, %div3A_290 : vector<16xi32>
        %sign3A_292 = arith.constant 0 : i32
        %sign3A_293 = vector.broadcast %sign3A_292 : i32 to vector<16xi32>
        %sign3A_294 = arith.cmpi sgt, %get3A_288, %sign3A_293 : vector<16xi32>
        %sign3A_295 = arith.extui %sign3A_294 : vector<16xi1> to vector<16xi32>
        %sign3A_296 = arith.constant 0 : i32
        %sign3A_297 = vector.broadcast %sign3A_296 : i32 to vector<16xi32>
        %sign3A_298 = arith.cmpi slt, %get3A_288, %sign3A_297 : vector<16xi32>
        %sign3A_299 = arith.extui %sign3A_298 : vector<16xi1> to vector<16xi32>
        %sign3A_300 = arith.subi %sign3A_295, %sign3A_299 : vector<16xi32>
        %sign3A_301 = arith.constant 0 : i32
        %sign3A_302 = arith.cmpi sgt, %jit3A_289, %sign3A_301 : i32
        %sign3A_303 = arith.extui %sign3A_302 : i1 to i32
        %sign3A_304 = arith.constant 0 : i32
        %sign3A_305 = arith.cmpi slt, %jit3A_289, %sign3A_304 : i32
        %sign3A_306 = arith.extui %sign3A_305 : i1 to i32
        %sign3A_307 = arith.subi %sign3A_303, %sign3A_306 : i32
        %ne3A_308 = vector.broadcast %sign3A_307 : i32 to vector<16xi32>
        %ne3A_309 = arith.cmpi ne, %sign3A_300, %ne3A_308 : vector<16xi32>
        %rem3A_310 = vector.broadcast %jit3A_289 : i32 to vector<16xi32>
        %rem3A_311 = arith.remsi %get3A_288, %rem3A_310 : vector<16xi32>
        %ne3A_312 = arith.constant 0 : i32
        %ne3A_313 = vector.broadcast %ne3A_312 : i32 to vector<16xi32>
        %ne3A_314 = arith.cmpi ne, %rem3A_311, %ne3A_313 : vector<16xi32>
        %and3A_315 = arith.andi %ne3A_309, %ne3A_314 : vector<16xi1>
        %sub3A_316 = arith.constant 1 : i32
        %sub3A_317 = vector.broadcast %sub3A_316 : i32 to vector<16xi32>
        %sub3A_318 = arith.subi %div3A_291, %sub3A_317 : vector<16xi32>
        %select_n3A_319 = arith.select %and3A_315, %sub3A_318, %div3A_291 : vector<16xi1>, vector<16xi32>
        %jit3A_320 = arith.constant 272 : i32
        %eq3A_321 = arith.constant 0 : i32
        %eq3A_322 = arith.cmpi eq, %jit3A_320, %eq3A_321 : i32
        %jit3A_323 = arith.constant 1 : i32
        %select_n3A_324 = arith.select %eq3A_322, %jit3A_323, %jit3A_320 : i32
        %rem3A_325 = vector.broadcast %select_n3A_324 : i32 to vector<16xi32>
        %rem3A_326 = arith.remsi %get3A_288, %rem3A_325 : vector<16xi32>
        %ne3A_327 = arith.constant 0 : i32
        %ne3A_328 = vector.broadcast %ne3A_327 : i32 to vector<16xi32>
        %ne3A_329 = arith.cmpi ne, %rem3A_326, %ne3A_328 : vector<16xi32>
        %lt3A_330 = arith.constant 0 : i32
        %lt3A_331 = vector.broadcast %lt3A_330 : i32 to vector<16xi32>
        %lt3A_332 = arith.cmpi slt, %rem3A_326, %lt3A_331 : vector<16xi32>
        %lt3A_333 = arith.constant 0 : i32
        %lt3A_334 = arith.cmpi slt, %select_n3A_324, %lt3A_333 : i32
        %ne3A_335 = vector.broadcast %lt3A_334 : i1 to vector<16xi1>
        %ne3A_336 = vector.broadcast %ne3A_335 : vector<16xi1> to vector<16xi1>
        %ne3A_337 = arith.xori %lt3A_332, %ne3A_336 : vector<16xi1>
        %and3A_338 = arith.andi %ne3A_337, %ne3A_329 : vector<16xi1>
        %add3A_339 = vector.broadcast %select_n3A_324 : i32 to vector<16xi32>
        %add3A_340 = arith.addi %rem3A_326, %add3A_339 : vector<16xi32>
        %select_n3A_341 = arith.select %and3A_338, %add3A_340, %rem3A_326 : vector<16xi1>, vector<16xi32>
        %gather3A_342 = tpu.vector_load_idx %arg14[%select_n3A_319, %select_n3A_341] : memref<152x272xf32, #tpu.memory_space<vmem>>[vector<16xi32>, vector<16xi32>], vector<16xf32>,
        %gather3A_343 = tpu.vector_load_idx %arg11[%max3A_283] : memref<512xi32, #tpu.memory_space<vmem>>[vector<16xi32>], vector<16xi32>,
        %jit3A_344 = arith.constant 272 : i32
        %eq3A_345 = arith.constant 0 : i32
        %eq3A_346 = arith.cmpi eq, %jit3A_344, %eq3A_345 : i32
        %jit3A_347 = arith.constant 1 : i32
        %select_n3A_348 = arith.select %eq3A_346, %jit3A_347, %jit3A_344 : i32
        %rem3A_349 = vector.broadcast %select_n3A_348 : i32 to vector<16xi32>
        %rem3A_350 = arith.remsi %gather3A_343, %rem3A_349 : vector<16xi32>
        %ne3A_351 = arith.constant 0 : i32
        %ne3A_352 = vector.broadcast %ne3A_351 : i32 to vector<16xi32>
        %ne3A_353 = arith.cmpi ne, %rem3A_350, %ne3A_352 : vector<16xi32>
        %lt3A_354 = arith.constant 0 : i32
        %lt3A_355 = vector.broadcast %lt3A_354 : i32 to vector<16xi32>
        %lt3A_356 = arith.cmpi slt, %rem3A_350, %lt3A_355 : vector<16xi32>
        %lt3A_357 = arith.constant 0 : i32
        %lt3A_358 = arith.cmpi slt, %select_n3A_348, %lt3A_357 : i32
        %ne3A_359 = vector.broadcast %lt3A_358 : i1 to vector<16xi1>
        %ne3A_360 = vector.broadcast %ne3A_359 : vector<16xi1> to vector<16xi1>
        %ne3A_361 = arith.xori %lt3A_356, %ne3A_360 : vector<16xi1>
        %and3A_362 = arith.andi %ne3A_361, %ne3A_353 : vector<16xi1>
        %add3A_363 = vector.broadcast %select_n3A_348 : i32 to vector<16xi32>
        %add3A_364 = arith.addi %rem3A_350, %add3A_363 : vector<16xi32>
        %select_n3A_365 = arith.select %and3A_362, %add3A_364, %rem3A_350 : vector<16xi1>, vector<16xi32>
        %convert_element_type3A_366 = arith.sitofp %select_n3A_365 : vector<16xi32> to vector<16xf32>
        %jit3A_367 = arith.constant 0.000000e+00 : f32
        %broadcast_in_dim3A_368 = vector.broadcast %jit3A_367 : f32 to vector<16xf32>
        %select_n3A_369 = arith.select %and3A_280, %convert_element_type3A_366, %broadcast_in_dim3A_368 : vector<16xi1>, vector<16xf32>
        %mul3A_370 = arith.mulf %gather3A_342, %convert_element_type3A_286 : vector<16xf32>
        %sub3A_371 = arith.subf %mul3A_370, %select_n3A_369 : vector<16xf32>
        %abs3A = math.absf %sub3A_371 : vector<16xf32>
        %add3A_372 = arith.addf %scan3A_261, %abs3A : vector<16xf32>
        %add3A_373 = arith.addf %scan3A_262, %convert_element_type3A_286 : vector<16xf32>
        scf.yield %add3A_372, %add3A_373 : vector<16xf32>, vector<16xf32>
      }
      %scan3A_205 = arith.constant 32 : i32
      %dma_start3A_206 = arith.constant 0 : i32
      %dma_start3A_207 = arith.constant 0 : i32
      %dma_start3A_208 = arith.constant 0 : i32
      %dma_start3A_209 = tpu.memref_slice %arg5[%select_n3A, %dma_start3A_206, %dma_start3A_207, %dma_start3A_208] : memref<16x4x152x272xf32, #tpu.memory_space<hbm>> -> memref<1x1x152x272xf32, #tpu.memory_space<hbm>>
      %dma_start3A_210 = tpu.memref_squeeze %dma_start3A_209 : memref<1x1x152x272xf32, #tpu.memory_space<hbm>> -> memref<152x272xf32, #tpu.memory_space<hbm>>
      %dma_start3A_211 = arith.constant 0 : i32
      %dma_start3A_212 = arith.constant 0 : i32
      %dma_start3A_213 = tpu.memref_slice %arg5[%select_n3A, %dma_start3A_206, %dma_start3A_211, %dma_start3A_212] : memref<16x4x152x272xf32, #tpu.memory_space<hbm>> -> memref<1x1x152x272xf32, #tpu.memory_space<hbm>>
      %dma_start3A_214 = tpu.memref_squeeze %dma_start3A_213 : memref<1x1x152x272xf32, #tpu.memory_space<hbm>> -> memref<152x272xf32, #tpu.memory_space<hbm>>
      tpu.enqueue_dma source(%dma_start3A_214 : memref<152x272xf32, #tpu.memory_space<hbm>>) target(%arg14 : memref<152x272xf32, #tpu.memory_space<vmem>>) target_semaphore(%arg20 : memref<!tpu.dma_semaphore, #tpu.memory_space<semaphore_mem>>)
      %dma_wait3A_215 = arith.constant 1 : i32
      %dma_wait3A_216 = arith.constant 0 : i32
      %dma_wait3A_217 = arith.constant 0 : i32
      %dma_wait3A_218 = tpu.memref_slice %arg4[%select_n3A, %dma_wait3A_215, %dma_wait3A_216, %dma_wait3A_217] : memref<16x2x152x272xf32, #tpu.memory_space<hbm>> -> memref<1x1x152x272xf32, #tpu.memory_space<hbm>>
      %dma_wait3A_219 = tpu.memref_squeeze %dma_wait3A_218 : memref<1x1x152x272xf32, #tpu.memory_space<hbm>> -> memref<152x272xf32, #tpu.memory_space<hbm>>
      %dma_wait3A_220 = arith.constant 0 : i32
      %dma_wait3A_221 = arith.constant 0 : i32
      %dma_wait3A_222 = tpu.memref_slice %arg4[%select_n3A, %dma_wait3A_215, %dma_wait3A_220, %dma_wait3A_221] : memref<16x2x152x272xf32, #tpu.memory_space<hbm>> -> memref<1x1x152x272xf32, #tpu.memory_space<hbm>>
      %dma_wait3A_223 = tpu.memref_squeeze %dma_wait3A_222 : memref<1x1x152x272xf32, #tpu.memory_space<hbm>> -> memref<152x272xf32, #tpu.memory_space<hbm>>
      tpu.wait_dma2 semaphore(%arg21 : memref<!tpu.dma_semaphore, #tpu.memory_space<semaphore_mem>>) src(%dma_wait3A_223 : memref<152x272xf32, #tpu.memory_space<hbm>>) dst(%arg15 : memref<152x272xf32, #tpu.memory_space<vmem>>)
      %broadcast_in_dim3A_224 = arith.constant 0.000000e+00 : f32
      %broadcast_in_dim3A_225 = vector.broadcast %broadcast_in_dim3A_224 : f32 to vector<16xf32>
      %scan3A_226 = arith.constant 0 : i32
      %scan3A_227 = arith.constant 32 : i32
      %scan3A_228 = arith.addi %scan3A_226, %scan3A_227 : i32
      %scan3A_229 = arith.constant 1 : i32
      %scan3A_230 = scf.for %scan3A_260 = %scan3A_226 to %scan3A_228 step %scan3A_229 iter_args(%scan3A_261 = %scan3A_204#0) -> (vector<16xf32>)  : i32 {
        %mul3A_262 = arith.constant 16 : i32
        %mul3A_263 = arith.muli %scan3A_260, %mul3A_262 : i32
        %add3A_264 = vector.broadcast %mul3A_263 : i32 to vector<16xi32>
        %add3A_265 = arith.addi %iota3A, %add3A_264 : vector<16xi32>
        %get3A = arith.index_cast %mul3A_263 : i32 to index
        %get3A_266 = tpu.vector_load %arg7[%get3A] {strides = array<i32>} : memref<512xi32, #tpu.memory_space<vmem>>, vector<16xi32>,
        %gather3A = tpu.vector_load_idx %arg16[%get3A_266] : memref<1024xi32, #tpu.memory_space<vmem>>[vector<16xi32>], vector<16xi32>,
        %gather3A_267 = tpu.vector_load_idx %arg17[%get3A_266] : memref<1024xi32, #tpu.memory_space<vmem>>[vector<16xi32>], vector<16xi32>,
        %ne3A_268 = arith.constant 0 : i32
        %ne3A_269 = vector.broadcast %ne3A_268 : i32 to vector<16xi32>
        %ne3A_270 = arith.cmpi ne, %get3A_266, %ne3A_269 : vector<16xi32>
        %eq3A_271 = arith.cmpi eq, %gather3A, %add3A_265 : vector<16xi32>
        %and3A_272 = arith.andi %ne3A_270, %eq3A_271 : vector<16xi1>
        %ge3A = arith.constant 0 : i32
        %ge3A_273 = vector.broadcast %ge3A : i32 to vector<16xi32>
        %ge3A_274 = arith.cmpi sge, %gather3A_267, %ge3A_273 : vector<16xi32>
        %and3A_275 = arith.andi %and3A_272, %ge3A_274 : vector<16xi1>
        %lt3A_276 = arith.constant 500 : i32
        %lt3A_277 = vector.broadcast %lt3A_276 : i32 to vector<16xi32>
        %lt3A_278 = arith.cmpi slt, %add3A_265, %lt3A_277 : vector<16xi32>
        %and3A_279 = arith.andi %and3A_275, %lt3A_278 : vector<16xi1>
        %max3A_280 = arith.constant 0 : i32
        %max3A_281 = vector.broadcast %max3A_280 : i32 to vector<16xi32>
        %max3A_282 = arith.maxsi %gather3A_267, %max3A_281 : vector<16xi32>
        %get3A_283 = arith.index_cast %mul3A_263 : i32 to index
        %get3A_284 = tpu.vector_load %arg10[%get3A_283] {strides = array<i32>} : memref<512xi32, #tpu.memory_space<vmem>>, vector<16xi32>,
        %convert_element_type3A_285 = arith.sitofp %get3A_284 : vector<16xi32> to vector<16xf32>
        %get3A_286 = arith.index_cast %mul3A_263 : i32 to index
        %get3A_287 = tpu.vector_load %arg9[%get3A_286] {strides = array<i32>} : memref<512xi32, #tpu.memory_space<vmem>>, vector<16xi32>,
        %jit3A_288 = arith.constant 272 : i32
        %div3A_289 = vector.broadcast %jit3A_288 : i32 to vector<16xi32>
        %div3A_290 = arith.divsi %get3A_287, %div3A_289 : vector<16xi32>
        %sign3A_291 = arith.constant 0 : i32
        %sign3A_292 = vector.broadcast %sign3A_291 : i32 to vector<16xi32>
        %sign3A_293 = arith.cmpi sgt, %get3A_287, %sign3A_292 : vector<16xi32>
        %sign3A_294 = arith.extui %sign3A_293 : vector<16xi1> to vector<16xi32>
        %sign3A_295 = arith.constant 0 : i32
        %sign3A_296 = vector.broadcast %sign3A_295 : i32 to vector<16xi32>
        %sign3A_297 = arith.cmpi slt, %get3A_287, %sign3A_296 : vector<16xi32>
        %sign3A_298 = arith.extui %sign3A_297 : vector<16xi1> to vector<16xi32>
        %sign3A_299 = arith.subi %sign3A_294, %sign3A_298 : vector<16xi32>
        %sign3A_300 = arith.constant 0 : i32
        %sign3A_301 = arith.cmpi sgt, %jit3A_288, %sign3A_300 : i32
        %sign3A_302 = arith.extui %sign3A_301 : i1 to i32
        %sign3A_303 = arith.constant 0 : i32
        %sign3A_304 = arith.cmpi slt, %jit3A_288, %sign3A_303 : i32
        %sign3A_305 = arith.extui %sign3A_304 : i1 to i32
        %sign3A_306 = arith.subi %sign3A_302, %sign3A_305 : i32
        %ne3A_307 = vector.broadcast %sign3A_306 : i32 to vector<16xi32>
        %ne3A_308 = arith.cmpi ne, %sign3A_299, %ne3A_307 : vector<16xi32>
        %rem3A_309 = vector.broadcast %jit3A_288 : i32 to vector<16xi32>
        %rem3A_310 = arith.remsi %get3A_287, %rem3A_309 : vector<16xi32>
        %ne3A_311 = arith.constant 0 : i32
        %ne3A_312 = vector.broadcast %ne3A_311 : i32 to vector<16xi32>
        %ne3A_313 = arith.cmpi ne, %rem3A_310, %ne3A_312 : vector<16xi32>
        %and3A_314 = arith.andi %ne3A_308, %ne3A_313 : vector<16xi1>
        %sub3A_315 = arith.constant 1 : i32
        %sub3A_316 = vector.broadcast %sub3A_315 : i32 to vector<16xi32>
        %sub3A_317 = arith.subi %div3A_290, %sub3A_316 : vector<16xi32>
        %select_n3A_318 = arith.select %and3A_314, %sub3A_317, %div3A_290 : vector<16xi1>, vector<16xi32>
        %jit3A_319 = arith.constant 272 : i32
        %eq3A_320 = arith.constant 0 : i32
        %eq3A_321 = arith.cmpi eq, %jit3A_319, %eq3A_320 : i32
        %jit3A_322 = arith.constant 1 : i32
        %select_n3A_323 = arith.select %eq3A_321, %jit3A_322, %jit3A_319 : i32
        %rem3A_324 = vector.broadcast %select_n3A_323 : i32 to vector<16xi32>
        %rem3A_325 = arith.remsi %get3A_287, %rem3A_324 : vector<16xi32>
        %ne3A_326 = arith.constant 0 : i32
        %ne3A_327 = vector.broadcast %ne3A_326 : i32 to vector<16xi32>
        %ne3A_328 = arith.cmpi ne, %rem3A_325, %ne3A_327 : vector<16xi32>
        %lt3A_329 = arith.constant 0 : i32
        %lt3A_330 = vector.broadcast %lt3A_329 : i32 to vector<16xi32>
        %lt3A_331 = arith.cmpi slt, %rem3A_325, %lt3A_330 : vector<16xi32>
        %lt3A_332 = arith.constant 0 : i32
        %lt3A_333 = arith.cmpi slt, %select_n3A_323, %lt3A_332 : i32
        %ne3A_334 = vector.broadcast %lt3A_333 : i1 to vector<16xi1>
        %ne3A_335 = vector.broadcast %ne3A_334 : vector<16xi1> to vector<16xi1>
        %ne3A_336 = arith.xori %lt3A_331, %ne3A_335 : vector<16xi1>
        %and3A_337 = arith.andi %ne3A_336, %ne3A_328 : vector<16xi1>
        %add3A_338 = vector.broadcast %select_n3A_323 : i32 to vector<16xi32>
        %add3A_339 = arith.addi %rem3A_325, %add3A_338 : vector<16xi32>
        %select_n3A_340 = arith.select %and3A_337, %add3A_339, %rem3A_325 : vector<16xi1>, vector<16xi32>
        %gather3A_341 = tpu.vector_load_idx %arg15[%select_n3A_318, %select_n3A_340] : memref<152x272xf32, #tpu.memory_space<vmem>>[vector<16xi32>, vector<16xi32>], vector<16xf32>,
        %gather3A_342 = tpu.vector_load_idx %arg11[%max3A_282] : memref<512xi32, #tpu.memory_space<vmem>>[vector<16xi32>], vector<16xi32>,
        %convert_element_type3A_343 = arith.sitofp %gather3A_342 : vector<16xi32> to vector<16xf32>
        %div3A_344 = arith.constant 2.720000e+02 : f32
        %div3A_345 = vector.broadcast %div3A_344 : f32 to vector<16xf32>
        %div3A_346 = arith.divf %convert_element_type3A_343, %div3A_345 : vector<16xf32>
        %jit3A_347 = arith.constant 0.000000e+00 : f32
        %broadcast_in_dim3A_348 = vector.broadcast %jit3A_347 : f32 to vector<16xf32>
        %select_n3A_349 = arith.select %and3A_279, %div3A_346, %broadcast_in_dim3A_348 : vector<16xi1>, vector<16xf32>
        %mul3A_350 = arith.mulf %gather3A_341, %convert_element_type3A_285 : vector<16xf32>
        %sub3A_351 = arith.subf %mul3A_350, %select_n3A_349 : vector<16xf32>
        %abs3A = math.absf %sub3A_351 : vector<16xf32>
        %add3A_352 = arith.addf %scan3A_261, %abs3A : vector<16xf32>
        scf.yield %add3A_352 : vector<16xf32>
      }
      %scan3A_231 = arith.constant 32 : i32
      %dma_wait3A_232 = arith.constant 0 : i32
      %dma_wait3A_233 = arith.constant 0 : i32
      %dma_wait3A_234 = arith.constant 0 : i32
      %dma_wait3A_235 = tpu.memref_slice %arg5[%select_n3A, %dma_wait3A_232, %dma_wait3A_233, %dma_wait3A_234] : memref<16x4x152x272xf32, #tpu.memory_space<hbm>> -> memref<1x1x152x272xf32, #tpu.memory_space<hbm>>
      %dma_wait3A_236 = tpu.memref_squeeze %dma_wait3A_235 : memref<1x1x152x272xf32, #tpu.memory_space<hbm>> -> memref<152x272xf32, #tpu.memory_space<hbm>>
      %dma_wait3A_237 = arith.constant 0 : i32
      %dma_wait3A_238 = arith.constant 0 : i32
      %dma_wait3A_239 = tpu.memref_slice %arg5[%select_n3A, %dma_wait3A_232, %dma_wait3A_237, %dma_wait3A_238] : memref<16x4x152x272xf32, #tpu.memory_space<hbm>> -> memref<1x1x152x272xf32, #tpu.memory_space<hbm>>
      %dma_wait3A_240 = tpu.memref_squeeze %dma_wait3A_239 : memref<1x1x152x272xf32, #tpu.memory_space<hbm>> -> memref<152x272xf32, #tpu.memory_space<hbm>>
      tpu.wait_dma2 semaphore(%arg20 : memref<!tpu.dma_semaphore, #tpu.memory_space<semaphore_mem>>) src(%dma_wait3A_240 : memref<152x272xf32, #tpu.memory_space<hbm>>) dst(%arg14 : memref<152x272xf32, #tpu.memory_space<vmem>>)
      %broadcast_in_dim3A_241 = arith.constant 0 : i32
      %broadcast_in_dim3A_242 = vector.broadcast %broadcast_in_dim3A_241 : i32 to vector<16xi32>
      %scan3A_243 = arith.constant 0 : i32
      %scan3A_244 = arith.constant 32 : i32
      %scan3A_245 = arith.addi %scan3A_243, %scan3A_244 : i32
      %scan3A_246 = arith.constant 1 : i32
      %scan3A_247 = scf.for %scan3A_260 = %scan3A_243 to %scan3A_245 step %scan3A_246 iter_args(%scan3A_261 = %broadcast_in_dim3A_178) -> (vector<16xf32>)  : i32 {
        %mul3A_262 = arith.constant 16 : i32
        %mul3A_263 = arith.muli %scan3A_260, %mul3A_262 : i32
        %add3A_264 = vector.broadcast %mul3A_263 : i32 to vector<16xi32>
        %add3A_265 = arith.addi %iota3A, %add3A_264 : vector<16xi32>
        %get3A = arith.index_cast %mul3A_263 : i32 to index
        %get3A_266 = tpu.vector_load %arg7[%get3A] {strides = array<i32>} : memref<512xi32, #tpu.memory_space<vmem>>, vector<16xi32>,
        %gather3A = tpu.vector_load_idx %arg16[%get3A_266] : memref<1024xi32, #tpu.memory_space<vmem>>[vector<16xi32>], vector<16xi32>,
        %gather3A_267 = tpu.vector_load_idx %arg17[%get3A_266] : memref<1024xi32, #tpu.memory_space<vmem>>[vector<16xi32>], vector<16xi32>,
        %ne3A_268 = arith.constant 0 : i32
        %ne3A_269 = vector.broadcast %ne3A_268 : i32 to vector<16xi32>
        %ne3A_270 = arith.cmpi ne, %get3A_266, %ne3A_269 : vector<16xi32>
        %eq3A_271 = arith.cmpi eq, %gather3A, %add3A_265 : vector<16xi32>
        %and3A_272 = arith.andi %ne3A_270, %eq3A_271 : vector<16xi1>
        %ge3A = arith.constant 0 : i32
        %ge3A_273 = vector.broadcast %ge3A : i32 to vector<16xi32>
        %ge3A_274 = arith.cmpi sge, %gather3A_267, %ge3A_273 : vector<16xi32>
        %and3A_275 = arith.andi %and3A_272, %ge3A_274 : vector<16xi1>
        %lt3A_276 = arith.constant 500 : i32
        %lt3A_277 = vector.broadcast %lt3A_276 : i32 to vector<16xi32>
        %lt3A_278 = arith.cmpi slt, %add3A_265, %lt3A_277 : vector<16xi32>
        %and3A_279 = arith.andi %and3A_275, %lt3A_278 : vector<16xi1>
        %max3A_280 = arith.constant 0 : i32
        %max3A_281 = vector.broadcast %max3A_280 : i32 to vector<16xi32>
        %max3A_282 = arith.maxsi %gather3A_267, %max3A_281 : vector<16xi32>
        %get3A_283 = arith.index_cast %mul3A_263 : i32 to index
        %get3A_284 = tpu.vector_load %arg10[%get3A_283] {strides = array<i32>} : memref<512xi32, #tpu.memory_space<vmem>>, vector<16xi32>,
        %convert_element_type3A_285 = arith.sitofp %get3A_284 : vector<16xi32> to vector<16xf32>
        %get3A_286 = arith.index_cast %mul3A_263 : i32 to index
        %get3A_287 = tpu.vector_load %arg9[%get3A_286] {strides = array<i32>} : memref<512xi32, #tpu.memory_space<vmem>>, vector<16xi32>,
        %jit3A_288 = arith.constant 272 : i32
        %div3A_289 = vector.broadcast %jit3A_288 : i32 to vector<16xi32>
        %div3A_290 = arith.divsi %get3A_287, %div3A_289 : vector<16xi32>
        %sign3A_291 = arith.constant 0 : i32
        %sign3A_292 = vector.broadcast %sign3A_291 : i32 to vector<16xi32>
        %sign3A_293 = arith.cmpi sgt, %get3A_287, %sign3A_292 : vector<16xi32>
        %sign3A_294 = arith.extui %sign3A_293 : vector<16xi1> to vector<16xi32>
        %sign3A_295 = arith.constant 0 : i32
        %sign3A_296 = vector.broadcast %sign3A_295 : i32 to vector<16xi32>
        %sign3A_297 = arith.cmpi slt, %get3A_287, %sign3A_296 : vector<16xi32>
        %sign3A_298 = arith.extui %sign3A_297 : vector<16xi1> to vector<16xi32>
        %sign3A_299 = arith.subi %sign3A_294, %sign3A_298 : vector<16xi32>
        %sign3A_300 = arith.constant 0 : i32
        %sign3A_301 = arith.cmpi sgt, %jit3A_288, %sign3A_300 : i32
        %sign3A_302 = arith.extui %sign3A_301 : i1 to i32
        %sign3A_303 = arith.constant 0 : i32
        %sign3A_304 = arith.cmpi slt, %jit3A_288, %sign3A_303 : i32
        %sign3A_305 = arith.extui %sign3A_304 : i1 to i32
        %sign3A_306 = arith.subi %sign3A_302, %sign3A_305 : i32
        %ne3A_307 = vector.broadcast %sign3A_306 : i32 to vector<16xi32>
        %ne3A_308 = arith.cmpi ne, %sign3A_299, %ne3A_307 : vector<16xi32>
        %rem3A_309 = vector.broadcast %jit3A_288 : i32 to vector<16xi32>
        %rem3A_310 = arith.remsi %get3A_287, %rem3A_309 : vector<16xi32>
        %ne3A_311 = arith.constant 0 : i32
        %ne3A_312 = vector.broadcast %ne3A_311 : i32 to vector<16xi32>
        %ne3A_313 = arith.cmpi ne, %rem3A_310, %ne3A_312 : vector<16xi32>
        %and3A_314 = arith.andi %ne3A_308, %ne3A_313 : vector<16xi1>
        %sub3A_315 = arith.constant 1 : i32
        %sub3A_316 = vector.broadcast %sub3A_315 : i32 to vector<16xi32>
        %sub3A_317 = arith.subi %div3A_290, %sub3A_316 : vector<16xi32>
        %select_n3A_318 = arith.select %and3A_314, %sub3A_317, %div3A_290 : vector<16xi1>, vector<16xi32>
        %jit3A_319 = arith.constant 272 : i32
        %eq3A_320 = arith.constant 0 : i32
        %eq3A_321 = arith.cmpi eq, %jit3A_319, %eq3A_320 : i32
        %jit3A_322 = arith.constant 1 : i32
        %select_n3A_323 = arith.select %eq3A_321, %jit3A_322, %jit3A_319 : i32
        %rem3A_324 = vector.broadcast %select_n3A_323 : i32 to vector<16xi32>
        %rem3A_325 = arith.remsi %get3A_287, %rem3A_324 : vector<16xi32>
        %ne3A_326 = arith.constant 0 : i32
        %ne3A_327 = vector.broadcast %ne3A_326 : i32 to vector<16xi32>
        %ne3A_328 = arith.cmpi ne, %rem3A_325, %ne3A_327 : vector<16xi32>
        %lt3A_329 = arith.constant 0 : i32
        %lt3A_330 = vector.broadcast %lt3A_329 : i32 to vector<16xi32>
        %lt3A_331 = arith.cmpi slt, %rem3A_325, %lt3A_330 : vector<16xi32>
        %lt3A_332 = arith.constant 0 : i32
        %lt3A_333 = arith.cmpi slt, %select_n3A_323, %lt3A_332 : i32
        %ne3A_334 = vector.broadcast %lt3A_333 : i1 to vector<16xi1>
        %ne3A_335 = vector.broadcast %ne3A_334 : vector<16xi1> to vector<16xi1>
        %ne3A_336 = arith.xori %lt3A_331, %ne3A_335 : vector<16xi1>
        %and3A_337 = arith.andi %ne3A_336, %ne3A_328 : vector<16xi1>
        %add3A_338 = vector.broadcast %select_n3A_323 : i32 to vector<16xi32>
        %add3A_339 = arith.addi %rem3A_325, %add3A_338 : vector<16xi32>
        %select_n3A_340 = arith.select %and3A_337, %add3A_339, %rem3A_325 : vector<16xi1>, vector<16xi32>
        %gather3A_341 = tpu.vector_load_idx %arg14[%select_n3A_318, %select_n3A_340] : memref<152x272xf32, #tpu.memory_space<vmem>>[vector<16xi32>, vector<16xi32>], vector<16xf32>,
        %gather3A_342 = tpu.vector_load_idx %arg13[%broadcast_in_dim3A_242, %max3A_282] : memref<4x512xf32, #tpu.memory_space<vmem>>[vector<16xi32>, vector<16xi32>], vector<16xf32>,
        %jit3A_343 = arith.constant 0.000000e+00 : f32
        %broadcast_in_dim3A_344 = vector.broadcast %jit3A_343 : f32 to vector<16xf32>
        %select_n3A_345 = arith.select %and3A_279, %gather3A_342, %broadcast_in_dim3A_344 : vector<16xi1>, vector<16xf32>
        %gather3A_346 = tpu.vector_load_idx %arg12[%broadcast_in_dim3A_242, %add3A_265] : memref<4x512xf32, #tpu.memory_space<vmem>>[vector<16xi32>, vector<16xi32>], vector<16xf32>,
        %sub3A_347 = arith.subf %select_n3A_345, %gather3A_346 : vector<16xf32>
        %neg3A = arith.constant 0.000000e+00 : f32
        %neg3A_348 = vector.broadcast %neg3A : f32 to vector<16xf32>
        %neg3A_349 = arith.subf %neg3A_348, %gather3A_346 : vector<16xf32>
        %ne3A_350 = arith.cmpf one, %sub3A_347, %neg3A_349 : vector<16xf32>
        %jit3A_351 = arith.constant 0.000000e+00 : f32
        %broadcast_in_dim3A_352 = vector.broadcast %jit3A_351 : f32 to vector<16xf32>
        %select_n3A_353 = arith.select %ne3A_350, %sub3A_347, %broadcast_in_dim3A_352 : vector<16xi1>, vector<16xf32>
        %mul3A_354 = arith.mulf %select_n3A_353, %convert_element_type3A_285 : vector<16xf32>
        %mul3A_355 = arith.mulf %gather3A_341, %convert_element_type3A_285 : vector<16xf32>
        %sub3A_356 = arith.subf %mul3A_355, %mul3A_354 : vector<16xf32>
        %abs3A = math.absf %sub3A_356 : vector<16xf32>
        %add3A_357 = arith.addf %scan3A_261, %abs3A : vector<16xf32>
        scf.yield %add3A_357 : vector<16xf32>
      }
      %scan3A_248 = arith.constant 32 : i32
      %swap3A = arith.constant 0 : i32
      %swap3A_249 = arith.index_cast %swap3A : i32 to index
      %swap3A_250 = arith.constant 0 : index
      %swap3A_251 = tpu.vector_load %arg18[%swap3A_249, %swap3A_250] {strides = array<i32>} : memref<3x16xf32, #tpu.memory_space<vmem>>, vector<16xf32>,
      tpu.vector_store %arg18[%swap3A_249, %swap3A_250], %scan3A_230 {strides = array<i32>} : memref<3x16xf32, #tpu.memory_space<vmem>>, vector<16xf32>,
      %swap3A_252 = arith.constant 1 : i32
      %swap3A_253 = arith.index_cast %swap3A_252 : i32 to index
      %swap3A_254 = arith.constant 0 : index
      %swap3A_255 = tpu.vector_load %arg18[%swap3A_253, %swap3A_254] {strides = array<i32>} : memref<3x16xf32, #tpu.memory_space<vmem>>, vector<16xf32>,
      tpu.vector_store %arg18[%swap3A_253, %swap3A_254], %scan3A_247 {strides = array<i32>} : memref<3x16xf32, #tpu.memory_space<vmem>>, vector<16xf32>,
      %swap3A_256 = arith.constant 2 : i32
      %swap3A_257 = arith.index_cast %swap3A_256 : i32 to index
      %swap3A_258 = arith.constant 0 : index
      %swap3A_259 = tpu.vector_load %arg18[%swap3A_257, %swap3A_258] {strides = array<i32>} : memref<3x16xf32, #tpu.memory_space<vmem>>, vector<16xf32>,
      tpu.vector_store %arg18[%swap3A_257, %swap3A_258], %scan3A_204#1 {strides = array<i32>} : memref<3x16xf32, #tpu.memory_space<vmem>>, vector<16xf32>,
    } else {
    }
    %eq3A_184 = arith.constant 1 : i32
    %eq3A_185 = arith.cmpi eq, %select_n3A_30, %eq3A_184 : i32
    %convert_element_type3A_186 = arith.extui %eq3A_185 : i1 to i32
    %cond3A_187 = arith.constant 0 : i32
    %cond3A_188 = arith.cmpi ne, %convert_element_type3A_186, %cond3A_187 : i32
    scf.if %cond3A_188 {
      %dma_wait3A_189 = arith.constant 1 : i32
      %dma_wait3A_190 = arith.constant 0 : i32
      %dma_wait3A_191 = arith.constant 0 : i32
      %dma_wait3A_192 = tpu.memref_slice %arg5[%select_n3A, %dma_wait3A_189, %dma_wait3A_190, %dma_wait3A_191] : memref<16x4x152x272xf32, #tpu.memory_space<hbm>> -> memref<1x1x152x272xf32, #tpu.memory_space<hbm>>
      %dma_wait3A_193 = tpu.memref_squeeze %dma_wait3A_192 : memref<1x1x152x272xf32, #tpu.memory_space<hbm>> -> memref<152x272xf32, #tpu.memory_space<hbm>>
      %dma_wait3A_194 = arith.constant 0 : i32
      %dma_wait3A_195 = arith.constant 0 : i32
      %dma_wait3A_196 = tpu.memref_slice %arg5[%select_n3A, %dma_wait3A_189, %dma_wait3A_194, %dma_wait3A_195] : memref<16x4x152x272xf32, #tpu.memory_space<hbm>> -> memref<1x1x152x272xf32, #tpu.memory_space<hbm>>
      %dma_wait3A_197 = tpu.memref_squeeze %dma_wait3A_196 : memref<1x1x152x272xf32, #tpu.memory_space<hbm>> -> memref<152x272xf32, #tpu.memory_space<hbm>>
      tpu.wait_dma2 semaphore(%arg20 : memref<!tpu.dma_semaphore, #tpu.memory_space<semaphore_mem>>) src(%dma_wait3A_197 : memref<152x272xf32, #tpu.memory_space<hbm>>) dst(%arg14 : memref<152x272xf32, #tpu.memory_space<vmem>>)
      %broadcast_in_dim3A_198 = arith.constant 1 : i32
      %broadcast_in_dim3A_199 = vector.broadcast %broadcast_in_dim3A_198 : i32 to vector<16xi32>
      %scan3A_200 = arith.constant 0 : i32
      %scan3A_201 = arith.constant 32 : i32
      %scan3A_202 = arith.addi %scan3A_200, %scan3A_201 : i32
      %scan3A_203 = arith.constant 1 : i32
      %scan3A_204 = scf.for %scan3A_260 = %scan3A_200 to %scan3A_202 step %scan3A_203 iter_args(%scan3A_261 = %broadcast_in_dim3A_178) -> (vector<16xf32>)  : i32 {
        %mul3A_262 = arith.constant 16 : i32
        %mul3A_263 = arith.muli %scan3A_260, %mul3A_262 : i32
        %add3A_264 = vector.broadcast %mul3A_263 : i32 to vector<16xi32>
        %add3A_265 = arith.addi %iota3A, %add3A_264 : vector<16xi32>
        %get3A = arith.index_cast %mul3A_263 : i32 to index
        %get3A_266 = tpu.vector_load %arg7[%get3A] {strides = array<i32>} : memref<512xi32, #tpu.memory_space<vmem>>, vector<16xi32>,
        %gather3A = tpu.vector_load_idx %arg16[%get3A_266] : memref<1024xi32, #tpu.memory_space<vmem>>[vector<16xi32>], vector<16xi32>,
        %gather3A_267 = tpu.vector_load_idx %arg17[%get3A_266] : memref<1024xi32, #tpu.memory_space<vmem>>[vector<16xi32>], vector<16xi32>,
        %ne3A_268 = arith.constant 0 : i32
        %ne3A_269 = vector.broadcast %ne3A_268 : i32 to vector<16xi32>
        %ne3A_270 = arith.cmpi ne, %get3A_266, %ne3A_269 : vector<16xi32>
        %eq3A_271 = arith.cmpi eq, %gather3A, %add3A_265 : vector<16xi32>
        %and3A_272 = arith.andi %ne3A_270, %eq3A_271 : vector<16xi1>
        %ge3A = arith.constant 0 : i32
        %ge3A_273 = vector.broadcast %ge3A : i32 to vector<16xi32>
        %ge3A_274 = arith.cmpi sge, %gather3A_267, %ge3A_273 : vector<16xi32>
        %and3A_275 = arith.andi %and3A_272, %ge3A_274 : vector<16xi1>
        %lt3A_276 = arith.constant 500 : i32
        %lt3A_277 = vector.broadcast %lt3A_276 : i32 to vector<16xi32>
        %lt3A_278 = arith.cmpi slt, %add3A_265, %lt3A_277 : vector<16xi32>
        %and3A_279 = arith.andi %and3A_275, %lt3A_278 : vector<16xi1>
        %max3A_280 = arith.constant 0 : i32
        %max3A_281 = vector.broadcast %max3A_280 : i32 to vector<16xi32>
        %max3A_282 = arith.maxsi %gather3A_267, %max3A_281 : vector<16xi32>
        %get3A_283 = arith.index_cast %mul3A_263 : i32 to index
        %get3A_284 = tpu.vector_load %arg10[%get3A_283] {strides = array<i32>} : memref<512xi32, #tpu.memory_space<vmem>>, vector<16xi32>,
        %convert_element_type3A_285 = arith.sitofp %get3A_284 : vector<16xi32> to vector<16xf32>
        %get3A_286 = arith.index_cast %mul3A_263 : i32 to index
        %get3A_287 = tpu.vector_load %arg9[%get3A_286] {strides = array<i32>} : memref<512xi32, #tpu.memory_space<vmem>>, vector<16xi32>,
        %jit3A_288 = arith.constant 272 : i32
        %div3A_289 = vector.broadcast %jit3A_288 : i32 to vector<16xi32>
        %div3A_290 = arith.divsi %get3A_287, %div3A_289 : vector<16xi32>
        %sign3A_291 = arith.constant 0 : i32
        %sign3A_292 = vector.broadcast %sign3A_291 : i32 to vector<16xi32>
        %sign3A_293 = arith.cmpi sgt, %get3A_287, %sign3A_292 : vector<16xi32>
        %sign3A_294 = arith.extui %sign3A_293 : vector<16xi1> to vector<16xi32>
        %sign3A_295 = arith.constant 0 : i32
        %sign3A_296 = vector.broadcast %sign3A_295 : i32 to vector<16xi32>
        %sign3A_297 = arith.cmpi slt, %get3A_287, %sign3A_296 : vector<16xi32>
        %sign3A_298 = arith.extui %sign3A_297 : vector<16xi1> to vector<16xi32>
        %sign3A_299 = arith.subi %sign3A_294, %sign3A_298 : vector<16xi32>
        %sign3A_300 = arith.constant 0 : i32
        %sign3A_301 = arith.cmpi sgt, %jit3A_288, %sign3A_300 : i32
        %sign3A_302 = arith.extui %sign3A_301 : i1 to i32
        %sign3A_303 = arith.constant 0 : i32
        %sign3A_304 = arith.cmpi slt, %jit3A_288, %sign3A_303 : i32
        %sign3A_305 = arith.extui %sign3A_304 : i1 to i32
        %sign3A_306 = arith.subi %sign3A_302, %sign3A_305 : i32
        %ne3A_307 = vector.broadcast %sign3A_306 : i32 to vector<16xi32>
        %ne3A_308 = arith.cmpi ne, %sign3A_299, %ne3A_307 : vector<16xi32>
        %rem3A_309 = vector.broadcast %jit3A_288 : i32 to vector<16xi32>
        %rem3A_310 = arith.remsi %get3A_287, %rem3A_309 : vector<16xi32>
        %ne3A_311 = arith.constant 0 : i32
        %ne3A_312 = vector.broadcast %ne3A_311 : i32 to vector<16xi32>
        %ne3A_313 = arith.cmpi ne, %rem3A_310, %ne3A_312 : vector<16xi32>
        %and3A_314 = arith.andi %ne3A_308, %ne3A_313 : vector<16xi1>
        %sub3A_315 = arith.constant 1 : i32
        %sub3A_316 = vector.broadcast %sub3A_315 : i32 to vector<16xi32>
        %sub3A_317 = arith.subi %div3A_290, %sub3A_316 : vector<16xi32>
        %select_n3A_318 = arith.select %and3A_314, %sub3A_317, %div3A_290 : vector<16xi1>, vector<16xi32>
        %jit3A_319 = arith.constant 272 : i32
        %eq3A_320 = arith.constant 0 : i32
        %eq3A_321 = arith.cmpi eq, %jit3A_319, %eq3A_320 : i32
        %jit3A_322 = arith.constant 1 : i32
        %select_n3A_323 = arith.select %eq3A_321, %jit3A_322, %jit3A_319 : i32
        %rem3A_324 = vector.broadcast %select_n3A_323 : i32 to vector<16xi32>
        %rem3A_325 = arith.remsi %get3A_287, %rem3A_324 : vector<16xi32>
        %ne3A_326 = arith.constant 0 : i32
        %ne3A_327 = vector.broadcast %ne3A_326 : i32 to vector<16xi32>
        %ne3A_328 = arith.cmpi ne, %rem3A_325, %ne3A_327 : vector<16xi32>
        %lt3A_329 = arith.constant 0 : i32
        %lt3A_330 = vector.broadcast %lt3A_329 : i32 to vector<16xi32>
        %lt3A_331 = arith.cmpi slt, %rem3A_325, %lt3A_330 : vector<16xi32>
        %lt3A_332 = arith.constant 0 : i32
        %lt3A_333 = arith.cmpi slt, %select_n3A_323, %lt3A_332 : i32
        %ne3A_334 = vector.broadcast %lt3A_333 : i1 to vector<16xi1>
        %ne3A_335 = vector.broadcast %ne3A_334 : vector<16xi1> to vector<16xi1>
        %ne3A_336 = arith.xori %lt3A_331, %ne3A_335 : vector<16xi1>
        %and3A_337 = arith.andi %ne3A_336, %ne3A_328 : vector<16xi1>
        %add3A_338 = vector.broadcast %select_n3A_323 : i32 to vector<16xi32>
        %add3A_339 = arith.addi %rem3A_325, %add3A_338 : vector<16xi32>
        %select_n3A_340 = arith.select %and3A_337, %add3A_339, %rem3A_325 : vector<16xi1>, vector<16xi32>
        %gather3A_341 = tpu.vector_load_idx %arg14[%select_n3A_318, %select_n3A_340] : memref<152x272xf32, #tpu.memory_space<vmem>>[vector<16xi32>, vector<16xi32>], vector<16xf32>,
        %gather3A_342 = tpu.vector_load_idx %arg13[%broadcast_in_dim3A_199, %max3A_282] : memref<4x512xf32, #tpu.memory_space<vmem>>[vector<16xi32>, vector<16xi32>], vector<16xf32>,
        %jit3A_343 = arith.constant 0.000000e+00 : f32
        %broadcast_in_dim3A_344 = vector.broadcast %jit3A_343 : f32 to vector<16xf32>
        %select_n3A_345 = arith.select %and3A_279, %gather3A_342, %broadcast_in_dim3A_344 : vector<16xi1>, vector<16xf32>
        %gather3A_346 = tpu.vector_load_idx %arg12[%broadcast_in_dim3A_199, %add3A_265] : memref<4x512xf32, #tpu.memory_space<vmem>>[vector<16xi32>, vector<16xi32>], vector<16xf32>,
        %sub3A_347 = arith.subf %select_n3A_345, %gather3A_346 : vector<16xf32>
        %neg3A = arith.constant 0.000000e+00 : f32
        %neg3A_348 = vector.broadcast %neg3A : f32 to vector<16xf32>
        %neg3A_349 = arith.subf %neg3A_348, %gather3A_346 : vector<16xf32>
        %ne3A_350 = arith.cmpf one, %sub3A_347, %neg3A_349 : vector<16xf32>
        %jit3A_351 = arith.constant 0.000000e+00 : f32
        %broadcast_in_dim3A_352 = vector.broadcast %jit3A_351 : f32 to vector<16xf32>
        %select_n3A_353 = arith.select %ne3A_350, %sub3A_347, %broadcast_in_dim3A_352 : vector<16xi1>, vector<16xf32>
        %mul3A_354 = arith.mulf %select_n3A_353, %convert_element_type3A_285 : vector<16xf32>
        %mul3A_355 = arith.mulf %gather3A_341, %convert_element_type3A_285 : vector<16xf32>
        %sub3A_356 = arith.subf %mul3A_355, %mul3A_354 : vector<16xf32>
        %abs3A = math.absf %sub3A_356 : vector<16xf32>
        %add3A_357 = arith.addf %scan3A_261, %abs3A : vector<16xf32>
        scf.yield %add3A_357 : vector<16xf32>
      }
      %scan3A_205 = arith.constant 32 : i32
      %dma_start3A_206 = arith.constant 3 : i32
      %dma_start3A_207 = arith.constant 0 : i32
      %dma_start3A_208 = arith.constant 0 : i32
      %dma_start3A_209 = tpu.memref_slice %arg5[%select_n3A, %dma_start3A_206, %dma_start3A_207, %dma_start3A_208] : memref<16x4x152x272xf32, #tpu.memory_space<hbm>> -> memref<1x1x152x272xf32, #tpu.memory_space<hbm>>
      %dma_start3A_210 = tpu.memref_squeeze %dma_start3A_209 : memref<1x1x152x272xf32, #tpu.memory_space<hbm>> -> memref<152x272xf32, #tpu.memory_space<hbm>>
      %dma_start3A_211 = arith.constant 0 : i32
      %dma_start3A_212 = arith.constant 0 : i32
      %dma_start3A_213 = tpu.memref_slice %arg5[%select_n3A, %dma_start3A_206, %dma_start3A_211, %dma_start3A_212] : memref<16x4x152x272xf32, #tpu.memory_space<hbm>> -> memref<1x1x152x272xf32, #tpu.memory_space<hbm>>
      %dma_start3A_214 = tpu.memref_squeeze %dma_start3A_213 : memref<1x1x152x272xf32, #tpu.memory_space<hbm>> -> memref<152x272xf32, #tpu.memory_space<hbm>>
      tpu.enqueue_dma source(%dma_start3A_214 : memref<152x272xf32, #tpu.memory_space<hbm>>) target(%arg14 : memref<152x272xf32, #tpu.memory_space<vmem>>) target_semaphore(%arg20 : memref<!tpu.dma_semaphore, #tpu.memory_space<semaphore_mem>>)
      %dma_wait3A_215 = arith.constant 2 : i32
      %dma_wait3A_216 = arith.constant 0 : i32
      %dma_wait3A_217 = arith.constant 0 : i32
      %dma_wait3A_218 = tpu.memref_slice %arg5[%select_n3A, %dma_wait3A_215, %dma_wait3A_216, %dma_wait3A_217] : memref<16x4x152x272xf32, #tpu.memory_space<hbm>> -> memref<1x1x152x272xf32, #tpu.memory_space<hbm>>
      %dma_wait3A_219 = tpu.memref_squeeze %dma_wait3A_218 : memref<1x1x152x272xf32, #tpu.memory_space<hbm>> -> memref<152x272xf32, #tpu.memory_space<hbm>>
      %dma_wait3A_220 = arith.constant 0 : i32
      %dma_wait3A_221 = arith.constant 0 : i32
      %dma_wait3A_222 = tpu.memref_slice %arg5[%select_n3A, %dma_wait3A_215, %dma_wait3A_220, %dma_wait3A_221] : memref<16x4x152x272xf32, #tpu.memory_space<hbm>> -> memref<1x1x152x272xf32, #tpu.memory_space<hbm>>
      %dma_wait3A_223 = tpu.memref_squeeze %dma_wait3A_222 : memref<1x1x152x272xf32, #tpu.memory_space<hbm>> -> memref<152x272xf32, #tpu.memory_space<hbm>>
      tpu.wait_dma2 semaphore(%arg21 : memref<!tpu.dma_semaphore, #tpu.memory_space<semaphore_mem>>) src(%dma_wait3A_223 : memref<152x272xf32, #tpu.memory_space<hbm>>) dst(%arg15 : memref<152x272xf32, #tpu.memory_space<vmem>>)
      %broadcast_in_dim3A_224 = arith.constant 2 : i32
      %broadcast_in_dim3A_225 = vector.broadcast %broadcast_in_dim3A_224 : i32 to vector<16xi32>
      %scan3A_226 = arith.constant 0 : i32
      %scan3A_227 = arith.constant 32 : i32
      %scan3A_228 = arith.addi %scan3A_226, %scan3A_227 : i32
      %scan3A_229 = arith.constant 1 : i32
      %scan3A_230 = scf.for %scan3A_260 = %scan3A_226 to %scan3A_228 step %scan3A_229 iter_args(%scan3A_261 = %scan3A_204) -> (vector<16xf32>)  : i32 {
        %mul3A_262 = arith.constant 16 : i32
        %mul3A_263 = arith.muli %scan3A_260, %mul3A_262 : i32
        %add3A_264 = vector.broadcast %mul3A_263 : i32 to vector<16xi32>
        %add3A_265 = arith.addi %iota3A, %add3A_264 : vector<16xi32>
        %get3A = arith.index_cast %mul3A_263 : i32 to index
        %get3A_266 = tpu.vector_load %arg7[%get3A] {strides = array<i32>} : memref<512xi32, #tpu.memory_space<vmem>>, vector<16xi32>,
        %gather3A = tpu.vector_load_idx %arg16[%get3A_266] : memref<1024xi32, #tpu.memory_space<vmem>>[vector<16xi32>], vector<16xi32>,
        %gather3A_267 = tpu.vector_load_idx %arg17[%get3A_266] : memref<1024xi32, #tpu.memory_space<vmem>>[vector<16xi32>], vector<16xi32>,
        %ne3A_268 = arith.constant 0 : i32
        %ne3A_269 = vector.broadcast %ne3A_268 : i32 to vector<16xi32>
        %ne3A_270 = arith.cmpi ne, %get3A_266, %ne3A_269 : vector<16xi32>
        %eq3A_271 = arith.cmpi eq, %gather3A, %add3A_265 : vector<16xi32>
        %and3A_272 = arith.andi %ne3A_270, %eq3A_271 : vector<16xi1>
        %ge3A = arith.constant 0 : i32
        %ge3A_273 = vector.broadcast %ge3A : i32 to vector<16xi32>
        %ge3A_274 = arith.cmpi sge, %gather3A_267, %ge3A_273 : vector<16xi32>
        %and3A_275 = arith.andi %and3A_272, %ge3A_274 : vector<16xi1>
        %lt3A_276 = arith.constant 500 : i32
        %lt3A_277 = vector.broadcast %lt3A_276 : i32 to vector<16xi32>
        %lt3A_278 = arith.cmpi slt, %add3A_265, %lt3A_277 : vector<16xi32>
        %and3A_279 = arith.andi %and3A_275, %lt3A_278 : vector<16xi1>
        %max3A_280 = arith.constant 0 : i32
        %max3A_281 = vector.broadcast %max3A_280 : i32 to vector<16xi32>
        %max3A_282 = arith.maxsi %gather3A_267, %max3A_281 : vector<16xi32>
        %get3A_283 = arith.index_cast %mul3A_263 : i32 to index
        %get3A_284 = tpu.vector_load %arg10[%get3A_283] {strides = array<i32>} : memref<512xi32, #tpu.memory_space<vmem>>, vector<16xi32>,
        %convert_element_type3A_285 = arith.sitofp %get3A_284 : vector<16xi32> to vector<16xf32>
        %get3A_286 = arith.index_cast %mul3A_263 : i32 to index
        %get3A_287 = tpu.vector_load %arg9[%get3A_286] {strides = array<i32>} : memref<512xi32, #tpu.memory_space<vmem>>, vector<16xi32>,
        %jit3A_288 = arith.constant 272 : i32
        %div3A_289 = vector.broadcast %jit3A_288 : i32 to vector<16xi32>
        %div3A_290 = arith.divsi %get3A_287, %div3A_289 : vector<16xi32>
        %sign3A_291 = arith.constant 0 : i32
        %sign3A_292 = vector.broadcast %sign3A_291 : i32 to vector<16xi32>
        %sign3A_293 = arith.cmpi sgt, %get3A_287, %sign3A_292 : vector<16xi32>
        %sign3A_294 = arith.extui %sign3A_293 : vector<16xi1> to vector<16xi32>
        %sign3A_295 = arith.constant 0 : i32
        %sign3A_296 = vector.broadcast %sign3A_295 : i32 to vector<16xi32>
        %sign3A_297 = arith.cmpi slt, %get3A_287, %sign3A_296 : vector<16xi32>
        %sign3A_298 = arith.extui %sign3A_297 : vector<16xi1> to vector<16xi32>
        %sign3A_299 = arith.subi %sign3A_294, %sign3A_298 : vector<16xi32>
        %sign3A_300 = arith.constant 0 : i32
        %sign3A_301 = arith.cmpi sgt, %jit3A_288, %sign3A_300 : i32
        %sign3A_302 = arith.extui %sign3A_301 : i1 to i32
        %sign3A_303 = arith.constant 0 : i32
        %sign3A_304 = arith.cmpi slt, %jit3A_288, %sign3A_303 : i32
        %sign3A_305 = arith.extui %sign3A_304 : i1 to i32
        %sign3A_306 = arith.subi %sign3A_302, %sign3A_305 : i32
        %ne3A_307 = vector.broadcast %sign3A_306 : i32 to vector<16xi32>
        %ne3A_308 = arith.cmpi ne, %sign3A_299, %ne3A_307 : vector<16xi32>
        %rem3A_309 = vector.broadcast %jit3A_288 : i32 to vector<16xi32>
        %rem3A_310 = arith.remsi %get3A_287, %rem3A_309 : vector<16xi32>
        %ne3A_311 = arith.constant 0 : i32
        %ne3A_312 = vector.broadcast %ne3A_311 : i32 to vector<16xi32>
        %ne3A_313 = arith.cmpi ne, %rem3A_310, %ne3A_312 : vector<16xi32>
        %and3A_314 = arith.andi %ne3A_308, %ne3A_313 : vector<16xi1>
        %sub3A_315 = arith.constant 1 : i32
        %sub3A_316 = vector.broadcast %sub3A_315 : i32 to vector<16xi32>
        %sub3A_317 = arith.subi %div3A_290, %sub3A_316 : vector<16xi32>
        %select_n3A_318 = arith.select %and3A_314, %sub3A_317, %div3A_290 : vector<16xi1>, vector<16xi32>
        %jit3A_319 = arith.constant 272 : i32
        %eq3A_320 = arith.constant 0 : i32
        %eq3A_321 = arith.cmpi eq, %jit3A_319, %eq3A_320 : i32
        %jit3A_322 = arith.constant 1 : i32
        %select_n3A_323 = arith.select %eq3A_321, %jit3A_322, %jit3A_319 : i32
        %rem3A_324 = vector.broadcast %select_n3A_323 : i32 to vector<16xi32>
        %rem3A_325 = arith.remsi %get3A_287, %rem3A_324 : vector<16xi32>
        %ne3A_326 = arith.constant 0 : i32
        %ne3A_327 = vector.broadcast %ne3A_326 : i32 to vector<16xi32>
        %ne3A_328 = arith.cmpi ne, %rem3A_325, %ne3A_327 : vector<16xi32>
        %lt3A_329 = arith.constant 0 : i32
        %lt3A_330 = vector.broadcast %lt3A_329 : i32 to vector<16xi32>
        %lt3A_331 = arith.cmpi slt, %rem3A_325, %lt3A_330 : vector<16xi32>
        %lt3A_332 = arith.constant 0 : i32
        %lt3A_333 = arith.cmpi slt, %select_n3A_323, %lt3A_332 : i32
        %ne3A_334 = vector.broadcast %lt3A_333 : i1 to vector<16xi1>
        %ne3A_335 = vector.broadcast %ne3A_334 : vector<16xi1> to vector<16xi1>
        %ne3A_336 = arith.xori %lt3A_331, %ne3A_335 : vector<16xi1>
        %and3A_337 = arith.andi %ne3A_336, %ne3A_328 : vector<16xi1>
        %add3A_338 = vector.broadcast %select_n3A_323 : i32 to vector<16xi32>
        %add3A_339 = arith.addi %rem3A_325, %add3A_338 : vector<16xi32>
        %select_n3A_340 = arith.select %and3A_337, %add3A_339, %rem3A_325 : vector<16xi1>, vector<16xi32>
        %gather3A_341 = tpu.vector_load_idx %arg15[%select_n3A_318, %select_n3A_340] : memref<152x272xf32, #tpu.memory_space<vmem>>[vector<16xi32>, vector<16xi32>], vector<16xf32>,
        %gather3A_342 = tpu.vector_load_idx %arg13[%broadcast_in_dim3A_225, %max3A_282] : memref<4x512xf32, #tpu.memory_space<vmem>>[vector<16xi32>, vector<16xi32>], vector<16xf32>,
        %jit3A_343 = arith.constant 0.000000e+00 : f32
        %broadcast_in_dim3A_344 = vector.broadcast %jit3A_343 : f32 to vector<16xf32>
        %select_n3A_345 = arith.select %and3A_279, %gather3A_342, %broadcast_in_dim3A_344 : vector<16xi1>, vector<16xf32>
        %gather3A_346 = tpu.vector_load_idx %arg12[%broadcast_in_dim3A_225, %add3A_265] : memref<4x512xf32, #tpu.memory_space<vmem>>[vector<16xi32>, vector<16xi32>], vector<16xf32>,
        %sub3A_347 = arith.subf %select_n3A_345, %gather3A_346 : vector<16xf32>
        %neg3A = arith.constant 0.000000e+00 : f32
        %neg3A_348 = vector.broadcast %neg3A : f32 to vector<16xf32>
        %neg3A_349 = arith.subf %neg3A_348, %gather3A_346 : vector<16xf32>
        %ne3A_350 = arith.cmpf one, %sub3A_347, %neg3A_349 : vector<16xf32>
        %jit3A_351 = arith.constant 0.000000e+00 : f32
        %broadcast_in_dim3A_352 = vector.broadcast %jit3A_351 : f32 to vector<16xf32>
        %select_n3A_353 = arith.select %ne3A_350, %sub3A_347, %broadcast_in_dim3A_352 : vector<16xi1>, vector<16xf32>
        %mul3A_354 = arith.mulf %select_n3A_353, %convert_element_type3A_285 : vector<16xf32>
        %mul3A_355 = arith.mulf %gather3A_341, %convert_element_type3A_285 : vector<16xf32>
        %sub3A_356 = arith.subf %mul3A_355, %mul3A_354 : vector<16xf32>
        %abs3A = math.absf %sub3A_356 : vector<16xf32>
        %add3A_357 = arith.addf %scan3A_261, %abs3A : vector<16xf32>
        scf.yield %add3A_357 : vector<16xf32>
      }
      %scan3A_231 = arith.constant 32 : i32
      %dma_wait3A_232 = arith.constant 3 : i32
      %dma_wait3A_233 = arith.constant 0 : i32
      %dma_wait3A_234 = arith.constant 0 : i32
      %dma_wait3A_235 = tpu.memref_slice %arg5[%select_n3A, %dma_wait3A_232, %dma_wait3A_233, %dma_wait3A_234] : memref<16x4x152x272xf32, #tpu.memory_space<hbm>> -> memref<1x1x152x272xf32, #tpu.memory_space<hbm>>
      %dma_wait3A_236 = tpu.memref_squeeze %dma_wait3A_235 : memref<1x1x152x272xf32, #tpu.memory_space<hbm>> -> memref<152x272xf32, #tpu.memory_space<hbm>>
      %dma_wait3A_237 = arith.constant 0 : i32
      %dma_wait3A_238 = arith.constant 0 : i32
      %dma_wait3A_239 = tpu.memref_slice %arg5[%select_n3A, %dma_wait3A_232, %dma_wait3A_237, %dma_wait3A_238] : memref<16x4x152x272xf32, #tpu.memory_space<hbm>> -> memref<1x1x152x272xf32, #tpu.memory_space<hbm>>
      %dma_wait3A_240 = tpu.memref_squeeze %dma_wait3A_239 : memref<1x1x152x272xf32, #tpu.memory_space<hbm>> -> memref<152x272xf32, #tpu.memory_space<hbm>>
      tpu.wait_dma2 semaphore(%arg20 : memref<!tpu.dma_semaphore, #tpu.memory_space<semaphore_mem>>) src(%dma_wait3A_240 : memref<152x272xf32, #tpu.memory_space<hbm>>) dst(%arg14 : memref<152x272xf32, #tpu.memory_space<vmem>>)
      %broadcast_in_dim3A_241 = arith.constant 3 : i32
      %broadcast_in_dim3A_242 = vector.broadcast %broadcast_in_dim3A_241 : i32 to vector<16xi32>
      %scan3A_243 = arith.constant 0 : i32
      %scan3A_244 = arith.constant 32 : i32
      %scan3A_245 = arith.addi %scan3A_243, %scan3A_244 : i32
      %scan3A_246 = arith.constant 1 : i32
      %scan3A_247 = scf.for %scan3A_260 = %scan3A_243 to %scan3A_245 step %scan3A_246 iter_args(%scan3A_261 = %scan3A_230) -> (vector<16xf32>)  : i32 {
        %mul3A_262 = arith.constant 16 : i32
        %mul3A_263 = arith.muli %scan3A_260, %mul3A_262 : i32
        %add3A_264 = vector.broadcast %mul3A_263 : i32 to vector<16xi32>
        %add3A_265 = arith.addi %iota3A, %add3A_264 : vector<16xi32>
        %get3A = arith.index_cast %mul3A_263 : i32 to index
        %get3A_266 = tpu.vector_load %arg7[%get3A] {strides = array<i32>} : memref<512xi32, #tpu.memory_space<vmem>>, vector<16xi32>,
        %gather3A = tpu.vector_load_idx %arg16[%get3A_266] : memref<1024xi32, #tpu.memory_space<vmem>>[vector<16xi32>], vector<16xi32>,
        %gather3A_267 = tpu.vector_load_idx %arg17[%get3A_266] : memref<1024xi32, #tpu.memory_space<vmem>>[vector<16xi32>], vector<16xi32>,
        %ne3A_268 = arith.constant 0 : i32
        %ne3A_269 = vector.broadcast %ne3A_268 : i32 to vector<16xi32>
        %ne3A_270 = arith.cmpi ne, %get3A_266, %ne3A_269 : vector<16xi32>
        %eq3A_271 = arith.cmpi eq, %gather3A, %add3A_265 : vector<16xi32>
        %and3A_272 = arith.andi %ne3A_270, %eq3A_271 : vector<16xi1>
        %ge3A = arith.constant 0 : i32
        %ge3A_273 = vector.broadcast %ge3A : i32 to vector<16xi32>
        %ge3A_274 = arith.cmpi sge, %gather3A_267, %ge3A_273 : vector<16xi32>
        %and3A_275 = arith.andi %and3A_272, %ge3A_274 : vector<16xi1>
        %lt3A_276 = arith.constant 500 : i32
        %lt3A_277 = vector.broadcast %lt3A_276 : i32 to vector<16xi32>
        %lt3A_278 = arith.cmpi slt, %add3A_265, %lt3A_277 : vector<16xi32>
        %and3A_279 = arith.andi %and3A_275, %lt3A_278 : vector<16xi1>
        %max3A_280 = arith.constant 0 : i32
        %max3A_281 = vector.broadcast %max3A_280 : i32 to vector<16xi32>
        %max3A_282 = arith.maxsi %gather3A_267, %max3A_281 : vector<16xi32>
        %get3A_283 = arith.index_cast %mul3A_263 : i32 to index
        %get3A_284 = tpu.vector_load %arg10[%get3A_283] {strides = array<i32>} : memref<512xi32, #tpu.memory_space<vmem>>, vector<16xi32>,
        %convert_element_type3A_285 = arith.sitofp %get3A_284 : vector<16xi32> to vector<16xf32>
        %get3A_286 = arith.index_cast %mul3A_263 : i32 to index
        %get3A_287 = tpu.vector_load %arg9[%get3A_286] {strides = array<i32>} : memref<512xi32, #tpu.memory_space<vmem>>, vector<16xi32>,
        %jit3A_288 = arith.constant 272 : i32
        %div3A_289 = vector.broadcast %jit3A_288 : i32 to vector<16xi32>
        %div3A_290 = arith.divsi %get3A_287, %div3A_289 : vector<16xi32>
        %sign3A_291 = arith.constant 0 : i32
        %sign3A_292 = vector.broadcast %sign3A_291 : i32 to vector<16xi32>
        %sign3A_293 = arith.cmpi sgt, %get3A_287, %sign3A_292 : vector<16xi32>
        %sign3A_294 = arith.extui %sign3A_293 : vector<16xi1> to vector<16xi32>
        %sign3A_295 = arith.constant 0 : i32
        %sign3A_296 = vector.broadcast %sign3A_295 : i32 to vector<16xi32>
        %sign3A_297 = arith.cmpi slt, %get3A_287, %sign3A_296 : vector<16xi32>
        %sign3A_298 = arith.extui %sign3A_297 : vector<16xi1> to vector<16xi32>
        %sign3A_299 = arith.subi %sign3A_294, %sign3A_298 : vector<16xi32>
        %sign3A_300 = arith.constant 0 : i32
        %sign3A_301 = arith.cmpi sgt, %jit3A_288, %sign3A_300 : i32
        %sign3A_302 = arith.extui %sign3A_301 : i1 to i32
        %sign3A_303 = arith.constant 0 : i32
        %sign3A_304 = arith.cmpi slt, %jit3A_288, %sign3A_303 : i32
        %sign3A_305 = arith.extui %sign3A_304 : i1 to i32
        %sign3A_306 = arith.subi %sign3A_302, %sign3A_305 : i32
        %ne3A_307 = vector.broadcast %sign3A_306 : i32 to vector<16xi32>
        %ne3A_308 = arith.cmpi ne, %sign3A_299, %ne3A_307 : vector<16xi32>
        %rem3A_309 = vector.broadcast %jit3A_288 : i32 to vector<16xi32>
        %rem3A_310 = arith.remsi %get3A_287, %rem3A_309 : vector<16xi32>
        %ne3A_311 = arith.constant 0 : i32
        %ne3A_312 = vector.broadcast %ne3A_311 : i32 to vector<16xi32>
        %ne3A_313 = arith.cmpi ne, %rem3A_310, %ne3A_312 : vector<16xi32>
        %and3A_314 = arith.andi %ne3A_308, %ne3A_313 : vector<16xi1>
        %sub3A_315 = arith.constant 1 : i32
        %sub3A_316 = vector.broadcast %sub3A_315 : i32 to vector<16xi32>
        %sub3A_317 = arith.subi %div3A_290, %sub3A_316 : vector<16xi32>
        %select_n3A_318 = arith.select %and3A_314, %sub3A_317, %div3A_290 : vector<16xi1>, vector<16xi32>
        %jit3A_319 = arith.constant 272 : i32
        %eq3A_320 = arith.constant 0 : i32
        %eq3A_321 = arith.cmpi eq, %jit3A_319, %eq3A_320 : i32
        %jit3A_322 = arith.constant 1 : i32
        %select_n3A_323 = arith.select %eq3A_321, %jit3A_322, %jit3A_319 : i32
        %rem3A_324 = vector.broadcast %select_n3A_323 : i32 to vector<16xi32>
        %rem3A_325 = arith.remsi %get3A_287, %rem3A_324 : vector<16xi32>
        %ne3A_326 = arith.constant 0 : i32
        %ne3A_327 = vector.broadcast %ne3A_326 : i32 to vector<16xi32>
        %ne3A_328 = arith.cmpi ne, %rem3A_325, %ne3A_327 : vector<16xi32>
        %lt3A_329 = arith.constant 0 : i32
        %lt3A_330 = vector.broadcast %lt3A_329 : i32 to vector<16xi32>
        %lt3A_331 = arith.cmpi slt, %rem3A_325, %lt3A_330 : vector<16xi32>
        %lt3A_332 = arith.constant 0 : i32
        %lt3A_333 = arith.cmpi slt, %select_n3A_323, %lt3A_332 : i32
        %ne3A_334 = vector.broadcast %lt3A_333 : i1 to vector<16xi1>
        %ne3A_335 = vector.broadcast %ne3A_334 : vector<16xi1> to vector<16xi1>
        %ne3A_336 = arith.xori %lt3A_331, %ne3A_335 : vector<16xi1>
        %and3A_337 = arith.andi %ne3A_336, %ne3A_328 : vector<16xi1>
        %add3A_338 = vector.broadcast %select_n3A_323 : i32 to vector<16xi32>
        %add3A_339 = arith.addi %rem3A_325, %add3A_338 : vector<16xi32>
        %select_n3A_340 = arith.select %and3A_337, %add3A_339, %rem3A_325 : vector<16xi1>, vector<16xi32>
        %gather3A_341 = tpu.vector_load_idx %arg14[%select_n3A_318, %select_n3A_340] : memref<152x272xf32, #tpu.memory_space<vmem>>[vector<16xi32>, vector<16xi32>], vector<16xf32>,
        %gather3A_342 = tpu.vector_load_idx %arg13[%broadcast_in_dim3A_242, %max3A_282] : memref<4x512xf32, #tpu.memory_space<vmem>>[vector<16xi32>, vector<16xi32>], vector<16xf32>,
        %jit3A_343 = arith.constant 0.000000e+00 : f32
        %broadcast_in_dim3A_344 = vector.broadcast %jit3A_343 : f32 to vector<16xf32>
        %select_n3A_345 = arith.select %and3A_279, %gather3A_342, %broadcast_in_dim3A_344 : vector<16xi1>, vector<16xf32>
        %gather3A_346 = tpu.vector_load_idx %arg12[%broadcast_in_dim3A_242, %add3A_265] : memref<4x512xf32, #tpu.memory_space<vmem>>[vector<16xi32>, vector<16xi32>], vector<16xf32>,
        %sub3A_347 = arith.subf %select_n3A_345, %gather3A_346 : vector<16xf32>
        %neg3A = arith.constant 0.000000e+00 : f32
        %neg3A_348 = vector.broadcast %neg3A : f32 to vector<16xf32>
        %neg3A_349 = arith.subf %neg3A_348, %gather3A_346 : vector<16xf32>
        %ne3A_350 = arith.cmpf one, %sub3A_347, %neg3A_349 : vector<16xf32>
        %jit3A_351 = arith.constant 0.000000e+00 : f32
        %broadcast_in_dim3A_352 = vector.broadcast %jit3A_351 : f32 to vector<16xf32>
        %select_n3A_353 = arith.select %ne3A_350, %sub3A_347, %broadcast_in_dim3A_352 : vector<16xi1>, vector<16xf32>
        %mul3A_354 = arith.mulf %select_n3A_353, %convert_element_type3A_285 : vector<16xf32>
        %mul3A_355 = arith.mulf %gather3A_341, %convert_element_type3A_285 : vector<16xf32>
        %sub3A_356 = arith.subf %mul3A_355, %mul3A_354 : vector<16xf32>
        %abs3A = math.absf %sub3A_356 : vector<16xf32>
        %add3A_357 = arith.addf %scan3A_261, %abs3A : vector<16xf32>
        scf.yield %add3A_357 : vector<16xf32>
      }
      %scan3A_248 = arith.constant 32 : i32
      %swap3A = arith.constant 0 : i32
      %swap3A_249 = arith.index_cast %swap3A : i32 to index
      %swap3A_250 = arith.constant 0 : index
      %swap3A_251 = tpu.vector_load %arg18[%swap3A_249, %swap3A_250] {strides = array<i32>} : memref<3x16xf32, #tpu.memory_space<vmem>>, vector<16xf32>,
      tpu.vector_store %arg18[%swap3A_249, %swap3A_250], %broadcast_in_dim3A_178 {strides = array<i32>} : memref<3x16xf32, #tpu.memory_space<vmem>>, vector<16xf32>,
      %swap3A_252 = arith.constant 1 : i32
      %swap3A_253 = arith.index_cast %swap3A_252 : i32 to index
      %swap3A_254 = arith.constant 0 : index
      %swap3A_255 = tpu.vector_load %arg18[%swap3A_253, %swap3A_254] {strides = array<i32>} : memref<3x16xf32, #tpu.memory_space<vmem>>, vector<16xf32>,
      tpu.vector_store %arg18[%swap3A_253, %swap3A_254], %scan3A_247 {strides = array<i32>} : memref<3x16xf32, #tpu.memory_space<vmem>>, vector<16xf32>,
      %swap3A_256 = arith.constant 2 : i32
      %swap3A_257 = arith.index_cast %swap3A_256 : i32 to index
      %swap3A_258 = arith.constant 0 : index
      %swap3A_259 = tpu.vector_load %arg18[%swap3A_257, %swap3A_258] {strides = array<i32>} : memref<3x16xf32, #tpu.memory_space<vmem>>, vector<16xf32>,
      tpu.vector_store %arg18[%swap3A_257, %swap3A_258], %broadcast_in_dim3A_178 {strides = array<i32>} : memref<3x16xf32, #tpu.memory_space<vmem>>, vector<16xf32>,
    } else {
    }
    "tpu.region"() ({
      %run_scoped3A = tpu.sem_alloc : memref<!tpu.dma_semaphore, #tpu.memory_space<semaphore_mem>>
      %dma_start3A_189 = arith.constant 0 : i32
      %dma_start3A_190 = arith.constant 0 : i32
      %dma_start3A_191 = tpu.memref_slice %arg6[%add3A, %dma_start3A_189, %dma_start3A_190] : memref<32x3x16xf32, #tpu.memory_space<hbm>> -> memref<1x3x16xf32, #tpu.memory_space<hbm>>
      %dma_start3A_192 = tpu.memref_squeeze %dma_start3A_191 : memref<1x3x16xf32, #tpu.memory_space<hbm>> -> memref<3x16xf32, #tpu.memory_space<hbm>>
      %dma_start3A_193 = arith.constant 0 : i32
      %dma_start3A_194 = arith.constant 0 : i32
      %dma_start3A_195 = tpu.memref_slice %arg6[%add3A, %dma_start3A_193, %dma_start3A_194] : memref<32x3x16xf32, #tpu.memory_space<hbm>> -> memref<1x3x16xf32, #tpu.memory_space<hbm>>
      %dma_start3A_196 = tpu.memref_squeeze %dma_start3A_195 : memref<1x3x16xf32, #tpu.memory_space<hbm>> -> memref<3x16xf32, #tpu.memory_space<hbm>>
      tpu.enqueue_dma source(%arg18 : memref<3x16xf32, #tpu.memory_space<vmem>>) target(%dma_start3A_196 : memref<3x16xf32, #tpu.memory_space<hbm>>) target_semaphore(%run_scoped3A : memref<!tpu.dma_semaphore, #tpu.memory_space<semaphore_mem>>)
      %dma_wait3A_197 = arith.constant 0 : i32
      %dma_wait3A_198 = arith.constant 0 : i32
      %dma_wait3A_199 = tpu.memref_slice %arg6[%add3A, %dma_wait3A_197, %dma_wait3A_198] : memref<32x3x16xf32, #tpu.memory_space<hbm>> -> memref<1x3x16xf32, #tpu.memory_space<hbm>>
      %dma_wait3A_200 = tpu.memref_squeeze %dma_wait3A_199 : memref<1x3x16xf32, #tpu.memory_space<hbm>> -> memref<3x16xf32, #tpu.memory_space<hbm>>
      %dma_wait3A_201 = arith.constant 0 : i32
      %dma_wait3A_202 = arith.constant 0 : i32
      %dma_wait3A_203 = tpu.memref_slice %arg6[%add3A, %dma_wait3A_201, %dma_wait3A_202] : memref<32x3x16xf32, #tpu.memory_space<hbm>> -> memref<1x3x16xf32, #tpu.memory_space<hbm>>
      %dma_wait3A_204 = tpu.memref_squeeze %dma_wait3A_203 : memref<1x3x16xf32, #tpu.memory_space<hbm>> -> memref<3x16xf32, #tpu.memory_space<hbm>>
      tpu.wait_dma2 semaphore(%run_scoped3A : memref<!tpu.dma_semaphore, #tpu.memory_space<semaphore_mem>>) src(%arg18 : memref<3x16xf32, #tpu.memory_space<vmem>>) dst(%dma_wait3A_204 : memref<3x16xf32, #tpu.memory_space<hbm>>)
      tpu.yield
    }) : () -> ()
    return
  }
}

</mosaic_0001>

<sc_bundles>
// kernel: kernel.3.cloned.1.call-start
scs
__scs_entry_jumppad:
0x0: {  	(pc) =	sbr.rel $0x88, $3  }
0x1: {  	(tag) =	ssettag $0x0;
	lr =	simm.s32 $0x1  }
0x2: {  	[smem:$0x3F98] =	sst lr;
	_ =	strace $0xD0000000  }
0x3: {  	_ = 	snop  }
0x4: {  	_ = 	snop  }
0x5: {  	_ = 	snop  }
0x6: {  	_ = 	snop  }
0x7: {  	_ = 	snop  }
__scs_overlays_trampoline_lowered:
0x8: {  	[smem:$0x3FA7] =	sst s0  }
0x9: {  	[smem:$0x3FA8] =	sst s1  }
0xa: {  	[smem:$0x3FA9] =	sst s2  }
0xb: {  	[smem:$0x3FAA] =	sst s3  }
0xc: {  	[smem:$0x3FAB] =	sst s4  }
0xd: {  	[smem:$0x3FAC] =	sst s5  }
0xe: {  	[smem:$0x3FAD] =	sst s6  }
0xf: {  	[smem:$0x3FAE] =	sst s7  }
0x10: {  	[smem:$0x3FAF] =	sst s8  }
0x11: {  	[smem:$0x3FB0] =	sst s9;
	s0 =	simm.s32 @!p0 $0x0  }
0x12: {  	s1 =	sld [smem:$0x3F96];
	s0 =	simm.s32 @p0 $0x1  }
0x13: {  	[smem:$0x3FB1] =	sst s0;
	s0 =	simm.s32 @!p1 $0x0  }
0x14: {  	s2 =	sld [smem:$0x3F95];
	s0 =	simm.s32 @p1 $0x1  }
0x15: {  	[smem:$0x3FB2] =	sst s0;
	s0 =	simm.s32 @!p2 $0x0  }
0x16: {  	s3 =	sld [smem:$0x3FDB];
	s0 =	simm.s32 @p2 $0x1  }
0x17: {  	s4 =	simm.s32 $0x1BF5;
	[smem:$0x3FB4] =	sst s0  }
0x18: {  	s0 =	sld [smem:$0x3F97];
	_ =	swait.ge [sflag:s4], $0x0  }
0x19: {  	s7 =	sld [smem:$0x3F98]  }
0x1a: {  	s8 =	sadd.s32 $0xFFFFE003, lr  }
0x1b: {  	s9 =	sadd.s32 $0xFFFFFEF7, lr;
	s5 =	simm.s32 $0xFFFFFFFF;
	p2 =	slt.u32 s8, $0xFFFFF086  }
0x1c: {  	p1 =	slt.u32 s9, $0xF7A;
	s5 =	simm.s32 @!p2 $0x0  }
0x1d: {  	s5 =	simm.s32 @p1 $0x1;
	p0 =	seq.s32 s7, s2  }
0x1e: {  	s7 =	smul.u32 @!p0 $0xF7A, s2;
	p2 =	seq.s32 @!p0 s5, $0x0  }
0x1f: {  	s9 =	smul.u32 $0xF7A, s1;
	s8 =	simm.s32 @!p0 $0x1BF5;
	p2 =	por !p2, p0  }
0x20: {  	[sflag:s8] =	ssyncset.s32 @!p0 $0xFFFFF086;
	s6 =	sadd.s32 @!p0 s3, s7;
	s7 =	simm.s32 @!p0 $0x108  }
0x21: {  	s3 =	sadd.s32 s3, s9;
	s6 =	sadd.s32 @!p0 $0x88, s6;
	s7 =	simm.s32 @p2 $0x1082  }
0x22: {  	[simem:s7], [sflag:s8] =	dma.local @!p0 [hbm:s6], $0xF7A  }
0x23: {  	s9 =	sor.u32 $0xD0000000, s2;
	s6 =	simm.s32 $0x108;
	_ =	swait.ge @!p0 [sflag:s8], $0x0  }
0x24: {  	s3 =	sadd.s32 $0x88, s3;
	s6 =	simm.s32 @!p1 $0x1082;
	[sflag:s4] =	ssyncset.s32 $0xFFFFF086  }
0x25: {  	[simem:s6], [sflag:s4] =	dma.local [hbm:s3], $0xF7A  }
0x26: {  	[smem:$0x3F98] =	sst s1;
	(tag) =	ssettag s2;
	_ =	strace s9  }
0x27: {  	s1 =	sld [smem:$0x3FA8]  }
0x28: {  	s2 =	sld [smem:$0x3FA9]  }
0x29: {  	s4 =	sld [smem:$0x3FAB]  }
0x2a: {  	p0 =	seq.s32 s5, $0x0;
	s5 =	sld [smem:$0x3FAC]  }
0x2b: {  	s6 =	sld [smem:$0x3FAD]  }
0x2c: {  	s7 =	sld [smem:$0x3FAE]  }
0x2d: {  	s3 =	simm.s32 $0x108;
	s8 =	sld [smem:$0x3FAF]  }
0x2e: {  	s3 =	simm.s32 @!p0 $0x1082;
	s9 =	sld [smem:$0x3FB0]  }
0x2f: {  	lr =	sadd.s32 s0, s3;
	s0 =	sld [smem:$0x3FA7]  }
0x30: {  	s3 =	sld [smem:$0x3FAA]  }
0x31: {  	[smem:$0x3FB3] =	sst s10  }
0x32: {  	s10 =	sld [smem:$0x3FB1];
	_ =	sdelay $0x3  }
0x33: {  	p0 =	seq.s32 s10, $0x1;
	s10 =	sld [smem:$0x3FB3];
	_ =	sdelay $0x3  }
0x34: {  	[smem:$0x3FB3] =	sst s10  }
0x35: {  	s10 =	sld [smem:$0x3FB2];
	_ =	sdelay $0x3  }
0x36: {  	p1 =	seq.s32 s10, $0x1;
	s10 =	sld [smem:$0x3FB3];
	_ =	sdelay $0x3  }
0x37: {  	[smem:$0x3FB3] =	sst s10  }
0x38: {  	s10 =	sld [smem:$0x3FB4]  }
0x39: {  	_ = 	snop;
	(pc) =	sbr.ind lr, $3  }
0x3a: {  	_ = 	snop  }
0x3b: {  	_ = 	snop  }
0x3c: {  	p2 =	seq.s32 s10, $0x1;
	s10 =	sld [smem:$0x3FB3]  }
0x3d: {  	_ =	shalt  }
0x3e: {  	_ =	shalt  }
0x3f: {  	_ =	shalt  }
0x40: {  	_ =	shalt  }
0x41: {  	_ =	shalt  }
0x42: {  	_ =	shalt  }
0x43: {  	_ =	shalt  }
0x44: {  	_ =	shalt  }
0x45: {  	_ =	shalt  }
0x46: {  	_ =	shalt  }
0x47: {  	_ =	shalt  }
0x48: {  	_ =	shalt  }
0x49: {  	_ =	shalt  }
0x4a: {  	_ =	shalt  }
0x4b: {  	_ =	shalt  }
0x4c: {  	_ =	shalt  }
0x4d: {  	_ =	shalt  }
0x4e: {  	_ =	shalt  }
0x4f: {  	_ =	shalt  }
0x50: {  	_ =	shalt  }
0x51: {  	_ =	shalt  }
0x52: {  	_ =	shalt  }
0x53: {  	_ =	shalt  }
0x54: {  	_ =	shalt  }
0x55: {  	_ =	shalt  }
0x56: {  	_ =	shalt  }
0x57: {  	_ =	shalt  }
0x58: {  	_ =	shalt  }
0x59: {  	_ =	shalt  }
0x5a: {  	_ =	shalt  }
0x5b: {  	_ =	shalt  }
0x5c: {  	_ =	shalt  }
0x5d: {  	_ =	shalt  }
0x5e: {  	_ =	shalt  }
0x5f: {  	_ =	shalt  }
0x60: {  	_ =	shalt  }
0x61: {  	_ =	shalt  }
0x62: {  	_ =	shalt  }
0x63: {  	_ =	shalt  }
0x64: {  	_ =	shalt  }
0x65: {  	_ =	shalt  }
0x66: {  	_ =	shalt  }
0x67: {  	_ =	shalt  }
0x68: {  	_ =	shalt  }
0x69: {  	_ =	shalt  }
0x6a: {  	_ =	shalt  }
0x6b: {  	_ =	shalt  }
0x6c: {  	_ =	shalt  }
0x6d: {  	_ =	shalt  }
0x6e: {  	_ =	shalt  }
0x6f: {  	_ =	shalt  }
0x70: {  	_ =	shalt  }
0x71: {  	_ =	shalt  }
0x72: {  	_ =	shalt  }
0x73: {  	_ =	shalt  }
0x74: {  	_ =	shalt  }
0x75: {  	_ =	shalt  }
0x76: {  	_ =	shalt  }
0x77: {  	_ =	shalt  }
0x78: {  	_ =	shalt  }
0x79: {  	_ =	shalt  }
0x7a: {  	_ =	shalt  }
0x7b: {  	_ =	shalt  }
0x7c: {  	_ =	shalt  }
0x7d: {  	_ =	shalt  }
0x7e: {  	_ =	shalt  }
0x7f: {  	_ =	shalt  }
0x80: {  	_ =	shalt  }
0x81: {  	_ =	shalt  }
0x82: {  	_ =	shalt  }
0x83: {  	_ =	shalt  }
0x84: {  	_ =	shalt  }
0x85: {  	_ =	shalt  }
0x86: {  	_ =	shalt  }
0x87: {  	_ =	shalt  }
.Lfunc_end0:
.L_simem_size_0:
called_computation_lowered:
.L_overlay_start_0:
0x88: {  	s2 =	sld [smem:$0x3FD9]  }
0x89: {  	s3 =	sld [smem:$0x3FFE];
	_ =	sdelay $0x1  }
0x8a: {  	s1 =	srdreg.scid  }
0x8b: {  	s0 =	sand.u32 $0x1, s1  }
0x8c: {  	s17 =	sshll.u32 s0, $0xA;
	s2 =	sadd.s32 s3, s2  }
0x8d: {  	s2 =	sadd.s32 s2, s17  }
0x8e: {  	[smem:$0x3FBF] =	sst s2  }
0x8f: {  	_ = 	snop  }
0x90: {  	s2 =	sld [smem:$0x3FC9]  }
0x91: {  	s18 =	sld [smem:$0x3FC8];
	(tm) =	ssettm $0x1  }
0x92: {  	s4 =	sld [smem:$0x3FFB];
	_ =	sdelay $0x3  }
0x93: {  	_ =	strace s4  }
0x94: {  	s4 =	sld [smem:$0x3FFC];
	_ =	sdelay $0x3  }
0x95: {  	_ =	strace s4  }
0x96: {  	s4 =	sld [smem:$0x3FFD];
	_ =	sdelay $0x3  }
0x97: {  	_ =	strace s4  }
0x98: {  	_ =	strace $0x8FFFFFFF  }
0x99: {  	s19 =	sld [smem:$0x3FDB];
	_ =	sdelay $0x1  }
0x9a: {  	s5 =	simm.s32 $_scs_section_size  }
0x9b: {  	s6 =	simm.s32 $_size__tile_overlayer_lowered;
	s7 =	simm.s32 $_tile_overlayer_lowered  }
0x9c: {  	s22 =	simm.s32 $0x1BFF;
	s21 =	sshll.u32 s7, $0x1;
	s4 =	sadd.s32 s5, s19  }
0x9d: {  	s8 =	simm.s32 $0x0;
	s20 =	sshll.u32 s6, $0x1;
	s6 =	sadd.s32 s21, s4  }
0x9e: {  	[timem:s8], [sflag:s22] =	dma.local [hbm:s6], s20  }
0x9f: {  	_ =	swait.ge [sflag:s22], s20  }
0xa0: {  	s5 =	ssub.s32 $0x0, s20;
	[sflag:s22] =	ssyncset.done $0x0  }
0xa1: {  	[sflag:s22] =	ssyncadd.s32 s5;
	_ =	sdelay $0x1  }
0xa2: {  	s23 =	simm.s32 $0x1B8B  }
0xa3: {  	_ =	swait.ge [sflag:s23], $0x1  }
0xa4: {  	[sflag:s23] =	ssyncset.done $0x0  }
0xa5: {  	s25 =	simm.s32 $0x1B8E;
	s24 =	sld [smem:$0x3FFE];
	[sflag:s23] =	ssyncadd.s32 $0xFFFFFFFF  }
0xa6: {  	s26 =	simm.s32 $execute0_lowered;
	[smem:$0x3FD2] =	sst s25  }
0xa7: {  	s6 =	sshll.u32 s26, $0x1;
	_ =	strace $0x80000046;
	[dreg:$0x1] =	wrdreg $0xFFFFFFFF  }
0xa8: {  	s28 =	simm.s32 $_size_execute0_lowered;
	s4 =	sadd.s32 s4, s6;
	[dreg:$0x0] =	wrdreg $0x0  }
0xa9: {  	s6 =	sshll.u32 s28, $0x1;
	[dreg:$0x2] =	wrdreg s4  }
0xaa: {  	[dreg:$0x3] =	wrdreg s6  }
0xab: {  	[dreg:$0x4] =	wrdreg $0xC0  }
0xac: {  	_ =	task [dreg:s8], $0x5FFFF  }
0xad: {  	[dreg:$0x1] =	wrdreg $0xFFFFFFFF  }
0xae: {  	[dreg:$0x0] =	wrdreg $0x60  }
0xaf: {  	[dreg:$0x2] =	wrdreg s24  }
0xb0: {  	[dreg:$0x3] =	wrdreg s2  }
0xb1: {  	[dreg:$0x4] =	wrdreg s18  }
0xb2: {  	[dreg:$0x5] =	wrdreg $0x9  }
0xb3: {  	_ =	task.clear_ibuf [dreg:s8], $0x6FFFF;
	_ =	strace $0x90000046  }
0xb4: {  	s29 =	simm.s32 $0x9;
	_ =	strace $0x80000048  }
0xb5: {  	_ =	swait.ge [sflag:s29], $0x1  }
0xb6: {  	[sflag:s29] =	ssyncadd.s32 $0xFFFFFFFF  }
0xb7: {  	_ =	strace $0x90000048  }
0xb8: {  	_ =	sfence  }
0xb9: {  	s30 =	sld [smem:$0x0];
	_ =	sdelay $0x2  }
0xba: {  	s31 =	sshll.u32 s1, $0xD;
	s1 =	sshrl.u32 s1, $0x2  }
0xbb: {  	s3 =	sand.u32 $0x4000, s31;
	s1 =	sadd.s32 s1, s30  }
0xbc: {  	s0 =	sor.u32 s3, s0;
	s1 =	sshll.u32 s1, $0x11  }
0xbd: {  	s0 =	sor.u32 s1, s0  }
0xbe: {  	s0 =	sadd.s32 $0x8F2B, s0  }
0xbf: {  	[sflag:s0] =	ssyncadd.remote.s32 $0x1  }
0xc0: {  	_ =	sfence.sel $0xFFFF  }
0xc1: {  	[dreg:$0x0] =	wrdreg $0xFFFFFFFF;
	(pc) =	sbr.abs _section_cstart, $3  }
0xc2: {  	[dreg:$0x1] =	wrdreg $0xFFFFFFFF  }
0xc3: {  	_ =	task.clear_ibuf [dreg:s8], $0x2FFFF;
	_ =	strace $0x9FFFFFFF  }
0xc4: {  	(tm) =	ssettm $0x7FFFFFFF  }
0xc5: {  	_ =	shalt  }
tec
execute0_lowered:
.L_overlay_start_1:
0x0: {  	(tag) =	ssettag $0x1  }
0x1: {  	s0 =	srdreg.scid;
	s5 =	stileid.u32  }
0x2: {  	s0 =	sand.u32 $0x1, s0;
	s1 =	sshll.u32 s5, $0x1  }
0x3: {  	s2 =	sor.u32 s0, s1  }
0x4: {  	p1 =	seq.s32 s0, $0x1;
	p0 =	seq.s32 s2, $0x0  }
0x5: {  	p0 =	por !p0, !p1  }
0x6: {  	s4 =	rddreg [dreg:$0x0];
	s3 =	simm.s32 $0x1;
	p0 =	por !p0, !p0  }
0x7: {  	s7 =	rddreg [dreg:$0x1];
	s15 =	simm.s32 $0x0;
	s3 =	simm.s32 @!p0 $0x0  }
0x8: {  	s29 =	simm.s32 $0xA00;
	s30 =	simm.s32 $0x1200;
	s6 =	ssub.s32 s5, s3  }
0x9: {  	s31 =	simm.s32 $0x1E200;
	[smem:$0x7FF] =	sst s15;
	s10 =	smul.u32 $0x5, s6  }
0xa: {  	s1 =	rddreg [dreg:$0x2];
	_ =	strace $0x80000047;
	s9 =	smul.u32 $0x39000, s6  }
0xb: {  	s8 =	ssub.s32 $0x2, s0;
	s2 =	sshll.u32 s2, $0x6;
	s11 =	smul.u32 $0x1C800, s6  }
0xc: {  	s20 =	sshrl.u32 s8, $0x1;
	s2 =	sadd.s32 s2, s4;
	s12 =	smul.u32 $0xA00, s6  }
0xd: {  	p0 =	seq.s32 s0, $0x0;
	s3 =	sshll.u32 s6, $0x9;
	s14 =	smul.u32 $0x280, s6  }
0xe: {  	s5 =	sadd.s32 $0x200, s4;
	s6 =	smul.u32 $0x7200, s6;
	s3 =	sand.u32 $0x1FFFFE00, s3  }
0xf: {  	s3 =	sadd.s32 s3, s4;
	s4 =	ssub.s32 s8, s20;
	s21 =	sadd.s32 $0xE400, s9  }
0x10: {  	s13 =	sadd.s32 $0x1C800, s9;
	s11 =	sshrl.u32 s11, $0x3;
	s12 =	sand.u32 $0xFFFFF000, s12  }
0x11: {  	s23 =	sand.u32 $0x380, s14;
	s25 =	sadd.s32 $0x1, s10;
	s28 =	sadd.s32 $0x2, s10  }
0x12: {  	s19 =	sadd.s32 $0x3, s10;
	s10 =	sadd.s32 $0x4, s10;
	s9 =	sadd.s32 $0x2AC00, s9  }
0x13: {  	s8 =	sshrl.u32 s21, $0x3;
	s22 =	sshrl.u32 s13, $0x3;
	s24 =	sor.u32 s23, s12  }
0x14: {  	s26 =	sshll.u32 s25, $0x9;
	s12 =	sshll.u32 s25, $0x7;
	s17 =	sshll.u32 s28, $0x9  }
0x15: {  	s13 =	sshll.u32 s28, $0x7;
	s20 =	sshll.u32 s19, $0x9;
	s21 =	sshll.u32 s10, $0x9  }
0x16: {  	s10 =	sshll.u32 s10, $0x7;
	s23 =	sadd.s32 $0x1600, s3;
	s3 =	sadd.s32 $0x1700, s3  }
0x17: {  	s28 =	smax.u32 s4, $0x1;
	s4 =	simm.s32 $0x800;
	s16 =	sadd.s32 s1, s8  }
0x18: {  	s14 =	sadd.s32 s1, s22;
	s8 =	sadd.s32 s7, s11;
	s11 =	sshrl.u32 s24, $0x3  }
0x19: {  	s12 =	sand.u32 $0x380, s12;
	s13 =	sand.u32 $0x380, s13;
	[smem:$0x7F6] =	sst s23  }
0x1a: {  	v1 =	vimm.s32 $0xEDCBA987;
	v2 =	vimm.s32 $0x65432100;
	s10 =	sand.u32 $0x380, s10;
	s24 =	sshrl.u32 s9, $0x3;
	[smem:$0x7F7] =	sst s3  }
0x1b: {  	v0 =	vimm.f32 $2.720000000e+02;
	v6 =	vimm.s32 $0x87654321;
	v8 =	vimm.s32 $0xECA86420;
	[smem:$0x7FB] =	sst s28;
	s3 =	simm.s32 $0x0;
	s11 =	sadd.s32 s5, s11  }
0x1c: {  	vm13 =	vmmov $0x1;
	vm12 =	vcmask $0x3F3C;
	vm2 =	vcmask $0xB08;
	s7 =	sadd.s32 $0x1C80, s8;
	s25 =	sadd.s32 s1, s24;
	[smem:$0x7F1] =	sst s11  }
0x1d: {  	vm3 =	vcmask $0x1310;
	vm4 =	vcmask $0x1B18;
	vm5 =	vcmask $0x300;
	s1 =	sadd.s32 s1, s6;
	s16 =	smov.u32 @p0 s8;
	[smem:$0x7F8] =	sst s25  }
0x1e: {  	vm6 =	vcmask $0x2320;
	vm7 =	vcmask $0x2B28;
	vm8 =	vcmask $0x3330;
	s11 =	sand.u32 $0xFFFFF000, s26;
	[smem:$0x7F9] =	sst s1;
	s26 =	sadd.s32 $0x3600, s2  }
0x1f: {  	vm9 =	vcmask $0x3B38;
	vm10 =	vmmov $0xff;
	(erf) = vrcp.f32 v0;
	[smem:$0x7FC] =	sst s16;
	s14 =	smov.u32 @p0 s7;
	s1 =	simm.s32 $0x1A00  }
0x20: {  	vm0 =	vcmask $0xF0C;
	vm1 =	vcmask $0x1714;
	vm14 =	vcmask $0x1F1C;
	s11 =	sor.u32 s12, s11;
	s12 =	sand.u32 $0xFFFFF000, s17;
	[smem:$0x7FA] =	sst s26  }
0x21: {  	v9 =	vimm.s32 $0x0;
	v10 =	vimm.s32 $0x0;
	v3 =	vunpack.c.l.s4.s8 v1;
	[smem:$0x7FD] =	sst s14;
	s11 =	sshrl.u32 s11, $0x3;
	s18 =	sor.u32 s13, s12  }
0x22: {  	v1 =	vimm.s32 $0xFFFFFFFF;
	v4 =	vunpack.c.l.s4.s8 v2;
	v2 =	vlaneseq.u32;
	s12 =	sshll.u32 s19, $0x7;
	s13 =	sand.u32 $0xFFFFF000, s20;
	s11 =	sadd.s32 s5, s11  }
0x23: {  	v6 =	vunpack.c.l.s4.s8 v6;
	v5 =	vunpack.c.0.s8.s32 v3;
	v3 =	vimm.s32 $0xFFEDCBA9;
	s12 =	sand.u32 $0x380, s12;
	[smem:$0x7F2] =	sst s11;
	s11 =	sshrl.u32 s18, $0x3  }
.Ltmp0:
0x24: {  	v8 =	vunpack.c.l.s4.s8 v8;
	v10 =	vsel vm13, $0xFFFFFFFF, v10;
	v7 =	vunpack.c.l.s4.s8 v3;
	s12 =	sor.u32 s12, s13;
	s13 =	sand.u32 $0xFFFFF000, s21;
	(pc) =	sbr.rel .LBB2_1-.Ltmp0, $4  }
0x25: {  	[tilespmem:$0x1FFE0] =	vst v10;
	v10 =	vimm.s32 $0x0;
	v0 =	vimm.s32 $0x100000;
	v4 =	vunpack.c.0.s8.s32 v4;
	s12 =	sshrl.u32 s12, $0x3;
	s11 =	sadd.s32 s5, s11;
	s10 =	sor.u32 s10, s13  }
0x26: {  	v6 =	vunpack.c.0.s8.s32 v6;
	v5 =	vand.u32 $0xF, v5;
	v7 =	vunpack.c.0.s8.s32 v7;
	[smem:$0x7F3] =	sst s11;
	s22 =	sadd.s32 s5, s12;
	s10 =	sshrl.u32 s10, $0x3  }
0x27: {  	v10 =	vsel vm10, $0xFFFFFFFF, v10;
	v3 =	vor.u32 $0x80000000, v2;
	v4 =	vcombine.low v4, v5;
	s2 =	simm.s32 $0xFE00;
	[smem:$0x7F4] =	sst s22;
	s5 =	sadd.s32 s5, s10  }
0x28: {  	[tilespmem:$0x1FFF0] =	vst v10;
	v5 =	vcombine.low v6, v7;
	v6 =	vunpack.c.0.s8.s32 v8;
	v7 =	vmul.u32 $0x2, v2;
	v8 =	vpop (erf);
	p0 =	sne.s32 s0, $0x0;
	[smem:$0x7F5] =	sst s5;
	s5 =	simm.s32 $0x1E600  }
.LBB2_21:
0x29: {  	s7 =	smul.u32 $0x78787879, s14  }
0x2a: {  	s12 =	smulhi.u32 $0x78787879, s29  }
0x2b: {  	s6 =	smulhi.u32 $0x78787879, s6  }
0x2c: {  	s13 =	smulhi.u32 $0x78787879, s0  }
0x2d: {  	s14 =	smulhi.u32 $0x78787879, s21  }
0x2e: {  	s25 =	smulhi.u32 $0x78787879, s9  }
0x2f: {  	s0 =	sadd.s32 s28, s30;
	s30 =	smul.u32 $0x78787879, s15  }
0x30: {  	s16 =	smul.u32 $0x78787879, s18  }
0x31: {  	s19 =	smul.u32 $0x78787879, s19  }
0x32: {  	s23 =	sadd.s32 s26, s4;
	s28 =	sld [smem:$0x792];
	s20 =	smulhi.u32 $0x78787879, s20  }
0x33: {  	s17 =	sadd.s32 s17, s22;
	s8 =	sshra.s32 s8, $0x7;
	s2 =	smul.u32 $0x78787879, s2  }
0x34: {  	v28 =	vmov s24;
	s18 =	sshrl.u32 s23, $0x1F;
	s22 =	sshra.s32 s0, $0x1F;
	s3 =	sadd.s32 s30, s3  }
0x35: {  	v28 =	vsel vm2, s1, v28;
	s1 =	sadd.s32 s2, s20;
	s4 =	sadd.s32 s28, s6;
	s6 =	sadd.s32 s7, s31  }
0x36: {  	v26 =	vmov s22;
	s31 =	sshra.s32 s21, $0x1F;
	s21 =	sshra.s32 s9, $0x1F;
	s26 =	sshra.s32 s3, $0x7  }
0x37: {  	vm12 =	vcmask $0x704;
	s7 =	sadd.s32 s16, s13;
	s30 =	sshra.s32 s3, $0x1F;
	s9 =	smul.u32 $0x78787879, s21;
	v26 =	vsel vm5, s26, v26  }
0x38: {  	vm15 =	vcmask $0x1F1C;
	v10 =	vadd.s32 v10, v27;
	s28 =	sshra.s32 s23, $0x7;
	s3 =	sshrl.u32 s3, $0x1F;
	s16 =	sshrl.u32 s11, $0x1F;
	v26 =	vsel vm12, s30, v26  }
0x39: {  	v23 =	vsel vm2, s8, v23;
	s15 =	smul.u32 $0x78787879, s31;
	s31 =	sshra.s32 s23, $0x1F;
	v29 =	vmov s3;
	s9 =	sadd.s32 s9, s25;
	v26 =	vsel vm2, s28, v26  }
0x3a: {  	v25 =	vsel vm2, s16, v25;
	s21 =	sshrl.u32 s17, $0x1F;
	s23 =	sshrl.u32 s7, $0x1F;
	v29 =	vnsel vm5, $0x0, v29;
	v26 =	vsel vm0, s31, v26;
	s22 =	sshra.s32 s9, $0x7  }
0x3b: {  	s3 =	sadd.s32 s19, s12;
	s13 =	sshra.s32 s7, $0x7;
	v25 =	vsel vm3, s21, v25;
	v28 =	vsel vm3, s23, v28;
	s24 =	sshra.s32 s9, $0x1F;
	v26 =	vsel vm3, s22, v26  }
0x3c: {  	v23 =	vsel vm3, s13, v23;
	vm12 =	vcmask $0x2724;
	s25 =	sshra.s32 s10, $0x7;
	s28 =	sshrl.u32 s3, $0x1F;
	s30 =	sadd.s32 s15, s14;
	v26 =	vsel vm1, s24, v26  }
0x3d: {  	v29 =	vsel vm2, s18, v29;
	s14 =	sshra.s32 s11, $0x7;
	s26 =	sshrl.u32 s9, $0x1F;
	v25 =	vsel vm4, s28, v25;
	s31 =	sshra.s32 s10, $0x1F;
	v26 =	vsel vm4, s25, v26  }
0x3e: {  	s18 =	sshra.s32 s17, $0x7;
	s9 =	sshrl.u32 s1, $0x1F;
	s10 =	sshra.s32 s6, $0x7;
	v20 =	vsel vm2, s14, v20;
	v29 =	vsel vm3, s26, v29;
	v26 =	vsel vm15, s31, v26  }
0x3f: {  	s16 =	sshra.s32 s6, $0x1F;
	s1 =	sshra.s32 s1, $0x7;
	v28 =	vsel vm4, s9, v28;
	v20 =	vsel vm3, s18, v20;
	v26 =	vsel vm6, s10, v26  }
0x40: {  	s3 =	sshra.s32 s3, $0x7;
	s20 =	sshra.s32 s30, $0x7;
	v23 =	vsel vm4, s1, v23;
	v29 =	vsel vm4, s5, v29;
	v26 =	vsel vm12, s16, v26  }
0x41: {  	s15 =	sshrl.u32 s6, $0x1F;
	s21 =	sshra.s32 s30, $0x1F;
	v20 =	vsel vm4, s3, v20;
	v25 =	vcombine.low v28, v25;
	v26 =	vsel vm7, s20, v26  }
0x42: {  	s23 =	sshra.s32 s4, $0x7;
	s19 =	sshrl.u32 s30, $0x1F;
	v29 =	vsel vm6, s15, v29;
	v20 =	vcombine.low v23, v20;
	v26 =	vsel vm14, s21, v26  }
0x43: {  	s22 =	sshrl.u32 s4, $0x1F;
	s24 =	sshra.s32 s4, $0x1F;
	v29 =	vsel vm7, s19, v29;
	vm12 =	vcmask $0x3734;
	v26 =	vsel vm8, s23, v26  }
0x44: {  	s25 =	sshrl.u32 s0, $0x1F;
	s0 =	sshra.s32 s0, $0x7;
	v25 =	vperm.xlane v25, v6;
	v29 =	vsel vm8, s22, v29;
	v26 =	vsel vm12, s24, v26  }
0x45: {  	v20 =	vperm.xlane v20, v6;
	v47 =	vsel vm9, s25, v29;
	v26 =	vsel vm9, s0, v26  }
0x46: {  	v15 =	vshll.u32 v15, $0x3;
	v23 =	vperm.xlane v47, v7;
	v26 =	vperm.xlane v26, v7  }
0x47: {  	v19 =	vand.u32 $0x380, v19;
	v15 =	vand.u32 $0xFFFFFC00, v15;
	v51 =	vadd.s32 $0x110, v10  }
0x48: {  	v23 =	vsel vm10, v23, v25;
	vm12 =	vne.s32 v10, $0x0;
	v20 =	vsel vm10, v26, v20  }
0x49: {  	v15 =	vadd.s32 v15, v17;
	vm12 =	vmand vm13, vm12;
	v20 =	vadd.s32 v23, v20  }
0x4a: {  	v15 =	vor.u32 v19, v15;
	v48 =	vsel vm12, $0xFFFFFFFF, v9;
	v50 =	vmul.u32 $0xFFFFFEF0, v20  }
0x4b: {  	v15 =	vor.u32 v21, v15;
	vm12 =	vlt.s32 v10, $0x0;
	v49 =	vadd.s32 v48, v24  }
0x4c: {  	v10 =	vsel vm12, v51, v10;
	vm12 =	vlt.s32 v12, $0x1;
	v24 =	vadd.s32 v12, v50  }
0x4d: {  	v25 =	vshrl.u32 v49, $0x3;
	v52 =	vshll.u32 v49, $0x7;
	vm13 =	vne.s32 v24, $0x0  }
0x4e: {  	v53 =	vand.u32 $0x7F, v10;
	v10 =	vshll.u32 v10, $0x3;
	vm12 =	vmand vm12, vm13  }
0x4f: {  	v17 =	vand.u32 $0x380, v52;
	v12 =	vmul.u32 $0xC00, v25;
	v54 =	vsel vm12, $0xFFFFFFFF, v9  }
0x50: {  	v55 =	vadd.s32 $0x110, v24;
	vm12 =	vlt.s32 v24, $0x0;
	v20 =	vadd.s32 v54, v20  }
0x51: {  	v10 =	vand.u32 $0xFFFFFC00, v10;
	v21 =	vsel vm12, v55, v24;
	v56 =	vshrl.u32 v20, $0x3  }
0x52: {  	v10 =	vadd.s32 v10, v12;
	v12 =	vshll.u32 v21, $0x3;
	v23 =	vmul.u32 $0xC00, v56  }
0x53: {  	s28 =	simm.s32 $0xA00;
	v10 =	vor.u32 v17, v10;
	v57 =	vshll.u32 v20, $0x7;
	v12 =	vand.u32 $0xFFFFFC00, v12  }
0x54: {  	s30 =	simm.s32 $0x1A00;
	v16 =	vld.idx.msk [tilespmem:v16+s28+$0x0], $0xffff;
	v10 =	vor.u32 v53, v10;
	v17 =	vand.u32 $0x380, v57;
	v12 =	vadd.s32 v12, v23  }
0x55: {  	s26 =	rddreg [dreg:$0x7];
	v15 =	vld.idx.msk [tilespmem:v15+s30+$0x0], $0xffff;
	v59 =	vand.u32 $0x7F, v21;
	v12 =	vor.u32 v17, v12  }
0x56: {  	v58 =	vld [tilespmem:s26+$0x0];
	v12 =	vor.u32 v59, v12  }
0x57: {  	s31 =	rddreg [dreg:$0xc]  }
0x58: {  	v60 =	vld [tilespmem:s31+$0x0]  }
0x59: {  	v61 =	vnsel vm11, $0x0, v22;
	v10 =	vld.idx.msk [tilespmem:v10+s30+$0x0], $0xffff  }
0x5a: {  	v11 =	vmul.f32 v18, v11;
	v19 =	vsub.f32 v61, v16;
	v15 =	vmul.f32 v18, v15  }
0x5b: {  	v16 =	vxor.u32 $0x80000000, v16;
	v62 =	vcvt.s32.f32 v58;
	v12 =	vld.idx.msk [tilespmem:v12+s30+$0x0], $0xffff  }
0x5c: {  	vm11 =	vlt.f32 v19, v16;
	v11 =	vsub.f32 v15, v11  }
0x5d: {  	v14 =	vmul.f32 v62, v14;
	v15 =	vcvt.s32.f32 v60;
	vm12 =	vgt.f32 v19, v16  }
0x5e: {  	v11 =	vand.u32 $0x7FFFFFFF, v11;
	vm11 =	vmor vm12, vm11;
	v10 =	vmul.f32 v62, v10  }
0x5f: {  	v11 =	vadd.f32 v11, v13;
	v13 =	vld [tilespmem:$0x1FFE0];
	v63 =	vnsel vm11, $0x0, v19  }
0x60: {  	v10 =	vsub.f32 v10, v14;
	v14 =	vmul.f32 v15, v63;
	v12 =	vmul.f32 v15, v12;
	_ =	sdelay $0x1  }
0x61: {  	v10 =	vand.u32 $0x7FFFFFFF, v10;
	v12 =	vsub.f32 v12, v14  }
0x62: {  	v10 =	vadd.f32 v10, v11  }
0x63: {  	vm14 =	vmmov vm15;
	vm13 =	vnez.u8 v13;
	v11 =	vand.u32 $0x7FFFFFFF, v12  }
0x64: {  	s29 =	simm.s32 $0xA00;
	s1 =	simm.s32 $0x1A00;
	s3 =	sld [smem:$0x7F0];
	v12 =	vimm.f32 $0.0e+00;
	v11 =	vadd.f32 v11, v10;
	v10 =	vimm.f32 $0.0e+00  }
.LBB2_22:
0x65: {  	[tilespmem:$0x1EA00] =	vst v12;
	s0 =	sld [smem:$0x7FA]  }
0x66: {  	[tilespmem:$0x1EB00] =	vst v10  }
0x67: {  	s15 =	simm.s32 $0x0;
	s2 =	simm.s32 $0x1EA00;
	s26 =	simm.s32 $0x4;
	[tilespmem:$0x1EA80] =	vst v11  }
0x68: {  	[hbm4b:s0+s15] =	stream.linear.scatter [tilespmem:s2], [sflag:$0x4], $0x180, $0x38;
	[tilespmem:$0x1EC00] =	vst v63  }
0x69: {  	_ =	swait.ge [sflag:s26], $0x180  }
0x6a: {  	s28 =	sld [smem:$0x7FB];
	_ =	sdelay $0x1  }
0x6b: {  	s3 =	sadd.s32 $0x1, s3  }
0x6c: {  	p1 =	sne.s32 s3, s28  }
.Ltmp1:
0x6d: {  	_ = 	snop;
	(pc) =	sbr.rel @!p1 .LBB2_23-.Ltmp1, $4  }
0x6e: {  	_ = 	snop  }
0x6f: {  	s4 =	simm.s32 $0x800  }
0x70: {  	s30 =	simm.s32 $0x1200;
	s31 =	simm.s32 $0x1E200;
	[sflag:s26] =	ssyncset.done $0x0  }
0x71: {  	vm12 =	vcmask $0x3F3C;
	s5 =	simm.s32 $0x1E600;
	s2 =	simm.s32 $0xFE00;
	[sflag:s26] =	ssyncadd.s32 $0xFFFFFE80  }
.LBB2_1:
0x72: {  	s0 =	sld [smem:$0x7FC];
	_ =	sdelay $0x1  }
0x73: {  	s14 =	sld [smem:$0x7FD]  }
0x74: {  	[tilespmem:s1], [sflag:$0x2] =	stream.linear.gather [hbm4b:s0+s15], $0xE400, $0x38;
	[tilespmem:$0x1EC00] =	vst v63  }
0x75: {  	s16 =	sld [smem:$0x7F1]  }
0x76: {  	[tilespmem:s2], [sflag:$0x3] =	stream.linear.gather [hbm4b:s14+s15], $0xE400, $0x38;
	[tilespmem:$0x1EC00] =	vst v63  }
0x77: {  	s17 =	simm.s32 $0x80;
	s18 =	simm.s32 $0x400;
	s19 =	sld [smem:$0x7F2]  }
0x78: {  	[tilespmem:s15], [sflag:$0x1] =	stream.strided.gather [hbm4b:s16+s17], $0x200, s18, s17, $0x38;
	[tilespmem:$0x1EC00] =	vst v63  }
0x79: {  	s20 =	simm.s32 $0x200;
	s21 =	sld [smem:$0x7F3]  }
0x7a: {  	[tilespmem:s20], [sflag:$0x1] =	stream.strided.gather [hbm4b:s19+s17], $0x200, s18, s17, $0x38;
	[tilespmem:$0x1EC00] =	vst v63  }
0x7b: {  	s22 =	sld [smem:$0x7F4]  }
0x7c: {  	[tilespmem:s4], [sflag:$0x1] =	stream.strided.gather [hbm4b:s21+s17], $0x200, s18, s17, $0x38;
	[tilespmem:$0x1EC00] =	vst v63  }
0x7d: {  	s23 =	sld [smem:$0x7F5]  }
0x7e: {  	[tilespmem:s18], [sflag:$0x1] =	stream.strided.gather [hbm4b:s22+s17], $0x200, s18, s17, $0x38;
	[tilespmem:$0x1EC00] =	vst v63  }
0x7f: {  	s24 =	simm.s32 $0x600;
	s25 =	sld [smem:$0x7F6]  }
0x80: {  	[tilespmem:s24], [sflag:$0x1] =	stream.strided.gather [hbm4b:s23+s17], $0x200, s18, s17, $0x38;
	[tilespmem:$0x1EC00] =	vst v63  }
0x81: {  	s26 =	sld [smem:$0x7F7]  }
0x82: {  	[tilespmem:s29], [sflag:$0x1] =	stream.linear.gather [hbm4b:s25+s15], $0x800, $0x38;
	[tilespmem:$0x1EC00] =	vst v63  }
0x83: {  	[smem:$0x7F0] =	sst s3;
	s28 =	simm.s32 $0x1  }
0x84: {  	[tilespmem:s30], [sflag:$0x1] =	stream.linear.gather [hbm4b:s26+s15], $0x800, $0x38;
	[tilespmem:$0x1EC00] =	vst v63  }
0x85: {  	_ =	swait.ge [sflag:s28], $0x200  }
0x86: {  	[sflag:s28] =	ssyncset.done $0x0  }
0x87: {  	[sflag:s28] =	ssyncadd.s32 $0xFFFFFE00  }
0x88: {  	_ =	swait.ge [sflag:s28], $0x200  }
0x89: {  	[sflag:s28] =	ssyncset.done $0x0  }
0x8a: {  	[sflag:s28] =	ssyncadd.s32 $0xFFFFFE00  }
0x8b: {  	_ =	swait.ge [sflag:s28], $0x200  }
0x8c: {  	[sflag:s28] =	ssyncset.done $0x0  }
0x8d: {  	[sflag:s28] =	ssyncadd.s32 $0xFFFFFE00  }
0x8e: {  	_ =	swait.ge [sflag:s28], $0x200  }
0x8f: {  	[sflag:s28] =	ssyncset.done $0x0  }
0x90: {  	[sflag:s28] =	ssyncadd.s32 $0xFFFFFE00  }
0x91: {  	_ =	swait.ge [sflag:s28], $0x200  }
0x92: {  	[sflag:s28] =	ssyncset.done $0x0  }
0x93: {  	[sflag:s28] =	ssyncadd.s32 $0xFFFFFE00  }
0x94: {  	_ =	swait.ge [sflag:s28], $0x800  }
0x95: {  	[sflag:s28] =	ssyncset.done $0x0  }
0x96: {  	[sflag:s28] =	ssyncadd.s32 $0xFFFFF800  }
0x97: {  	_ =	swait.ge [sflag:s28], $0x800  }
0x98: {  	[sflag:s28] =	ssyncset.done $0x0  }
0x99: {  	s0 =	simm.s32 $0x0;
	[sflag:s28] =	ssyncadd.s32 $0xFFFFF800  }
.LBB2_2:
0x9a: {  	p1 =	sne.s32 s0, $0xFC0  }
.Ltmp2:
0x9b: {  	_ = 	snop;
	(pc) =	sbr.rel @p1 .LBB2_2-.Ltmp2, $4  }
0x9c: {  	_ = 	snop  }
0x9d: {  	s1 =	sshra.s32 s0, $0x2  }
0x9e: {  	[tilespmem:s1+$0x1E200] =	vst v0  }
0x9f: {  	s0 =	sadd.s32 $0x40, s0;
	[tilespmem:s1+$0x1E600] =	vst v1  }
0xa0: {  	s0 =	simm.s32 $0x1F0;
	s1 =	simm.s32 $0x1F0  }
.LBB2_4:
0xa1: {  	v10 =	vld [tilespmem:s0+$0x0];
	_ =	sdelay $0x4  }
0xa2: {  	v10 =	vshll.u32 v10, $0x4  }
0xa3: {  	v11 =	vor.u32 s1, v2;
	v10 =	vxor.u32 v3, v10  }
0xa4: {  	(xrf1) =	vsort.ascd.msk.u32 $0xffff, v10, v11;
	_ =	sdelay $0xd  }
0xa5: {  	v10, v11, _ =	vpop (xrf1)  }
0xa6: {  	v10 =	vshrl.u32 v10, $0x4  }
0xa7: {  	v12 =	vxor.u32 $0x8000000, v10  }
0xa8: {  	v13 =	vperm.xlane v12, v4;
	_ =	sdelay $0x1  }
0xa9: {  	vm11 =	vne.s32 v12, v13  }
0xaa: {  	v10 =	vand.u32 $0x7F, v10;
	v12 =	vand.u32 $0xFFFFF80, v12;
	vm11 =	vmor vm11, vm13  }
0xab: {  	p1 =	sne.s32 s1, $0x0;
	v10 =	vor.u32 v10, v12  }
.Ltmp3:
0xac: {  	_ = 	snop;
	(pc) =	sbr.rel @p1 .LBB2_4-.Ltmp3, $2  }
0xad: {  	_ =	sdelay $0x2  }
0xae: {  	s0 =	sadd.s32 $0xFFFFFFF0, s0;
	s1 =	sadd.s32 $0xFFFFFFF0, s1;
	[tilespmem:v10+s31+$0x0] =	vst.idx.msk vm11, v11  }
0xaf: {  	s0 =	simm.s32 $0x200  }
0xb0: {  	s1 =	simm.s32 $0x0;
	s2 =	simm.s32 $0x10;
	v10 =	vld [tilespmem:s0+$0x0]  }
.LBB2_6:
0xb1: {  	p1 =	sne.s32 s2, $0x1F0;
	_ =	sdelay $0x3  }
0xb2: {  	v10 =	vshll.u32 v10, $0x4  }
0xb3: {  	v11 =	vor.u32 s1, v2;
	s1 =	smov.u32 s2;
	v10 =	vxor.u32 v3, v10  }
0xb4: {  	(xrf1) =	vsort.ascd.msk.u32 $0xffff, v10, v11;
	_ =	sdelay $0xd  }
0xb5: {  	v10, v11, _ =	vpop (xrf1)  }
0xb6: {  	v10 =	vshrl.u32 v10, $0x4  }
0xb7: {  	v12 =	vxor.u32 $0x8000000, v10  }
0xb8: {  	v13 =	vperm.xlane v12, v5;
	_ =	sdelay $0x1  }
0xb9: {  	vm11 =	vne.s32 v12, v13  }
0xba: {  	v10 =	vand.u32 $0x7F, v10;
	v12 =	vand.u32 $0xFFFFF80, v12;
	vm11 =	vmor vm11, vm12  }
0xbb: {  	v10 =	vor.u32 v10, v12;
	_ =	sdelay $0x1  }
.Ltmp4:
0xbc: {  	(pc) =	sbr.rel @p1 .LBB2_6-.Ltmp4, $3  }
0xbd: {  	_ =	sdelay $0x1  }
0xbe: {  	s0 =	sadd.s32 $0x10, s0;
	[tilespmem:v10+s5+$0x0] =	vst.idx.msk vm11, v11  }
0xbf: {  	s2 =	sadd.s32 $0x10, s2;
	v10 =	vld [tilespmem:s0+$0x0]  }
0xc0: {  	_ =	sdelay $0x3  }
0xc1: {  	v10 =	vshll.u32 v10, $0x4  }
0xc2: {  	v11 =	vor.u32 s1, v2;
	v10 =	vxor.u32 v3, v10  }
0xc3: {  	(xrf1) =	vsort.ascd.msk.u32 $0xffff, v10, v11;
	_ =	sdelay $0xd  }
0xc4: {  	v10, v11, _ =	vpop (xrf1)  }
0xc5: {  	v10 =	vshrl.u32 v10, $0x4  }
0xc6: {  	v12 =	vxor.u32 $0x8000000, v10  }
0xc7: {  	v13 =	vperm.xlane v12, v5;
	_ =	sdelay $0x1  }
0xc8: {  	vm11 =	vne.s32 v12, v13  }
0xc9: {  	v10 =	vand.u32 $0x7F, v10;
	v12 =	vand.u32 $0xFFFFF80, v12;
	vm11 =	vmor vm11, vm12  }
0xca: {  	v10 =	vor.u32 v10, v12;
	_ =	sdelay $0x3  }
.Ltmp5:
0xcb: {  	_ = 	snop;
	(pc) =	sbr.rel @p0 .LBB2_15-.Ltmp5, $4  }
0xcc: {  	s0 =	simm.s32 $0x2;
	[tilespmem:v10+s5+$0x0] =	vst.idx.msk vm11, v11  }
0xcd: {  	_ =	swait.ge [sflag:s0], $0xE400  }
0xce: {  	s28 =	simm.s32 $0x0;
	s26 =	simm.s32 $0x600;
	[sflag:s0] =	ssyncset.done $0x0  }
0xcf: {  	v10 =	vimm.f32 $0.0e+00;
	[dreg:$0x4] =	wrdreg s26;
	[sflag:s0] =	ssyncadd.s32 $0xFFFF1C00;
	s0 =	simm.s32 $0x400  }
0xd0: {  	v13 =	vld [tilespmem:s0+$0x0];
	_ =	sdelay $0x4  }
0xd1: {  	(v2sf) =	vpush v13, $0xF  }
0xd2: {  	(v2sf) =	vpush v13, $0xB;
	_ =	sdelay $0x1  }
0xd3: {  	(v2sf) =	vpush v13, $0x6;
	_ =	sdelay $0x1  }
0xd4: {  	(v2sf) =	vpush v13, $0xE;
	_ =	sdelay $0x1  }
0xd5: {  	v12 =	vld [tilespmem:s28+$0x0];
	(v2sf) =	vpush v13, $0xA;
	_ =	sdelay $0x1  }
0xd6: {  	(v2sf) =	vpush v13, $0xD;
	_ =	sdelay $0x1  }
0xd7: {  	(v2sf) =	vpush v13, $0x9;
	_ =	sdelay $0x1  }
0xd8: {  	(v2sf) =	vpush v13, $0x5;
	_ =	sdelay $0x1  }
0xd9: {  	v11 =	vld.idx.msk [tilespmem:v12+s5+$0x0], $0xffff;
	(v2sf) =	vpush v13, $0xC;
	s9 =	spop (v2sf)  }
0xda: {  	s13 =	spop (v2sf);
	s12 =	smulhi.u32 $0x78787879, s9  }
0xdb: {  	(v2sf) =	vpush v13, $0x8;
	s9 =	sshra.s32 s9, $0x1F;
	s10 =	smulhi.u32 $0x78787879, s13  }
0xdc: {  	s14 =	spop (v2sf);
	s24 =	smul.u32 $0x78787879, s9  }
0xdd: {  	(v2sf) =	vpush v13, $0x4;
	s13 =	sshra.s32 s13, $0x1F;
	s0 =	smulhi.u32 $0x78787879, s14  }
0xde: {  	vm11 =	vgt.s32 v11, $0x0;
	s15 =	spop (v2sf);
	s25 =	smul.u32 $0x78787879, s13  }
0xdf: {  	v14 =	vnsel vm11, $0x0, v11;
	(v2sf) =	vpush v13, $0x3;
	s14 =	sshra.s32 s14, $0x1F;
	s28 =	smulhi.u32 $0x78787879, s15  }
0xe0: {  	s16 =	spop (v2sf);
	s14 =	smul.u32 $0x78787879, s14  }
0xe1: {  	s15 =	sshra.s32 s15, $0x1F;
	s29 =	smulhi.u32 $0x78787879, s16  }
0xe2: {  	(v2sf) =	vpush v13, $0x2;
	s17 =	spop (v2sf);
	s15 =	smul.u32 $0x78787879, s15  }
0xe3: {  	s16 =	sshra.s32 s16, $0x1F;
	s11 =	smulhi.u32 $0x78787879, s17  }
0xe4: {  	v15 =	vld.idx.msk [tilespmem:v14+s4+$0x0], $0xffff;
	(v2sf) =	vpush v13, $0x1;
	s18 =	spop (v2sf);
	s16 =	smul.u32 $0x78787879, s16  }
0xe5: {  	(v2sf) =	vpush v13, $0x0;
	s26 =	sshra.s32 s17, $0x1F;
	s6 =	smulhi.u32 $0x78787879, s18  }
0xe6: {  	s19 =	spop (v2sf);
	s17 =	smul.u32 $0x78787879, s26  }
0xe7: {  	s1 =	sshra.s32 s18, $0x1F;
	s5 =	smulhi.u32 $0x78787879, s19  }
0xe8: {  	(v2sf) =	vpush v13, $0x7;
	s20 =	spop (v2sf);
	s18 =	smul.u32 $0x78787879, s1  }
0xe9: {  	(v2sf) =	vpush v15, $0xF;
	s2 =	sshra.s32 s19, $0x1F;
	s30 =	smulhi.u32 $0x78787879, s20  }
0xea: {  	s21 =	spop (v2sf);
	s1 =	smul.u32 $0x78787879, s2  }
0xeb: {  	(v2sf) =	vpush v15, $0xB;
	s4 =	sshra.s32 s20, $0x1F;
	s8 =	smulhi.u32 $0x78787879, s21  }
0xec: {  	(v2sf) =	vpush v15, $0x6;
	s22 =	spop (v2sf);
	s20 =	smul.u32 $0x78787879, s4  }
0xed: {  	s19 =	sshra.s32 s21, $0x1F;
	s3 =	smulhi.u32 $0x78787879, s22  }
0xee: {  	(v2sf) =	vpush v15, $0xE;
	s23 =	spop (v2sf);
	s26 =	smul.u32 $0x78787879, s19  }
0xef: {  	(v2sf) =	vpush v15, $0xA;
	s21 =	sshra.s32 s22, $0x1F;
	s7 =	smulhi.u32 $0x78787879, s23  }
0xf0: {  	(v2sf) =	vpush v15, $0xD;
	s31 =	smul.u32 $0x78787879, s21;
	s2 =	sshra.s32 s23, $0x1F  }
0xf1: {  	s0 =	sadd.s32 s14, s0;
	s19 =	smul.u32 $0x78787879, s2;
	s22 =	spop (v2sf)  }
0xf2: {  	[smem:$0x7E3] =	sst s0;
	s4 =	smulhi.u32 $0x78787879, s22;
	s13 =	sshra.s32 s22, $0x1F  }
0xf3: {  	(v2sf) =	vpush v15, $0x9;
	s9 =	spop (v2sf);
	s13 =	smul.u32 $0x78787879, s13  }
0xf4: {  	s2 =	sadd.s32 s24, s12;
	s12 =	smulhi.u32 $0x78787879, s9;
	s21 =	spop (v2sf)  }
0xf5: {  	(v2sf) =	vpush v15, $0x5;
	s22 =	sadd.s32 s25, s10;
	s23 =	sshra.s32 s9, $0x1F;
	s25 =	smulhi.u32 $0x78787879, s21  }
0xf6: {  	[smem:$0x7E1] =	sst s2;
	s9 =	sshra.s32 s21, $0x1F;
	s24 =	smul.u32 $0x78787879, s23  }
0xf7: {  	(v2sf) =	vpush v15, $0xC;
	s23 =	sadd.s32 s17, s11;
	s17 =	spop (v2sf);
	s14 =	smul.u32 $0x78787879, s9  }
0xf8: {  	s2 =	smulhi.u32 $0x78787879, s17;
	s10 =	sshra.s32 s17, $0x1F;
	s21 =	spop (v2sf)  }
0xf9: {  	s28 =	sadd.s32 s15, s28;
	(v2sf) =	vpush v15, $0x8;
	[smem:$0x7DD] =	sst s25;
	s15 =	smul.u32 $0x78787879, s10  }
0xfa: {  	s29 =	sadd.s32 s16, s29;
	s25 =	spop (v2sf);
	[smem:$0x7DE] =	sst s14  }
0xfb: {  	s26 =	sadd.s32 s26, s8;
	(v2sf) =	vpush v15, $0x3;
	[smem:$0x7E2] =	sst s25;
	s11 =	spop (v2sf)  }
0xfc: {  	s9 =	sshra.s32 s21, $0x1F;
	s14 =	smulhi.u32 $0x78787879, s21;
	[smem:$0x7E4] =	sst s11  }
0xfd: {  	(v2sf) =	vpush v15, $0x2;
	s25 =	sadd.s32 s20, s30;
	s11 =	smul.u32 $0x78787879, s9;
	s17 =	spop (v2sf)  }
0xfe: {  	s20 =	smulhi.u32 $0x78787879, s17;
	s10 =	sshra.s32 s17, $0x1F;
	s0 =	spop (v2sf)  }
0xff: {  	(v2sf) =	vpush v15, $0x1;
	s17 =	sadd.s32 s1, s5;
	s21 =	smul.u32 $0x78787879, s10;
	s5 =	spop (v2sf)  }
0x100: {  	(v2sf) =	vpush v15, $0x0;
	s30 =	sadd.s32 s18, s6;
	s16 =	sshra.s32 s0, $0x1F;
	s6 =	smulhi.u32 $0x78787879, s5  }
0x101: {  	s11 =	sadd.s32 s11, s14;
	[smem:$0x7DF] =	sst s20;
	s10 =	smul.u32 $0x78787879, s16  }
0x102: {  	s13 =	sadd.s32 s13, s4;
	s9 =	spop (v2sf);
	[smem:$0x7EA] =	sst s11  }
0x103: {  	s18 =	sshra.s32 s5, $0x1F;
	[smem:$0x7E0] =	sst s21;
	s21 =	smulhi.u32 $0x78787879, s0  }
0x104: {  	s20 =	sadd.s32 s19, s7;
	s7 =	smul.u32 $0x78787879, s18;
	s19 =	spop (v2sf)  }
0x105: {  	(v2sf) =	vpush v15, $0x7;
	s18 =	sadd.s32 s31, s3;
	s8 =	smulhi.u32 $0x78787879, s9;
	s16 =	sshra.s32 s9, $0x1F  }
0x106: {  	s31 =	sadd.s32 s24, s12;
	s1 =	spop (v2sf);
	s16 =	smul.u32 $0x78787879, s16  }
0x107: {  	[smem:$0x7E6] =	sst s19;
	s5 =	smulhi.u32 $0x78787879, s1;
	s19 =	sshra.s32 s1, $0x1F  }
0x108: {  	s3 =	spop (v2sf);
	s6 =	sadd.s32 s7, s6;
	s12 =	smul.u32 $0x78787879, s19  }
0x109: {  	s21 =	sadd.s32 s10, s21;
	s24 =	smulhi.u32 $0x78787879, s3;
	[smem:$0x7E8] =	sst s6  }
0x10a: {  	s0 =	sshra.s32 s3, $0x1F;
	[smem:$0x7E9] =	sst s21;
	s9 =	spop (v2sf)  }
0x10b: {  	s14 =	simm.s32 $0x410;
	s4 =	smul.u32 $0x78787879, s0;
	[smem:$0x7E5] =	sst s9  }
0x10c: {  	s19 =	spop (v2sf);
	s9 =	sadd.s32 s15, s2;
	s2 =	sld [smem:$0x7DD]  }
0x10d: {  	s5 =	sadd.s32 s12, s5;
	s12 =	sadd.s32 s16, s8;
	s16 =	sld [smem:$0x7E0]  }
0x10e: {  	v16 =	vld [tilespmem:s14+$0x0];
	s1 =	spop (v2sf);
	s14 =	sadd.s32 s4, s24;
	s24 =	sld [smem:$0x7E1]  }
0x10f: {  	s8 =	sshrl.u32 s28, $0x1F;
	s3 =	spop (v2sf);
	s11 =	smulhi.u32 $0x78787879, s1  }
0x110: {  	s1 =	sshra.s32 s1, $0x1F;
	s15 =	smulhi.u32 $0x78787879, s3;
	s0 =	sshra.s32 s3, $0x1F  }
0x111: {  	s3 =	sld [smem:$0x7DE];
	s4 =	smul.u32 $0x78787879, s1;
	s1 =	sshrl.u32 s26, $0x1F  }
0x112: {  	s7 =	sshrl.u32 s24, $0x1F;
	s21 =	sshra.s32 s24, $0x7;
	s24 =	sshrl.u32 s23, $0x1F  }
0x113: {  	s23 =	sshra.s32 s23, $0x7;
	v18 =	vmov s1;
	s1 =	sshra.s32 s25, $0x7;
	s10 =	sadd.s32 s4, s11  }
0x114: {  	s2 =	sadd.s32 s3, s2;
	s3 =	smul.u32 $0x78787879, s0;
	s0 =	spop (v2sf)  }
0x115: {  	s11 =	sshra.s32 s28, $0x7;
	s28 =	sshrl.u32 s30, $0x1F;
	v19 =	vmov s1;
	s6 =	smulhi.u32 $0x78787879, s0  }
0x116: {  	v19 =	vsel vm2, s23, v19;
	s0 =	sshra.s32 s0, $0x1F;
	s3 =	sadd.s32 s3, s15;
	s15 =	sld [smem:$0x7DF]  }
0x117: {  	v18 =	vsel vm2, s28, v18;
	s28 =	sld [smem:$0x7E6];
	v19 =	vsel vm3, s11, v19;
	s0 =	smul.u32 $0x78787879, s0  }
0x118: {  	s4 =	sshrl.u32 s22, $0x1F;
	s22 =	sshra.s32 s22, $0x7;
	v19 =	vsel vm4, s21, v19;
	s21 =	sld [smem:$0x7E5]  }
0x119: {  	(v2sf) =	vpush v16, $0xF;
	s0 =	sadd.s32 s0, s6;
	s6 =	sadd.s32 s16, s15;
	s15 =	sshrl.u32 s29, $0x1F  }
0x11a: {  	s16 =	sshra.s32 s29, $0x7;
	s29 =	sshra.s32 s30, $0x7;
	s30 =	sshra.s32 s9, $0x1F  }
0x11b: {  	s1 =	sshrl.u32 s31, $0x1F;
	[smem:$0x7E7] =	sst s0;
	s0 =	sshra.s32 s2, $0x7;
	v14 =	vmov s30  }
0x11c: {  	vm15 =	vcmask $0x704;
	s30 =	sshrl.u32 s25, $0x1F;
	s25 =	sshrl.u32 s2, $0x1F;
	s2 =	sshra.s32 s2, $0x1F;
	v18 =	vsel vm3, s15, v18;
	v14 =	vsel vm5, s0, v14  }
0x11d: {  	s15 =	sshrl.u32 s18, $0x1F;
	v17 =	vmov s30;
	v20 =	vmov s25;
	s25 =	sshra.s32 s26, $0x7;
	s26 =	sshra.s32 s31, $0x7;
	v14 =	vsel vm15, s2, v14  }
0x11e: {  	s0 =	sshra.s32 s13, $0x1F;
	v21 =	vmov s25;
	v17 =	vsel vm2, s24, v17;
	s24 =	sshra.s32 s31, $0x1F;
	s2 =	sshrl.u32 s13, $0x1F;
	v20 =	vnsel vm5, $0x0, v20  }
0x11f: {  	s25 =	sshra.s32 s13, $0x7;
	v14 =	vsel vm2, s26, v14;
	s26 =	sld [smem:$0x7E2];
	v21 =	vsel vm2, s29, v21;
	v17 =	vsel vm3, s8, v17;
	s8 =	sshrl.u32 s20, $0x1F  }
0x120: {  	v20 =	vsel vm2, s1, v20;
	s1 =	sshra.s32 s14, $0x7;
	v14 =	vsel vm0, s24, v14;
	s24 =	sshra.s32 s17, $0x7;
	v21 =	vsel vm3, s16, v21;
	s16 =	smulhi.u32 $0x78787879, s19  }
0x121: {  	(v2sf) =	vpush v15, $0x4;
	v17 =	vsel vm4, s7, v17;
	s19 =	sshra.s32 s19, $0x1F;
	s7 =	smulhi.u32 $0x78787879, s28;
	v14 =	vsel vm3, s25, v14;
	s25 =	sshra.s32 s20, $0x7  }
0x122: {  	v20 =	vsel vm3, s2, v20;
	s20 =	sshra.s32 s20, $0x1F;
	s2 =	smul.u32 $0x78787879, s19;
	s19 =	sshra.s32 s21, $0x1F  }
0x123: {  	v20 =	vsel vm4, s8, v20;
	v21 =	vsel vm4, s22, v21;
	s22 =	sshrl.u32 s5, $0x1F;
	s13 =	smulhi.u32 $0x78787879, s26;
	s23 =	sshra.s32 s26, $0x1F;
	v14 =	vsel vm1, s0, v14  }
0x124: {  	s26 =	sshra.s32 s18, $0x7;
	v20 =	vsel vm6, s15, v20;
	s15 =	smulhi.u32 $0x78787879, s21;
	v22 =	vmov s22;
	s22 =	sld [smem:$0x7E8];
	v14 =	vsel vm4, s25, v14  }
0x125: {  	s21 =	sshrl.u32 s3, $0x1F;
	s0 =	smul.u32 $0x78787879, s23;
	v14 =	vsel vm14, s20, v14;
	s20 =	sld [smem:$0x7E3]  }
0x126: {  	(v2sf) =	vpush v16, $0xB;
	s25 =	sshra.s32 s18, $0x1F;
	s18 =	sshrl.u32 s17, $0x1F;
	s17 =	sshra.s32 s17, $0x1F  }
0x127: {  	vm15 =	vcmask $0x2724;
	v49 =	vmov s1;
	s1 =	sadd.s32 s2, s16;
	s2 =	sshra.s32 s3, $0x7;
	s3 =	sshra.s32 s3, $0x1F;
	v14 =	vsel vm6, s26, v14  }
0x128: {  	(v2sf) =	vpush v16, $0x6;
	v20 =	vsel vm7, s18, v20;
	s18 =	spop (v2sf);
	v14 =	vsel vm15, s25, v14;
	s25 =	sld [smem:$0x7E4];
	s23 =	sshrl.u32 s20, $0x1F  }
0x129: {  	vm11 =	vcmask $0x2F2C;
	(v2sf) =	vpush v16, $0xE;
	s26 =	sshra.s32 s20, $0x7;
	s8 =	sshra.s32 s20, $0x1F;
	s20 =	sshrl.u32 s9, $0x1F  }
0x12a: {  	(v2sf) =	vpush v16, $0xA;
	v14 =	vsel vm7, s24, v14;
	s9 =	sshra.s32 s9, $0x7;
	s24 =	simm.s32 $0x10;
	v20 =	vsel vm8, s23, v20;
	s23 =	sshra.s32 s5, $0x7  }
0x12b: {  	(v2sf) =	vpush v16, $0xD;
	v18 =	vsel vm4, s4, v18;
	v14 =	vsel vm11, s17, v14;
	s17 =	sshrl.u32 s14, $0x1F;
	s5 =	sshrl.u32 s12, $0x1F;
	s12 =	sshra.s32 s12, $0x7  }
0x12c: {  	v17 =	vcombine.low v18, v17;
	vm11 =	vcmask $0x3734;
	s14 =	sshra.s32 s6, $0x7;
	s11 =	smulhi.u32 $0x78787879, s25;
	v14 =	vsel vm8, s26, v14;
	s26 =	sld [smem:$0x7E7]  }
0x12d: {  	v23 =	vmov s17;
	v24 =	vmov s23;
	s17 =	sshra.s32 s22, $0x7;
	s23 =	smul.u32 $0x78787879, s19;
	s19 =	sshrl.u32 s6, $0x1F;
	v14 =	vsel vm11, s8, v14  }
0x12e: {  	(v2sf) =	vpush v16, $0x9;
	v18 =	vcombine.low v21, v19;
	v14 =	vsel vm9, s9, v14;
	s9 =	sadd.s32 s0, s13;
	s13 =	sshrl.u32 s22, $0x1F;
	s22 =	sld [smem:$0x7E9]  }
0x12f: {  	vm13 =	vcmask $0x704;
	v17 =	vperm.xlane v17, v6;
	(v2sf) =	vpush v16, $0x5;
	s6 =	sshrl.u32 s10, $0x1F;
	s15 =	sadd.s32 s23, s15;
	s23 =	sld [smem:$0x7EA]  }
0x130: {  	v18 =	vperm.xlane v18, v6;
	v20 =	vsel vm9, s20, v20;
	v50 =	vsel vm2, s12, v49;
	s12 =	sshra.s32 s1, $0x7;
	s25 =	sshra.s32 s25, $0x1F;
	s8 =	spop (v2sf)  }
0x131: {  	(v2sf) =	vpush v16, $0xC;
	v20 =	vperm.xlane v20, v7;
	s0 =	sshra.s32 s26, $0x1F;
	v14 =	vperm.xlane v14, v7;
	s4 =	sshra.s32 s9, $0x7;
	s20 =	sshrl.u32 s22, $0x1F  }
0x132: {  	v19 =	vmov s21;
	(v2sf) =	vpush v16, $0x8;
	v22 =	vsel vm2, s13, v22;
	s16 =	sshra.s32 s22, $0x7;
	s21 =	sshrl.u32 s23, $0x1F;
	s22 =	sshrl.u32 s9, $0x1F  }
0x133: {  	v17 =	vsel vm10, v20, v17;
	v25 =	vmov s0;
	s0 =	sshra.s32 s23, $0x7;
	s9 =	smulhi.u32 $0x78787879, s8;
	v14 =	vsel vm10, v14, v18;
	s23 =	sshra.s32 s8, $0x1F  }
0x134: {  	v23 =	vsel vm2, s5, v23;
	s8 =	sshra.s32 s10, $0x7;
	v14 =	vadd.s32 v17, v14;
	s5 =	smul.u32 $0x78787879, s23;
	v17 =	vsel vm3, s19, v22;
	s19 =	sshra.s32 s28, $0x1F  }
0x135: {  	(v2sf) =	vpush v16, $0x4;
	v18 =	vsel vm2, s17, v24;
	v52 =	vsel vm5, s2, v25;
	s17 =	sshra.s32 s15, $0x7;
	s23 =	sshrl.u32 s15, $0x1F;
	s2 =	smul.u32 $0x78787879, s19  }
0x136: {  	v22 =	vsel vm13, s3, v52;
	s3 =	spop (v2sf);
	s19 =	sshra.s32 s15, $0x1F;
	s15 =	smul.u32 $0x78787879, s25  }
0x137: {  	v19 =	vnsel vm5, $0x0, v19;
	s13 =	sshrl.u32 s1, $0x1F;
	s10 =	sshra.s32 s10, $0x1F;
	vm13 =	vcmask $0xF0C;
	v53 =	vsel vm2, s8, v22;
	s25 =	smulhi.u32 $0x78787879, s3  }
0x138: {  	vm11 =	vlt.s32 v13, $0x1;
	v19 =	vsel vm2, s6, v19;
	s1 =	sshra.s32 s1, $0x1F;
	s3 =	sshra.s32 s3, $0x1F;
	v21 =	vsel vm13, s10, v53;
	s10 =	smulhi.u32 $0x78787879, s18  }
0x139: {  	(v2sf) =	vpush v16, $0x3;
	v19 =	vsel vm3, s13, v19;
	v51 =	vmul.u32 $0xFFFFFEF0, v14;
	s8 =	sadd.s32 s5, s9;
	s5 =	spop (v2sf);
	s3 =	smul.u32 $0x78787879, s3  }
0x13a: {  	v54 =	vsel vm3, s20, v23;
	v18 =	vsel vm3, s14, v18;
	s20 =	sshrl.u32 s8, $0x1F;
	v21 =	vsel vm3, s12, v21;
	s30 =	smulhi.u32 $0x78787879, s5;
	s5 =	sshra.s32 s5, $0x1F  }
0x13b: {  	v20 =	vsel vm3, s16, v50;
	v13 =	vadd.s32 v13, v51;
	[smem:$0x7EF] =	sst s10;
	v21 =	vsel vm1, s1, v21;
	s1 =	sadd.s32 s2, s7;
	s2 =	spop (v2sf)  }
0x13c: {  	v17 =	vsel vm4, s21, v17;
	s14 =	sshra.s32 s8, $0x7;
	vm12 =	vlt.s32 v13, $0x0;
	v55 =	vadd.s32 $0x110, v13;
	s5 =	smul.u32 $0x78787879, s5;
	s6 =	spop (v2sf)  }
0x13d: {  	s8 =	sshra.s32 s8, $0x1F;
	v23 =	vsel vm12, v55, v13;
	vm12 =	vne.s32 v13, $0x0;
	v13 =	vsel vm4, s17, v21;
	s16 =	smulhi.u32 $0x78787879, s2;
	s17 =	spop (v2sf)  }
0x13e: {  	v56 =	vsel vm4, s22, v54;
	v18 =	vsel vm4, s0, v18;
	s21 =	sadd.s32 s15, s11;
	v57 =	vsel vm14, s19, v13;
	v13 =	vld [tilespmem:s24+$0x0];
	s12 =	smulhi.u32 $0x78787879, s6;
	s19 =	spop (v2sf)  }
0x13f: {  	v20 =	vsel vm4, s4, v20;
	v19 =	vsel vm4, s23, v19;
	v17 =	vcombine.low v56, v17;
	s9 =	sshrl.u32 s21, $0x1F;
	s10 =	smulhi.u32 $0x78787879, s17;
	s13 =	spop (v2sf)  }
0x140: {  	v18 =	vcombine.low v20, v18;
	v19 =	vsel vm6, s20, v19;
	s20 =	sshra.s32 s21, $0x1F;
	s22 =	sshra.s32 s1, $0x7;
	v22 =	vsel vm6, s14, v57;
	s7 =	smulhi.u32 $0x78787879, s13  }
0x141: {  	vm3 =	vcmask $0x2F2C;
	vm11 =	vmand vm11, vm12;
	s14 =	sshrl.u32 s1, $0x1F;
	s1 =	sshra.s32 s1, $0x1F;
	v22 =	vsel vm15, s8, v22;
	s11 =	smulhi.u32 $0x78787879, s19  }
0x142: {  	(v2sf) =	vpush v16, $0x2;
	s8 =	sshra.s32 s21, $0x7;
	v19 =	vsel vm7, s14, v19;
	v22 =	vsel vm7, s22, v22;
	[smem:$0x7ED] =	sst s7;
	s7 =	spop (v2sf)  }
0x143: {  	v59 =	vsel vm11, $0xFFFFFFFF, v9;
	s21 =	sshrl.u32 s26, $0x1F;
	v19 =	vsel vm8, s9, v19;
	s9 =	sshra.s32 s19, $0x1F;
	v58 =	vsel vm3, s1, v22;
	s22 =	spop (v2sf)  }
0x144: {  	s18 =	sshra.s32 s18, $0x1F;
	v22 =	vadd.s32 v59, v14;
	v19 =	vsel vm9, s21, v19;
	s21 =	smul.u32 $0x78787879, s9;
	s24 =	spop (v2sf);
	(v2sf) =	vpush v16, $0x1  }
0x145: {  	s23 =	simm.s32 $0x1E600;
	s2 =	sshra.s32 s2, $0x1F;
	v21 =	vsel vm8, s8, v58;
	v14 =	vshrl.u32 v22, $0x3;
	s8 =	smul.u32 $0x78787879, s18;
	(v2sf) =	vpush v16, $0x0  }
0x146: {  	[smem:$0x7EB] =	sst s25;
	v17 =	vperm.xlane v17, v6;
	v60 =	vshll.u32 v23, $0x3;
	s18 =	smul.u32 $0x78787879, s2;
	v61 =	vmul.u32 $0xC00, v14;
	v14 =	vld.idx.msk [tilespmem:v13+s23+$0x0], $0xffff  }
0x147: {  	s25 =	simm.s32 $0x10;
	v18 =	vperm.xlane v18, v6;
	s0 =	sshra.s32 s6, $0x1F;
	v20 =	vand.u32 $0xFFFFFC00, v60;
	vm3 =	vcmask $0x3734;
	s15 =	smulhi.u32 $0x78787879, s7  }
0x148: {  	[dreg:$0x5] =	wrdreg s25;
	v22 =	vshll.u32 v22, $0x7;
	v21 =	vsel vm3, s20, v21;
	s20 =	smul.u32 $0x78787879, s0;
	(v2sf) =	vpush v16, $0x7  }
0x149: {  	v23 =	vand.u32 $0x7F, v23;
	s4 =	sshra.s32 s17, $0x1F;
	s26 =	sshra.s32 s26, $0x7;
	v22 =	vand.u32 $0x380, v22;
	s14 =	smulhi.u32 $0x78787879, s24;
	v20 =	vadd.s32 v20, v61  }
0x14a: {  	s17 =	sshra.s32 s13, $0x1F;
	v19 =	vperm.xlane v19, v7;
	s19 =	sshra.s32 s7, $0x1F;
	s25 =	smulhi.u32 $0x78787879, s22;
	v21 =	vsel vm9, s26, v21;
	v20 =	vor.u32 v22, v20  }
0x14b: {  	s26 =	smul.u32 $0x78787879, s17;
	v21 =	vperm.xlane v21, v7;
	[smem:$0x7EE] =	sst s14;
	v20 =	vor.u32 v23, v20;
	s14 =	simm.s32 $0x1E200;
	vm11 =	vgt.s32 v14, $0x0  }
0x14c: {  	[smem:$0x7EC] =	sst s12;
	s28 =	smul.u32 $0x78787879, s19;
	v62 =	vld.idx.msk [tilespmem:v12+s14+$0x0], $0xffff;
	v63 =	vnsel vm11, $0x0, v14  }
0x14d: {  	v17 =	vsel vm10, v19, v17;
	s7 =	sshra.s32 s22, $0x1F;
	s23 =	smul.u32 $0x78787879, s4;
	s4 =	simm.s32 $0x600;
	v18 =	vsel vm10, v21, v18  }
0x14e: {  	s13 =	simm.s32 $0x0;
	s12 =	spop (v2sf);
	s6 =	smul.u32 $0x78787879, s7;
	v19 =	vld [tilespmem:s4+$0x0];
	v17 =	vadd.s32 v17, v18  }
0x14f: {  	s9 =	sshra.s32 s24, $0x1F;
	s1 =	smulhi.u32 $0x78787879, s12;
	s14 =	simm.s32 $0x1A00;
	v17 =	vmul.u32 $0x110, v17  }
0x150: {  	s22 =	simm.s32 $0x800;
	s19 =	smul.u32 $0x78787879, s9;
	s12 =	sshra.s32 s12, $0x1F;
	v18 =	vor.u32 s13, v2;
	v20 =	vld.idx.msk [tilespmem:v20+s14+$0x0], $0xffff  }
0x151: {  	s31 =	smul.u32 $0x78787879, s12;
	vm11 =	vne.s32 v12, $0x0;
	v12 =	vsub.s32 v15, v17;
	s17 =	spop (v2sf);
	vm12 =	veq.s32 v62, v18;
	v15 =	vld.idx.msk [tilespmem:v63+s22+$0x0], $0xffff  }
0x152: {  	v17 =	vadd.s32 $0x110, v12;
	s2 =	smulhi.u32 $0x78787879, s17;
	vm11 =	vmand vm11, vm12;
	vm12 =	vlt.s32 v12, $0x0;
	s7 =	sshra.s32 s17, $0x1F  }
0x153: {  	v19 =	vcvt.s32.f32 v19;
	v12 =	vsel vm12, v17, v12;
	vm12 =	vgt.s32 v11, $0xFFFFFFFF;
	s29 =	smul.u32 $0x78787879, s7;
	s24 =	spop (v2sf)  }
0x154: {  	vm11 =	vmand vm11, vm12;
	vm12 =	vlt.u32 v18, $0x1F4;
	v11 =	vcvt.s32.f32 v12;
	s17 =	smulhi.u32 $0x78787879, s24;
	s0 =	spop (v2sf)  }
0x155: {  	vm11 =	vmand vm12, vm11;
	v12 =	vmul.f32 v19, v20;
	s7 =	sshra.s32 s24, $0x1F;
	s22 =	smulhi.u32 $0x78787879, s0  }
0x156: {  	v11 =	vnsel vm11, $0x0, v11;
	s24 =	sld [smem:$0x7EF];
	(v2sf) =	vpush v15, $0xF;
	s4 =	sshra.s32 s0, $0x1F;
	s12 =	smul.u32 $0x78787879, s7  }
0x157: {  	v11 =	vsub.f32 v12, v11;
	s9 =	spop (v2sf);
	(v2sf) =	vpush v15, $0xB;
	s7 =	smul.u32 $0x78787879, s4  }
0x158: {  	s13 =	smulhi.u32 $0x78787879, s9;
	s14 =	sshra.s32 s9, $0x1F;
	(v2sf) =	vpush v15, $0x6  }
0x159: {  	v12 =	vadd.f32 v19, v10;
	v11 =	vand.u32 $0x7FFFFFFF, v11;
	s4 =	simm.s32 $0x10;
	s24 =	sadd.s32 s8, s24;
	s0 =	smul.u32 $0x78787879, s14;
	(v2sf) =	vpush v15, $0xE  }
0x15a: {  	v11 =	vadd.f32 v11, v10;
	s14 =	simm.s32 $0x420;
	s8 =	simm.s32 $0x20;
	[dreg:$0xf] =	wrdreg s4;
	(v2sf) =	vpush v15, $0xA  }
.LBB2_9:
0x15b: {  	[dreg:$0xe] =	wrdreg s8  }
0x15c: {  	[dreg:$0xd] =	wrdreg s14  }
0x15d: {  	s4 =	sld [smem:$0x7EB]  }
0x15e: {  	p1 =	sne.s32 s8, $0x1F0;
	s30 =	sadd.s32 s5, s30;
	s8 =	sadd.s32 s12, s17  }
0x15f: {  	s5 =	sadd.s32 s18, s16;
	s16 =	sld [smem:$0x7EE];
	s17 =	sshrl.u32 s30, $0x1F  }
0x160: {  	[smem:$0x7CA] =	sst s17;
	s9 =	sadd.s32 s3, s4;
	s4 =	sadd.s32 s23, s10  }
0x161: {  	s10 =	sld [smem:$0x7EC];
	s3 =	sadd.s32 s7, s22;
	s22 =	sshrl.u32 s9, $0x1F  }
0x162: {  	s18 =	sadd.s32 s19, s16;
	s7 =	sshra.s32 s9, $0x7;
	[smem:$0x7C4] =	sst s22  }
0x163: {  	[smem:$0x7C7] =	sst s7;
	s12 =	sshrl.u32 s18, $0x1F  }
0x164: {  	s23 =	sadd.s32 s20, s10;
	s10 =	sadd.s32 s21, s11;
	s11 =	sld [smem:$0x7ED]  }
0x165: {  	s21 =	sshrl.u32 s24, $0x1F;
	[smem:$0x7C8] =	sst s12  }
0x166: {  	(v2sf) =	vpush v15, $0xD;
	[smem:$0x7C3] =	sst s21;
	s9 =	sshrl.u32 s23, $0x1F  }
0x167: {  	(v2sf) =	vpush v15, $0x9;
	s16 =	sshra.s32 s23, $0x7;
	[smem:$0x7C0] =	sst s9  }
0x168: {  	s15 =	sadd.s32 s28, s15;
	[smem:$0x7C2] =	sst s16;
	s20 =	sadd.s32 s26, s11  }
0x169: {  	(v2sf) =	vpush v15, $0x5;
	s11 =	sadd.s32 s6, s25;
	s6 =	sadd.s32 s29, s2;
	s2 =	sshra.s32 s24, $0x7  }
0x16a: {  	s26 =	sadd.s32 s0, s13;
	s13 =	sshra.s32 s5, $0x7;
	[smem:$0x7C5] =	sst s2  }
0x16b: {  	(v2sf) =	vpush v15, $0xC;
	s25 =	sadd.s32 s31, s1;
	s19 =	sshrl.u32 s26, $0x1F;
	[smem:$0x7C1] =	sst s13  }
0x16c: {  	s1 =	sshrl.u32 s20, $0x1F;
	s17 =	sshrl.u32 s25, $0x1F;
	[smem:$0x7CB] =	sst s19  }
0x16d: {  	s9 =	spop (v2sf);
	s7 =	sshrl.u32 s11, $0x1F;
	[smem:$0x7C9] =	sst s1  }
0x16e: {  	(v2sf) =	vpush v15, $0x8;
	s24 =	sshrl.u32 s10, $0x1F;
	[smem:$0x7C6] =	sst s17;
	s19 =	smulhi.u32 $0x78787879, s9;
	v19 =	vmov s7  }
0x16f: {  	s28 =	sshrl.u32 s4, $0x1F;
	s12 =	spop (v2sf);
	v19 =	vsel vm2, s24, v19;
	s24 =	sld [smem:$0x7C1]  }
0x170: {  	s23 =	sshra.s32 s4, $0x7;
	s1 =	spop (v2sf);
	[smem:$0x7CC] =	sst s19  }
0x171: {  	s22 =	sshra.s32 s10, $0x7;
	s21 =	smulhi.u32 $0x78787879, s12;
	[smem:$0x7D8] =	sst s1  }
0x172: {  	(v2sf) =	vpush v15, $0x3;
	s31 =	sshrl.u32 s5, $0x1F;
	s0 =	smulhi.u32 $0x78787879, s1;
	s10 =	spop (v2sf)  }
0x173: {  	s5 =	sshrl.u32 s15, $0x1F;
	[smem:$0x7D4] =	sst s21;
	s2 =	smulhi.u32 $0x78787879, s10  }
0x174: {  	s29 =	sshrl.u32 s6, $0x1F;
	s13 =	spop (v2sf);
	[smem:$0x7DA] =	sst s0  }
0x175: {  	v10 =	vld [tilespmem:s14+$0x0];
	v18 =	vmov s5;
	s5 =	sshra.s32 s3, $0x1F;
	s4 =	smulhi.u32 $0x78787879, s13;
	s14 =	spop (v2sf)  }
0x176: {  	(v2sf) =	vpush v15, $0x2;
	s7 =	sshra.s32 s8, $0x1F;
	[smem:$0x7D1] =	sst s2;
	s16 =	spop (v2sf)  }
0x177: {  	[smem:$0x7D2] =	sst s4;
	s4 =	sshra.s32 s11, $0x7;
	s11 =	smulhi.u32 $0x78787879, s14  }
0x178: {  	s2 =	sshra.s32 s15, $0x7;
	s15 =	smulhi.u32 $0x78787879, s16;
	s17 =	spop (v2sf)  }
0x179: {  	s1 =	sshrl.u32 s3, $0x1F;
	[smem:$0x7D7] =	sst s17;
	s0 =	smulhi.u32 $0x78787879, s17  }
0x17a: {  	(v2sf) =	vpush v15, $0x1;
	s21 =	sshra.s32 s26, $0x1F;
	v20 =	vmov s2;
	[smem:$0x7CF] =	sst s15;
	s15 =	spop (v2sf)  }
0x17b: {  	v21 =	vmov s1;
	s1 =	sshra.s32 s6, $0x7;
	v20 =	vsel vm2, s23, v20;
	s23 =	sld [smem:$0x7C0];
	s17 =	smulhi.u32 $0x78787879, s15  }
0x17c: {  	v17 =	vmov s21;
	s2 =	sshra.s32 s6, $0x1F;
	[smem:$0x7D9] =	sst s0;
	s0 =	sshra.s32 s3, $0x7  }
0x17d: {  	vm3 =	vcmask $0x704;
	(v2sf) =	vpush v15, $0x0;
	s14 =	sshra.s32 s14, $0x1F;
	v17 =	vsel vm5, s0, v17;
	[smem:$0x7CE] =	sst s17;
	s17 =	spop (v2sf)  }
0x17e: {  	v22 =	vmov s4;
	[smem:$0x7CD] =	sst s11;
	s3 =	sshra.s32 s8, $0x7;
	v17 =	vsel vm3, s5, v17;
	s21 =	smulhi.u32 $0x78787879, s17  }
0x17f: {  	(v2sf) =	vpush v15, $0x7;
	v22 =	vsel vm2, s22, v22;
	s22 =	sshra.s32 s12, $0x1F;
	s12 =	sshra.s32 s10, $0x1F;
	s10 =	sld [smem:$0x7C3];
	v17 =	vsel vm2, s3, v17  }
0x180: {  	vm4 =	vmmov vm0;
	v17 =	vsel vm0, s7, v17;
	vm0 =	vcmask $0x1310;
	s7 =	sshra.s32 s9, $0x1F;
	s9 =	sshra.s32 s25, $0x7;
	[smem:$0x7D0] =	sst s21  }
0x181: {  	v18 =	vsel vm2, s28, v18;
	s21 =	spop (v2sf);
	v17 =	vsel vm0, s1, v17;
	v19 =	vsel vm0, s23, v19;
	s23 =	sshra.s32 s18, $0x7;
	s1 =	smul.u32 $0x78787879, s12  }
0x182: {  	vm3 =	vcmask $0x1B18;
	v18 =	vsel vm0, s31, v18;
	v20 =	vsel vm0, s24, v20;
	s24 =	sshra.s32 s13, $0x1F;
	s12 =	sld [smem:$0x7C4];
	s11 =	smulhi.u32 $0x78787879, s21  }
0x183: {  	s13 =	sshra.s32 s18, $0x1F;
	s18 =	sld [smem:$0x7C5];
	v17 =	vsel vm1, s2, v17;
	v18 =	vsel vm3, s10, v18;
	s10 =	smul.u32 $0x78787879, s14  }
0x184: {  	v17 =	vsel vm3, s9, v17;
	s9 =	sshra.s32 s25, $0x1F;
	s25 =	smul.u32 $0x78787879, s22;
	s22 =	sld [smem:$0x7C2]  }
0x185: {  	s19 =	sshrl.u32 s8, $0x1F;
	[smem:$0x7D6] =	sst s11;
	s11 =	spop (v2sf)  }
0x186: {  	v21 =	vnsel vm5, $0x0, v21;
	s14 =	sshra.s32 s15, $0x1F;
	s15 =	sld [smem:$0x7C8];
	s5 =	smulhi.u32 $0x78787879, s11  }
0x187: {  	v21 =	vsel vm2, s19, v21;
	s19 =	sshra.s32 s20, $0x7;
	v17 =	vsel vm14, s9, v17;
	s9 =	smul.u32 $0x78787879, s24;
	s24 =	sld [smem:$0x7C7]  }
0x188: {  	s0 =	smul.u32 $0x78787879, s7;
	v17 =	vsel vm6, s23, v17;
	v22 =	vsel vm0, s22, v22;
	s22 =	sshra.s32 s16, $0x1F;
	[smem:$0x7D5] =	sst s5  }
0x189: {  	v19 =	vsel vm3, s12, v19;
	s12 =	sshra.s32 s20, $0x1F;
	v17 =	vsel vm15, s13, v17;
	s5 =	spop (v2sf);
	s13 =	smul.u32 $0x78787879, s22  }
0x18a: {  	v20 =	vsel vm3, s18, v20;
	vm14 =	vcmask $0x2F2C;
	s18 =	sshra.s32 s17, $0x1F;
	s23 =	sld [smem:$0x7C6];
	v17 =	vsel vm7, s19, v17;
	s8 =	smulhi.u32 $0x78787879, s5  }
0x18b: {  	s16 =	sshra.s32 s30, $0x7;
	s19 =	sld [smem:$0x7C9];
	v17 =	vsel vm14, s12, v17;
	s12 =	smul.u32 $0x78787879, s14  }
0x18c: {  	v21 =	vsel vm0, s29, v21;
	s22 =	sshra.s32 s11, $0x1F;
	s4 =	spop (v2sf);
	s14 =	smul.u32 $0x78787879, s18  }
0x18d: {  	v22 =	vsel vm3, s24, v22;
	s24 =	sshra.s32 s26, $0x7;
	v21 =	vsel vm3, s23, v21;
	s23 =	sld [smem:$0x7CA];
	s7 =	smul.u32 $0x78787879, s22  }
0x18e: {  	(v2sf) =	vpush v10, $0xF;
	vm15 =	vmmov vm9;
	vm9 =	vmmov vm8;
	s26 =	sshra.s32 s5, $0x1F;
	s22 =	sld [smem:$0x7CD];
	s3 =	spop (v2sf)  }
0x18f: {  	vm10 =	vmmov vm5;
	(v2sf) =	vpush v15, $0x4;
	v17 =	vsel vm9, s16, v17;
	s16 =	sld [smem:$0x7CB];
	s11 =	smul.u32 $0x78787879, s26  }
0x190: {  	v54 =	vld [tilespmem:$0x1FFF0];
	s20 =	sshra.s32 s30, $0x1F;
	v18 =	vcombine.low v19, v18;
	vm8 =	vmmov vm7;
	vm7 =	vmmov vm6;
	[smem:$0x7D3] =	sst s8;
	s8 =	smulhi.u32 $0x78787879, s4  }
0x191: {  	v19 =	vsel vm6, s15, v21;
	vm6 =	vmmov vm10;
	vm10 =	vcmask $0x3734;
	s17 =	sshra.s32 s4, $0x1F;
	s26 =	sld [smem:$0x7D0];
	s6 =	smulhi.u32 $0x78787879, s3  }
0x192: {  	v19 =	vsel vm8, s19, v19;
	v17 =	vsel vm10, s20, v17;
	s18 =	smul.u32 $0x78787879, s17;
	s19 =	sshra.s32 s3, $0x1F;
	s20 =	sld [smem:$0x7CC]  }
0x193: {  	s4 =	sshra.s32 s21, $0x1F;
	v19 =	vsel vm9, s23, v19;
	s21 =	smul.u32 $0x78787879, s19;
	s23 =	sld [smem:$0x7CE]  }
0x194: {  	v20 =	vcombine.low v22, v20;
	v17 =	vsel vm15, s24, v17;
	s10 =	sadd.s32 s10, s22;
	s24 =	sld [smem:$0x7CF];
	s14 =	sadd.s32 s14, s26  }
0x195: {  	vm11 =	vlt.s32 v16, $0x1;
	vm5 =	vmmov vm1;
	vm1 =	vnez.u8 v54;
	s8 =	sadd.s32 s18, s8;
	s22 =	sshrl.u32 s10, $0x1F;
	s26 =	sld [smem:$0x7D1]  }
0x196: {  	v20 =	vperm.xlane v20, v6;
	v19 =	vsel vm15, s16, v19;
	v17 =	vperm.xlane v17, v7;
	s3 =	sadd.s32 s0, s20;
	s0 =	sadd.s32 s21, s6;
	s18 =	sshrl.u32 s14, $0x1F  }
0x197: {  	v18 =	vperm.xlane v18, v6;
	vm14 =	vcmask $0x704;
	v19 =	vperm.xlane v19, v7;
	s19 =	sshrl.u32 s8, $0x1F;
	s20 =	sshra.s32 s14, $0x7;
	s12 =	sadd.s32 s12, s23  }
0x198: {  	v17 =	vsel vm1, v17, v20;
	s13 =	sadd.s32 s13, s24;
	v55 =	vmov s18;
	s21 =	sshra.s32 s0, $0x1F;
	v57 =	vmov s19;
	s18 =	sld [smem:$0x7D3]  }
0x199: {  	s24 =	sshra.s32 s10, $0x7;
	v23 =	vmov s20;
	s20 =	sld [smem:$0x7D5];
	v18 =	vsel vm1, v19, v18;
	s17 =	sshrl.u32 s12, $0x1F;
	v24 =	vmov s21  }
0x19a: {  	s12 =	sshra.s32 s12, $0x7;
	s23 =	sshrl.u32 s13, $0x1F;
	s1 =	sadd.s32 s1, s26;
	v22 =	vnsel vm6, $0x0, v57;
	v17 =	vadd.s32 v18, v17;
	v19 =	vmov s17  }
0x19b: {  	s14 =	sshra.s32 s13, $0x7;
	v56 =	vmov s12;
	v20 =	vsel vm2, s23, v55;
	s12 =	sld [smem:$0x7D2];
	s15 =	sshrl.u32 s1, $0x1F;
	v18 =	vmul.u32 $0xFFFFFEF0, v17  }
0x19c: {  	v23 =	vsel vm2, s14, v23;
	s17 =	sshra.s32 s8, $0x7;
	s1 =	sshra.s32 s1, $0x7;
	v19 =	vsel vm2, s22, v19;
	v21 =	vsel vm2, s24, v56;
	s10 =	sadd.s32 s11, s18  }
0x19d: {  	s5 =	spop (v2sf);
	s23 =	sshra.s32 s3, $0x7;
	v58 =	vsel vm6, s17, v24;
	s11 =	sshrl.u32 s10, $0x1F;
	v21 =	vsel vm0, s1, v21;
	v18 =	vadd.s32 v16, v18  }
0x19e: {  	s19 =	sld [smem:$0x7D4];
	s21 =	sshrl.u32 s3, $0x1F;
	s7 =	sadd.s32 s7, s20;
	v16 =	vmovc v10;
	v10 =	vsel vm0, s15, v19;
	v22 =	vsel vm2, s11, v22;
	v21 =	vsel vm3, s23, v21  }
0x19f: {  	s8 =	sshra.s32 s8, $0x1F;
	s26 =	sshrl.u32 s7, $0x1F;
	s9 =	sadd.s32 s9, s12;
	vm12 =	vlt.s32 v18, $0x0;
	vm13 =	vne.s32 v18, $0x0;
	v59 =	vadd.s32 $0x110, v18  }
0x1a0: {  	s2 =	spop (v2sf);
	s16 =	sshrl.u32 s9, $0x1F;
	s9 =	sshra.s32 s9, $0x7;
	v10 =	vsel vm3, s21, v10;
	v22 =	vsel vm0, s26, v22;
	(v2sf) =	vpush v16, $0xB  }
0x1a1: {  	s14 =	sld [smem:$0x7D7];
	s6 =	sadd.s32 s25, s19;
	v19 =	vsel vm0, s16, v20;
	v23 =	vsel vm0, s9, v23;
	v20 =	vsel vm14, s8, v58  }
0x1a2: {  	s22 =	sshrl.u32 s6, $0x1F;
	s24 =	sshra.s32 s6, $0x7;
	s25 =	sshra.s32 s10, $0x7;
	v18 =	vsel vm12, v59, v18;
	vm11 =	vmand vm11, vm13;
	(v2sf) =	vpush v16, $0x6  }
0x1a3: {  	s4 =	smul.u32 $0x78787879, s4;
	s12 =	sld [smem:$0x7D6];
	v19 =	vsel vm3, s22, v19;
	v23 =	vsel vm3, s24, v23;
	v20 =	vsel vm2, s25, v20  }
0x1a4: {  	s19 =	sld [smem:$0x7D8];
	s13 =	sshra.s32 s7, $0x1F;
	s9 =	sshra.s32 s10, $0x1F;
	v24 =	vand.u32 $0x7F, v18;
	v18 =	vshll.u32 v18, $0x3;
	v61 =	vsel vm11, $0xFFFFFFFF, v9  }
0x1a5: {  	s11 =	sshra.s32 s7, $0x7;
	s10 =	smulhi.u32 $0x78787879, s2;
	s2 =	sshra.s32 s2, $0x1F;
	(v2sf) =	vpush v16, $0xE;
	v20 =	vsel vm4, s9, v20;
	v10 =	vcombine.low v19, v10  }
0x1a6: {  	s7 =	sshra.s32 s14, $0x1F;
	s4 =	sadd.s32 s4, s12;
	s2 =	smul.u32 $0x78787879, s2;
	v19 =	vcombine.low v23, v21;
	v18 =	vand.u32 $0xFFFFFC00, v18;
	v20 =	vsel vm0, s11, v20  }
0x1a7: {  	s21 =	sld [smem:$0x7D9];
	s6 =	sshrl.u32 s4, $0x1F;
	s15 =	sshra.s32 s4, $0x7;
	v17 =	vadd.s32 v61, v17;
	(v2sf) =	vpush v16, $0xA;
	v20 =	vsel vm5, s13, v20  }
0x1a8: {  	s16 =	smul.u32 $0x78787879, s7;
	s17 =	sshra.s32 s4, $0x1F;
	v60 =	vsel vm3, s6, v22;
	s2 =	sadd.s32 s2, s10;
	v20 =	vsel vm3, s15, v20;
	vm3 =	vcmask $0x1F1C  }
0x1a9: {  	s26 =	sld [smem:$0x7DA];
	s6 =	sshra.s32 s19, $0x1F;
	v22 =	vshrl.u32 v17, $0x3;
	vm0 =	vcmask $0x2724;
	s20 =	sshra.s32 s2, $0x7;
	v20 =	vsel vm3, s17, v20  }
0x1aa: {  	s3 =	sadd.s32 s16, s21;
	v17 =	vshll.u32 v17, $0x7;
	(v2sf) =	vpush v16, $0xD;
	s22 =	smul.u32 $0x78787879, s6;
	s23 =	sshra.s32 s2, $0x1F;
	v20 =	vsel vm7, s20, v20  }
0x1ab: {  	s24 =	sshra.s32 s3, $0x7;
	v10 =	vperm.xlane v10, v6;
	v22 =	vmul.u32 $0xC00, v22;
	v20 =	vsel vm0, s23, v20  }
0x1ac: {  	s18 =	sshrl.u32 s2, $0x1F;
	v19 =	vperm.xlane v19, v6;
	s6 =	sshra.s32 s3, $0x1F;
	s4 =	sadd.s32 s22, s26;
	vm0 =	vcmask $0x2F2C;
	v20 =	vsel vm8, s24, v20  }
0x1ad: {  	s25 =	sshrl.u32 s3, $0x1F;
	v17 =	vand.u32 $0x380, v17;
	v21 =	vsel vm7, s18, v60;
	s7 =	sshra.s32 s4, $0x7;
	v20 =	vsel vm0, s6, v20  }
0x1ae: {  	v21 =	vsel vm8, s25, v21;
	v18 =	vadd.s32 v18, v22;
	s8 =	sshrl.u32 s4, $0x1F;
	s9 =	sshra.s32 s4, $0x1F;
	v20 =	vsel vm9, s7, v20  }
0x1af: {  	s10 =	sshrl.u32 s0, $0x1F;
	s0 =	sshra.s32 s0, $0x7;
	v17 =	vor.u32 v17, v18;
	v18 =	vsel vm9, s8, v21;
	v20 =	vsel vm10, s9, v20  }
0x1b0: {  	(v2sf) =	vpush v16, $0x9;
	v18 =	vsel vm15, s10, v18;
	v20 =	vsel vm15, s0, v20  }
0x1b1: {  	s12 =	simm.s32 $0x1E200;
	s11 =	rddreg [dreg:$0x4];
	v17 =	vor.u32 v24, v17;
	v18 =	vperm.xlane v18, v7;
	v20 =	vperm.xlane v20, v7  }
0x1b2: {  	v63 =	vld.idx.msk [tilespmem:v13+s12+$0x0], $0xffff;
	s0 =	sadd.s32 $0x10, s11  }
0x1b3: {  	(v2sf) =	vpush v16, $0x5;
	v10 =	vsel vm1, v18, v10;
	v62 =	vld [tilespmem:s0+$0x0];
	v18 =	vsel vm1, v20, v19  }
0x1b4: {  	v10 =	vadd.s32 v10, v18  }
0x1b5: {  	s14 =	simm.s32 $0x1A00;
	s13 =	rddreg [dreg:$0x5];
	(v2sf) =	vpush v16, $0xC;
	v10 =	vmul.u32 $0x110, v10  }
0x1b6: {  	vm12 =	vne.s32 v13, $0x0;
	(v2sf) =	vpush v16, $0x8;
	v17 =	vld.idx.msk [tilespmem:v17+s14+$0x0], $0xffff;
	v18 =	vor.u32 s13, v2  }
0x1b7: {  	s15 =	rddreg [dreg:$0xe];
	s17 =	smulhi.u32 $0x78787879, s5;
	s5 =	sshra.s32 s5, $0x1F;
	(v2sf) =	vpush v16, $0x4;
	vm13 =	veq.s32 v63, v18;
	v10 =	vsub.s32 v15, v10  }
0x1b8: {  	s10 =	smul.u32 $0x78787879, s5;
	s3 =	spop (v2sf);
	v19 =	vcvt.s32.f32 v62;
	vm14 =	vlt.s32 v10, $0x0;
	v13 =	vadd.s32 $0x110, v10  }
0x1b9: {  	s6 =	spop (v2sf);
	s19 =	smulhi.u32 $0x78787879, s3;
	vm12 =	vmand vm12, vm13;
	vm13 =	vgt.s32 v14, $0xFFFFFFFF;
	v10 =	vsel vm14, v13, v10  }
0x1ba: {  	s18 =	rddreg [dreg:$0xf];
	s3 =	sshra.s32 s3, $0x1F;
	s4 =	smulhi.u32 $0x78787879, s6;
	vm11 =	vlt.u32 v18, $0x1F4;
	vm12 =	vmand vm12, vm13;
	v10 =	vcvt.s32.f32 v10  }
0x1bb: {  	s1 =	sadd.s32 $0x10, s18;
	(v2sf) =	vpush v16, $0x3;
	s7 =	spop (v2sf);
	s3 =	smul.u32 $0x78787879, s3;
	vm11 =	vmand vm11, vm12;
	v13 =	vmul.f32 v19, v17  }
0x1bc: {  	(v2sf) =	vpush v16, $0x2;
	[dreg:$0x4] =	wrdreg s0;
	s6 =	sshra.s32 s6, $0x1F;
	s0 =	smulhi.u32 $0x78787879, s7;
	v10 =	vnsel vm11, $0x0, v10  }
0x1bd: {  	s12 =	spop (v2sf);
	s5 =	smul.u32 $0x78787879, s6;
	v10 =	vsub.f32 v13, v10;
	v13 =	vld [tilespmem:s1+$0x0]  }
0x1be: {  	(v2sf) =	vpush v16, $0x1;
	[smem:$0x7EB] =	sst s19;
	s7 =	sshra.s32 s7, $0x1F;
	s20 =	smulhi.u32 $0x78787879, s12  }
0x1bf: {  	(v2sf) =	vpush v16, $0x0;
	s19 =	spop (v2sf);
	s18 =	smul.u32 $0x78787879, s7  }
0x1c0: {  	(v2sf) =	vpush v16, $0x7;
	s21 =	spop (v2sf);
	s22 =	smulhi.u32 $0x78787879, s19  }
0x1c1: {  	s12 =	sshra.s32 s12, $0x1F;
	[smem:$0x7EC] =	sst s20;
	s11 =	smulhi.u32 $0x78787879, s21  }
0x1c2: {  	s16 =	smov.u32 s15;
	s24 =	spop (v2sf);
	s20 =	smul.u32 $0x78787879, s12  }
0x1c3: {  	[dreg:$0x5] =	wrdreg s16;
	s21 =	sshra.s32 s21, $0x1F;
	s23 =	smulhi.u32 $0x78787879, s24  }
0x1c4: {  	s25 =	simm.s32 $0x1E600;
	s26 =	spop (v2sf);
	s21 =	smul.u32 $0x78787879, s21  }
0x1c5: {  	[dreg:$0xf] =	wrdreg s1;
	s15 =	smulhi.u32 $0x78787879, s26;
	v14 =	vld.idx.msk [tilespmem:v13+s25+$0x0], $0xffff  }
0x1c6: {  	s19 =	sshra.s32 s19, $0x1F;
	s29 =	spop (v2sf);
	[smem:$0x7ED] =	sst s23  }
0x1c7: {  	s31 =	spop (v2sf);
	s23 =	smul.u32 $0x78787879, s19  }
0x1c8: {  	[smem:$0x7DB] =	sst s17;
	s19 =	sshra.s32 s24, $0x1F;
	s2 =	smulhi.u32 $0x78787879, s31  }
0x1c9: {  	[smem:$0x7DC] =	sst s22;
	s24 =	sshra.s32 s26, $0x1F;
	s26 =	smul.u32 $0x78787879, s19  }
0x1ca: {  	s30 =	spop (v2sf);
	s28 =	smul.u32 $0x78787879, s24;
	s19 =	sshra.s32 s31, $0x1F;
	v10 =	vand.u32 $0x7FFFFFFF, v10;
	vm11 =	vgt.s32 v14, $0x0  }
0x1cb: {  	s9 =	spop (v2sf);
	s19 =	smul.u32 $0x78787879, s19;
	v11 =	vadd.f32 v10, v11;
	v10 =	vnsel vm11, $0x0, v14  }
0x1cc: {  	[smem:$0x7EE] =	sst s2;
	s1 =	smulhi.u32 $0x78787879, s30  }
0x1cd: {  	s2 =	smulhi.u32 $0x78787879, s9;
	s16 =	spop (v2sf)  }
0x1ce: {  	s17 =	smulhi.u32 $0x78787879, s16;
	s8 =	spop (v2sf)  }
0x1cf: {  	s12 =	simm.s32 $0x800;
	s22 =	smulhi.u32 $0x78787879, s8;
	s14 =	spop (v2sf)  }
0x1d0: {  	s8 =	sshra.s32 s8, $0x1F;
	s13 =	smulhi.u32 $0x78787879, s14;
	v15 =	vld.idx.msk [tilespmem:v10+s12+$0x0], $0xffff  }
0x1d1: {  	s7 =	smul.u32 $0x78787879, s8  }
0x1d2: {  	s25 =	smulhi.u32 $0x78787879, s29;
	s12 =	sshra.s32 s29, $0x1F  }
0x1d3: {  	s6 =	smul.u32 $0x78787879, s12;
	s12 =	sshra.s32 s30, $0x1F  }
0x1d4: {  	s24 =	sshra.s32 s9, $0x1F;
	s31 =	smul.u32 $0x78787879, s12  }
.Ltmp6:
0x1d5: {  	vm0 =	vmmov vm4;
	vm1 =	vmmov vm5;
	s30 =	smov.u32 s4;
	s4 =	sshra.s32 s16, $0x1F;
	(v2sf) =	vpush v15, $0xF;
	(pc) =	sbr.rel @p1 .LBB2_9-.Ltmp6, $4  }
0x1d6: {  	vm5 =	vmmov vm6;
	vm6 =	vmmov vm7;
	s9 =	sshra.s32 s14, $0x1F;
	s12 =	smul.u32 $0x78787879, s4;
	s4 =	sld [smem:$0x7DB];
	(v2sf) =	vpush v15, $0xB  }
0x1d7: {  	vm7 =	vmmov vm8;
	vm8 =	vmmov vm9;
	s29 =	smul.u32 $0x78787879, s24;
	s16 =	smov.u32 s0;
	s0 =	rddreg [dreg:$0xd];
	(v2sf) =	vpush v15, $0x6  }
0x1d8: {  	vm9 =	vmmov vm15;
	vm15 =	vcmask $0x2724;
	s14 =	sadd.s32 $0x10, s0;
	s0 =	smul.u32 $0x78787879, s9;
	s9 =	rddreg [dreg:$0xe];
	(v2sf) =	vpush v15, $0xE  }
0x1d9: {  	v12 =	vadd.f32 v19, v12;
	vm14 =	vmmov vm3;
	s8 =	sadd.s32 $0x10, s9;
	s24 =	sadd.s32 s10, s4;
	s10 =	sld [smem:$0x7DC];
	(v2sf) =	vpush v15, $0xA  }
0x1da: {  	s4 =	sld [smem:$0x7EB]  }
0x1db: {  	s8 =	sadd.s32 s18, s16;
	s18 =	sld [smem:$0x7EC]  }
0x1dc: {  	s14 =	sadd.s32 s28, s15;
	s15 =	sadd.s32 s21, s11;
	s21 =	sld [smem:$0x7ED]  }
0x1dd: {  	s6 =	sadd.s32 s6, s25;
	s1 =	sadd.s32 s31, s1;
	s0 =	sadd.s32 s0, s13  }
0x1de: {  	(v2sf) =	vpush v15, $0xD;
	s11 =	sadd.s32 s12, s17;
	s7 =	sadd.s32 s7, s22;
	s2 =	sadd.s32 s29, s2  }
0x1df: {  	vm13 =	vcmask $0x704;
	vm3 =	vcmask $0x1310;
	(v2sf) =	vpush v15, $0x9;
	s25 =	sshrl.u32 s14, $0x1F;
	s29 =	sshrl.u32 s6, $0x1F;
	s14 =	sshra.s32 s14, $0x7  }
0x1e0: {  	vm4 =	vcmask $0x1B18;
	vm10 =	vcmask $0x2F2C;
	(v2sf) =	vpush v15, $0x5;
	s9 =	sadd.s32 s3, s4;
	s4 =	sadd.s32 s23, s10;
	s23 =	sshra.s32 s0, $0x1F  }
0x1e1: {  	s6 =	sshra.s32 s6, $0x7;
	v17 =	vmov s25;
	v18 =	vmov s29;
	s3 =	sadd.s32 s26, s21;
	s26 =	sshra.s32 s7, $0x7;
	v10 =	vmov s23  }
0x1e2: {  	s17 =	sshra.s32 s7, $0x1F;
	s22 =	sshra.s32 s11, $0x1F;
	v19 =	vmov s14;
	v21 =	vmov s6;
	s7 =	sshrl.u32 s7, $0x1F;
	v10 =	vsel vm5, s26, v10  }
0x1e3: {  	s10 =	sadd.s32 s20, s18;
	(v2sf) =	vpush v15, $0xC;
	s18 =	sshra.s32 s11, $0x7;
	s21 =	sshrl.u32 s15, $0x1F;
	v20 =	vmov s7;
	v10 =	vsel vm13, s17, v10  }
0x1e4: {  	s25 =	sshra.s32 s2, $0x7;
	s20 =	sshrl.u32 s4, $0x1F;
	s4 =	sshra.s32 s4, $0x7;
	v18 =	vsel vm2, s21, v18;
	(v2sf) =	vpush v15, $0x8;
	v10 =	vsel vm2, s18, v10  }
0x1e5: {  	s29 =	sshrl.u32 s8, $0x1F;
	s23 =	sshra.s32 s15, $0x7;
	v17 =	vsel vm2, s20, v17;
	s26 =	sld [smem:$0x7EE];
	v19 =	vsel vm2, s4, v19;
	v10 =	vsel vm0, s22, v10  }
0x1e6: {  	s6 =	sshra.s32 s2, $0x1F;
	s14 =	sshra.s32 s8, $0x7;
	s7 =	sshrl.u32 s10, $0x1F;
	v21 =	vsel vm2, s23, v21;
	v20 =	vnsel vm5, $0x0, v20;
	v10 =	vsel vm3, s25, v10  }
0x1e7: {  	s15 =	sshra.s32 s1, $0x7;
	s16 =	sshra.s32 s10, $0x7;
	v18 =	vsel vm3, s7, v18;
	s20 =	sshrl.u32 s9, $0x1F;
	v17 =	vsel vm3, s29, v17;
	v10 =	vsel vm1, s6, v10  }
0x1e8: {  	s17 =	sshrl.u32 s11, $0x1F;
	v19 =	vsel vm3, s14, v19;
	v21 =	vsel vm3, s16, v21;
	s18 =	sshra.s32 s1, $0x1F;
	s12 =	sadd.s32 s19, s26;
	v10 =	vsel vm4, s15, v10  }
0x1e9: {  	s2 =	sshrl.u32 s2, $0x1F;
	v18 =	vsel vm4, s20, v18;
	v20 =	vsel vm2, s17, v20;
	s19 =	sshrl.u32 s24, $0x1F;
	s21 =	sshra.s32 s12, $0x7;
	v10 =	vsel vm14, s18, v10  }
0x1ea: {  	s1 =	sshrl.u32 s1, $0x1F;
	s22 =	sshra.s32 s24, $0x7;
	v20 =	vsel vm3, s2, v20;
	v17 =	vsel vm4, s19, v17;
	s23 =	sshra.s32 s12, $0x1F;
	v10 =	vsel vm6, s21, v10  }
0x1eb: {  	s24 =	sshra.s32 s9, $0x7;
	v19 =	vsel vm4, s22, v19;
	s25 =	sshra.s32 s3, $0x7;
	v20 =	vsel vm4, s1, v20;
	v10 =	vsel vm15, s23, v10  }
0x1ec: {  	s26 =	sadd.s32 s5, s30;
	s2 =	sshra.s32 s3, $0x1F;
	s29 =	sshrl.u32 s12, $0x1F;
	v21 =	vsel vm4, s24, v21;
	v17 =	vcombine.low v18, v17;
	v10 =	vsel vm7, s25, v10  }
0x1ed: {  	s7 =	sshra.s32 s26, $0x7;
	s6 =	sshrl.u32 s3, $0x1F;
	v18 =	vsel vm6, s29, v20;
	v19 =	vcombine.low v21, v19;
	v20 =	vld [tilespmem:$0x1FFF0];
	v10 =	vsel vm10, s2, v10  }
0x1ee: {  	s8 =	sshrl.u32 s26, $0x1F;
	s9 =	sshra.s32 s26, $0x1F;
	v18 =	vsel vm7, s6, v18;
	vm10 =	vcmask $0x3734;
	v10 =	vsel vm8, s7, v10  }
0x1ef: {  	s10 =	sshrl.u32 s0, $0x1F;
	s0 =	sshra.s32 s0, $0x7;
	v17 =	vperm.xlane v17, v6;
	v18 =	vsel vm8, s8, v18;
	v10 =	vsel vm10, s9, v10  }
0x1f0: {  	v19 =	vperm.xlane v19, v6;
	v18 =	vsel vm9, s10, v18;
	v10 =	vsel vm9, s0, v10  }
0x1f1: {  	(v2sf) =	vpush v15, $0x3;
	v18 =	vperm.xlane v18, v7;
	v10 =	vperm.xlane v10, v7  }
0x1f2: {  	(v2sf) =	vpush v15, $0x2;
	vm10 =	vnez.u8 v20  }
0x1f3: {  	(v2sf) =	vpush v15, $0x1;
	v17 =	vsel vm10, v18, v17;
	v10 =	vsel vm10, v10, v19  }
0x1f4: {  	(v2sf) =	vpush v15, $0x0;
	v10 =	vadd.s32 v17, v10  }
0x1f5: {  	(v2sf) =	vpush v15, $0x7;
	v17 =	vmul.u32 $0xFFFFFEF0, v10  }
0x1f6: {  	s19 =	rddreg [dreg:$0x4];
	s11 =	spop (v2sf);
	(v2sf) =	vpush v15, $0x4  }
0x1f7: {  	s26 =	sld [smem:$0x7F9];
	s1 =	spop (v2sf);
	v17 =	vadd.s32 v16, v17  }
0x1f8: {  	vm11 =	vlt.s32 v16, $0x1;
	s18 =	smulhi.u32 $0x78787879, s1;
	s7 =	spop (v2sf);
	vm12 =	vne.s32 v17, $0x0  }
0x1f9: {  	s13 =	smulhi.u32 $0x78787879, s11;
	s2 =	spop (v2sf);
	vm11 =	vmand vm11, vm12  }
0x1fa: {  	[smem:$0x79E] =	sst s18;
	s3 =	spop (v2sf);
	v16 =	vsel vm11, $0xFFFFFFFF, v9  }
0x1fb: {  	s21 =	simm.s32 $0x1E200;
	s17 =	smulhi.u32 $0x78787879, s2;
	s4 =	spop (v2sf);
	v18 =	vadd.s32 $0x110, v17;
	vm11 =	vlt.s32 v17, $0x0;
	v10 =	vadd.s32 v16, v10  }
0x1fc: {  	s0 =	sshra.s32 s11, $0x1F;
	s28 =	smulhi.u32 $0x78787879, s3;
	s6 =	spop (v2sf);
	v16 =	vsel vm11, v18, v17;
	v17 =	vshrl.u32 v10, $0x3  }
0x1fd: {  	v20 =	vld.idx.msk [tilespmem:v13+s21+$0x0], $0xffff;
	s21 =	sshra.s32 s1, $0x1F;
	s8 =	smul.u32 $0x78787879, s0;
	s20 =	spop (v2sf);
	v18 =	vshll.u32 v16, $0x3;
	v17 =	vmul.u32 $0xC00, v17  }
0x1fe: {  	s0 =	smul.u32 $0x78787879, s21;
	s9 =	spop (v2sf);
	v10 =	vshll.u32 v10, $0x7;
	v18 =	vand.u32 $0xFFFFFC00, v18  }
0x1ff: {  	s30 =	smulhi.u32 $0x78787879, s4;
	s12 =	spop (v2sf);
	v10 =	vand.u32 $0x380, v10;
	v17 =	vadd.s32 v18, v17  }
0x200: {  	s1 =	sshra.s32 s3, $0x1F;
	s16 =	smulhi.u32 $0x78787879, s6;
	s18 =	spop (v2sf);
	v16 =	vand.u32 $0x7F, v16;
	v10 =	vor.u32 v10, v17  }
0x201: {  	s3 =	sshra.s32 s6, $0x1F;
	s22 =	smulhi.u32 $0x78787879, s9;
	s14 =	spop (v2sf);
	v10 =	vor.u32 v16, v10  }
0x202: {  	s5 =	sadd.s32 $0x10, s19;
	s31 =	smul.u32 $0x78787879, s3;
	s15 =	spop (v2sf)  }
0x203: {  	s23 =	simm.s32 $0x1A00;
	[smem:$0x79B] =	sst s22;
	s19 =	spop (v2sf)  }
0x204: {  	s25 =	simm.s32 $0x0;
	s22 =	smulhi.u32 $0x78787879, s12;
	s24 =	spop (v2sf)  }
0x205: {  	s11 =	simm.s32 $0x3;
	v19 =	vld [tilespmem:s5+$0x0];
	s6 =	smulhi.u32 $0x78787879, s14;
	s29 =	spop (v2sf)  }
0x206: {  	v18 =	vld.idx.msk [tilespmem:v10+s23+$0x0], $0xffff;
	[tilespmem:s23], [sflag:$0x2] =	stream.linear.gather [hbm4b:s26+s25], $0xE400, $0x38  }
0x207: {  	s5 =	sshra.s32 s12, $0x1F;
	s12 =	smulhi.u32 $0x78787879, s19;
	_ =	swait.ge [sflag:s11], $0xE400  }
0x208: {  	s23 =	simm.s32 $0x400;
	s25 =	sshra.s32 s2, $0x1F;
	[sflag:s11] =	ssyncset.done $0x0  }
0x209: {  	s2 =	sshra.s32 s4, $0x1F;
	s4 =	sshra.s32 s9, $0x1F;
	[sflag:s11] =	ssyncadd.s32 $0xFFFF1C00  }
0x20a: {  	s9 =	sshra.s32 s14, $0x1F;
	s14 =	sshra.s32 s19, $0x1F;
	s19 =	smulhi.u32 $0x78787879, s24;
	v10 =	vld [tilespmem:s23+$0x0]  }
0x20b: {  	s26 =	smul.u32 $0x78787879, s25  }
0x20c: {  	s21 =	smul.u32 $0x78787879, s2  }
0x20d: {  	s25 =	smulhi.u32 $0x78787879, s15  }
0x20e: {  	s10 =	sshra.s32 s15, $0x1F;
	s15 =	sshra.s32 s24, $0x1F;
	s24 =	smulhi.u32 $0x78787879, s18  }
0x20f: {  	[smem:$0x79F] =	sst s0;
	s0 =	smul.u32 $0x78787879, s1;
	(v2sf) =	vpush v10, $0x5  }
0x210: {  	s1 =	sshra.s32 s18, $0x1F;
	s18 =	smulhi.u32 $0x78787879, s7;
	(v2sf) =	vpush v10, $0x6  }
0x211: {  	s11 =	smul.u32 $0x78787879, s4;
	(v2sf) =	vpush v10, $0x1  }
0x212: {  	[smem:$0x79C] =	sst s26;
	s26 =	smul.u32 $0x78787879, s5;
	(v2sf) =	vpush v10, $0x0  }
0x213: {  	s3 =	smul.u32 $0x78787879, s1;
	(v2sf) =	vpush v10, $0x7  }
0x214: {  	[smem:$0x7A0] =	sst s6;
	s4 =	smulhi.u32 $0x78787879, s29  }
0x215: {  	[smem:$0x79D] =	sst s0;
	s0 =	smul.u32 $0x78787879, s9  }
0x216: {  	[smem:$0x7A2] =	sst s24;
	s23 =	smul.u32 $0x78787879, s10  }
0x217: {  	s9 =	smul.u32 $0x78787879, s14;
	[smem:$0x7A7] =	sst s18  }
0x218: {  	s5 =	sshra.s32 s29, $0x1F;
	s10 =	smul.u32 $0x78787879, s15;
	[smem:$0x7A3] =	sst s3;
	(v2sf) =	vpush v10, $0x8  }
0x219: {  	s6 =	smul.u32 $0x78787879, s5;
	[smem:$0x7A4] =	sst s4  }
0x21a: {  	s24 =	sshra.s32 s7, $0x1F;
	s14 =	smulhi.u32 $0x78787879, s20;
	[smem:$0x7A1] =	sst s0  }
0x21b: {  	s15 =	sshra.s32 s20, $0x1F;
	s1 =	smul.u32 $0x78787879, s24;
	[smem:$0x7A5] =	sst s6;
	(v2sf) =	vpush v10, $0x3  }
0x21c: {  	s31 =	sadd.s32 s31, s16;
	s20 =	smul.u32 $0x78787879, s15;
	[smem:$0x7A6] =	sst s14;
	(v2sf) =	vpush v10, $0xB  }
0x21d: {  	s16 =	sadd.s32 s26, s22;
	[smem:$0x7A8] =	sst s1;
	s26 =	sadd.s32 s9, s12  }
0x21e: {  	s9 =	sadd.s32 s23, s25;
	s23 =	sld [smem:$0x7A0];
	(v2sf) =	vpush v10, $0xE;
	s5 =	spop (v2sf)  }
0x21f: {  	s25 =	sld [smem:$0x7A1];
	s29 =	spop (v2sf)  }
0x220: {  	(v2sf) =	vpush v10, $0x2;
	s4 =	spop (v2sf);
	s2 =	smulhi.u32 $0x78787879, s29;
	s3 =	sshra.s32 s29, $0x1F  }
0x221: {  	s6 =	spop (v2sf);
	s7 =	smul.u32 $0x78787879, s3  }
0x222: {  	s3 =	sadd.s32 s21, s30;
	[smem:$0x7B2] =	sst s2;
	s15 =	spop (v2sf)  }
0x223: {  	s14 =	sshra.s32 s6, $0x1F;
	s6 =	smulhi.u32 $0x78787879, s6;
	[smem:$0x7B6] =	sst s3  }
0x224: {  	(v2sf) =	vpush v10, $0xD;
	[smem:$0x7B3] =	sst s7;
	s18 =	smul.u32 $0x78787879, s14  }
0x225: {  	s7 =	smulhi.u32 $0x78787879, s15;
	[smem:$0x7AF] =	sst s6  }
0x226: {  	(v2sf) =	vpush v10, $0x4;
	s14 =	sshra.s32 s15, $0x1F;
	s15 =	smulhi.u32 $0x78787879, s4;
	[smem:$0x7AE] =	sst s18  }
0x227: {  	(v2sf) =	vpush v10, $0xC;
	s24 =	spop (v2sf);
	[smem:$0x7AB] =	sst s7  }
0x228: {  	(v2sf) =	vpush v10, $0x9;
	s29 =	smulhi.u32 $0x78787879, s24;
	s0 =	sshra.s32 s24, $0x1F;
	[smem:$0x7AD] =	sst s15  }
0x229: {  	s0 =	smul.u32 $0x78787879, s0;
	s7 =	sld [smem:$0x79B]  }
0x22a: {  	s18 =	spop (v2sf);
	[smem:$0x7A9] =	sst s29  }
0x22b: {  	(v2sf) =	vpush v10, $0xF;
	s6 =	spop (v2sf);
	s29 =	sadd.s32 s8, s13;
	s22 =	smulhi.u32 $0x78787879, s18  }
0x22c: {  	(v2sf) =	vpush v10, $0xA;
	s13 =	sshra.s32 s5, $0x1F;
	[smem:$0x7AA] =	sst s0;
	s0 =	smul.u32 $0x78787879, s14  }
0x22d: {  	s2 =	spop (v2sf);
	s3 =	smul.u32 $0x78787879, s13  }
0x22e: {  	s24 =	sshra.s32 s4, $0x1F;
	[smem:$0x7B8] =	sst s29;
	s8 =	smulhi.u32 $0x78787879, s2  }
0x22f: {  	s4 =	sshra.s32 s2, $0x1F;
	s15 =	spop (v2sf);
	[smem:$0x7AC] =	sst s0  }
0x230: {  	s1 =	sshra.s32 s18, $0x1F;
	s14 =	smul.u32 $0x78787879, s4;
	[smem:$0x7B1] =	sst s3  }
0x231: {  	s18 =	smulhi.u32 $0x78787879, s15;
	s4 =	sshra.s32 s15, $0x1F;
	s15 =	sld [smem:$0x79C]  }
0x232: {  	s29 =	sadd.s32 s11, s7;
	s11 =	smulhi.u32 $0x78787879, s5;
	s3 =	sld [smem:$0x79E]  }
0x233: {  	s7 =	spop (v2sf);
	[smem:$0x7B4] =	sst s8  }
0x234: {  	s13 =	smul.u32 $0x78787879, s4;
	s4 =	sld [smem:$0x79F]  }
0x235: {  	[smem:$0x7B0] =	sst s11;
	s2 =	spop (v2sf)  }
0x236: {  	s11 =	sadd.s32 s10, s19;
	s19 =	sld [smem:$0x79D];
	s8 =	spop (v2sf)  }
0x237: {  	s0 =	sadd.s32 s4, s3;
	s3 =	sld [smem:$0x7A2];
	s5 =	spop (v2sf)  }
0x238: {  	s25 =	sadd.s32 s25, s23;
	s4 =	sld [smem:$0x7A3];
	s12 =	sshra.s32 s5, $0x1F  }
0x239: {  	[smem:$0x7B7] =	sst s11;
	s17 =	sadd.s32 s15, s17;
	s15 =	smul.u32 $0x78787879, s12  }
0x23a: {  	s28 =	sadd.s32 s19, s28;
	s12 =	smulhi.u32 $0x78787879, s5;
	s21 =	spop (v2sf)  }
0x23b: {  	s23 =	sadd.s32 s4, s3;
	s3 =	sld [smem:$0x7A6];
	s5 =	spop (v2sf)  }
0x23c: {  	s11 =	smulhi.u32 $0x78787879, s21;
	s19 =	sshra.s32 s21, $0x1F;
	s21 =	sld [smem:$0x7A5]  }
0x23d: {  	s4 =	smul.u32 $0x78787879, s19;
	s19 =	sld [smem:$0x7A4]  }
0x23e: {  	s30 =	sld [smem:$0x7AF];
	s10 =	smulhi.u32 $0x78787879, s5;
	s5 =	sshra.s32 s5, $0x1F  }
0x23f: {  	s20 =	sadd.s32 s20, s3;
	s3 =	smul.u32 $0x78787879, s5;
	s5 =	sld [smem:$0x7A7]  }
0x240: {  	s21 =	sadd.s32 s21, s19;
	s19 =	sld [smem:$0x7A8]  }
0x241: {  	[smem:$0x7B5] =	sst s14  }
0x242: {  	s14 =	smul.u32 $0x78787879, s1;
	s1 =	sld [smem:$0x7A9]  }
0x243: {  	s19 =	sadd.s32 s19, s5;
	s5 =	sld [smem:$0x7AA]  }
0x244: {  	s14 =	sadd.s32 s14, s22;
	[smem:$0x7B9] =	sst s0  }
0x245: {  	[smem:$0x7BB] =	sst s14  }
0x246: {  	s0 =	sadd.s32 s5, s1;
	s5 =	sld [smem:$0x7AC]  }
0x247: {  	s24 =	smul.u32 $0x78787879, s24;
	s18 =	sadd.s32 s13, s18;
	[smem:$0x7BC] =	sst s0  }
0x248: {  	s22 =	smulhi.u32 $0x78787879, s7;
	s7 =	sshra.s32 s7, $0x1F;
	s0 =	sld [smem:$0x7AB]  }
0x249: {  	s13 =	sshra.s32 s8, $0x1F;
	s14 =	sld [smem:$0x7B0];
	s7 =	smul.u32 $0x78787879, s7  }
0x24a: {  	s8 =	smulhi.u32 $0x78787879, s8;
	s15 =	sadd.s32 s15, s12;
	s12 =	sld [smem:$0x7B3]  }
0x24b: {  	s4 =	sadd.s32 s4, s11;
	s11 =	sld [smem:$0x7B2];
	s0 =	sadd.s32 s5, s0  }
0x24c: {  	s13 =	smul.u32 $0x78787879, s13;
	[smem:$0x7BA] =	sst s0  }
0x24d: {  	s3 =	sadd.s32 s3, s10;
	s1 =	smulhi.u32 $0x78787879, s6;
	s0 =	sld [smem:$0x7AD]  }
0x24e: {  	[smem:$0x7BD] =	sst s3;
	s5 =	smulhi.u32 $0x78787879, s2;
	s2 =	sshra.s32 s2, $0x1F  }
0x24f: {  	s10 =	sadd.s32 s12, s11;
	s6 =	sshra.s32 s6, $0x1F;
	s2 =	smul.u32 $0x78787879, s2  }
0x250: {  	s11 =	sld [smem:$0x7B5];
	s24 =	sadd.s32 s24, s0;
	s0 =	smul.u32 $0x78787879, s6  }
0x251: {  	s2 =	sadd.s32 s2, s5;
	s5 =	sshra.s32 s29, $0x7;
	s6 =	sld [smem:$0x7AE]  }
0x252: {  	s12 =	sadd.s32 s0, s1;
	s1 =	sadd.s32 s7, s22;
	s7 =	sld [smem:$0x7B4]  }
0x253: {  	s3 =	simm.s32 $0x410;
	v22 =	vmov s5;
	s5 =	sshrl.u32 s26, $0x1F;
	s22 =	sld [smem:$0x7B6]  }
0x254: {  	v16 =	vld [tilespmem:s3+$0x0];
	v24 =	vmov s5;
	s5 =	sshra.s32 s17, $0x7;
	s6 =	sadd.s32 s6, s30;
	s30 =	sld [smem:$0x7B1]  }
0x255: {  	s0 =	sadd.s32 s13, s8;
	s8 =	sshra.s32 s16, $0x7;
	[smem:$0x7BE] =	sst s1  }
0x256: {  	s1 =	sshrl.u32 s29, $0x1F;
	s29 =	sld [smem:$0x7B7];
	v25 =	vmov s8;
	s8 =	sshra.s32 s28, $0x7  }
0x257: {  	v17 =	vmov s1;
	s1 =	sshrl.u32 s31, $0x1F;
	s3 =	sadd.s32 s11, s7;
	s7 =	sshrl.u32 s16, $0x1F  }
0x258: {  	s11 =	sshrl.u32 s22, $0x1F;
	s13 =	sshra.s32 s22, $0x7;
	s16 =	sshra.s32 s31, $0x7  }
0x259: {  	vm2 =	vcmask $0xB08;
	(v2sf) =	vpush v16, $0x5;
	s31 =	simm.s32 $0x20;
	s14 =	sadd.s32 s30, s14;
	s22 =	sshra.s32 s29, $0x1F  }
0x25a: {  	v21 =	vmov s7;
	s7 =	sshrl.u32 s17, $0x1F;
	v22 =	vsel vm2, s13, v22;
	s13 =	sshrl.u32 s25, $0x1F;
	v25 =	vsel vm2, s16, v25;
	s16 =	sshra.s32 s23, $0x7  }
0x25b: {  	(v2sf) =	vpush v16, $0x6;
	v17 =	vsel vm2, s11, v17;
	s30 =	sld [smem:$0x7BA];
	v23 =	vmov s22;
	s22 =	sshra.s32 s26, $0x7;
	s26 =	sshra.s32 s26, $0x1F  }
0x25c: {  	v21 =	vsel vm2, s1, v21;
	v17 =	vsel vm3, s7, v17;
	s7 =	sshra.s32 s21, $0x7;
	v23 =	vsel vm5, s22, v23;
	s22 =	sshrl.u32 s28, $0x1F;
	s28 =	sld [smem:$0x7B8]  }
0x25d: {  	v22 =	vsel vm3, s5, v22;
	s5 =	sshrl.u32 s20, $0x1F;
	v25 =	vsel vm3, s8, v25;
	s8 =	sshra.s32 s19, $0x1F;
	v23 =	vsel vm13, s26, v23;
	s26 =	sshra.s32 s9, $0x7  }
0x25e: {  	(v2sf) =	vpush v16, $0x1;
	v21 =	vsel vm3, s22, v21;
	s22 =	sshra.s32 s19, $0x7;
	v23 =	vsel vm2, s26, v23;
	s26 =	sshrl.u32 s9, $0x1F;
	s9 =	sshra.s32 s9, $0x1F  }
0x25f: {  	(v2sf) =	vpush v16, $0x0;
	v24 =	vnsel vm5, $0x0, v24;
	s17 =	sshrl.u32 s28, $0x1F;
	s11 =	sshra.s32 s28, $0x7;
	v23 =	vsel vm0, s9, v23;
	s9 =	sld [smem:$0x7B9]  }
0x260: {  	(v2sf) =	vpush v16, $0x7;
	s28 =	sshra.s32 s25, $0x7;
	s25 =	sshra.s32 s25, $0x1F;
	v24 =	vsel vm2, s26, v24;
	s26 =	sshra.s32 s30, $0x1F  }
0x261: {  	(v2sf) =	vpush v16, $0x8;
	v23 =	vsel vm3, s28, v23;
	s28 =	sshrl.u32 s23, $0x1F;
	s23 =	sshra.s32 s23, $0x1F;
	v24 =	vsel vm3, s13, v24;
	s13 =	sshra.s32 s29, $0x7  }
0x262: {  	v17 =	vsel vm4, s17, v17;
	s17 =	sshra.s32 s24, $0x1F;
	v22 =	vsel vm4, s11, v22;
	s11 =	sshra.s32 s18, $0x7;
	v23 =	vsel vm1, s25, v23;
	s25 =	sshrl.u32 s21, $0x1F  }
0x263: {  	s1 =	sshrl.u32 s9, $0x1F;
	s9 =	sshra.s32 s9, $0x7;
	v23 =	vsel vm4, s16, v23;
	s16 =	sshra.s32 s21, $0x1F  }
0x264: {  	vm12 =	vmmov vm13;
	s21 =	sshra.s32 s20, $0x7;
	s20 =	sshra.s32 s20, $0x1F;
	v23 =	vsel vm14, s23, v23;
	s23 =	sshra.s32 s24, $0x7  }
0x265: {  	v26 =	vsel vm4, s1, v21;
	v21 =	vsel vm4, s28, v24;
	s1 =	sshrl.u32 s6, $0x1F;
	v24 =	vsel vm4, s9, v25;
	s9 =	sld [smem:$0x7BC];
	s28 =	sshrl.u32 s15, $0x1F  }
0x266: {  	vm11 =	vcmask $0x2F2C;
	v23 =	vsel vm6, s7, v23;
	s7 =	sshrl.u32 s19, $0x1F;
	s19 =	sshrl.u32 s29, $0x1F;
	v21 =	vsel vm6, s25, v21;
	s25 =	sshrl.u32 s18, $0x1F  }
0x267: {  	(v2sf) =	vpush v16, $0x3;
	s29 =	sld [smem:$0x7BB];
	v28 =	vmov s1;
	s1 =	sshrl.u32 s12, $0x1F;
	s12 =	sshra.s32 s12, $0x7;
	v23 =	vsel vm15, s16, v23  }
0x268: {  	(v2sf) =	vpush v16, $0xB;
	v21 =	vsel vm7, s5, v21;
	v23 =	vsel vm7, s21, v23;
	s21 =	sshrl.u32 s24, $0x1F;
	s24 =	sshra.s32 s6, $0x1F;
	s6 =	sshra.s32 s6, $0x7  }
0x269: {  	v25 =	vmov s26;
	v21 =	vsel vm8, s7, v21;
	s26 =	sshrl.u32 s9, $0x1F;
	s7 =	spop (v2sf);
	v23 =	vsel vm11, s20, v23;
	s20 =	sshra.s32 s18, $0x1F  }
0x26a: {  	(v2sf) =	vpush v16, $0xE;
	vm13 =	vcmask $0x3734;
	s16 =	sshrl.u32 s29, $0x1F;
	s18 =	sshra.s32 s29, $0x7;
	v27 =	vsel vm9, s19, v21;
	s19 =	sshra.s32 s9, $0x7  }
0x26b: {  	v28 =	vnsel vm5, $0x0, v28;
	v21 =	vsel vm5, s6, v25;
	s6 =	sshra.s32 s4, $0x7;
	s9 =	sshrl.u32 s3, $0x1F;
	v29 =	vmov s26;
	s26 =	sshra.s32 s14, $0x1F  }
0x26c: {  	v28 =	vsel vm2, s21, v28;
	v23 =	vsel vm8, s22, v23;
	s22 =	sshra.s32 s29, $0x1F;
	v25 =	vsel vm12, s24, v21;
	s24 =	sshra.s32 s15, $0x7;
	s29 =	sshra.s32 s3, $0x7  }
0x26d: {  	s3 =	spop (v2sf);
	s15 =	sld [smem:$0x7BD];
	v30 =	vmov s19;
	v23 =	vsel vm13, s8, v23;
	s8 =	sshrl.u32 s4, $0x1F;
	v25 =	vsel vm2, s23, v25  }
0x26e: {  	v28 =	vsel vm3, s25, v28;
	s4 =	spop (v2sf);
	v30 =	vsel vm2, s24, v30;
	s24 =	sshra.s32 s2, $0x7;
	s25 =	sshra.s32 s3, $0x1F;
	v25 =	vsel vm0, s17, v25  }
0x26f: {  	v22 =	vcombine.low v24, v22;
	v23 =	vsel vm9, s13, v23;
	s13 =	rddreg [dreg:$0x5];
	s17 =	sshra.s32 s0, $0x7;
	v25 =	vsel vm3, s11, v25;
	s11 =	spop (v2sf)  }
0x270: {  	(v2sf) =	vpush v16, $0x2;
	v17 =	vcombine.low v26, v17;
	v29 =	vsel vm2, s28, v29;
	s28 =	smulhi.u32 $0x78787879, s4;
	s5 =	sshrl.u32 s15, $0x1F;
	s21 =	spop (v2sf)  }
0x271: {  	v22 =	vperm.xlane v22, v6;
	(v2sf) =	vpush v16, $0xD;
	v25 =	vsel vm1, s20, v25;
	s20 =	sshra.s32 s15, $0x7;
	s15 =	sshrl.u32 s14, $0x1F;
	s23 =	spop (v2sf)  }
0x272: {  	(v2sf) =	vpush v16, $0x4;
	v26 =	vsel vm3, s5, v29;
	s5 =	sld [smem:$0x7BE];
	v25 =	vsel vm4, s18, v25;
	s18 =	sshra.s32 s14, $0x7;
	s14 =	smulhi.u32 $0x78787879, s23  }
0x273: {  	(v2sf) =	vpush v16, $0xC;
	s4 =	sshra.s32 s4, $0x1F;
	v21 =	vor.u32 s13, v2;
	s13 =	sshrl.u32 s0, $0x1F;
	v25 =	vsel vm14, s22, v25;
	s22 =	smulhi.u32 $0x78787879, s3  }
0x274: {  	v27 =	vperm.xlane v27, v7;
	(v2sf) =	vpush v16, $0x9;
	s0 =	sshra.s32 s2, $0x1F;
	v31 =	vmov s17;
	s19 =	sshra.s32 s23, $0x1F;
	s23 =	smul.u32 $0x78787879, s25  }
0x275: {  	v23 =	vperm.xlane v23, v7;
	v29 =	vperm.xlane v17, v6;
	v30 =	vsel vm3, s20, v30;
	s20 =	sshra.s32 s11, $0x1F;
	s19 =	smul.u32 $0x78787879, s19;
	s3 =	sshra.s32 s5, $0x7  }
0x276: {  	s17 =	sshrl.u32 s2, $0x1F;
	(v2sf) =	vpush v16, $0xF;
	v26 =	vsel vm4, s1, v26;
	s1 =	sshra.s32 s30, $0x7;
	v24 =	vsel vm2, s3, v31;
	s3 =	smul.u32 $0x78787879, s20  }
0x277: {  	v22 =	vsel vm10, v23, v22;
	s25 =	sshra.s32 s10, $0x1F;
	v27 =	vsel vm10, v27, v29;
	v25 =	vsel vm6, s24, v25;
	s24 =	simm.s32 $0x0;
	s20 =	smulhi.u32 $0x78787879, s21  }
0x278: {  	v22 =	vadd.s32 v27, v22;
	v17 =	vor.u32 s24, v2;
	v31 =	vld [tilespmem:s24+$0x0];
	v25 =	vsel vm15, s0, v25;
	s24 =	sshra.s32 s10, $0x7;
	s10 =	sshrl.u32 s10, $0x1F;
	s0 =	smul.u32 $0x78787879, s4  }
0x279: {  	(v2sf) =	vpush v16, $0xA;
	v27 =	vsel vm4, s16, v28;
	v22 =	vmul.u32 $0x110, v22;
	s2 =	sadd.s32 s19, s14;
	s14 =	sshra.s32 s21, $0x1F;
	s21 =	smulhi.u32 $0x78787879, s11  }
0x27a: {  	v27 =	vsel vm6, s17, v27;
	s19 =	simm.s32 $0x10;
	v24 =	vsel vm3, s29, v24;
	v25 =	vsel vm7, s18, v25;
	s29 =	spop (v2sf);
	s14 =	smul.u32 $0x78787879, s14  }
0x27b: {  	v25 =	vsel vm11, s26, v25;
	s26 =	sshrl.u32 s30, $0x1F;
	v23 =	vsel vm4, s6, v24;
	s6 =	smulhi.u32 $0x78787879, s7;
	s30 =	spop (v2sf);
	vm11 =	vne.s32 v13, $0x0  }
0x27c: {  	v13 =	vsub.s32 v15, v22;
	v15 =	vmov s13;
	s13 =	sshra.s32 s29, $0x1F;
	s17 =	sadd.s32 s0, s28;
	v24 =	vsel vm8, s24, v25;
	s24 =	smulhi.u32 $0x78787879, s30  }
0x27d: {  	v25 =	vsel vm4, s12, v30;
	s12 =	sshra.s32 s7, $0x1F;
	s3 =	sadd.s32 s3, s21;
	s21 =	smulhi.u32 $0x78787879, s29  }
0x27e: {  	s18 =	spop (v2sf);
	s13 =	smul.u32 $0x78787879, s13;
	s7 =	sadd.s32 s14, s20  }
0x27f: {  	v32 =	vimm.s32 $0x0;
	vm12 =	veq.s32 v20, v21;
	v24 =	vsel vm13, s25, v24;
	s14 =	spop (v2sf);
	s25 =	sshrl.u32 s5, $0x1F;
	s4 =	smulhi.u32 $0x78787879, s18  }
0x280: {  	v27 =	vsel vm7, s15, v27;
	v22 =	vld [tilespmem:s19+$0x0];
	v20 =	vadd.s32 $0x110, v13;
	vm11 =	vmand vm11, vm12;
	s20 =	simm.s32 $0x1E600;
	s5 =	simm.s32 $0x1E200;
	s12 =	smul.u32 $0x78787879, s12  }
0x281: {  	vm12 =	vgt.s32 v14, $0xFFFFFFFF;
	vm13 =	vlt.s32 v13, $0x0;
	s29 =	sshrl.u32 s3, $0x1F;
	s18 =	sshra.s32 s18, $0x1F;
	v24 =	vsel vm9, s1, v24;
	s0 =	smulhi.u32 $0x78787879, s14  }
0x282: {  	s1 =	simm.s32 $0x1E600;
	v13 =	vsel vm13, v20, v13;
	v20 =	vsel vm2, s25, v15;
	v15 =	vsel vm8, s10, v27;
	s10 =	sshra.s32 s7, $0x1F;
	s14 =	sshra.s32 s14, $0x1F  }
0x283: {  	vm3 =	vcmask $0x704;
	vm11 =	vmand vm11, vm12;
	v29 =	vmov s29;
	s29 =	sshra.s32 s3, $0x7;
	s3 =	sshra.s32 s3, $0x1F;
	s18 =	smul.u32 $0x78787879, s18  }
0x284: {  	vm13 =	vlt.u32 v21, $0x1F4;
	v21 =	vcvt.s32.f32 v13;
	v13 =	vor.u32 s19, v2;
	s14 =	smul.u32 $0x78787879, s14;
	s19 =	sadd.s32 s13, s21;
	s13 =	sshrl.u32 s2, $0x1F  }
0x285: {  	v23 =	vcombine.low v25, v23;
	vm12 =	vne.s32 v31, $0x0;
	vm11 =	vmand vm13, vm11;
	s6 =	sadd.s32 s12, s6;
	s12 =	simm.s32 $0x610;
	s16 =	spop (v2sf);
	v14 =	vld.idx.msk [tilespmem:v31+s20+$0x0], $0xffff  }
0x286: {  	v28 =	vsel vm9, s26, v15;
	v15 =	vcvt.s32.f32 v19;
	v29 =	vnsel vm5, $0x0, v29;
	s2 =	sshra.s32 s2, $0x7;
	s4 =	sadd.s32 s18, s4;
	s15 =	spop (v2sf);
	v27 =	vld.idx.msk [tilespmem:v31+s5+$0x0], $0xffff  }
0x287: {  	v23 =	vperm.xlane v23, v6;
	v19 =	vnsel vm11, $0x0, v21;
	v21 =	vmov s10;
	s20 =	sshrl.u32 s17, $0x1F;
	s21 =	sadd.s32 s14, s0;
	s11 =	spop (v2sf)  }
0x288: {  	v24 =	vperm.xlane v24, v7;
	v29 =	vsel vm2, s20, v29;
	v21 =	vsel vm5, s29, v21;
	s20 =	simm.s32 $0x420;
	s25 =	spop (v2sf);
	v30 =	vld.idx.msk [tilespmem:v22+s1+$0x0], $0xffff;
	s1 =	simm.s32 $0x420  }
0x289: {  	v31 =	vmov s13;
	v18 =	vmul.f32 v15, v18;
	v21 =	vsel vm3, s3, v21;
	s3 =	smulhi.u32 $0x78787879, s16;
	s26 =	sshra.s32 s25, $0x1F;
	s28 =	spop (v2sf)  }
0x28a: {  	v23 =	vsel vm10, v24, v23;
	v24 =	vperm.xlane v28, v7;
	v25 =	vld.idx.msk [tilespmem:v22+s5+$0x0], $0xffff;
	[dreg:$0x10] =	wrdreg s1;
	s1 =	sshra.s32 s17, $0x1F;
	s14 =	smul.u32 $0x78787879, s26;
	vm11 =	vgt.s32 v14, $0x0  }
0x28b: {  	s17 =	sshra.s32 s17, $0x7;
	s0 =	spop (v2sf);
	s26 =	smulhi.u32 $0x78787879, s25;
	vm13 =	veq.s32 v27, v17;
	v27 =	vnsel vm11, $0x0, v14;
	vm11 =	vgt.s32 v14, $0xFFFFFFFF;
	v14 =	vld [tilespmem:s20+$0x0]  }
0x28c: {  	s29 =	simm.s32 $0x1E200;
	v18 =	vsub.f32 v18, v19;
	s25 =	sshra.s32 s28, $0x1F;
	v21 =	vsel vm2, s17, v21;
	s13 =	smulhi.u32 $0x78787879, s0;
	vm12 =	vmand vm12, vm13  }
0x28d: {  	s5 =	simm.s32 $0x30;
	s17 =	sshra.s32 s30, $0x1F;
	s10 =	smul.u32 $0x78787879, s25;
	v21 =	vsel vm0, s1, v21;
	vm3 =	vmand vm12, vm11;
	vm11 =	vcmask $0x1310  }
0x28e: {  	s0 =	sshra.s32 s0, $0x1F;
	s20 =	sadd.s32 s14, s26;
	s26 =	smulhi.u32 $0x78787879, s28;
	vm13 =	vne.s32 v22, $0x0;
	vm12 =	vgt.s32 v30, $0x0;
	v20 =	vsel vm11, s9, v20  }
0x28f: {  	s25 =	sshra.s32 s16, $0x1F;
	s0 =	smul.u32 $0x78787879, s0;
	s14 =	sshrl.u32 s19, $0x1F;
	v32 =	vsel vm3, $0xFFFFFFFF, v32;
	vm3 =	vmmov vm14;
	v20 =	vsel vm4, s8, v20  }
0x290: {  	s1 =	sshra.s32 s21, $0x7;
	s25 =	smul.u32 $0x78787879, s25;
	[dreg:$0x15] =	wrdreg s14;
	vm14 =	veq.s32 v25, v13;
	v20 =	vcombine.low v26, v20;
	(v2sf) =	vpush v14, $0x5  }
0x291: {  	s14 =	sshra.s32 s19, $0x7;
	v22 =	vnsel vm12, $0x0, v30;
	s9 =	sadd.s32 s0, s13;
	s13 =	smul.u32 $0x78787879, s17;
	vm12 =	vmand vm13, vm14;
	(v2sf) =	vpush v14, $0x6  }
0x292: {  	s10 =	sadd.s32 s10, s26;
	s26 =	sshra.s32 s11, $0x1F;
	s11 =	smulhi.u32 $0x78787879, s11;
	vm13 =	vgt.s32 v30, $0xFFFFFFFF;
	v20 =	vperm.xlane v20, v6;
	(v2sf) =	vpush v14, $0x1  }
0x293: {  	s19 =	sshra.s32 s19, $0x1F;
	s8 =	sshra.s32 s15, $0x1F;
	s15 =	smulhi.u32 $0x78787879, s15;
	vm0 =	vmmov vm3;
	vm13 =	vmand vm12, vm13;
	(v2sf) =	vpush v14, $0x0  }
0x294: {  	s0 =	sadd.s32 s23, s22;
	s22 =	sshra.s32 s21, $0x1F;
	s23 =	smul.u32 $0x78787879, s26;
	vm12 =	vlt.s32 v10, $0x1;
	v20 =	vsel vm10, v24, v20;
	(v2sf) =	vpush v14, $0x7  }
0x295: {  	s17 =	sshrl.u32 s21, $0x1F;
	s26 =	sshra.s32 s20, $0x7;
	s21 =	smul.u32 $0x78787879, s8;
	v23 =	vadd.s32 v20, v23;
	v20 =	vsel vm11, s1, v21;
	(v2sf) =	vpush v14, $0x8  }
0x296: {  	s13 =	sadd.s32 s13, s24;
	s8 =	sshrl.u32 s10, $0x1F;
	s24 =	sshrl.u32 s4, $0x1F;
	v21 =	vmul.u32 $0xFFFFFEF0, v23;
	v20 =	vsel vm1, s22, v20;
	(v2sf) =	vpush v14, $0x3  }
0x297: {  	s4 =	sshra.s32 s4, $0x7;
	[dreg:$0x14] =	wrdreg s24;
	s11 =	sadd.s32 s23, s11;
	v24 =	vmov s2;
	v20 =	vsel vm4, s14, v20;
	(v2sf) =	vpush v14, $0xB  }
0x298: {  	s23 =	sshra.s32 s13, $0x7;
	s21 =	sadd.s32 s21, s15;
	s14 =	simm.s32 $0x800;
	v21 =	vadd.s32 v10, v21;
	v10 =	vsel vm2, s26, v24;
	v20 =	vsel vm3, s19, v20  }
0x299: {  	s15 =	sshrl.u32 s9, $0x1F;
	s16 =	sshra.s32 s21, $0x7;
	s22 =	sshra.s32 s9, $0x7;
	v19 =	vld.idx.msk [tilespmem:v27+s14+$0x0], $0xffff;
	v27 =	vsel vm11, s17, v29;
	vm3 =	vmmov vm11;
	(v2sf) =	vpush v14, $0xE  }
0x29a: {  	s2 =	sshra.s32 s10, $0x7;
	s10 =	sshra.s32 s0, $0x7;
	s1 =	sadd.s32 s25, s3;
	vm14 =	vne.s32 v21, $0x0;
	v24 =	vsel vm11, s22, v10;
	v10 =	vadd.s32 $0x110, v21  }
0x29b: {  	s3 =	sshrl.u32 s13, $0x1F;
	s25 =	sshrl.u32 s20, $0x1F;
	s19 =	sshra.s32 s21, $0x1F;
	v20 =	vsel vm6, s16, v20;
	vm12 =	vmand vm12, vm14;
	(v2sf) =	vpush v14, $0x2  }
0x29c: {  	[tilespmem:$0x1FFD0] =	vst v32;
	s20 =	sshra.s32 s6, $0x7;
	s13 =	sshrl.u32 s21, $0x1F;
	s18 =	sshra.s32 s1, $0x7;
	v20 =	vsel vm15, s19, v20;
	v25 =	vsel vm12, $0xFFFFFFFF, v9;
	vm12 =	vlt.s32 v21, $0x0  }
0x29d: {  	s26 =	sshra.s32 s11, $0x7;
	s17 =	sshra.s32 s6, $0x1F;
	s19 =	simm.s32 $0x20;
	v24 =	vsel vm4, s23, v24;
	(v2sf) =	vpush v14, $0xD;
	v26 =	vsel vm12, v10, v21;
	v21 =	vld [tilespmem:$0x1FFD0]  }
0x29e: {  	s22 =	sshra.s32 s0, $0x1F;
	s16 =	sshrl.u32 s0, $0x1F;
	[dreg:$0xb] =	wrdreg s19;
	(v2sf) =	vpush v14, $0x4;
	v10 =	vadd.f32 v15, v12;
	v12 =	vsel vm2, s25, v31  }
0x29f: {  	v20 =	vsel vm7, s20, v20;
	v15 =	vand.u32 $0x7FFFFFFF, v18;
	s25 =	sshra.s32 s7, $0x7;
	v12 =	vsel vm11, s15, v12;
	s15 =	sshrl.u32 s6, $0x1F;
	s6 =	spop (v2sf)  }
0x2a0: {  	v18 =	vmov s26;
	s26 =	sshrl.u32 s11, $0x1F;
	v23 =	vadd.s32 v25, v23;
	v11 =	vadd.f32 v15, v11;
	s24 =	smulhi.u32 $0x78787879, s6;
	s9 =	spop (v2sf)  }
0x2a1: {  	v15 =	vcvt.s32.f32 v19;
	v18 =	vsel vm2, s18, v18;
	v25 =	vshll.u32 v26, $0x3;
	s18 =	simm.s32 $0x1E600;
	s11 =	smulhi.u32 $0x78787879, s9;
	s0 =	sshra.s32 s9, $0x1F  }
0x2a2: {  	v19 =	vld.idx.msk [tilespmem:v22+s14+$0x0], $0xffff;
	v18 =	vsel vm3, s4, v18;
	s4 =	sshrl.u32 s7, $0x1F;
	v22 =	vsel vm4, s3, v12;
	vm1 =	vnez.u8 v21;
	s14 =	spop (v2sf);
	s0 =	smul.u32 $0x78787879, s0  }
0x2a3: {  	v12 =	vsel vm4, s2, v18;
	vm11 =	vmmov vm1;
	vm1 =	vcmask $0x2F2C;
	s9 =	simm.s32 $0x620;
	[dreg:$0x1d] =	wrdreg s24;
	s7 =	spop (v2sf)  }
0x2a4: {  	v24 =	vcombine.low v24, v12;
	v12 =	vshrl.u32 v23, $0x3;
	v21 =	vld [tilespmem:s31+$0x0];
	v20 =	vsel vm1, s17, v20;
	s20 =	sshra.s32 s7, $0x1F;
	[dreg:$0x19] =	wrdreg s0;
	s0 =	smulhi.u32 $0x78787879, s14  }
0x2a5: {  	v30 =	vmul.u32 $0xC00, v12;
	vm1 =	vcmask $0x3734;
	s2 =	sshra.s32 s14, $0x1F;
	v18 =	vsel vm8, s10, v20;
	s21 =	spop (v2sf);
	s3 =	smul.u32 $0x78787879, s20  }
0x2a6: {  	v25 =	vand.u32 $0xFFFFFC00, v25;
	s17 =	sshrl.u32 s1, $0x1F;
	v18 =	vsel vm1, s22, v18;
	s24 =	spop (v2sf);
	s28 =	smulhi.u32 $0x78787879, s21  }
0x2a7: {  	v30 =	vadd.s32 v25, v30;
	v25 =	vld [tilespmem:$0x1FFF0];
	[dreg:$0x17] =	wrdreg s11;
	v29 =	vsel vm9, s25, v18;
	s25 =	sshra.s32 s21, $0x1F;
	s20 =	smulhi.u32 $0x78787879, s24  }
0x2a8: {  	v28 =	vmov s26;
	v15 =	vmul.f32 v15, v8;
	v19 =	vcvt.s32.f32 v19;
	s26 =	sshra.s32 s24, $0x1F;
	s22 =	spop (v2sf);
	s21 =	smulhi.u32 $0x78787879, s7  }
0x2a9: {  	(v2sf) =	vpush v14, $0xC;
	v31 =	vperm.xlane v24, v6;
	v24 =	vshll.u32 v23, $0x7;
	v12 =	vld [tilespmem:s9+$0x0];
	s14 =	simm.s32 $0x600;
	s19 =	smul.u32 $0x78787879, s26;
	s1 =	spop (v2sf)  }
0x2aa: {  	vm12 =	vmmov vm11;
	(v2sf) =	vpush v14, $0x9;
	v20 =	vmul.f32 v19, v8;
	s10 =	simm.s32 $0x20;
	v19 =	vld [tilespmem:s14+$0x0];
	s23 =	spop (v2sf);
	s26 =	smulhi.u32 $0x78787879, s1  }
0x2ab: {  	vm11 =	vmmov vm13;
	v63 =	vand.u32 $0x380, v24;
	v18 =	vld [tilespmem:s12+$0x0];
	s24 =	sshra.s32 s6, $0x1F;
	v29 =	vperm.xlane v29, v7;
	s7 =	smul.u32 $0x78787879, s25;
	s31 =	spop (v2sf)  }
0x2ac: {  	v28 =	vsel vm2, s17, v28;
	s25 =	sshra.s32 s22, $0x1F;
	(v2sf) =	vpush v14, $0xF;
	vm10 =	vnez.u8 v25;
	v23 =	vld.idx.msk [tilespmem:v21+s18+$0x0], $0xffff;
	[smem:$0x7BF] =	sst s26;
	s26 =	spop (v2sf)  }
0x2ad: {  	s6 =	sshra.s32 s23, $0x1F;
	(v2sf) =	vpush v14, $0xA;
	v24 =	vld.idx.msk [tilespmem:v21+s29+$0x0], $0xffff;
	v25 =	vsel vm10, v29, v31;
	v29 =	vor.u32 v63, v30;
	s30 =	sshra.s32 s26, $0x1F;
	s18 =	spop (v2sf)  }
.LBB2_11:
0x2ae: {  	s11 =	smul.u32 $0x78787879, s2;
	s17 =	sshra.s32 s18, $0x1F  }
0x2af: {  	s14 =	rddreg [dreg:$0x15];
	s12 =	smov.u32 s5;
	s23 =	smulhi.u32 $0x78787879, s23  }
0x2b0: {  	p1 =	sne.s32 s5, $0x1F0;
	s25 =	smul.u32 $0x78787879, s25;
	s5 =	sadd.s32 $0x10, s5  }
0x2b1: {  	s18 =	smulhi.u32 $0x78787879, s18;
	s9 =	sadd.s32 $0x10, s9;
	s10 =	sadd.s32 $0x10, s10  }
0x2b2: {  	v27 =	vsel vm4, s14, v27;
	[smem:$0x79A] =	sst s12;
	s14 =	smov.u32 s8;
	s8 =	sadd.s32 s19, s20  }
0x2b3: {  	s19 =	smulhi.u32 $0x78787879, s31;
	s21 =	sadd.s32 s3, s21;
	s3 =	rddreg [dreg:$0xb]  }
0x2b4: {  	s20 =	sadd.s32 s7, s28;
	s12 =	simm.s32 $0xFE00;
	[smem:$0x798] =	sst s14  }
0x2b5: {  	v26 =	vand.u32 $0x7F, v26;
	v27 =	vsel vm6, s13, v27;
	s7 =	sadd.s32 s11, s0;
	s11 =	sshra.s32 s20, $0x1F;
	[smem:$0x799] =	sst s23  }
0x2b6: {  	v29 =	vor.u32 v26, v29;
	s14 =	sshrl.u32 s21, $0x1F;
	v26 =	vsel vm7, s15, v27;
	s15 =	sshrl.u32 s8, $0x1F;
	v27 =	vor.u32 s3, v2;
	s3 =	smul.u32 $0x78787879, s6  }
0x2b7: {  	s6 =	sshra.s32 s31, $0x1F;
	s31 =	smulhi.u32 $0x78787879, s22;
	s22 =	sshra.s32 s7, $0x1F  }
0x2b8: {  	s8 =	sshra.s32 s8, $0x7;
	s29 =	spop (v2sf);
	v26 =	vsel vm8, s16, v26;
	s16 =	smul.u32 $0x78787879, s24  }
0x2b9: {  	vm13 =	vgt.s32 v23, $0x0;
	s6 =	smul.u32 $0x78787879, s6;
	s2 =	sshra.s32 s29, $0x1F;
	s23 =	spop (v2sf)  }
0x2ba: {  	vm14 =	vne.s32 v21, $0x0;
	v26 =	vsel vm9, s4, v26;
	v21 =	vnsel vm13, $0x0, v23;
	s4 =	smulhi.u32 $0x78787879, s26;
	s25 =	sadd.s32 s25, s31;
	s28 =	sshra.s32 s23, $0x1F  }
0x2bb: {  	vm15 =	veq.s32 v24, v27;
	s0 =	spop (v2sf);
	v24 =	vld.idx.msk [tilespmem:v29+s12+$0x0], $0xffff;
	v29 =	vmov s14;
	s14 =	rddreg [dreg:$0x10];
	s6 =	sadd.s32 s6, s19  }
0x2bc: {  	s19 =	sshrl.u32 s25, $0x1F;
	s31 =	sshra.s32 s25, $0x7;
	s2 =	smul.u32 $0x78787879, s2  }
0x2bd: {  	v30 =	vmov s11;
	vm13 =	vmand vm14, vm15;
	vm14 =	vgt.s32 v23, $0xFFFFFFFF;
	s13 =	sshra.s32 s0, $0x1F;
	s11 =	sadd.s32 $0x10, s14;
	s26 =	smul.u32 $0x78787879, s28  }
0x2be: {  	v31 =	vcvt.s32.f32 v19;
	v19 =	vmovc v18;
	vm13 =	vmand vm13, vm14;
	vm14 =	vlt.u32 v17, $0x1F4;
	s28 =	sshra.s32 s21, $0x1F;
	[dreg:$0x10] =	wrdreg s11;
	v23 =	vld [tilespmem:s11+$0x0];
	s11 =	simm.s32 $0x800  }
0x2bf: {  	v18 =	vmovc v12;
	vm15 =	vcmask $0x704;
	v17 =	vmovc v13;
	v12 =	vnsel vm5, $0x0, v29;
	s14 =	sshra.s32 s7, $0x7;
	vm14 =	vmand vm14, vm12;
	s0 =	smulhi.u32 $0x78787879, s0;
	v21 =	vld.idx.msk [tilespmem:v21+s11+$0x0], $0xffff;
	s11 =	sshra.s32 s21, $0x7  }
0x2c0: {  	v13 =	vmovc v27;
	s7 =	sshrl.u32 s7, $0x1F;
	vm12 =	vmmov vm11;
	[dreg:$0x15] =	wrdreg s19;
	s19 =	smulhi.u32 $0x78787879, s23;
	v27 =	vnsel vm14, $0x0, v15;
	v15 =	vmovc v20;
	v20 =	vsel vm5, s11, v30  }
0x2c1: {  	s23 =	sshra.s32 s1, $0x1F;
	v29 =	vmov s15;
	s15 =	rddreg [dreg:$0x1d];
	v12 =	vsel vm2, s7, v12;
	s7 =	smul.u32 $0x78787879, s13;
	v20 =	vsel vm15, s28, v20  }
0x2c2: {  	vm11 =	vmmov vm13;
	vm13 =	vcmask $0xF0C;
	s11 =	sadd.s32 s16, s15;
	s16 =	sadd.s32 s26, s19;
	s26 =	smul.u32 $0x78787879, s23;
	v20 =	vsel vm2, s14, v20  }
0x2c3: {  	s13 =	sshra.s32 s6, $0x7;
	s23 =	sld [smem:$0x7BF];
	s24 =	spop (v2sf);
	(v2sf) =	vpush v23, $0x5;
	v20 =	vsel vm13, s22, v20  }
0x2c4: {  	vm1 =	vcmask $0x1714;
	s21 =	sshra.s32 s6, $0x1F;
	v24 =	vmul.f32 v31, v24;
	s14 =	smul.u32 $0x78787879, s17;
	s17 =	rddreg [dreg:$0x17];
	v20 =	vsel vm3, s13, v20  }
0x2c5: {  	s1 =	sshrl.u32 s6, $0x1F;
	s22 =	rddreg [dreg:$0x19];
	s12 =	sshra.s32 s24, $0x1F;
	(v2sf) =	vpush v23, $0x6;
	v20 =	vsel vm1, s21, v20  }
0x2c6: {  	v24 =	vsub.f32 v24, v27;
	s6 =	smul.u32 $0x78787879, s12;
	s12 =	sshra.s32 s25, $0x1F;
	(v2sf) =	vpush v23, $0x1;
	s25 =	rddreg [dreg:$0x14];
	v20 =	vsel vm4, s31, v20  }
0x2c7: {  	s0 =	sadd.s32 s7, s0;
	s24 =	smulhi.u32 $0x78787879, s24;
	(v2sf) =	vpush v23, $0x0;
	v27 =	vsel vm3, s25, v28;
	v28 =	vsel vm0, s12, v20;
	s12 =	sld [smem:$0x798]  }
0x2c8: {  	s19 =	sshra.s32 s11, $0x1F;
	v24 =	vand.u32 $0x7FFFFFFF, v24;
	v21 =	vcvt.s32.f32 v21;
	s7 =	sadd.s32 s22, s17;
	s13 =	smul.u32 $0x78787879, s30  }
0x2c9: {  	s22 =	sadd.s32 s26, s23;
	s26 =	smulhi.u32 $0x78787879, s29;
	v11 =	vadd.f32 v24, v11;
	v24 =	vmov s8;
	s8 =	sshrl.u32 s0, $0x1F;
	(v2sf) =	vpush v23, $0x7  }
0x2ca: {  	s17 =	sadd.s32 s13, s4;
	s4 =	sshrl.u32 s22, $0x1F;
	s13 =	sadd.s32 s14, s18;
	(v2sf) =	vpush v23, $0x8;
	v27 =	vsel vm4, s12, v27  }
0x2cb: {  	s14 =	sld [smem:$0x799];
	s15 =	sadd.s32 s6, s24;
	s24 =	sshra.s32 s16, $0x7;
	v20 =	vmul.f32 v21, v8;
	(v2sf) =	vpush v23, $0x3;
	v21 =	vcombine.low v22, v27  }
0x2cc: {  	s2 =	sadd.s32 s2, s26;
	s26 =	sshra.s32 s7, $0x1F;
	s6 =	sshra.s32 s0, $0x7;
	v24 =	vsel vm2, s24, v24;
	(v2sf) =	vpush v23, $0xB  }
0x2cd: {  	s0 =	sshra.s32 s13, $0x1F;
	s16 =	sshrl.u32 s16, $0x1F;
	s29 =	sshra.s32 s15, $0x7;
	(v2sf) =	vpush v23, $0xE;
	v22 =	vperm.xlane v26, v7;
	v21 =	vperm.xlane v21, v6  }
0x2ce: {  	s24 =	sshra.s32 s2, $0x7;
	s25 =	sshrl.u32 s15, $0x1F;
	s15 =	sshrl.u32 s11, $0x1F;
	v24 =	vsel vm3, s29, v24;
	v27 =	vsel vm3, s1, v12;
	(v2sf) =	vpush v23, $0x2  }
0x2cf: {  	s3 =	sadd.s32 s3, s14;
	s14 =	sshra.s32 s17, $0x7;
	s29 =	sshra.s32 s20, $0x7;
	v12 =	vsel vm10, v22, v21;
	v21 =	vsel vm2, s16, v29;
	v22 =	vmov s24  }
0x2d0: {  	s17 =	sshrl.u32 s17, $0x1F;
	s18 =	sshrl.u32 s3, $0x1F;
	v25 =	vadd.s32 v12, v25;
	v12 =	vsel vm3, s25, v21;
	v21 =	vsel vm2, s14, v22;
	s14 =	sld [smem:$0x79A]  }
0x2d1: {  	s23 =	sshra.s32 s3, $0x7;
	s1 =	sshra.s32 s22, $0x7;
	s22 =	sshra.s32 s13, $0x7;
	(v2sf) =	vpush v23, $0xD  }
0x2d2: {  	s3 =	sshra.s32 s11, $0x7;
	s12 =	sshra.s32 s7, $0x7;
	v26 =	vsel vm6, s22, v28;
	(v2sf) =	vpush v23, $0x4;
	s22 =	spop (v2sf)  }
0x2d3: {  	vm13 =	vlt.s32 v16, $0x1;
	[dreg:$0x14] =	wrdreg s18;
	v24 =	vsel vm4, s1, v24;
	s21 =	smov.u32 s14;
	s24 =	smulhi.u32 $0x78787879, s22  }
0x2d4: {  	s18 =	sshrl.u32 s2, $0x1F;
	(v2sf) =	vpush v23, $0xC;
	vm2 =	vcmask $0x2724;
	v21 =	vsel vm3, s23, v21;
	s25 =	spop (v2sf);
	[dreg:$0xb] =	wrdreg s21  }
0x2d5: {  	v28 =	vmul.u32 $0xFFFFFEF0, v25;
	(v2sf) =	vpush v23, $0x9;
	v29 =	vsel vm4, s6, v21;
	s6 =	smulhi.u32 $0x78787879, s25;
	s11 =	sshra.s32 s25, $0x1F;
	s14 =	spop (v2sf)  }
0x2d6: {  	v22 =	vsel vm4, s4, v12;
	s4 =	sshrl.u32 s20, $0x1F;
	(v2sf) =	vpush v23, $0xF;
	v24 =	vcombine.low v24, v29;
	s1 =	smul.u32 $0x78787879, s11;
	s11 =	spop (v2sf)  }
0x2d7: {  	v28 =	vadd.s32 v16, v28;
	v16 =	vmovc v14;
	v14 =	vmovc v23;
	v23 =	vsel vm2, s0, v26;
	vm2 =	vcmask $0x2F2C;
	[dreg:$0x1d] =	wrdreg s24;
	s0 =	smulhi.u32 $0x78787879, s14;
	s20 =	sshra.s32 s11, $0x1F  }
0x2d8: {  	s16 =	sshrl.u32 s7, $0x1F;
	v21 =	vld [tilespmem:s10+$0x0];
	(v2sf) =	vpush v14, $0xA;
	vm14 =	vne.s32 v28, $0x0;
	v23 =	vsel vm7, s3, v23;
	s21 =	spop (v2sf);
	s3 =	smul.u32 $0x78787879, s20  }
0x2d9: {  	v29 =	vadd.s32 $0x110, v28;
	s2 =	sshra.s32 s14, $0x1F;
	vm13 =	vmand vm13, vm14;
	vm14 =	vlt.s32 v28, $0x0;
	s23 =	spop (v2sf);
	s28 =	smulhi.u32 $0x78787879, s21  }
0x2da: {  	v23 =	vsel vm2, s19, v23;
	vm2 =	vcmask $0xB08;
	v30 =	vperm.xlane v24, v6;
	[dreg:$0x17] =	wrdreg s6;
	s14 =	sshra.s32 s21, $0x1F;
	s20 =	smulhi.u32 $0x78787879, s23  }
0x2db: {  	v26 =	vsel vm13, $0xFFFFFFFF, v9;
	v23 =	vsel vm8, s12, v23;
	vm13 =	vmmov vm10;
	[dreg:$0x19] =	wrdreg s1;
	s21 =	sshra.s32 s23, $0x1F;
	s7 =	smul.u32 $0x78787879, s14  }
0x2dc: {  	s24 =	sshra.s32 s22, $0x1F;
	vm10 =	vcmask $0x3734;
	v25 =	vadd.s32 v26, v25;
	v26 =	vsel vm14, v29, v28;
	s22 =	spop (v2sf);
	s19 =	smul.u32 $0x78787879, s21  }
.Ltmp7:
0x2dd: {  	s13 =	sshrl.u32 s13, $0x1F;
	v23 =	vsel vm10, s26, v23;
	vm10 =	vmmov vm13;
	v28 =	vshrl.u32 v25, $0x3;
	s1 =	spop (v2sf);
	(pc) =	sbr.rel @p1 .LBB2_11-.Ltmp7, $4  }
0x2de: {  	s12 =	simm.s32 $0x1E600;
	v29 =	vshll.u32 v26, $0x3;
	v23 =	vsel vm9, s29, v23;
	v28 =	vmul.u32 $0xC00, v28;
	s26 =	smulhi.u32 $0x78787879, s1;
	s23 =	spop (v2sf)  }
0x2df: {  	v12 =	vld [tilespmem:s9+$0x0];
	v24 =	vshll.u32 v25, $0x7;
	s29 =	simm.s32 $0x1E200;
	v29 =	vand.u32 $0xFFFFFC00, v29;
	v31 =	vperm.xlane v23, v7;
	s21 =	smulhi.u32 $0x78787879, s11;
	s31 =	spop (v2sf)  }
0x2e0: {  	v25 =	vmov s18;
	s25 =	sshra.s32 s22, $0x1F;
	v32 =	vand.u32 $0x380, v24;
	v23 =	vld.idx.msk [tilespmem:v21+s12+$0x0], $0xffff;
	v29 =	vadd.s32 v29, v28;
	[smem:$0x7BF] =	sst s26;
	s26 =	spop (v2sf)  }
0x2e1: {  	v24 =	vld.idx.msk [tilespmem:v21+s29+$0x0], $0xffff;
	s6 =	sshra.s32 s23, $0x1F;
	v28 =	vsel vm2, s17, v25;
	v25 =	vsel vm13, v31, v30;
	v29 =	vor.u32 v32, v29;
	s30 =	sshra.s32 s26, $0x1F;
	s18 =	spop (v2sf)  }
0x2e2: {  	s10 =	smul.u32 $0x78787879, s2  }
0x2e3: {  	s9 =	smulhi.u32 $0x78787879, s23  }
0x2e4: {  	s5 =	smul.u32 $0x78787879, s6  }
0x2e5: {  	s6 =	smulhi.u32 $0x78787879, s22  }
0x2e6: {  	s11 =	smul.u32 $0x78787879, s24  }
0x2e7: {  	s12 =	smulhi.u32 $0x78787879, s31  }
0x2e8: {  	s23 =	sshra.s32 s31, $0x1F;
	s17 =	smul.u32 $0x78787879, s25;
	s19 =	sadd.s32 s19, s20  }
0x2e9: {  	s2 =	sadd.s32 s7, s28;
	s21 =	sadd.s32 s3, s21;
	s14 =	spop (v2sf)  }
0x2ea: {  	s1 =	sshra.s32 s1, $0x1F;
	s20 =	smul.u32 $0x78787879, s23;
	s22 =	spop (v2sf)  }
0x2eb: {  	s1 =	smul.u32 $0x78787879, s1;
	s5 =	sadd.s32 s5, s9;
	s24 =	sshra.s32 s22, $0x1F  }
0x2ec: {  	s25 =	spop (v2sf);
	s12 =	sadd.s32 s20, s12;
	s7 =	smul.u32 $0x78787879, s24  }
0x2ed: {  	s20 =	rddreg [dreg:$0x1d];
	s24 =	sadd.s32 s10, s0;
	s3 =	smulhi.u32 $0x78787879, s25  }
0x2ee: {  	s10 =	sadd.s32 s17, s6;
	s23 =	sshra.s32 s25, $0x1F;
	s25 =	smulhi.u32 $0x78787879, s22  }
0x2ef: {  	s0 =	sadd.s32 s11, s20;
	s20 =	sshra.s32 s19, $0x7;
	s22 =	smul.u32 $0x78787879, s23  }
0x2f0: {  	s23 =	spop (v2sf);
	s6 =	sadd.s32 s7, s25;
	s7 =	smulhi.u32 $0x78787879, s26  }
0x2f1: {  	s11 =	sshra.s32 s23, $0x1F;
	s17 =	smulhi.u32 $0x78787879, s23;
	s25 =	rddreg [dreg:$0x15]  }
0x2f2: {  	s26 =	sshrl.u32 s21, $0x1F;
	s23 =	sshrl.u32 s24, $0x1F;
	s3 =	sadd.s32 s22, s3  }
0x2f3: {  	vm13 =	vcmask $0xF0C;
	v27 =	vsel vm4, s25, v27;
	s22 =	sshra.s32 s21, $0x1F;
	s21 =	sshra.s32 s21, $0x7;
	s25 =	sshra.s32 s2, $0x1F  }
0x2f4: {  	vm1 =	vcmask $0x1714;
	s11 =	smul.u32 $0x78787879, s11;
	v31 =	vmov s26;
	s26 =	sshra.s32 s24, $0x7;
	v27 =	vsel vm6, s13, v27;
	s13 =	sshra.s32 s18, $0x1F  }
0x2f5: {  	s18 =	smulhi.u32 $0x78787879, s18;
	v30 =	vmov s25;
	v31 =	vnsel vm5, $0x0, v31;
	s25 =	rddreg [dreg:$0x14];
	v27 =	vsel vm7, s15, v27;
	s15 =	sshra.s32 s24, $0x1F  }
0x2f6: {  	v32 =	vmov s20;
	v30 =	vsel vm5, s21, v30;
	s24 =	sshra.s32 s14, $0x1F;
	s21 =	sshra.s32 s12, $0x1F;
	v31 =	vsel vm2, s23, v31;
	s23 =	smul.u32 $0x78787879, s30  }
0x2f7: {  	v28 =	vsel vm3, s25, v28;
	s25 =	sshra.s32 s6, $0x7;
	s14 =	smulhi.u32 $0x78787879, s14;
	s11 =	sadd.s32 s11, s17;
	v27 =	vsel vm8, s16, v27;
	v30 =	vsel vm15, s22, v30  }
0x2f8: {  	s13 =	smul.u32 $0x78787879, s13;
	s6 =	sshrl.u32 s6, $0x1F;
	v28 =	vsel vm4, s8, v28;
	v32 =	vsel vm2, s25, v32;
	s16 =	sshra.s32 s11, $0x7;
	v27 =	vsel vm9, s4, v27  }
0x2f9: {  	s22 =	sshrl.u32 s12, $0x1F;
	s12 =	sshra.s32 s12, $0x7;
	s8 =	sshra.s32 s10, $0x7;
	v30 =	vsel vm2, s26, v30;
	v22 =	vcombine.low v22, v28;
	v32 =	vsel vm3, s16, v32  }
0x2fa: {  	s20 =	sshrl.u32 s11, $0x1F;
	s4 =	smul.u32 $0x78787879, s24;
	s26 =	sshrl.u32 s19, $0x1F;
	v31 =	vsel vm3, s22, v31;
	v30 =	vsel vm13, s15, v30;
	vm13 =	vgt.s32 v23, $0x0  }
0x2fb: {  	s24 =	sshra.s32 s10, $0x1F;
	s7 =	sadd.s32 s23, s7;
	s10 =	sshrl.u32 s10, $0x1F;
	v27 =	vperm.xlane v27, v7;
	v30 =	vsel vm3, s12, v30;
	v22 =	vperm.xlane v22, v6  }
0x2fc: {  	s17 =	sadd.s32 s13, s18;
	v63 =	vmov s26;
	s26 =	sld [smem:$0x7BF];
	v31 =	vsel vm4, s10, v31;
	s4 =	sadd.s32 s4, s14;
	v30 =	vsel vm1, s21, v30  }
0x2fd: {  	s22 =	sshra.s32 s5, $0x7;
	s18 =	sshra.s32 s4, $0x7;
	s4 =	sshrl.u32 s4, $0x1F;
	vm1 =	vcmask $0x2F2C;
	v30 =	vsel vm4, s8, v30;
	v22 =	vsel vm10, v27, v22  }
0x2fe: {  	s13 =	rddreg [dreg:$0x19];
	s19 =	sshra.s32 s7, $0x7;
	s23 =	sshra.s32 s17, $0x7;
	v27 =	vsel vm2, s6, v63;
	v34 =	vmov s18;
	v37 =	vmov s4  }
0x2ff: {  	s12 =	rddreg [dreg:$0x17];
	s1 =	sadd.s32 s1, s26;
	s8 =	sshrl.u32 s17, $0x1F;
	v30 =	vsel vm0, s24, v30;
	v22 =	vadd.s32 v22, v25;
	v25 =	vsel vm3, s20, v27  }
0x300: {  	s14 =	sshra.s32 s0, $0x1F;
	s26 =	sshra.s32 s0, $0x7;
	s21 =	sshrl.u32 s1, $0x1F;
	v27 =	vsel vm2, s19, v34;
	vm2 =	vcmask $0x2724;
	v31 =	vsel vm6, s8, v31  }
0x301: {  	s0 =	sshrl.u32 s0, $0x1F;
	s24 =	sshra.s32 s3, $0x7;
	s1 =	sshra.s32 s1, $0x7;
	v35 =	vsel vm6, s23, v30;
	v25 =	vsel vm4, s21, v25;
	v27 =	vsel vm3, s22, v27  }
0x302: {  	s25 =	sshra.s32 s17, $0x1F;
	s7 =	sshrl.u32 s7, $0x1F;
	v36 =	vsel vm4, s1, v32;
	s1 =	sadd.s32 s13, s12;
	v31 =	vsel vm7, s0, v31;
	v27 =	vsel vm4, s24, v27  }
0x303: {  	v28 =	vsel vm2, s25, v35;
	s16 =	sshra.s32 s1, $0x7;
	vm2 =	vcmask $0xB08;
	s17 =	sshra.s32 s1, $0x1F;
	s1 =	sshrl.u32 s1, $0x1F;
	v27 =	vcombine.low v36, v27  }
0x304: {  	s15 =	sshrl.u32 s5, $0x1F;
	v28 =	vsel vm7, s26, v28;
	v30 =	vsel vm2, s7, v37;
	v31 =	vsel vm8, s1, v31  }
0x305: {  	s3 =	sshrl.u32 s3, $0x1F;
	v28 =	vsel vm1, s14, v28;
	v30 =	vsel vm3, s15, v30;
	vm1 =	vmmov vm10  }
0x306: {  	s19 =	sshrl.u32 s2, $0x1F;
	vm10 =	vcmask $0x3734;
	v28 =	vsel vm8, s16, v28;
	v30 =	vsel vm4, s3, v30  }
0x307: {  	s18 =	sshra.s32 s2, $0x7;
	v38 =	vsel vm9, s19, v31;
	v28 =	vsel vm10, s17, v28;
	v25 =	vcombine.low v25, v30  }
0x308: {  	v27 =	vperm.xlane v27, v6;
	v30 =	vperm.xlane v38, v7;
	v28 =	vsel vm9, s18, v28  }
0x309: {  	v39 =	vmul.u32 $0xFFFFFEF0, v22;
	v28 =	vperm.xlane v28, v7;
	v25 =	vperm.xlane v25, v6  }
0x30a: {  	v26 =	vand.u32 $0x7F, v26;
	v40 =	vnsel vm13, $0x0, v23  }
0x30b: {  	v31 =	vadd.s32 v16, v39;
	v27 =	vsel vm1, v28, v27;
	v25 =	vsel vm1, v30, v25  }
0x30c: {  	vm13 =	vlt.s32 v16, $0x1;
	vm14 =	vne.s32 v31, $0x0;
	v16 =	vadd.s32 v25, v27  }
0x30d: {  	vm13 =	vmand vm13, vm14;
	v25 =	vor.u32 v26, v29;
	v26 =	vmul.u32 $0xFFFFFEF0, v16  }
0x30e: {  	v41 =	vadd.s32 $0x110, v31;
	vm14 =	vlt.s32 v31, $0x0;
	v27 =	vsel vm13, $0xFFFFFFFF, v9  }
0x30f: {  	vm13 =	vlt.s32 v14, $0x1;
	v22 =	vadd.s32 v27, v22;
	v26 =	vadd.s32 v14, v26  }
0x310: {  	v27 =	vsel vm14, v41, v31;
	v42 =	vshrl.u32 v22, $0x3;
	vm14 =	vne.s32 v26, $0x0  }
0x311: {  	v22 =	vshll.u32 v22, $0x7;
	v14 =	vshll.u32 v27, $0x3;
	vm13 =	vmand vm13, vm14  }
0x312: {  	v28 =	vmul.u32 $0xC00, v42;
	v22 =	vand.u32 $0x380, v22;
	v43 =	vsel vm13, $0xFFFFFFFF, v9  }
0x313: {  	v44 =	vadd.s32 $0x110, v26;
	vm13 =	vlt.s32 v26, $0x0;
	v16 =	vadd.s32 v43, v16  }
0x314: {  	v14 =	vand.u32 $0xFFFFFC00, v14;
	v26 =	vsel vm13, v44, v26;
	v45 =	vshrl.u32 v16, $0x3  }
0x315: {  	v14 =	vadd.s32 v14, v28;
	v46 =	vshll.u32 v26, $0x3;
	v28 =	vmul.u32 $0xC00, v45  }
0x316: {  	v14 =	vor.u32 v22, v14;
	v16 =	vshll.u32 v16, $0x7;
	v22 =	vand.u32 $0xFFFFFC00, v46  }
0x317: {  	v27 =	vand.u32 $0x7F, v27;
	v16 =	vand.u32 $0x380, v16;
	v22 =	vadd.s32 v22, v28  }
0x318: {  	v14 =	vor.u32 v27, v14;
	v16 =	vor.u32 v16, v22;
	v22 =	vand.u32 $0x7F, v26  }
0x319: {  	v16 =	vor.u32 v22, v16  }
0x31a: {  	s21 =	simm.s32 $0x800  }
0x31b: {  	s20 =	simm.s32 $0xFE00;
	v47 =	vld.idx.msk [tilespmem:v40+s21+$0x0], $0xffff  }
0x31c: {  	v27 =	vld.idx.msk [tilespmem:v25+s20+$0x0], $0xffff  }
0x31d: {  	s22 =	simm.s32 $0x2;
	v25 =	vld.idx.msk [tilespmem:v14+s20+$0x0], $0xffff  }
0x31e: {  	v16 =	vld.idx.msk [tilespmem:v16+s20+$0x0], $0xffff;
	_ =	swait.ge [sflag:s22], $0xE400  }
0x31f: {  	[sflag:s22] =	ssyncset.done $0x0  }
0x320: {  	s23 =	simm.s32 $0x400;
	[sflag:s22] =	ssyncadd.s32 $0xFFFF1C00  }
0x321: {  	v22 =	vld [tilespmem:s23+$0x0];
	_ =	sdelay $0x4  }
0x322: {  	(v2sf) =	vpush v22, $0xE  }
0x323: {  	(v2sf) =	vpush v22, $0x2  }
0x324: {  	(v2sf) =	vpush v22, $0x4  }
0x325: {  	(v2sf) =	vpush v22, $0x1  }
0x326: {  	(v2sf) =	vpush v22, $0x7;
	_ =	sdelay $0x1  }
0x327: {  	(v2sf) =	vpush v22, $0x0;
	_ =	sdelay $0x1  }
0x328: {  	(v2sf) =	vpush v22, $0x3;
	_ =	sdelay $0x1  }
0x329: {  	(v2sf) =	vpush v22, $0xC;
	_ =	sdelay $0x4  }
0x32a: {  	(v2sf) =	vpush v22, $0x8;
	s24 =	spop (v2sf)  }
0x32b: {  	s4 =	spop (v2sf);
	s0 =	smulhi.u32 $0x78787879, s24  }
0x32c: {  	(v2sf) =	vpush v22, $0xD;
	s26 =	spop (v2sf);
	s8 =	smulhi.u32 $0x78787879, s4  }
0x32d: {  	(v2sf) =	vpush v22, $0x9;
	s12 =	spop (v2sf);
	s19 =	smulhi.u32 $0x78787879, s26  }
0x32e: {  	s10 =	smulhi.u32 $0x78787879, s12;
	s13 =	spop (v2sf)  }
0x32f: {  	s2 =	sshra.s32 s12, $0x1F;
	s11 =	smulhi.u32 $0x78787879, s13  }
0x330: {  	(v2sf) =	vpush v22, $0xF;
	s14 =	spop (v2sf);
	s17 =	smul.u32 $0x78787879, s2  }
0x331: {  	s3 =	sshra.s32 s13, $0x1F;
	s7 =	smulhi.u32 $0x78787879, s14  }
0x332: {  	s16 =	simm.s32 $0x0;
	s15 =	spop (v2sf);
	s21 =	smul.u32 $0x78787879, s3  }
0x333: {  	s5 =	sshra.s32 s26, $0x1F;
	s3 =	sshra.s32 s24, $0x1F;
	s18 =	smulhi.u32 $0x78787879, s15  }
0x334: {  	s24 =	sshra.s32 s14, $0x1F;
	s25 =	spop (v2sf);
	s3 =	smul.u32 $0x78787879, s3  }
0x335: {  	s14 =	rddreg [dreg:$0xb];
	s13 =	sshra.s32 s15, $0x1F;
	s9 =	smulhi.u32 $0x78787879, s25  }
0x336: {  	v48 =	vld [tilespmem:s16+$0x0];
	(v2sf) =	vpush v22, $0xA;
	v26 =	vor.u32 s14, v2;
	s17 =	sadd.s32 s17, s10;
	s14 =	sshra.s32 s25, $0x1F;
	s25 =	smul.u32 $0x78787879, s13  }
0x337: {  	v18 =	vcvt.s32.f32 v18;
	vm10 =	vcmask $0xF0C;
	(v2sf) =	vpush v22, $0xB;
	s10 =	sshra.s32 s4, $0x1F;
	s4 =	sadd.s32 s21, s11;
	s21 =	smul.u32 $0x78787879, s24  }
0x338: {  	vm13 =	vne.s32 v21, $0x0;
	v14 =	vcvt.s32.f32 v19;
	v19 =	vor.u32 s16, v2;
	s2 =	simm.s32 $0x10;
	s24 =	smul.u32 $0x78787879, s5  }
0x339: {  	s31 =	simm.s32 $0x1E600;
	v18 =	vmul.f32 v18, v25;
	(v2sf) =	vpush v22, $0x5;
	v25 =	vmov s2;
	s6 =	spop (v2sf);
	s29 =	smul.u32 $0x78787879, s10  }
0x33a: {  	s30 =	simm.s32 $0x1E200;
	v49 =	vand.u32 $0x7F, v19;
	v14 =	vmul.f32 v14, v27;
	v25 =	vshll.u32 v25, $0x2;
	s12 =	sshra.s32 s6, $0x1F;
	s6 =	smulhi.u32 $0x78787879, s6  }
0x33b: {  	(v2sf) =	vpush v22, $0x6;
	vm14 =	veq.s32 v24, v26;
	s11 =	sshra.s32 s17, $0x1F;
	v25 =	vand.u32 $0x600, v25;
	s20 =	spop (v2sf);
	s14 =	smul.u32 $0x78787879, s14  }
0x33c: {  	vm13 =	vmand vm13, vm14;
	vm14 =	vgt.s32 v23, $0xFFFFFFFF;
	v23 =	vcvt.s32.f32 v47;
	s3 =	sadd.s32 s3, s0;
	s22 =	spop (v2sf);
	s26 =	smulhi.u32 $0x78787879, s20  }
0x33d: {  	s20 =	sshra.s32 s20, $0x1F;
	vm13 =	vmand vm13, vm14;
	vm14 =	vlt.u32 v17, $0x1F4;
	v17 =	vmov s16;
	s5 =	sadd.s32 s25, s18;
	s18 =	sadd.s32 s21, s7  }
0x33e: {  	v21 =	vld.idx.msk [tilespmem:v48+s31+$0x0], $0xffff;
	s25 =	simm.s32 $0x410;
	s7 =	sadd.s32 s24, s19;
	s28 =	smulhi.u32 $0x78787879, s22;
	vm12 =	vmand vm14, vm12;
	vm14 =	vmmov vm11;
	vm11 =	vmmov vm13  }
0x33f: {  	s23 =	spop (v2sf);
	s20 =	smul.u32 $0x78787879, s20;
	v23 =	vmul.f32 v23, v8;
	s21 =	sshrl.u32 s18, $0x1F;
	v17 =	vshll.u32 v17, $0x2;
	vm13 =	vne.s32 v48, $0x0  }
0x340: {  	s13 =	sshra.s32 s22, $0x1F;
	s1 =	smulhi.u32 $0x78787879, s23;
	s15 =	sshra.s32 s23, $0x1F;
	v15 =	vnsel vm12, $0x0, v15;
	vm12 =	vlt.u32 v13, $0x1F4;
	v13 =	vld.idx.msk [tilespmem:v48+s30+$0x0], $0xffff;
	v27 =	vmov s21  }
0x341: {  	s23 =	sshra.s32 s4, $0x1F;
	s16 =	smul.u32 $0x78787879, s13;
	s21 =	sshra.s32 s17, $0x7;
	v17 =	vand.u32 $0x600, v17;
	vm11 =	vmmov vm11;
	v15 =	vsub.f32 v14, v15;
	v14 =	vld [tilespmem:s25+$0x0]  }
0x342: {  	vm12 =	vmand vm12, vm14;
	v24 =	vmov s23;
	s19 =	sadd.s32 s20, s26;
	s26 =	sshra.s32 s18, $0x7;
	v27 =	vnsel vm5, $0x0, v27;
	s18 =	sshra.s32 s18, $0x1F  }
0x343: {  	v20 =	vnsel vm12, $0x0, v20;
	vm12 =	vgt.s32 v21, $0x0;
	s23 =	sadd.s32 s16, s28;
	v24 =	vsel vm5, s26, v24;
	s16 =	sadd.s32 s29, s8;
	s28 =	smul.u32 $0x78787879, s12  }
0x344: {  	v17 =	vor.u32 v49, v17;
	s29 =	smul.u32 $0x78787879, s15;
	v50 =	vnsel vm12, $0x0, v21;
	v24 =	vsel vm15, s18, v24;
	s8 =	sshrl.u32 s23, $0x1F;
	s18 =	sshra.s32 s23, $0x7  }
0x345: {  	vm14 =	vcmask $0x1F1C;
	v52 =	vand.u32 $0x7FFFFFFF, v15;
	v30 =	vand.u32 $0x7F, v50;
	s23 =	sadd.s32 s28, s6;
	s28 =	sadd.s32 s14, s9;
	s22 =	spop (v2sf)  }
0x346: {  	vm12 =	veq.s32 v13, v19;
	v13 =	vshll.u32 v50, $0x2;
	s26 =	smulhi.u32 $0x78787879, s22;
	s22 =	sshra.s32 s22, $0x1F;
	s13 =	spop (v2sf);
	(v2sf) =	vpush v14, $0xE  }
0x347: {  	s15 =	sshrl.u32 s7, $0x1F;
	v24 =	vsel vm2, s21, v24;
	s21 =	sshra.s32 s28, $0x7;
	v13 =	vand.u32 $0xFFFFFE00, v13;
	s9 =	smul.u32 $0x78787879, s22;
	(v2sf) =	vpush v14, $0x2  }
0x348: {  	v24 =	vsel vm10, s11, v24;
	s11 =	sshra.s32 s16, $0x7;
	v13 =	vor.u32 v30, v13;
	s10 =	smulhi.u32 $0x78787879, s13;
	s20 =	spop (v2sf);
	(v2sf) =	vpush v14, $0x4  }
0x349: {  	v18 =	vsub.f32 v18, v20;
	vm12 =	vmand vm13, vm12;
	s22 =	sshrl.u32 s5, $0x1F;
	s25 =	smulhi.u32 $0x78787879, s20;
	s20 =	sshra.s32 s20, $0x1F;
	(v2sf) =	vpush v14, $0x1  }
0x34a: {  	vm13 =	vgt.s32 v21, $0xFFFFFFFF;
	v20 =	vmov s21;
	s12 =	sshra.s32 s13, $0x1F;
	s13 =	sshrl.u32 s17, $0x1F;
	s24 =	smul.u32 $0x78787879, s20;
	(v2sf) =	vpush v14, $0x7  }
0x34b: {  	vm12 =	vmand vm12, vm13;
	vm13 =	vlt.u32 v19, $0x1F4;
	s17 =	smul.u32 $0x78787879, s12;
	v27 =	vsel vm2, s13, v27;
	s12 =	spop (v2sf);
	s13 =	sshrl.u32 s16, $0x1F  }
0x34c: {  	vm12 =	vmand vm13, vm12;
	vm13 =	vlt.u32 v26, $0x1F4;
	s16 =	sshra.s32 s16, $0x1F;
	(v2sf) =	vpush v14, $0x0;
	s14 =	sadd.s32 s24, s25;
	s24 =	simm.s32 $0x1200  }
0x34d: {  	vm11 =	vmand vm13, vm11;
	vm13 =	vcmask $0x1714;
	s20 =	sshrl.u32 s23, $0x1F;
	v21 =	vsel vm3, s13, v27;
	s23 =	sshra.s32 s23, $0x7;
	s25 =	simm.s32 $0xA00;
	v13 =	vld.idx.msk [tilespmem:v13+s24+$0x0], $0xffff  }
0x34e: {  	v51 =	vmov s20;
	s20 =	sshra.s32 s19, $0x7;
	s19 =	sshrl.u32 s19, $0x1F;
	v21 =	vsel vm4, s22, v21;
	s22 =	sadd.s32 s29, s1;
	(v2sf) =	vpush v14, $0x3;
	v19 =	vld.idx.msk [tilespmem:v17+s25+$0x0], $0xffff  }
0x34f: {  	v26 =	vmov s23;
	s29 =	sshra.s32 s7, $0x1F;
	s7 =	sshra.s32 s7, $0x7;
	s21 =	sshrl.u32 s22, $0x1F;
	v20 =	vsel vm2, s20, v20;
	v28 =	vsel vm2, s8, v51  }
0x350: {  	v21 =	vsel vm6, s15, v21;
	s24 =	sadd.s32 s9, s26;
	s9 =	sshrl.u32 s14, $0x1F;
	s25 =	sshrl.u32 s28, $0x1F;
	v17 =	vor.u32 s2, v2;
	(v2sf) =	vpush v14, $0xC  }
0x351: {  	s0 =	sshrl.u32 s24, $0x1F;
	s23 =	sshra.s32 s24, $0x7;
	s24 =	sshra.s32 s3, $0x7;
	v54 =	vand.u32 $0x7F, v17;
	v21 =	vsel vm7, s9, v21;
	(v2sf) =	vpush v14, $0x8  }
0x352: {  	v27 =	vld [tilespmem:s2+$0x0];
	s26 =	sshra.s32 s12, $0x1F;
	s2 =	sshrl.u32 s3, $0x1F;
	s12 =	smulhi.u32 $0x78787879, s12;
	v20 =	vsel vm3, s24, v20;
	(v2sf) =	vpush v14, $0xD;
	v15 =	vnsel vm12, $0x0, v13  }
0x353: {  	s28 =	sshra.s32 s5, $0x1F;
	s26 =	smul.u32 $0x78787879, s26;
	s3 =	sadd.s32 s17, s10;
	v28 =	vsel vm3, s0, v28;
	(v2sf) =	vpush v14, $0x9;
	v15 =	vsub.f32 v15, v19  }
0x354: {  	s17 =	sshra.s32 s5, $0x7;
	s1 =	sshrl.u32 s3, $0x1F;
	s24 =	sshra.s32 s14, $0x1F;
	v13 =	vnsel vm11, $0x0, v23;
	v23 =	vsel vm2, s18, v26;
	v19 =	vxor.u32 $0x80000000, v19  }
0x355: {  	s18 =	sshra.s32 s14, $0x7;
	vm11 =	vlt.f32 v15, v19;
	vm12 =	vgt.f32 v15, v19;
	v19 =	vsel vm3, s11, v24;
	s11 =	sshra.s32 s22, $0x7;
	s22 =	spop (v2sf)  }
0x356: {  	v25 =	vor.u32 v54, v25;
	v24 =	vmov s25;
	s25 =	sadd.s32 s26, s12;
	v19 =	vsel vm13, s16, v19;
	s10 =	spop (v2sf);
	s5 =	smulhi.u32 $0x78787879, s22  }
0x357: {  	v28 =	vsel vm4, s1, v28;
	(v2sf) =	vpush v14, $0xF;
	s16 =	sshra.s32 s3, $0x7;
	v19 =	vsel vm4, s17, v19;
	s26 =	spop (v2sf);
	s3 =	smulhi.u32 $0x78787879, s10  }
0x358: {  	v23 =	vsel vm3, s23, v23;
	vm11 =	vmor vm12, vm11;
	s8 =	sshrl.u32 s25, $0x1F;
	v19 =	vsel vm14, s28, v19;
	s28 =	spop (v2sf);
	s9 =	smulhi.u32 $0x78787879, s26  }
0x359: {  	v24 =	vsel vm2, s19, v24;
	vm12 =	vcmask $0x2724;
	s0 =	sshra.s32 s25, $0x7;
	v20 =	vsel vm4, s11, v20;
	s19 =	smulhi.u32 $0x78787879, s28;
	s14 =	spop (v2sf)  }
0x35a: {  	vm13 =	vne.s32 v27, $0x0;
	(v2sf) =	vpush v14, $0xA;
	v24 =	vsel vm3, s2, v24;
	s2 =	sshra.s32 s25, $0x1F;
	s25 =	sshra.s32 s28, $0x1F;
	s17 =	smulhi.u32 $0x78787879, s14  }
0x35b: {  	v21 =	vsel vm8, s8, v21;
	v23 =	vsel vm4, s16, v23;
	v19 =	vsel vm6, s7, v19;
	s23 =	spop (v2sf);
	s25 =	smul.u32 $0x78787879, s25  }
0x35c: {  	s20 =	sshrl.u32 s4, $0x1F;
	v26 =	vld.idx.msk [tilespmem:v27+s31+$0x0], $0xffff;
	v15 =	vnsel vm11, $0x0, v15;
	(v2sf) =	vpush v14, $0xB;
	v19 =	vsel vm12, s29, v19;
	s14 =	sshra.s32 s14, $0x1F;
	s12 =	smulhi.u32 $0x78787879, s23  }
0x35d: {  	v21 =	vsel vm9, s20, v21;
	vm12 =	vcmask $0x2F2C;
	v19 =	vsel vm7, s18, v19;
	s15 =	spop (v2sf);
	s20 =	smul.u32 $0x78787879, s14  }
0x35e: {  	v53 =	vld.idx.msk [tilespmem:v27+s30+$0x0], $0xffff;
	v24 =	vsel vm4, s21, v24;
	v20 =	vcombine.low v23, v20;
	v19 =	vsel vm12, s24, v19;
	s23 =	sshra.s32 s23, $0x1F;
	s18 =	smulhi.u32 $0x78787879, s15  }
0x35f: {  	(v2sf) =	vpush v14, $0x5;
	v23 =	vcombine.low v28, v24;
	s24 =	spop (v2sf);
	v19 =	vsel vm8, s0, v19;
	s0 =	sshra.s32 s22, $0x1F;
	s23 =	smul.u32 $0x78787879, s23  }
0x360: {  	v21 =	vperm.xlane v21, v7;
	v24 =	vadd.f32 v52, v11;
	vm12 =	vcmask $0x3734;
	s22 =	sshra.s32 s26, $0x1F;
	s26 =	sshra.s32 s15, $0x1F;
	s8 =	smulhi.u32 $0x78787879, s24  }
0x361: {  	s4 =	sshra.s32 s4, $0x7;
	v20 =	vperm.xlane v20, v6;
	s7 =	spop (v2sf);
	v19 =	vsel vm12, s2, v19;
	vm12 =	vgt.s32 v26, $0x0;
	s26 =	smul.u32 $0x78787879, s26  }
0x362: {  	v23 =	vperm.xlane v23, v6;
	s14 =	sshra.s32 s24, $0x1F;
	v55 =	vnsel vm12, $0x0, v26;
	v19 =	vsel vm9, s4, v19;
	s15 =	sshra.s32 s7, $0x1F;
	s7 =	smulhi.u32 $0x78787879, s7  }
0x363: {  	s6 =	simm.s32 $0x20;
	s28 =	spop (v2sf);
	vm12 =	veq.s32 v53, v17;
	s14 =	smul.u32 $0x78787879, s14;
	v56 =	vshll.u32 v55, $0x2;
	v32 =	vand.u32 $0x7F, v55  }
0x364: {  	s10 =	sshra.s32 s10, $0x1F;
	s21 =	spop (v2sf);
	s24 =	smulhi.u32 $0x78787879, s28;
	vm12 =	vmand vm13, vm12;
	v19 =	vperm.xlane v19, v7;
	vm13 =	vgt.s32 v26, $0xFFFFFFFF  }
0x365: {  	s1 =	sadd.s32 s20, s17;
	s16 =	sshra.s32 s28, $0x1F;
	v30 =	vand.u32 $0xFFFFFE00, v56;
	s28 =	smulhi.u32 $0x78787879, s21;
	vm12 =	vmand vm12, vm13;
	vm13 =	vlt.u32 v17, $0x1F4  }
0x366: {  	s4 =	spop (v2sf);
	s20 =	sshra.s32 s21, $0x1F;
	s21 =	smul.u32 $0x78787879, s22;
	v17 =	vsel vm1, v21, v23;
	v30 =	vor.u32 v32, v30;
	v11 =	vsel vm1, v19, v20  }
0x367: {  	s25 =	sadd.s32 s25, s19;
	s17 =	sadd.s32 s23, s12;
	v26 =	vand.u32 $0x7FFFFFFF, v18;
	s2 =	smulhi.u32 $0x78787879, s4;
	v20 =	vcvt.s32.f32 v12;
	v12 =	vadd.s32 v17, v11  }
0x368: {  	(v2sf) =	vpush v14, $0x6;
	v23 =	vld [tilespmem:s6+$0x0];
	s11 =	sshra.s32 s4, $0x1F;
	s4 =	sadd.s32 s26, s18;
	vm13 =	vmand vm13, vm12;
	s26 =	sshrl.u32 s17, $0x1F;
	v17 =	vmul.u32 $0xFFFFFEF0, v12  }
0x369: {  	s19 =	sshra.s32 s1, $0x1F;
	s23 =	simm.s32 $0xA00;
	s16 =	smul.u32 $0x78787879, s16;
	vm12 =	vlt.s32 v22, $0x1;
	v21 =	vmov s26;
	v16 =	vmul.f32 v20, v16  }
0x36a: {  	s13 =	simm.s32 $0x1200;
	s18 =	smul.u32 $0x78787879, s10;
	v19 =	vld.idx.msk [tilespmem:v25+s23+$0x0], $0xffff;
	v25 =	vmov s19;
	v21 =	vnsel vm5, $0x0, v21;
	v17 =	vadd.s32 v22, v17  }
0x36b: {  	s20 =	smul.u32 $0x78787879, s20;
	s26 =	sshra.s32 s17, $0x7;
	v13 =	vsub.f32 v16, v13;
	v18 =	vld.idx.msk [tilespmem:v30+s13+$0x0], $0xffff;
	s13 =	simm.s32 $0x420;
	vm11 =	vlt.s32 v17, $0x0;
	v22 =	vadd.s32 $0x110, v17  }
0x36c: {  	s19 =	sadd.s32 s16, s24;
	s17 =	sshra.s32 s17, $0x1F;
	v25 =	vsel vm5, s26, v25;
	v11 =	vld [tilespmem:s13+$0x0];
	s13 =	sshrl.u32 s25, $0x1F;
	v22 =	vsel vm11, v22, v17;
	vm11 =	vne.s32 v17, $0x0  }
0x36d: {  	s16 =	sadd.s32 s20, s28;
	s20 =	sshra.s32 s25, $0x7;
	s22 =	spop (v2sf);
	v17 =	vsel vm15, s17, v25;
	v13 =	vand.u32 $0x7FFFFFFF, v13;
	v21 =	vsel vm2, s13, v21  }
0x36e: {  	s24 =	sshra.s32 s25, $0x1F;
	s23 =	spop (v2sf);
	s13 =	smul.u32 $0x78787879, s15;
	vm11 =	vmand vm12, vm11;
	v25 =	vsel vm2, s20, v17;
	v17 =	vor.u32 s6, v2  }
0x36f: {  	s18 =	sadd.s32 s18, s3;
	s12 =	smulhi.u32 $0x78787879, s23;
	s23 =	sshra.s32 s23, $0x1F;
	v16 =	vand.u32 $0x7F, v22;
	v22 =	vshll.u32 v22, $0x3;
	v25 =	vsel vm10, s24, v25  }
0x370: {  	s17 =	smul.u32 $0x78787879, s23;
	v27 =	vld.idx.msk [tilespmem:v23+s30+$0x0], $0xffff;
	v60 =	vsel vm11, $0xFFFFFFFF, v9;
	v22 =	vand.u32 $0xFFFFFC00, v22;
	vm10 =	vcmask $0x1714;
	s23 =	sadd.s32 s13, s7;
	s13 =	sshrl.u32 s18, $0x1F  }
0x371: {  	v12 =	vadd.s32 v60, v12;
	v18 =	vnsel vm13, $0x0, v18;
	v21 =	vsel vm3, s13, v21  }
0x372: {  	s0 =	smul.u32 $0x78787879, s0;
	s8 =	sadd.s32 s14, s8;
	s25 =	sshrl.u32 s23, $0x1F;
	v61 =	vshrl.u32 v12, $0x3;
	v12 =	vshll.u32 v12, $0x7;
	v18 =	vsub.f32 v18, v19  }
0x373: {  	s10 =	sadd.s32 s21, s9;
	s13 =	sshra.s32 s8, $0x7;
	s23 =	sshra.s32 s23, $0x7;
	v19 =	vxor.u32 $0x80000000, v19;
	(v2sf) =	vpush v11, $0xE;
	v57 =	vmov s25  }
0x374: {  	s28 =	sshra.s32 s22, $0x1F;
	s22 =	smulhi.u32 $0x78787879, s22;
	s21 =	spop (v2sf);
	v58 =	vmov s23;
	v59 =	vmov s13;
	v29 =	vmul.u32 $0xC00, v61  }
0x375: {  	s3 =	sshrl.u32 s16, $0x1F;
	s26 =	smulhi.u32 $0x78787879, s21;
	s20 =	sshra.s32 s19, $0x7;
	v12 =	vand.u32 $0x380, v12;
	(v2sf) =	vpush v11, $0x2;
	vm11 =	veq.s32 v27, v17  }
0x376: {  	s21 =	sshra.s32 s21, $0x1F;
	v20 =	vld.idx.msk [tilespmem:v23+s31+$0x0], $0xffff;
	s25 =	smul.u32 $0x78787879, s28;
	v27 =	vsel vm2, s20, v59;
	v28 =	vsel vm2, s3, v57;
	vm13 =	vlt.f32 v18, v19  }
0x377: {  	s21 =	smul.u32 $0x78787879, s21;
	vm12 =	vgt.f32 v18, v19;
	(v2sf) =	vpush v11, $0x4;
	v19 =	vmov s6  }
0x378: {  	s6 =	sshrl.u32 s4, $0x1F;
	s22 =	sadd.s32 s25, s22;
	s25 =	sshra.s32 s18, $0x7;
	v22 =	vadd.s32 v22, v29;
	(v2sf) =	vpush v11, $0x1;
	vm12 =	vmor vm12, vm13  }
0x379: {  	s0 =	sadd.s32 s0, s5;
	s11 =	smul.u32 $0x78787879, s11;
	v21 =	vsel vm4, s6, v21;
	vm13 =	vne.s32 v23, $0x0;
	v25 =	vsel vm3, s25, v25  }
0x37a: {  	s14 =	sadd.s32 s21, s26;
	s21 =	sshrl.u32 s19, $0x1F;
	s18 =	sshra.s32 s18, $0x1F;
	v12 =	vor.u32 v12, v22;
	v19 =	vshll.u32 v19, $0x2;
	(v2sf) =	vpush v11, $0x7  }
0x37b: {  	s23 =	sshrl.u32 s8, $0x1F;
	s8 =	sshrl.u32 s10, $0x1F;
	s19 =	sshrl.u32 s22, $0x1F;
	vm11 =	vmand vm13, vm11;
	vm13 =	vgt.s32 v20, $0x0;
	v25 =	vsel vm10, s18, v25  }
0x37c: {  	s9 =	simm.s32 $0x610;
	s29 =	sshra.s32 s10, $0x1F;
	s16 =	sshra.s32 s16, $0x7;
	vm10 =	vcmask $0x2724;
	v28 =	vsel vm3, s19, v28;
	v21 =	vsel vm6, s8, v21  }
0x37d: {  	s2 =	sadd.s32 s11, s2;
	s7 =	simm.s32 $0x30;
	s12 =	sadd.s32 s17, s12;
	v16 =	vor.u32 v16, v12;
	v19 =	vand.u32 $0x600, v19;
	(v2sf) =	vpush v11, $0x0  }
0x37e: {  	s13 =	sshra.s32 s4, $0x7;
	s28 =	sshra.s32 s4, $0x1F;
	s10 =	sshra.s32 s10, $0x7;
	v23 =	vnsel vm13, $0x0, v20;
	vm13 =	vgt.s32 v20, $0xFFFFFFFF;
	(v2sf) =	vpush v11, $0x3  }
0x37f: {  	s4 =	sshrl.u32 s2, $0x1F;
	s15 =	spop (v2sf);
	s6 =	sshrl.u32 s14, $0x1F;
	v20 =	vadd.f32 v26, v24;
	v24 =	vsel vm2, s16, v58;
	v26 =	vmov s23  }
0x380: {  	s2 =	sshra.s32 s2, $0x7;
	s5 =	sshra.s32 s22, $0x7;
	s26 =	sshra.s32 s15, $0x1F;
	v25 =	vsel vm4, s13, v25;
	v21 =	vsel vm7, s6, v21;
	(v2sf) =	vpush v11, $0xC  }
0x381: {  	s22 =	sshrl.u32 s0, $0x1F;
	s24 =	smul.u32 $0x78787879, s26;
	s26 =	sshra.s32 s0, $0x7;
	vm11 =	vmand vm11, vm13;
	v25 =	vsel vm14, s28, v25;
	(v2sf) =	vpush v11, $0x8  }
0x382: {  	s15 =	smulhi.u32 $0x78787879, s15;
	s18 =	sshra.s32 s14, $0x7;
	s14 =	sshra.s32 s14, $0x1F;
	v26 =	vsel vm2, s21, v26;
	v27 =	vsel vm3, s26, v27;
	v24 =	vsel vm3, s5, v24  }
0x383: {  	s0 =	sshrl.u32 s12, $0x1F;
	s16 =	sshrl.u32 s1, $0x1F;
	s12 =	sshra.s32 s12, $0x7;
	v63 =	vshll.u32 v23, $0x2;
	v23 =	vand.u32 $0x7F, v23;
	(v2sf) =	vpush v11, $0xD  }
0x384: {  	s1 =	sshra.s32 s1, $0x7;
	s20 =	sadd.s32 s24, s15;
	v25 =	vsel vm6, s10, v25;
	v26 =	vsel vm3, s22, v26;
	v12 =	vadd.f32 v13, v20;
	s13 =	spop (v2sf)  }
0x385: {  	s26 =	simm.s32 $0x600;
	v24 =	vsel vm4, s12, v24;
	s21 =	sshrl.u32 s20, $0x1F;
	v25 =	vsel vm10, s29, v25;
	vm10 =	vcmask $0x2F2C;
	s11 =	spop (v2sf)  }
0x386: {  	v25 =	vsel vm7, s18, v25;
	v20 =	vsel vm8, s21, v21;
	(v2sf) =	vpush v11, $0x9;
	s25 =	smulhi.u32 $0x78787879, s13;
	s13 =	sshra.s32 s13, $0x1F;
	s23 =	spop (v2sf)  }
0x387: {  	s3 =	sshra.s32 s20, $0x7;
	v25 =	vsel vm10, s14, v25;
	vm10 =	vcmask $0x3734;
	(v2sf) =	vpush v11, $0xF;
	s10 =	smulhi.u32 $0x78787879, s11;
	[dreg:$0x1a] =	wrdreg s13  }
0x388: {  	v62 =	vld [tilespmem:s26+$0x0];
	s17 =	sshra.s32 s20, $0x1F;
	v22 =	vsel vm8, s3, v25;
	v25 =	vsel vm4, s4, v26;
	v26 =	vsel vm4, s2, v27;
	s24 =	spop (v2sf);
	s15 =	smulhi.u32 $0x78787879, s23  }
0x389: {  	v20 =	vsel vm9, s16, v20;
	v24 =	vcombine.low v24, v26;
	v26 =	vand.u32 $0xFFFFFE00, v63;
	[dreg:$0x16] =	wrdreg s25;
	s18 =	sshra.s32 s23, $0x1F;
	s19 =	smulhi.u32 $0x78787879, s24  }
0x38a: {  	v20 =	vperm.xlane v20, v7;
	v23 =	vor.u32 v23, v26;
	v26 =	vld [tilespmem:s9+$0x0];
	s9 =	simm.s32 $0x30;
	(v2sf) =	vpush v11, $0xA;
	s25 =	spop (v2sf);
	s18 =	smul.u32 $0x78787879, s18  }
0x38b: {  	v27 =	vsel vm4, s0, v28;
	v22 =	vsel vm10, s17, v22;
	(v2sf) =	vpush v11, $0xB;
	s11 =	sshra.s32 s11, $0x1F;
	s24 =	sshra.s32 s24, $0x1F;
	s20 =	smulhi.u32 $0x78787879, s25  }
0x38c: {  	v25 =	vcombine.low v27, v25;
	v22 =	vsel vm9, s1, v22;
	(v2sf) =	vpush v11, $0x5;
	s14 =	spop (v2sf);
	s25 =	sshra.s32 s25, $0x1F;
	s3 =	smul.u32 $0x78787879, s24  }
0x38d: {  	vm13 =	vlt.u32 v17, $0x1F4;
	v21 =	vcvt.s32.f32 v62;
	v22 =	vperm.xlane v22, v7;
	s13 =	smulhi.u32 $0x78787879, s14;
	s26 =	spop (v2sf);
	s22 =	sshra.s32 s14, $0x1F  }
0x38e: {  	v17 =	vand.u32 $0x7F, v17;
	v24 =	vperm.xlane v24, v6;
	v25 =	vperm.xlane v25, v6;
	s21 =	smul.u32 $0x78787879, s25;
	s15 =	sadd.s32 s18, s15;
	s18 =	simm.s32 $0x1200  }
0x38f: {  	v19 =	vor.u32 v17, v19;
	s28 =	smulhi.u32 $0x78787879, s26;
	s6 =	spop (v2sf);
	s26 =	sshra.s32 s26, $0x1F  }
0x390: {  	v27 =	vmul.f32 v21, v15;
	v15 =	vsel vm1, v22, v24;
	v17 =	vsel vm1, v20, v25;
	s3 =	sadd.s32 s3, s19;
	s22 =	smul.u32 $0x78787879, s22;
	s5 =	spop (v2sf)  }
0x391: {  	v17 =	vadd.s32 v17, v15;
	v15 =	vnsel vm12, $0x0, v18;
	v18 =	vld.idx.msk [tilespmem:v23+s18+$0x0], $0xffff;
	s4 =	smulhi.u32 $0x78787879, s6;
	s16 =	sshra.s32 s6, $0x1F;
	s6 =	simm.s32 $0x1A00  }
0x392: {  	s19 =	sshra.s32 s3, $0x1F;
	s18 =	sshra.s32 s3, $0x7;
	s8 =	spop (v2sf);
	v16 =	vld.idx.msk [tilespmem:v16+s6+$0x0], $0xffff  }
0x393: {  	s2 =	sshra.s32 s5, $0x1F;
	s6 =	sadd.s32 s21, s20;
	s17 =	smulhi.u32 $0x78787879, s8  }
0x394: {  	s25 =	sadd.s32 s22, s13;
	s0 =	sshra.s32 s8, $0x1F;
	s8 =	smul.u32 $0x78787879, s26  }
0x395: {  	s13 =	simm.s32 $0x620;
	s14 =	spop (v2sf);
	s26 =	smul.u32 $0x78787879, s11  }
0x396: {  	s21 =	sshra.s32 s6, $0x1F;
	s29 =	spop (v2sf);
	s24 =	smulhi.u32 $0x78787879, s14  }
0x397: {  	s22 =	sshrl.u32 s25, $0x1F;
	v20 =	vmov s21;
	s21 =	simm.s32 $0x430;
	s23 =	smulhi.u32 $0x78787879, s29;
	v16 =	vmul.f32 v21, v16  }
0x398: {  	vm11 =	vmand vm13, vm11;
	v13 =	vimm.f32 $0.0e+00;
	v22 =	vmul.u32 $0xFFFFFEF0, v17;
	s1 =	sshra.s32 s29, $0x1F;
	s29 =	sshra.s32 s14, $0x1F;
	s12 =	sadd.s32 s8, s28  }
0x399: {  	vm12 =	vlt.s32 v14, $0x1;
	s14 =	sshra.s32 s25, $0x7;
	s28 =	smul.u32 $0x78787879, s0;
	s20 =	spop (v2sf);
	(v2sf) =	vpush v11, $0x6;
	v25 =	vsub.f32 v16, v27  }
0x39a: {  	v22 =	vadd.s32 v14, v22;
	s30 =	smul.u32 $0x78787879, s29;
	v24 =	vsel vm5, s14, v20;
	v21 =	vmov s22;
	s22 =	simm.s32 $0xA00;
	s31 =	spop (v2sf)  }
0x39b: {  	v19 =	vld.idx.msk [tilespmem:v19+s22+$0x0], $0xffff;
	v21 =	vnsel vm5, $0x0, v21;
	v16 =	vcvt.s32.f32 v26;
	s22 =	sshra.s32 s20, $0x1F;
	v20 =	vand.u32 $0x7FFFFFFF, v25;
	s0 =	smulhi.u32 $0x78787879, s31;
	s29 =	spop (v2sf)  }
.LBB2_13:
0x39c: {  	_ =	sdelay $0x4  }
0x39d: {  	s14 =	smulhi.u32 $0x78787879, s29  }
0x39e: {  	s20 =	smulhi.u32 $0x78787879, s20  }
0x39f: {  	v14 =	vld [tilespmem:s21+$0x0];
	s11 =	sshrl.u32 s3, $0x1F;
	s8 =	smov.u32 s7;
	s5 =	smulhi.u32 $0x78787879, s5  }
0x3a0: {  	s25 =	sshra.s32 s25, $0x1F;
	s16 =	smul.u32 $0x78787879, s16;
	s29 =	sshra.s32 s29, $0x1F  }
0x3a1: {  	vm13 =	vlt.s32 v22, $0x0;
	v23 =	vadd.s32 $0x110, v22;
	p1 =	seq.s32 s7, $0x1F0;
	s21 =	sadd.s32 $0x10, s21;
	s28 =	sadd.s32 s28, s17;
	v18 =	vnsel vm11, $0x0, v18  }
0x3a2: {  	v13 =	vadd.f32 v20, v13;
	s24 =	sadd.s32 s30, s24;
	v20 =	vsel vm13, v23, v22;
	s30 =	smul.u32 $0x78787879, s2;
	s17 =	sshra.s32 s31, $0x1F;
	v18 =	vsub.f32 v18, v19  }
0x3a3: {  	v25 =	vsel vm2, s11, v21;
	s11 =	sadd.s32 $0x10, s7;
	s10 =	sadd.s32 s26, s10;
	v21 =	vand.u32 $0x7F, v20;
	s2 =	sshrl.u32 s24, $0x1F;
	v19 =	vxor.u32 $0x80000000, v19  }
0x3a4: {  	v20 =	vshll.u32 v20, $0x3;
	s17 =	smul.u32 $0x78787879, s17;
	s24 =	sshra.s32 s24, $0x7;
	vm13 =	vlt.f32 v18, v19;
	s3 =	spop (v2sf);
	(v2sf) =	vpush v14, $0xE  }
0x3a5: {  	s26 =	sshrl.u32 s10, $0x1F;
	s5 =	sadd.s32 s30, s5;
	vm14 =	vgt.f32 v18, v19;
	v19 =	vsel vm15, s25, v24;
	s25 =	smul.u32 $0x78787879, s29;
	(v2sf) =	vpush v14, $0x2  }
0x3a6: {  	v23 =	vand.u32 $0xFFFFFC00, v20;
	v25 =	vsel vm3, s26, v25;
	s29 =	sshra.s32 s28, $0x7;
	s26 =	sshra.s32 s5, $0x7;
	s17 =	sadd.s32 s17, s0;
	(v2sf) =	vpush v14, $0x4  }
0x3a7: {  	v20 =	vmov s8;
	v24 =	vld [tilespmem:s9+$0x0];
	s9 =	sadd.s32 $0x10, s9;
	v26 =	vsel vm2, s18, v19;
	v19 =	vor.u32 s8, v2;
	s8 =	sadd.s32 s16, s4;
	s16 =	smul.u32 $0x78787879, s1  }
0x3a8: {  	vm11 =	vne.s32 v22, $0x0;
	s18 =	sshrl.u32 s5, $0x1F;
	s5 =	sshrl.u32 s15, $0x1F;
	s0 =	sshrl.u32 s17, $0x1F;
	(v2sf) =	vpush v14, $0x1  }
0x3a9: {  	vm10 =	vcmask $0xF0C;
	vm11 =	vmand vm12, vm11;
	v27 =	vmov s18;
	s18 =	smul.u32 $0x78787879, s22;
	s4 =	sadd.s32 s25, s14;
	s14 =	sshra.s32 s8, $0x7  }
0x3aa: {  	v28 =	vmov s26;
	s25 =	sshrl.u32 s12, $0x1F;
	v26 =	vsel vm10, s19, v26;
	s19 =	sshrl.u32 s28, $0x1F;
	s8 =	sshrl.u32 s8, $0x1F;
	(v2sf) =	vpush v14, $0x7  }
0x3ab: {  	v28 =	vsel vm2, s24, v28;
	s24 =	sshra.s32 s15, $0x7;
	s1 =	sshrl.u32 s4, $0x1F;
	v25 =	vsel vm4, s25, v25;
	s25 =	rddreg [dreg:$0x1a];
	(v2sf) =	vpush v14, $0x0  }
0x3ac: {  	v31 =	vsel vm11, $0xFFFFFFFF, v9;
	s16 =	sadd.s32 s16, s23;
	s22 =	smul.u32 $0x78787879, s25;
	s18 =	sadd.s32 s18, s20  }
0x3ad: {  	vm10 =	vcmask $0x1714;
	v30 =	vmov s8;
	s25 =	sshra.s32 s10, $0x7;
	s10 =	sshra.s32 s10, $0x1F;
	s8 =	sshrl.u32 s18, $0x1F;
	(v2sf) =	vpush v14, $0x3  }
0x3ae: {  	v29 =	vmov s14;
	v27 =	vsel vm2, s2, v27;
	s18 =	sshra.s32 s18, $0x7;
	v26 =	vsel vm3, s25, v26;
	s25 =	sshra.s32 s12, $0x7;
	s26 =	sshra.s32 s3, $0x1F  }
0x3af: {  	v26 =	vsel vm10, s10, v26;
	v27 =	vsel vm3, s8, v27;
	s8 =	sshra.s32 s6, $0x7;
	s14 =	smul.u32 $0x78787879, s26;
	s26 =	rddreg [dreg:$0x16];
	(v2sf) =	vpush v14, $0xC  }
0x3b0: {  	v22 =	vshll.u32 v20, $0x2;
	v17 =	vadd.s32 v31, v17;
	v26 =	vsel vm4, s25, v26;
	s25 =	simm.s32 $0x1E600;
	s22 =	sadd.s32 s22, s26;
	s26 =	sshra.s32 s12, $0x1F  }
0x3b1: {  	vm13 =	vmor vm14, vm13;
	s12 =	sshra.s32 s15, $0x1F;
	s15 =	sshrl.u32 s16, $0x1F;
	s20 =	sshrl.u32 s22, $0x1F;
	v26 =	vsel vm0, s26, v26;
	(v2sf) =	vpush v14, $0x8  }
0x3b2: {  	v29 =	vsel vm2, s29, v29;
	vm10 =	vcmask $0x2724;
	s22 =	sshra.s32 s22, $0x7;
	s26 =	smulhi.u32 $0x78787879, s3;
	s3 =	sshra.s32 s16, $0x7;
	v26 =	vsel vm6, s24, v26  }
0x3b3: {  	v32 =	vld.idx.msk [tilespmem:v24+s25+$0x0], $0xffff;
	v29 =	vsel vm3, s22, v29;
	s22 =	sshra.s32 s4, $0x7;
	s4 =	sshra.s32 s4, $0x1F;
	v26 =	vsel vm10, s12, v26;
	(v2sf) =	vpush v14, $0xD;
	s25 =	spop (v2sf)  }
0x3b4: {  	v30 =	vsel vm2, s19, v30;
	vm2 =	vcmask $0x2F2C;
	s23 =	sadd.s32 s14, s26;
	v26 =	vsel vm7, s22, v26;
	s14 =	smulhi.u32 $0x78787879, s25;
	s12 =	spop (v2sf)  }
0x3b5: {  	s16 =	sshrl.u32 s6, $0x1F;
	v30 =	vsel vm3, s20, v30;
	s10 =	sshra.s32 s23, $0x7;
	v26 =	vsel vm2, s4, v26;
	(v2sf) =	vpush v14, $0x9;
	s20 =	spop (v2sf)  }
0x3b6: {  	v28 =	vsel vm3, s18, v28;
	s18 =	sshra.s32 s23, $0x1F;
	v26 =	vsel vm8, s10, v26;
	(v2sf) =	vpush v14, $0xF;
	s10 =	smulhi.u32 $0x78787879, s12;
	[dreg:$0x16] =	wrdreg s14  }
0x3b7: {  	v31 =	vshrl.u32 v17, $0x3;
	v17 =	vshll.u32 v17, $0x7;
	v30 =	vsel vm4, s15, v30;
	s19 =	sshra.s32 s25, $0x1F;
	s14 =	spop (v2sf);
	s15 =	smulhi.u32 $0x78787879, s20  }
0x3b8: {  	v22 =	vand.u32 $0x600, v22;
	v31 =	vmul.u32 $0xC00, v31;
	vm10 =	vcmask $0x3734;
	[dreg:$0x1a] =	wrdreg s19;
	s7 =	sshra.s32 s20, $0x1F;
	s6 =	smulhi.u32 $0x78787879, s14  }
0x3b9: {  	v25 =	vsel vm6, s5, v25;
	s24 =	simm.s32 $0x1E200;
	v26 =	vsel vm10, s18, v26;
	(v2sf) =	vpush v14, $0xA;
	s18 =	spop (v2sf);
	s7 =	smul.u32 $0x78787879, s7  }
0x3ba: {  	v20 =	vand.u32 $0x7F, v19;
	v17 =	vand.u32 $0x380, v17;
	v25 =	vsel vm7, s1, v25;
	s26 =	sshrl.u32 s23, $0x1F;
	s1 =	smulhi.u32 $0x78787879, s18;
	s23 =	spop (v2sf)  }
0x3bb: {  	v20 =	vor.u32 v20, v22;
	v23 =	vadd.s32 v23, v31;
	s4 =	sshra.s32 s14, $0x1F;
	(v2sf) =	vpush v14, $0xB;
	s19 =	sshra.s32 s18, $0x1F;
	s18 =	smulhi.u32 $0x78787879, s23  }
0x3bc: {  	v17 =	vor.u32 v17, v23;
	vm15 =	vne.s32 v24, $0x0;
	v33 =	vld.idx.msk [tilespmem:v24+s24+$0x0], $0xffff;
	s22 =	sshra.s32 s23, $0x1F;
	s24 =	spop (v2sf);
	(v2sf) =	vpush v14, $0x5;
	s23 =	smul.u32 $0x78787879, s4  }
0x3bd: {  	s17 =	sshra.s32 s17, $0x7;
	v17 =	vor.u32 v21, v17;
	v27 =	vsel vm4, s0, v27;
	v26 =	vsel vm9, s8, v26;
	s8 =	smul.u32 $0x78787879, s19;
	s15 =	sadd.s32 s7, s15  }
0x3be: {  	v28 =	vsel vm4, s17, v28;
	vm12 =	vgt.s32 v32, $0x0;
	v25 =	vsel vm8, s26, v25;
	s7 =	smov.u32 s11;
	s25 =	smulhi.u32 $0x78787879, s24;
	s26 =	spop (v2sf)  }
0x3bf: {  	vm11 =	vgt.s32 v32, $0xFFFFFFFF;
	v23 =	vnsel vm12, $0x0, v32;
	v25 =	vsel vm9, s16, v25;
	s14 =	sshra.s32 s24, $0x1F;
	s22 =	smul.u32 $0x78787879, s22;
	s16 =	sshra.s32 s26, $0x1F  }
0x3c0: {  	v21 =	vsel vm4, s3, v29;
	v24 =	vshll.u32 v23, $0x2;
	v23 =	vand.u32 $0x7F, v23;
	s5 =	spop (v2sf);
	s4 =	smulhi.u32 $0x78787879, s26;
	s3 =	sadd.s32 s23, s6  }
0x3c1: {  	v24 =	vand.u32 $0xFFFFFE00, v24;
	v21 =	vcombine.low v28, v21;
	vm14 =	veq.s32 v33, v19;
	s26 =	simm.s32 $0x1A00;
	s6 =	sadd.s32 s8, s1;
	s14 =	smul.u32 $0x78787879, s14  }
0x3c2: {  	v27 =	vcombine.low v27, v30;
	vm14 =	vmand vm15, vm14;
	s2 =	sshra.s32 s5, $0x1F;
	s20 =	spop (v2sf);
	v62 =	vld.idx.msk [tilespmem:v17+s26+$0x0], $0xffff;
	s26 =	sshra.s32 s12, $0x1F;
	v17 =	vor.u32 v23, v24  }
0x3c3: {  	v25 =	vperm.xlane v25, v7;
	v22 =	vperm.xlane v26, v7;
	vm11 =	vmand vm14, vm11;
	s8 =	sshra.s32 s6, $0x1F;
	v24 =	vld [tilespmem:s13+$0x0];
	s13 =	sadd.s32 $0x10, s13;
	s17 =	smulhi.u32 $0x78787879, s20  }
0x3c4: {  	vm14 =	vlt.u32 v19, $0x1F4;
	v19 =	vperm.xlane v21, v6;
	v21 =	vperm.xlane v27, v6;
	s0 =	sshra.s32 s20, $0x1F;
	s24 =	spop (v2sf);
	s26 =	smul.u32 $0x78787879, s26  }
0x3c5: {  	v63 =	vmul.f32 v16, v15;
	v15 =	vnsel vm13, $0x0, v18;
	s19 =	spop (v2sf);
	s28 =	sshra.s32 s24, $0x1F;
	s24 =	smulhi.u32 $0x78787879, s24  }
0x3c6: {  	vm12 =	vlt.s32 v11, $0x1;
	v19 =	vsel vm1, v22, v19;
	v21 =	vsel vm1, v25, v21;
	s12 =	sadd.s32 s14, s25;
	s25 =	simm.s32 $0x1200;
	s23 =	smulhi.u32 $0x78787879, s19  }
.Ltmp8:
0x3c7: {  	vm2 =	vcmask $0xB08;
	v18 =	vld.idx.msk [tilespmem:v17+s25+$0x0], $0xffff;
	v17 =	vadd.s32 v21, v19;
	v16 =	vmul.f32 v16, v62;
	s25 =	sadd.s32 s22, s18;
	s22 =	simm.s32 $0xA00;
	(pc) =	sbr.rel @!p1 .LBB2_13-.Ltmp8, $4  }
0x3c8: {  	vm15 =	vcmask $0x704;
	vm11 =	vmand vm14, vm11;
	s1 =	sshra.s32 s19, $0x1F;
	s20 =	spop (v2sf);
	s30 =	smul.u32 $0x78787879, s28;
	v19 =	vld.idx.msk [tilespmem:v20+s22+$0x0], $0xffff;
	v20 =	vmul.u32 $0xFFFFFEF0, v17  }
0x3c9: {  	(v2sf) =	vpush v14, $0x6;
	v23 =	vmov s8;
	s19 =	sshra.s32 s3, $0x1F;
	s28 =	smul.u32 $0x78787879, s0;
	s14 =	sshrl.u32 s25, $0x1F;
	v25 =	vsub.f32 v16, v63  }
0x3ca: {  	s18 =	sshra.s32 s3, $0x7;
	v21 =	vmov s14;
	s14 =	sshra.s32 s25, $0x7;
	v16 =	vcvt.s32.f32 v24;
	v22 =	vadd.s32 v11, v20;
	s31 =	spop (v2sf)  }
0x3cb: {  	s22 =	sshra.s32 s20, $0x1F;
	v11 =	vmovc v14;
	v21 =	vnsel vm5, $0x0, v21;
	v24 =	vsel vm5, s14, v23;
	v20 =	vand.u32 $0x7FFFFFFF, v25;
	s0 =	smulhi.u32 $0x78787879, s31;
	s29 =	spop (v2sf)  }
0x3cc: {  	s2 =	smul.u32 $0x78787879, s2  }
0x3cd: {  	s5 =	smulhi.u32 $0x78787879, s5  }
0x3ce: {  	s8 =	smulhi.u32 $0x78787879, s29  }
0x3cf: {  	s7 =	sadd.s32 s28, s17;
	s11 =	smulhi.u32 $0x78787879, s20  }
0x3d0: {  	s9 =	sadd.s32 s30, s24;
	s10 =	sadd.s32 s26, s10;
	s20 =	smul.u32 $0x78787879, s16  }
0x3d1: {  	s14 =	sshra.s32 s29, $0x1F;
	s24 =	sshra.s32 s25, $0x1F;
	s25 =	smul.u32 $0x78787879, s22  }
0x3d2: {  	s3 =	sshrl.u32 s3, $0x1F;
	s21 =	sshra.s32 s31, $0x1F;
	s1 =	smul.u32 $0x78787879, s1  }
0x3d3: {  	s28 =	rddreg [dreg:$0x16];
	s22 =	sshrl.u32 s12, $0x1F;
	s14 =	smul.u32 $0x78787879, s14  }
0x3d4: {  	s16 =	smul.u32 $0x78787879, s21;
	s21 =	rddreg [dreg:$0x1a];
	s26 =	sshrl.u32 s10, $0x1F  }
0x3d5: {  	s2 =	sadd.s32 s2, s5;
	s4 =	sadd.s32 s20, s4;
	s21 =	smul.u32 $0x78787879, s21  }
0x3d6: {  	v14 =	vsel vm15, s24, v24;
	v21 =	vsel vm2, s3, v21;
	s11 =	sadd.s32 s25, s11;
	s20 =	sshra.s32 s7, $0x7;
	s1 =	sadd.s32 s1, s23  }
0x3d7: {  	vm10 =	vcmask $0xF0C;
	v14 =	vsel vm2, s18, v14;
	v21 =	vsel vm3, s26, v21;
	s25 =	sshra.s32 s12, $0x7;
	s8 =	sadd.s32 s14, s8;
	s14 =	sshrl.u32 s9, $0x1F  }
0x3d8: {  	vm15 =	vmmov vm0;
	s9 =	sshra.s32 s9, $0x7;
	s30 =	sshrl.u32 s2, $0x1F;
	v14 =	vsel vm10, s19, v14;
	s19 =	sshra.s32 s10, $0x7;
	v21 =	vsel vm4, s22, v21  }
0x3d9: {  	s31 =	sshra.s32 s4, $0x7;
	s2 =	sshra.s32 s2, $0x7;
	vm10 =	vcmask $0x1714;
	s26 =	sshrl.u32 s4, $0x1F;
	v14 =	vsel vm3, s19, v14;
	v23 =	vmov s30  }
0x3da: {  	s0 =	sadd.s32 s16, s0;
	s10 =	sshra.s32 s10, $0x1F;
	s16 =	sshrl.u32 s15, $0x1F;
	v51 =	vmov s2;
	v25 =	vmov s31;
	v26 =	vmov s26  }
0x3db: {  	s18 =	sadd.s32 s21, s28;
	s30 =	sshra.s32 s12, $0x1F;
	s31 =	sshrl.u32 s7, $0x1F;
	v21 =	vsel vm6, s16, v21;
	v14 =	vsel vm10, s10, v14;
	v24 =	vsel vm2, s9, v51  }
0x3dc: {  	s7 =	sshra.s32 s15, $0x7;
	s12 =	sshra.s32 s15, $0x1F;
	s17 =	sshra.s32 s8, $0x7;
	v25 =	vsel vm2, s20, v25;
	v26 =	vsel vm2, s31, v26;
	v14 =	vsel vm4, s25, v14  }
0x3dd: {  	s19 =	sshrl.u32 s8, $0x1F;
	s9 =	sshra.s32 s11, $0x7;
	v23 =	vsel vm2, s14, v23;
	vm10 =	vcmask $0x2F2C;
	v14 =	vsel vm0, s30, v14;
	s5 =	spop (v2sf)  }
0x3de: {  	s10 =	sshra.s32 s18, $0x7;
	v21 =	vsel vm7, s19, v21;
	vm0 =	vcmask $0x2724;
	v14 =	vsel vm6, s7, v14;
	s24 =	sshra.s32 s5, $0x1F;
	s5 =	smulhi.u32 $0x78787879, s5  }
0x3df: {  	s20 =	sshrl.u32 s11, $0x1F;
	s22 =	sshrl.u32 s18, $0x1F;
	v25 =	vsel vm3, s10, v25;
	v24 =	vsel vm3, s9, v24;
	v14 =	vsel vm0, s12, v14;
	s28 =	smul.u32 $0x78787879, s24  }
0x3e0: {  	s21 =	sshra.s32 s8, $0x1F;
	v23 =	vsel vm3, s20, v23;
	v26 =	vsel vm3, s22, v26;
	s25 =	sshrl.u32 s1, $0x1F;
	s1 =	sshra.s32 s1, $0x7;
	v14 =	vsel vm7, s17, v14  }
0x3e1: {  	v26 =	vsel vm4, s25, v26;
	v25 =	vsel vm4, s1, v25;
	v14 =	vsel vm10, s21, v14;
	s3 =	sadd.s32 s28, s5;
	s28 =	sshrl.u32 s0, $0x1F;
	s0 =	sshra.s32 s0, $0x7  }
0x3e2: {  	vm10 =	vcmask $0x3734;
	s23 =	sshrl.u32 s3, $0x1F;
	s24 =	sshra.s32 s3, $0x7;
	v23 =	vsel vm4, s28, v23;
	v24 =	vsel vm4, s0, v24  }
0x3e3: {  	s26 =	sshrl.u32 s6, $0x1F;
	s3 =	sshra.s32 s3, $0x1F;
	v14 =	vsel vm8, s24, v14;
	v21 =	vsel vm8, s23, v21;
	v24 =	vcombine.low v24, v25  }
0x3e4: {  	s30 =	sshra.s32 s6, $0x7;
	v23 =	vcombine.low v23, v26;
	v14 =	vsel vm10, s3, v14;
	v21 =	vsel vm9, s26, v21  }
0x3e5: {  	v14 =	vsel vm9, s30, v14;
	v21 =	vperm.xlane v21, v7;
	v24 =	vperm.xlane v24, v6  }
0x3e6: {  	v23 =	vperm.xlane v23, v6;
	v14 =	vperm.xlane v14, v7;
	_ =	sdelay $0x1  }
0x3e7: {  	v21 =	vsel vm1, v21, v23;
	v14 =	vsel vm1, v14, v24  }
0x3e8: {  	vm13 =	vlt.s32 v22, $0x0;
	vm14 =	vne.s32 v22, $0x0;
	v14 =	vadd.s32 v21, v14  }
0x3e9: {  	v52 =	vadd.s32 $0x110, v22;
	vm12 =	vmand vm12, vm14;
	v21 =	vmul.u32 $0xFFFFFEF0, v14  }
0x3ea: {  	v53 =	vsel vm13, v52, v22;
	v54 =	vsel vm12, $0xFFFFFFFF, v9  }
0x3eb: {  	vm12 =	vlt.s32 v11, $0x1;
	v17 =	vadd.s32 v54, v17;
	v21 =	vadd.s32 v11, v21  }
0x3ec: {  	v22 =	vand.u32 $0x7F, v53;
	v23 =	vshrl.u32 v17, $0x3;
	vm13 =	vne.s32 v21, $0x0  }
0x3ed: {  	v17 =	vshll.u32 v17, $0x7;
	v23 =	vmul.u32 $0xC00, v23;
	vm12 =	vmand vm12, vm13  }
0x3ee: {  	v17 =	vand.u32 $0x380, v17;
	v11 =	vshll.u32 v53, $0x3;
	v55 =	vsel vm12, $0xFFFFFFFF, v9  }
0x3ef: {  	v56 =	vadd.s32 $0x110, v21;
	vm12 =	vlt.s32 v21, $0x0;
	v14 =	vadd.s32 v55, v14  }
0x3f0: {  	v11 =	vand.u32 $0xFFFFFC00, v11;
	v21 =	vsel vm12, v56, v21;
	v57 =	vshrl.u32 v14, $0x3  }
0x3f1: {  	v11 =	vadd.s32 v11, v23;
	v58 =	vshll.u32 v21, $0x3;
	v23 =	vmul.u32 $0xC00, v57  }
0x3f2: {  	v11 =	vor.u32 v17, v11;
	v14 =	vshll.u32 v14, $0x7;
	v59 =	vand.u32 $0xFFFFFC00, v58  }
0x3f3: {  	v11 =	vor.u32 v22, v11;
	v14 =	vand.u32 $0x380, v14;
	v17 =	vadd.s32 v59, v23  }
0x3f4: {  	v21 =	vand.u32 $0x7F, v21;
	v14 =	vor.u32 v14, v17  }
0x3f5: {  	v14 =	vor.u32 v21, v14;
	_ =	sdelay $0x1  }
0x3f6: {  	v60 =	vld [tilespmem:s13+$0x0];
	s31 =	simm.s32 $0x1A00  }
0x3f7: {  	v11 =	vld.idx.msk [tilespmem:v11+s31+$0x0], $0xffff  }
0x3f8: {  	v18 =	vnsel vm11, $0x0, v18  }
0x3f9: {  	v18 =	vsub.f32 v18, v19;
	v14 =	vld.idx.msk [tilespmem:v14+s31+$0x0], $0xffff  }
0x3fa: {  	v61 =	vxor.u32 $0x80000000, v19  }
0x3fb: {  	v15 =	vmul.f32 v16, v15;
	vm11 =	vlt.f32 v18, v61;
	vm12 =	vgt.f32 v18, v61  }
0x3fc: {  	v62 =	vcvt.s32.f32 v60;
	vm11 =	vmor vm12, vm11;
	v11 =	vmul.f32 v16, v11  }
0x3fd: {  	v63 =	vnsel vm11, $0x0, v18  }
0x3fe: {  	v11 =	vsub.f32 v11, v15;
	v15 =	vmul.f32 v62, v63;
	v14 =	vmul.f32 v62, v14  }
0x3ff: {  	v13 =	vadd.f32 v20, v13  }
0x400: {  	v11 =	vand.u32 $0x7FFFFFFF, v11;
	v14 =	vsub.f32 v14, v15  }
0x401: {  	v11 =	vadd.f32 v11, v13  }
0x402: {  	v13 =	vand.u32 $0x7FFFFFFF, v14  }
0x403: {  	v11 =	vadd.f32 v13, v11;
	v13 =	vld [tilespmem:$0x1FFE0]  }
.Ltmp9:
0x404: {  	_ = 	snop;
	(pc) =	sbr.rel .LBB2_22-.Ltmp9, $3  }
0x405: {  	_ =	sdelay $0x1  }
0x406: {  	vm14 =	vmmov vm15;
	vm0 =	vcmask $0xF0C  }
0x407: {  	s29 =	simm.s32 $0xA00;
	s1 =	simm.s32 $0x1A00;
	vm10 =	vmmov vm1;
	s3 =	sld [smem:$0x7F0];
	vm1 =	vcmask $0x1714;
	vm13 =	vnez.u8 v13  }
.LBB2_15:
0x408: {  	v14 =	vld [tilespmem:s0+$0x0];
	_ =	sdelay $0x4  }
0x409: {  	(v2sf) =	vpush v14, $0x6  }
0x40a: {  	(v2sf) =	vpush v14, $0x4;
	_ =	sdelay $0x1  }
0x40b: {  	(v2sf) =	vpush v14, $0x9;
	_ =	sdelay $0x1  }
0x40c: {  	(v2sf) =	vpush v14, $0xC  }
0x40d: {  	(v2sf) =	vpush v14, $0x1;
	_ =	sdelay $0x1  }
0x40e: {  	(v2sf) =	vpush v14, $0x3;
	_ =	sdelay $0x2  }
0x40f: {  	(v2sf) =	vpush v14, $0x8  }
0x410: {  	(v2sf) =	vpush v14, $0x7;
	_ =	sdelay $0x2  }
0x411: {  	(v2sf) =	vpush v14, $0x0;
	s2 =	spop (v2sf)  }
0x412: {  	s3 =	spop (v2sf)  }
0x413: {  	(v2sf) =	vpush v14, $0xF;
	s14 =	sshra.s32 s2, $0x1F;
	s0 =	smulhi.u32 $0x78787879, s3  }
0x414: {  	(v2sf) =	vpush v14, $0xD;
	s1 =	spop (v2sf);
	s14 =	smul.u32 $0x78787879, s14  }
0x415: {  	s4 =	smulhi.u32 $0x78787879, s1;
	s1 =	sshra.s32 s1, $0x1F  }
0x416: {  	s5 =	spop (v2sf);
	s1 =	smul.u32 $0x78787879, s1  }
0x417: {  	s6 =	spop (v2sf);
	s7 =	sshra.s32 s5, $0x1F;
	s5 =	smulhi.u32 $0x78787879, s5  }
0x418: {  	s8 =	smulhi.u32 $0x78787879, s6  }
0x419: {  	s9 =	spop (v2sf);
	s7 =	smul.u32 $0x78787879, s7  }
0x41a: {  	(v2sf) =	vpush v14, $0xA;
	s25 =	sshra.s32 s6, $0x1F;
	s11 =	smulhi.u32 $0x78787879, s9  }
0x41b: {  	(v2sf) =	vpush v14, $0xE;
	s9 =	sshra.s32 s9, $0x1F;
	s23 =	smul.u32 $0x78787879, s25  }
0x41c: {  	s10 =	spop (v2sf);
	s9 =	smul.u32 $0x78787879, s9  }
0x41d: {  	(v2sf) =	vpush v14, $0xB;
	s12 =	spop (v2sf);
	s18 =	smulhi.u32 $0x78787879, s10  }
0x41e: {  	s20 =	simm.s32 $0x410;
	(v2sf) =	vpush v14, $0x5;
	s10 =	sshra.s32 s10, $0x1F;
	s15 =	smulhi.u32 $0x78787879, s12  }
0x41f: {  	s3 =	sshra.s32 s3, $0x1F;
	s21 =	sadd.s32 s1, s4;
	s10 =	smul.u32 $0x78787879, s10  }
0x420: {  	s13 =	spop (v2sf);
	s8 =	sadd.s32 s23, s8;
	s23 =	smulhi.u32 $0x78787879, s2  }
0x421: {  	s5 =	sadd.s32 s7, s5;
	s12 =	sshra.s32 s12, $0x1F;
	s4 =	smulhi.u32 $0x78787879, s13  }
0x422: {  	s16 =	spop (v2sf);
	s1 =	sadd.s32 s9, s11;
	s25 =	smul.u32 $0x78787879, s12  }
0x423: {  	v11 =	vld [tilespmem:s20+$0x0];
	(v2sf) =	vpush v14, $0x2;
	s12 =	smul.u32 $0x78787879, s3;
	s17 =	spop (v2sf);
	s20 =	sshra.s32 s16, $0x1F  }
0x424: {  	s10 =	sadd.s32 s10, s18;
	s18 =	sshrl.u32 s5, $0x1F;
	s16 =	smulhi.u32 $0x78787879, s16  }
0x425: {  	v16 =	vld [tilespmem:s28+$0x0];
	s3 =	sadd.s32 s14, s23;
	s19 =	sshra.s32 s17, $0x1F;
	s26 =	smulhi.u32 $0x78787879, s17  }
0x426: {  	s17 =	sshra.s32 s13, $0x1F;
	s13 =	sshrl.u32 s21, $0x1F;
	s2 =	sadd.s32 s25, s15  }
0x427: {  	s25 =	sshra.s32 s5, $0x7;
	s14 =	sshra.s32 s10, $0x7;
	s23 =	sshrl.u32 s10, $0x1F  }
0x428: {  	s5 =	sadd.s32 s12, s0;
	s21 =	sshra.s32 s21, $0x7;
	v15 =	vmov s18;
	s18 =	smul.u32 $0x78787879, s20  }
0x429: {  	(v2sf) =	vpush v11, $0x6;
	s19 =	smul.u32 $0x78787879, s19;
	v17 =	vmov s25;
	s25 =	sshra.s32 s2, $0x1F;
	s22 =	spop (v2sf)  }
0x42a: {  	(v2sf) =	vpush v11, $0x4;
	v20 =	vmov s25;
	s25 =	simm.s32 $0x1E600;
	s24 =	spop (v2sf);
	s10 =	smulhi.u32 $0x78787879, s22  }
0x42b: {  	s6 =	sadd.s32 s19, s26;
	s7 =	smulhi.u32 $0x78787879, s24;
	s24 =	sshra.s32 s24, $0x1F  }
0x42c: {  	s11 =	sshra.s32 s22, $0x1F;
	s24 =	smul.u32 $0x78787879, s24;
	s19 =	spop (v2sf)  }
0x42d: {  	v18 =	vmov s23;
	v21 =	vld.idx.msk [tilespmem:v16+s25+$0x0], $0xffff;
	s23 =	sshrl.u32 s6, $0x1F;
	s11 =	smul.u32 $0x78787879, s11;
	s26 =	spop (v2sf);
	(v2sf) =	vpush v11, $0x9  }
0x42e: {  	v13 =	vmov s28;
	v12 =	vor.u32 s28, v2;
	vm15 =	vcmask $0x704;
	s6 =	sshra.s32 s6, $0x7;
	s7 =	sadd.s32 s24, s7;
	s24 =	smul.u32 $0x78787879, s17  }
0x42f: {  	v22 =	vshll.u32 v13, $0x2;
	s22 =	sshrl.u32 s8, $0x1F;
	v15 =	vsel vm2, s23, v15;
	s23 =	sadd.s32 s18, s16;
	s18 =	smulhi.u32 $0x78787879, s19;
	(v2sf) =	vpush v11, $0xC  }
0x430: {  	v23 =	vand.u32 $0x7F, v12;
	vm13 =	vlt.u32 v12, $0x1F4;
	v19 =	vmov s14;
	s16 =	sshrl.u32 s5, $0x1F;
	s15 =	sshra.s32 s26, $0x1F;
	s26 =	smulhi.u32 $0x78787879, s26  }
0x431: {  	v18 =	vsel vm2, s13, v18;
	v19 =	vsel vm2, s21, v19;
	s28 =	sshra.s32 s19, $0x1F;
	s9 =	smul.u32 $0x78787879, s15;
	(v2sf) =	vpush v11, $0x1;
	s14 =	sadd.s32 s24, s4  }
0x432: {  	v17 =	vsel vm2, s6, v17;
	vm11 =	vgt.s32 v21, $0x0;
	s0 =	spop (v2sf);
	s24 =	sshrl.u32 s7, $0x1F;
	(v2sf) =	vpush v11, $0x3;
	s20 =	sshrl.u32 s14, $0x1F  }
0x433: {  	v24 =	vnsel vm11, $0x0, v21;
	vm11 =	vne.s32 v16, $0x0;
	s12 =	sadd.s32 s9, s26;
	s26 =	sshra.s32 s0, $0x1F;
	s0 =	smulhi.u32 $0x78787879, s0;
	(v2sf) =	vpush v11, $0x8  }
0x434: {  	s15 =	sadd.s32 s11, s10;
	s11 =	simm.s32 $0x10;
	v15 =	vsel vm3, s24, v15;
	v13 =	vmov s20;
	s26 =	smul.u32 $0x78787879, s26;
	(v2sf) =	vpush v11, $0x7  }
0x435: {  	s17 =	sshrl.u32 s1, $0x1F;
	s25 =	smul.u32 $0x78787879, s28;
	s7 =	sshra.s32 s7, $0x7;
	v26 =	vmov s11;
	v13 =	vnsel vm5, $0x0, v13;
	(v2sf) =	vpush v11, $0x0  }
0x436: {  	v17 =	vsel vm3, s7, v17;
	v13 =	vsel vm2, s22, v13;
	s22 =	sshrl.u32 s15, $0x1F;
	s19 =	sadd.s32 s26, s0;
	s26 =	sshra.s32 s14, $0x7;
	(v2sf) =	vpush v11, $0xF  }
0x437: {  	s14 =	sshra.s32 s14, $0x1F;
	v18 =	vsel vm3, s22, v18;
	s21 =	sshrl.u32 s19, $0x1F;
	v20 =	vsel vm5, s26, v20;
	(v2sf) =	vpush v11, $0xD;
	s26 =	sshrl.u32 s23, $0x1F  }
0x438: {  	s10 =	sshra.s32 s8, $0x7;
	s8 =	sshra.s32 s8, $0x1F;
	s4 =	spop (v2sf);
	v20 =	vsel vm15, s14, v20;
	v25 =	vsel vm3, s21, v13;
	v13 =	vsel vm4, s26, v15  }
0x439: {  	s18 =	sadd.s32 s25, s18;
	s9 =	sshra.s32 s1, $0x7;
	s0 =	spop (v2sf);
	v15 =	vand.u32 $0x600, v22;
	v22 =	vshll.u32 v24, $0x2;
	v24 =	vand.u32 $0x7F, v24  }
0x43a: {  	s20 =	sshra.s32 s5, $0x1F;
	s13 =	sshrl.u32 s12, $0x1F;
	s6 =	smulhi.u32 $0x78787879, s0;
	v22 =	vand.u32 $0xFFFFFE00, v22;
	v15 =	vor.u32 v23, v15;
	v23 =	vsel vm4, s17, v25;
	v25 =	vld.idx.msk [tilespmem:v16+s31+$0x0], $0xffff  }
0x43b: {  	s26 =	sshrl.u32 s18, $0x1F;
	s21 =	sshra.s32 s5, $0x7;
	(v2sf) =	vpush v11, $0xA;
	s18 =	sshra.s32 s18, $0x7;
	vm15 =	vcmask $0x3734;
	v22 =	vor.u32 v22, v24  }
0x43c: {  	v18 =	vsel vm4, s26, v18;
	s17 =	sshra.s32 s23, $0x7;
	(v2sf) =	vpush v11, $0xE;
	s23 =	sshra.s32 s19, $0x7;
	v22 =	vor.u32 $0x80, v22;
	s24 =	spop (v2sf)  }
0x43d: {  	v20 =	vsel vm2, s10, v20;
	s10 =	sshra.s32 s3, $0x1F;
	v24 =	vor.u32 $0x80, v15;
	v15 =	vor.u32 s11, v2;
	s25 =	smulhi.u32 $0x78787879, s24;
	s22 =	sshra.s32 s24, $0x1F  }
0x43e: {  	v20 =	vsel vm0, s8, v20;
	s8 =	sshrl.u32 s2, $0x1F;
	v23 =	vsel vm6, s16, v23;
	v17 =	vsel vm4, s17, v17;
	s26 =	spop (v2sf);
	s22 =	smul.u32 $0x78787879, s22  }
0x43f: {  	v27 =	vld [tilespmem:s11+$0x0];
	v13 =	vcombine.low v18, v13;
	v20 =	vsel vm3, s23, v20;
	vm12 =	veq.s32 v25, v12;
	s24 =	sshra.s32 s1, $0x1F;
	s23 =	sshra.s32 s26, $0x1F;
	s26 =	smulhi.u32 $0x78787879, s26  }
0x440: {  	v23 =	vsel vm7, s13, v23;
	vm11 =	vmand vm11, vm12;
	vm12 =	vgt.s32 v21, $0xFFFFFFFF;
	s16 =	smul.u32 $0x78787879, s23;
	s1 =	sadd.s32 s22, s25;
	s22 =	sshra.s32 s15, $0x7  }
0x441: {  	(v2sf) =	vpush v11, $0xB;
	v25 =	vand.u32 $0x7F, v15;
	v16 =	vld.idx.msk [tilespmem:v22+s30+$0x0], $0xffff;
	vm11 =	vmand vm11, vm12;
	s25 =	sshra.s32 s19, $0x1F;
	s15 =	sshra.s32 s3, $0x7;
	s19 =	spop (v2sf)  }
0x442: {  	v22 =	vld.idx.msk [tilespmem:v24+s29+$0x0], $0xffff;
	vm12 =	vcmask $0x2724;
	v24 =	vshll.u32 v26, $0x2;
	vm11 =	vmand vm13, vm11;
	s3 =	sshrl.u32 s3, $0x1F;
	s11 =	smulhi.u32 $0x78787879, s19;
	s13 =	spop (v2sf)  }
0x443: {  	v24 =	vand.u32 $0x600, v24;
	v19 =	vsel vm3, s22, v19;
	v20 =	vsel vm1, s25, v20;
	s25 =	sshra.s32 s4, $0x1F;
	s17 =	sadd.s32 s16, s26;
	s22 =	smulhi.u32 $0x78787879, s13  }
0x444: {  	(v2sf) =	vpush v11, $0x5;
	v20 =	vsel vm4, s9, v20;
	s9 =	spop (v2sf);
	s7 =	smul.u32 $0x78787879, s25;
	s26 =	sshra.s32 s13, $0x1F;
	v19 =	vsel vm4, s18, v19  }
0x445: {  	vm4 =	vmmov vm3;
	vm3 =	vmmov vm9;
	s25 =	sshra.s32 s2, $0x7;
	v20 =	vsel vm14, s24, v20;
	s23 =	spop (v2sf);
	s2 =	smul.u32 $0x78787879, s26  }
0x446: {  	s19 =	sshra.s32 s19, $0x1F;
	vm9 =	vmmov vm8;
	vm8 =	vmmov vm7;
	s24 =	simm.s32 $0x1E600;
	v20 =	vsel vm6, s21, v20;
	s13 =	smulhi.u32 $0x78787879, s23  }
0x447: {  	s14 =	sshra.s32 s12, $0x7;
	vm7 =	vmmov vm6;
	s21 =	spop (v2sf);
	v12 =	vsel vm12, s20, v20;
	v20 =	vsel vm9, s3, v23;
	v23 =	vld.idx.msk [tilespmem:v27+s24+$0x0], $0xffff;
	s24 =	smul.u32 $0x78787879, s19  }
0x448: {  	v16 =	vnsel vm11, $0x0, v16;
	vm11 =	vcmask $0x2F2C;
	s16 =	spop (v2sf);
	v12 =	vsel vm8, s14, v12;
	s14 =	sshra.s32 s9, $0x1F;
	s9 =	smulhi.u32 $0x78787879, s9  }
0x449: {  	v17 =	vcombine.low v19, v17;
	(v2sf) =	vpush v11, $0x2;
	vm6 =	vmmov vm5;
	s3 =	sadd.s32 s2, s22;
	s20 =	spop (v2sf);
	s22 =	smul.u32 $0x78787879, s14  }
0x44a: {  	s12 =	sshra.s32 s12, $0x1F;
	v21 =	vld.idx.msk [tilespmem:v27+s31+$0x0], $0xffff;
	vm5 =	vmmov vm14;
	vm14 =	vmmov vm12;
	v16 =	vsub.f32 v16, v22;
	s18 =	sshra.s32 s20, $0x1F;
	s20 =	smulhi.u32 $0x78787879, s20  }
0x44b: {  	s28 =	simm.s32 $0x610;
	s23 =	sshra.s32 s23, $0x1F;
	v22 =	vxor.u32 $0x80000000, v22;
	v17 =	vperm.xlane v17, v6;
	v12 =	vsel vm11, s12, v12;
	s12 =	smulhi.u32 $0x78787879, s21  }
0x44c: {  	s0 =	sshra.s32 s0, $0x1F;
	v20 =	vsel vm3, s8, v20;
	s8 =	sshra.s32 s21, $0x1F;
	vm12 =	vgt.f32 v16, v22;
	vm11 =	vlt.f32 v16, v22;
	s21 =	smul.u32 $0x78787879, s23  }
0x44d: {  	s5 =	simm.s32 $0x420;
	s14 =	spop (v2sf);
	v20 =	vperm.xlane v20, v7;
	s8 =	smul.u32 $0x78787879, s8;
	v22 =	vsel vm9, s15, v12;
	v12 =	vor.u32 v25, v24  }
0x44e: {  	s26 =	smul.u32 $0x78787879, s18;
	vm12 =	vmor vm12, vm11;
	vm11 =	vne.s32 v27, $0x0;
	s19 =	sshra.s32 s14, $0x1F;
	s15 =	sadd.s32 s24, s11;
	v24 =	vor.u32 $0x80, v12  }
0x44f: {  	s14 =	smulhi.u32 $0x78787879, s14;
	s22 =	sadd.s32 s22, s9;
	s9 =	sshra.s32 s16, $0x1F;
	v12 =	vnsel vm12, $0x0, v16;
	vm12 =	veq.s32 v21, v15;
	v16 =	vsel vm15, s10, v22  }
0x450: {  	v22 =	vperm.xlane v13, v6;
	s19 =	smul.u32 $0x78787879, s19;
	s2 =	sadd.s32 s26, s20;
	s26 =	spop (v2sf);
	vm13 =	vgt.s32 v23, $0x0;
	v16 =	vsel vm3, s25, v16  }
0x451: {  	v13 =	vld [tilespmem:s5+$0x0];
	s25 =	sshrl.u32 s17, $0x1F;
	s24 =	sshra.s32 s22, $0x7;
	vm11 =	vmand vm11, vm12;
	vm12 =	vgt.s32 v23, $0xFFFFFFFF;
	s9 =	smul.u32 $0x78787879, s9;
	v18 =	vnsel vm13, $0x0, v23  }
0x452: {  	s18 =	sshrl.u32 s1, $0x1F;
	s11 =	simm.s32 $0x30;
	s20 =	smulhi.u32 $0x78787879, s26;
	v21 =	vmov s25;
	v16 =	vperm.xlane v16, v7;
	v25 =	vmov s24  }
0x453: {  	s5 =	sadd.s32 s21, s13;
	s26 =	sshra.s32 s26, $0x1F;
	s25 =	smul.u32 $0x78787879, s0;
	v20 =	vsel vm10, v20, v22;
	vm13 =	vlt.u32 v15, $0x1F4;
	v19 =	vshll.u32 v18, $0x2  }
0x454: {  	s17 =	sshra.s32 s17, $0x7;
	s24 =	sshra.s32 s5, $0x1F;
	vm11 =	vmand vm11, vm12;
	s23 =	smul.u32 $0x78787879, s26;
	v18 =	vand.u32 $0x7F, v18;
	v19 =	vand.u32 $0xFFFFFE00, v19  }
0x455: {  	s10 =	spop (v2sf);
	s26 =	sshrl.u32 s22, $0x1F;
	s22 =	smulhi.u32 $0x78787879, s4;
	v22 =	vmov s24;
	vm12 =	vmand vm13, vm11;
	v18 =	vor.u32 v19, v18  }
0x456: {  	s13 =	sshra.s32 s10, $0x1F;
	s4 =	sshrl.u32 s3, $0x1F;
	vm11 =	vlt.s32 v14, $0x1;
	(v2sf) =	vpush v13, $0x6;
	v18 =	vor.u32 $0x80, v18;
	s0 =	spop (v2sf)  }
0x457: {  	v26 =	vmov s26;
	v16 =	vsel vm10, v16, v17;
	(v2sf) =	vpush v13, $0x4;
	s26 =	sshra.s32 s0, $0x1F;
	s21 =	smulhi.u32 $0x78787879, s0;
	s0 =	sadd.s32 s7, s22  }
0x458: {  	v19 =	vmov s17;
	v16 =	vadd.s32 v20, v16;
	(v2sf) =	vpush v13, $0x9;
	s7 =	sadd.s32 s25, s6;
	s6 =	sadd.s32 s23, s20;
	s20 =	sshra.s32 s1, $0x7  }
0x459: {  	v20 =	vsel vm2, s18, v26;
	v17 =	vmul.u32 $0xFFFFFEF0, v16;
	(v2sf) =	vpush v13, $0xC;
	s23 =	sadd.s32 s8, s12;
	s12 =	sshrl.u32 s2, $0x1F;
	s26 =	smul.u32 $0x78787879, s26  }
0x45a: {  	s24 =	sadd.s32 s19, s14;
	s13 =	smul.u32 $0x78787879, s13;
	s2 =	sshra.s32 s2, $0x7;
	(v2sf) =	vpush v13, $0x1;
	v21 =	vsel vm2, s12, v21;
	v25 =	vsel vm2, s20, v25  }
0x45b: {  	v19 =	vsel vm2, s2, v19;
	s22 =	spop (v2sf);
	(v2sf) =	vpush v13, $0x3;
	v15 =	vld.idx.msk [tilespmem:v18+s30+$0x0], $0xffff;
	s21 =	sadd.s32 s26, s21;
	v18 =	vadd.s32 v14, v17;
	s26 =	simm.s32 $0x20  }
0x45c: {  	s14 =	simm.s32 $0x20;
	s18 =	smulhi.u32 $0x78787879, s22;
	s25 =	sshra.s32 s22, $0x1F;
	(v2sf) =	vpush v13, $0x8;
	vm13 =	vne.s32 v18, $0x0;
	v17 =	vmov s26  }
0x45d: {  	[dreg:$0xa] =	wrdreg s14;
	s14 =	simm.s32 $0x620;
	v14 =	vld.idx.msk [tilespmem:v24+s29+$0x0], $0xffff;
	s1 =	smul.u32 $0x78787879, s25;
	v23 =	vor.u32 s26, v2;
	(v2sf) =	vpush v13, $0x7;
	v27 =	vadd.s32 $0x110, v18  }
0x45e: {  	s17 =	smulhi.u32 $0x78787879, s16;
	s16 =	sshra.s32 s15, $0x7;
	s26 =	simm.s32 $0x20;
	vm11 =	vmand vm11, vm13;
	(v2sf) =	vpush v13, $0x0;
	v17 =	vshll.u32 v17, $0x2  }
0x45f: {  	v26 =	vld [tilespmem:s26+$0x0];
	vm13 =	vcmask $0x1B18;
	s26 =	sadd.s32 s1, s18;
	s18 =	sshrl.u32 s6, $0x1F;
	(v2sf) =	vpush v13, $0xF;
	s6 =	sshra.s32 s6, $0x7;
	v17 =	vand.u32 $0x600, v17  }
0x460: {  	s8 =	sshra.s32 s3, $0x7;
	s19 =	sshrl.u32 s23, $0x1F;
	s20 =	sshra.s32 s23, $0x7;
	(v2sf) =	vpush v13, $0xD;
	v21 =	vsel vm4, s18, v21;
	v19 =	vsel vm4, s6, v19  }
0x461: {  	s22 =	sshrl.u32 s15, $0x1F;
	s15 =	sshra.s32 s15, $0x1F;
	s12 =	sshrl.u32 s21, $0x1F;
	v24 =	vnsel vm12, $0x0, v15;
	v15 =	vmov s19;
	vm12 =	vlt.s32 v18, $0x0  }
0x462: {  	s25 =	sadd.s32 s9, s17;
	s17 =	smulhi.u32 $0x78787879, s10;
	s9 =	sshra.s32 s21, $0x1F;
	(v2sf) =	vpush v13, $0xA;
	v15 =	vnsel vm6, $0x0, v15;
	v24 =	vsub.f32 v24, v14  }
0x463: {  	s10 =	sshra.s32 s3, $0x1F;
	s3 =	sshra.s32 s0, $0x1F;
	s1 =	sshra.s32 s21, $0x7;
	v14 =	vxor.u32 $0x80000000, v14;
	v28 =	vsel vm2, s22, v15;
	v15 =	vsel vm12, v27, v18  }
0x464: {  	s21 =	sadd.s32 s13, s17;
	v18 =	vsel vm6, s20, v22;
	v22 =	vsel vm11, $0xFFFFFFFF, v9;
	s22 =	sshra.s32 s23, $0x1F;
	s23 =	sshrl.u32 s24, $0x1F;
	vm11 =	vcmask $0x704  }
0x465: {  	s17 =	sshra.s32 s7, $0x7;
	s13 =	sshrl.u32 s25, $0x1F;
	s20 =	sshrl.u32 s26, $0x1F;
	v18 =	vsel vm11, s22, v18;
	v20 =	vsel vm4, s23, v20;
	vm11 =	vcmask $0x1B18  }
0x466: {  	s18 =	sshra.s32 s7, $0x1F;
	v27 =	vsel vm4, s20, v28;
	s22 =	simm.s32 $0x430;
	s23 =	sshrl.u32 s21, $0x1F;
	vm12 =	vgt.f32 v24, v14;
	v21 =	vsel vm11, s13, v21  }
0x467: {  	s19 =	sshrl.u32 s7, $0x1F;
	s21 =	sshra.s32 s21, $0x7;
	[dreg:$0x11] =	wrdreg s22;
	vm11 =	vlt.f32 v24, v14;
	v20 =	vsel vm13, s23, v20;
	vm13 =	vcmask $0x1B18  }
0x468: {  	s22 =	sshra.s32 s25, $0x7;
	s25 =	sshra.s32 s24, $0x7;
	v18 =	vsel vm2, s16, v18;
	s7 =	spop (v2sf);
	(v2sf) =	vpush v13, $0xE;
	v14 =	vsel vm13, s4, v27  }
0x469: {  	s23 =	sshra.s32 s26, $0x7;
	s13 =	sshra.s32 s26, $0x1F;
	vm11 =	vmor vm12, vm11;
	s2 =	spop (v2sf);
	v25 =	vsel vm4, s25, v25;
	v18 =	vsel vm0, s15, v18  }
0x46a: {  	s16 =	sshra.s32 s0, $0x7;
	vm12 =	vne.s32 v26, $0x0;
	vm13 =	vcmask $0x1B18;
	s20 =	smulhi.u32 $0x78787879, s2;
	s24 =	spop (v2sf);
	v28 =	vsel vm7, s19, v14  }
0x46b: {  	v18 =	vsel vm4, s23, v18;
	v14 =	vnsel vm11, $0x0, v24;
	vm11 =	vcmask $0x1B18;
	s26 =	smulhi.u32 $0x78787879, s24;
	s15 =	sshra.s32 s24, $0x1F;
	s6 =	spop (v2sf)  }
0x46c: {  	v27 =	vld.idx.msk [tilespmem:v26+s31+$0x0], $0xffff;
	s25 =	simm.s32 $0x1E600;
	(v2sf) =	vpush v13, $0xB;
	v24 =	vsel vm8, s12, v28;
	v18 =	vsel vm1, s13, v18;
	[dreg:$0x18] =	wrdreg s20;
	s15 =	smul.u32 $0x78787879, s15  }
0x46d: {  	s0 =	sshrl.u32 s0, $0x1F;
	v26 =	vld.idx.msk [tilespmem:v26+s25+$0x0], $0xffff;
	v19 =	vsel vm11, s22, v19;
	vm11 =	vcmask $0x1B18;
	s20 =	spop (v2sf);
	v18 =	vsel vm13, s8, v18;
	s25 =	smulhi.u32 $0x78787879, s6  }
0x46e: {  	[dreg:$0x1b] =	wrdreg s7;
	s22 =	sshra.s32 s6, $0x1F;
	v25 =	vsel vm11, s21, v25;
	s4 =	smulhi.u32 $0x78787879, s20;
	v18 =	vsel vm5, s10, v18;
	vm5 =	vmmov vm6  }
0x46f: {  	s7 =	sshra.s32 s7, $0x1F;
	s21 =	spop (v2sf);
	s12 =	smul.u32 $0x78787879, s22;
	vm6 =	vmmov vm7;
	vm7 =	vmmov vm8;
	vm8 =	vmmov vm9  }
0x470: {  	v22 =	vadd.s32 v22, v16;
	(v2sf) =	vpush v13, $0x5;
	s6 =	simm.s32 $0x1200;
	s22 =	spop (v2sf);
	v24 =	vsel vm8, s0, v24;
	s0 =	smulhi.u32 $0x78787879, s21  }
0x471: {  	vm13 =	vcmask $0x2F2C;
	(v2sf) =	vpush v13, $0x2;
	vm9 =	vmmov vm3;
	s13 =	sadd.s32 s15, s26;
	s8 =	sshra.s32 s21, $0x1F;
	s15 =	smul.u32 $0x78787879, s7  }
0x472: {  	vm3 =	vmmov vm4;
	vm4 =	vcmask $0x1B18;
	s26 =	sshrl.u32 s5, $0x1F;
	v18 =	vsel vm6, s17, v18;
	s19 =	spop (v2sf);
	s21 =	smul.u32 $0x78787879, s8  }
0x473: {  	v19 =	vcombine.low v25, v19;
	vm11 =	veq.s32 v27, v23;
	v18 =	vsel vm14, s18, v18;
	s23 =	sadd.s32 s12, s25;
	s18 =	sshra.s32 s5, $0x7;
	s7 =	smulhi.u32 $0x78787879, s22  }
0x474: {  	vm11 =	vmand vm12, vm11;
	vm12 =	vgt.s32 v26, $0x0;
	v24 =	vsel vm9, s26, v24;
	s26 =	sshra.s32 s22, $0x1F;
	s17 =	spop (v2sf);
	s30 =	smulhi.u32 $0x78787879, s19  }
0x475: {  	v27 =	vnsel vm12, $0x0, v26;
	vm12 =	vgt.s32 v26, $0xFFFFFFFF;
	v18 =	vsel vm7, s1, v18;
	s22 =	sshra.s32 s19, $0x1F;
	s19 =	sshrl.u32 s13, $0x1F;
	s10 =	smul.u32 $0x78787879, s26  }
0x476: {  	v26 =	vperm.xlane v19, v6;
	v24 =	vperm.xlane v24, v7;
	s26 =	sshrl.u32 s23, $0x1F;
	s29 =	spop (v2sf);
	v18 =	vsel vm13, s9, v18;
	s12 =	sadd.s32 s21, s0  }
0x477: {  	v19 =	vshll.u32 v22, $0x7;
	v25 =	vmov s26;
	s9 =	smul.u32 $0x78787879, s22;
	s25 =	spop (v2sf);
	v18 =	vsel vm8, s16, v18;
	s16 =	sshra.s32 s17, $0x1F  }
0x478: {  	s1 =	sshra.s32 s29, $0x1F;
	s26 =	sshrl.u32 s12, $0x1F;
	v16 =	vsel vm15, s3, v18;
	v18 =	vcombine.low v20, v21;
	v20 =	vshll.u32 v27, $0x2;
	s5 =	smulhi.u32 $0x78787879, s25  }
0x479: {  	vm11 =	vmand vm11, vm12;
	s8 =	sshra.s32 s25, $0x1F;
	s0 =	spop (v2sf);
	v21 =	vand.u32 $0x7F, v27;
	s3 =	smulhi.u32 $0x78787879, s17;
	v20 =	vand.u32 $0xFFFFFE00, v20  }
0x47a: {  	vm12 =	vlt.u32 v23, $0x1F4;
	v23 =	vand.u32 $0x7F, v23;
	s25 =	simm.s32 $0x600;
	[smem:$0x797] =	sst s26;
	s24 =	smul.u32 $0x78787879, s8;
	v20 =	vor.u32 v20, v21  }
0x47b: {  	vm13 =	vlt.s32 v11, $0x1;
	s8 =	smov.u32 s13;
	v16 =	vsel vm9, s18, v16;
	s13 =	sshra.s32 s20, $0x1F;
	s18 =	sadd.s32 s10, s7;
	v28 =	vld [tilespmem:s25+$0x0];
	v20 =	vor.u32 $0x80, v20  }
0x47c: {  	v17 =	vor.u32 v23, v17;
	s7 =	sshra.s32 s23, $0x7;
	s22 =	sshra.s32 s0, $0x1F;
	v18 =	vperm.xlane v18, v6;
	s21 =	smul.u32 $0x78787879, s13;
	v27 =	vperm.xlane v16, v7  }
0x47d: {  	v23 =	vshrl.u32 v22, $0x3;
	vm11 =	vmand vm12, vm11;
	v21 =	vmov s7;
	s25 =	sshra.s32 s18, $0x7;
	s10 =	sadd.s32 s24, s5;
	s20 =	spop (v2sf)  }
0x47e: {  	v16 =	vor.u32 $0x80, v17;
	v18 =	vsel vm10, v24, v18;
	v22 =	vsel vm10, v27, v26;
	s13 =	sshra.s32 s20, $0x1F;
	s17 =	smulhi.u32 $0x78787879, s20;
	s20 =	spop (v2sf)  }
0x47f: {  	v17 =	vmul.u32 $0xC00, v23;
	v23 =	vmov s25;
	s25 =	sshrl.u32 s18, $0x1F;
	s18 =	sshra.s32 s2, $0x1F;
	v24 =	vadd.s32 v18, v22;
	s23 =	spop (v2sf)  }
0x480: {  	v22 =	vand.u32 $0x7F, v15;
	s24 =	smul.u32 $0x78787879, s13;
	v27 =	vmul.u32 $0xFFFFFEF0, v24;
	v18 =	vcvt.s32.f32 v28;
	v20 =	vld.idx.msk [tilespmem:v20+s6+$0x0], $0xffff;
	s2 =	sshra.s32 s20, $0x1F;
	s31 =	spop (v2sf)  }
.LBB2_16:
0x481: {  	s6 =	smul.u32 $0x78787879, s18  }
0x482: {  	s13 =	sshra.s32 s23, $0x1F;
	s5 =	smov.u32 s28;
	s28 =	smulhi.u32 $0x78787879, s29  }
0x483: {  	s0 =	smulhi.u32 $0x78787879, s0;
	s4 =	sadd.s32 s21, s4;
	s21 =	sadd.s32 $0x10, s11  }
0x484: {  	s7 =	simm.s32 $0xA00;
	s1 =	smul.u32 $0x78787879, s1;
	[dreg:$0x1e] =	wrdreg s21  }
0x485: {  	s2 =	smul.u32 $0x78787879, s2;
	s21 =	smov.u32 s10;
	s10 =	rddreg [dreg:$0x11]  }
0x486: {  	s18 =	sshra.s32 s31, $0x1F;
	p1 =	sne.s32 s11, $0x1F0;
	v27 =	vadd.s32 v11, v27;
	v11 =	vmov v13;
	s13 =	smul.u32 $0x78787879, s13;
	v13 =	vld [tilespmem:s10+$0x0]  }
0x487: {  	v28 =	vmov s11;
	v29 =	vld.idx.msk [tilespmem:v16+s7+$0x0], $0xffff;
	s7 =	smov.u32 s11;
	s29 =	sadd.s32 s9, s30;
	s9 =	smulhi.u32 $0x78787879, s31  }
0x488: {  	v26 =	vor.u32 s11, v2;
	[smem:$0x796] =	sst s5;
	s5 =	smov.u32 s14;
	v16 =	vshll.u32 v28, $0x2;
	s18 =	smul.u32 $0x78787879, s18  }
0x489: {  	v28 =	vand.u32 $0x7F, v26;
	s14 =	sadd.s32 $0x10, s14;
	v16 =	vand.u32 $0x600, v16;
	s26 =	sshrl.u32 s4, $0x1F;
	s7 =	smulhi.u32 $0x78787879, s23  }
0x48a: {  	v19 =	vand.u32 $0x380, v19;
	s23 =	sshra.s32 s4, $0x7;
	s4 =	sshra.s32 s4, $0x1F;
	v16 =	vor.u32 v28, v16;
	v28 =	vmov s25;
	s25 =	rddreg [dreg:$0x1b]  }
0x48b: {  	v15 =	vshll.u32 v15, $0x3;
	s10 =	sadd.s32 $0x10, s10;
	v28 =	vsel vm2, s19, v28;
	s19 =	smulhi.u32 $0x78787879, s25;
	s25 =	rddreg [dreg:$0xa];
	(v2sf) =	vpush v13, $0x6  }
0x48c: {  	vm15 =	vcmask $0x1F1C;
	vm12 =	vlt.u32 v26, $0x1F4;
	s11 =	sshra.s32 s29, $0x1F;
	s9 =	sadd.s32 s18, s9;
	[dreg:$0x11] =	wrdreg s10;
	(v2sf) =	vpush v13, $0x4  }
0x48d: {  	v15 =	vand.u32 $0xFFFFFC00, v15;
	vm14 =	vne.s32 v27, $0x0;
	v31 =	vmov s11;
	s13 =	sadd.s32 s13, s7;
	s11 =	sadd.s32 $0x10, s25;
	s25 =	rddreg [dreg:$0x18]  }
0x48e: {  	v15 =	vadd.s32 v15, v17;
	vm14 =	vmand vm13, vm14;
	[dreg:$0xa] =	wrdreg s11;
	v32 =	vld [tilespmem:s11+$0x0];
	s11 =	smul.u32 $0x78787879, s16;
	s15 =	sadd.s32 s15, s19;
	(v2sf) =	vpush v13, $0x9  }
0x48f: {  	vm13 =	vlt.s32 v27, $0x0;
	v19 =	vor.u32 v19, v15;
	v30 =	vsel vm14, $0xFFFFFFFF, v9;
	s19 =	smul.u32 $0x78787879, s22;
	s6 =	sadd.s32 s6, s25;
	s25 =	sshra.s32 s8, $0x7  }
0x490: {  	v20 =	vnsel vm11, $0x0, v20;
	v24 =	vadd.s32 v30, v24;
	s22 =	sshrl.u32 s21, $0x1F;
	s16 =	sadd.s32 s24, s17;
	s8 =	sshrl.u32 s13, $0x1F;
	(v2sf) =	vpush v13, $0xC  }
0x491: {  	v22 =	vor.u32 v22, v19;
	v30 =	vshrl.u32 v24, $0x3;
	s24 =	sadd.s32 s1, s28;
	s28 =	smov.u32 s5;
	s1 =	sshra.s32 s13, $0x1F;
	(v2sf) =	vpush v13, $0x1  }
0x492: {  	v33 =	vsub.f32 v20, v29;
	s17 =	simm.s32 $0x1E200;
	s21 =	sshra.s32 s21, $0x7;
	v20 =	vmul.u32 $0xC00, v30;
	v25 =	vsel vm2, s22, v25;
	s22 =	sshrl.u32 s6, $0x1F  }
0x493: {  	v29 =	vxor.u32 $0x80000000, v29;
	s18 =	sshrl.u32 s16, $0x1F;
	v23 =	vsel vm2, s25, v23;
	s25 =	simm.s32 $0x1E600;
	s10 =	sshrl.u32 s24, $0x1F;
	(v2sf) =	vpush v13, $0x3  }
0x494: {  	v19 =	vshll.u32 v24, $0x7;
	s16 =	sshra.s32 s16, $0x7;
	vm14 =	vlt.f32 v33, v29;
	s7 =	sadd.s32 s19, s0;
	s11 =	sadd.s32 s11, s3;
	v17 =	vmovc v20;
	v20 =	vadd.s32 $0x110, v27  }
0x495: {  	s3 =	sshra.s32 s12, $0x7;
	s19 =	smulhi.u32 $0x78787879, s20;
	v25 =	vsel vm3, s18, v25;
	s5 =	sshrl.u32 s11, $0x1F;
	v15 =	vsel vm13, v20, v27;
	(v2sf) =	vpush v13, $0x8  }
0x496: {  	s0 =	sshra.s32 s13, $0x7;
	s20 =	sshrl.u32 s9, $0x1F;
	s12 =	sshra.s32 s12, $0x1F;
	v20 =	vmov s5;
	vm13 =	vgt.f32 v33, v29;
	(v2sf) =	vpush v13, $0x7  }
0x497: {  	s13 =	sld [smem:$0x797];
	v25 =	vsel vm4, s10, v25;
	s10 =	sshrl.u32 s15, $0x1F;
	s5 =	sshra.s32 s11, $0x7;
	v27 =	vnsel vm5, $0x0, v20;
	vm13 =	vmor vm13, vm14;
	v24 =	vld.idx.msk [tilespmem:v32+s17+$0x0], $0xffff  }
0x498: {  	s11 =	sshra.s32 s11, $0x1F;
	s18 =	sadd.s32 s2, s19;
	s19 =	sshra.s32 s6, $0x1F;
	v29 =	vsel vm5, s5, v31;
	vm14 =	vcmask $0x704;
	(v2sf) =	vpush v13, $0x0  }
0x499: {  	v21 =	vsel vm2, s21, v21;
	s5 =	sshrl.u32 s7, $0x1F;
	v27 =	vsel vm2, s26, v27;
	v29 =	vsel vm14, s11, v29;
	s17 =	sshra.s32 s6, $0x7;
	s6 =	simm.s32 $0x1A00  }
0x49a: {  	s2 =	sshra.s32 s15, $0x1F;
	v28 =	vsel vm3, s5, v28;
	s11 =	sshrl.u32 s18, $0x1F;
	v63 =	vnsel vm13, $0x0, v33;
	v22 =	vld.idx.msk [tilespmem:v22+s6+$0x0], $0xffff;
	(v2sf) =	vpush v13, $0xF;
	s26 =	spop (v2sf)  }
0x49b: {  	s5 =	sshra.s32 s29, $0x7;
	v27 =	vsel vm3, s20, v27;
	v28 =	vsel vm4, s11, v28;
	s20 =	sshra.s32 s7, $0x7;
	(v2sf) =	vpush v13, $0xD;
	s11 =	spop (v2sf)  }
0x49c: {  	s18 =	sshra.s32 s18, $0x7;
	s7 =	sshra.s32 s9, $0x7;
	v23 =	vsel vm3, s20, v23;
	vm13 =	veq.s32 v24, v26;
	v24 =	vsel vm2, s23, v29;
	s23 =	smulhi.u32 $0x78787879, s11  }
0x49d: {  	v21 =	vsel vm3, s16, v21;
	v20 =	vld.idx.msk [tilespmem:v32+s25+$0x0], $0xffff;
	v27 =	vsel vm4, s13, v27;
	s20 =	sshra.s32 s15, $0x7;
	s6 =	sshra.s32 s24, $0x7;
	v23 =	vsel vm4, s18, v23;
	s25 =	spop (v2sf)  }
0x49e: {  	v21 =	vsel vm4, s6, v21;
	(v2sf) =	vpush v13, $0xA;
	v26 =	vmul.f32 v18, v12;
	s15 =	sshra.s32 s25, $0x1F;
	[dreg:$0x18] =	wrdreg s23;
	s23 =	smulhi.u32 $0x78787879, s25  }
0x49f: {  	s13 =	sshra.s32 s9, $0x1F;
	(v2sf) =	vpush v13, $0xE;
	v18 =	vmul.f32 v18, v22;
	v22 =	vsel vm0, s4, v24;
	s21 =	spop (v2sf);
	s15 =	smul.u32 $0x78787879, s15  }
0x4a0: {  	v21 =	vcombine.low v23, v21;
	v24 =	vsel vm6, s22, v27;
	v22 =	vsel vm3, s7, v22;
	s9 =	spop (v2sf);
	s25 =	sshra.s32 s21, $0x1F;
	s21 =	smulhi.u32 $0x78787879, s21  }
0x4a1: {  	s24 =	sshrl.u32 s29, $0x1F;
	v24 =	vsel vm7, s8, v24;
	v18 =	vsub.f32 v18, v26;
	v22 =	vsel vm1, s13, v22;
	[dreg:$0x1b] =	wrdreg s26;
	s4 =	smulhi.u32 $0x78787879, s9  }
0x4a2: {  	(v2sf) =	vpush v13, $0xB;
	v24 =	vsel vm8, s10, v24;
	v22 =	vsel vm4, s3, v22;
	s22 =	spop (v2sf);
	s6 =	smul.u32 $0x78787879, s25;
	s9 =	sshra.s32 s9, $0x1F  }
0x4a3: {  	v18 =	vand.u32 $0x7FFFFFFF, v18;
	v22 =	vsel vm15, s12, v22;
	(v2sf) =	vpush v13, $0x5;
	s31 =	sadd.s32 s15, s23;
	s25 =	smulhi.u32 $0x78787879, s22;
	s23 =	sshra.s32 s26, $0x1F  }
0x4a4: {  	v10 =	vadd.f32 v18, v10;
	v18 =	vsel vm9, s24, v24;
	s7 =	spop (v2sf);
	(v2sf) =	vpush v13, $0x2;
	s24 =	sshra.s32 s22, $0x1F;
	s15 =	smul.u32 $0x78787879, s23  }
0x4a5: {  	vm15 =	vcmask $0x2724;
	v22 =	vsel vm6, s17, v22;
	s13 =	sshra.s32 s7, $0x1F;
	s8 =	spop (v2sf);
	s10 =	smul.u32 $0x78787879, s24  }
0x4a6: {  	vm11 =	vne.s32 v32, $0x0;
	v24 =	vperm.xlane v21, v6;
	v21 =	vsel vm15, s19, v22;
	s6 =	sadd.s32 s6, s21;
	s19 =	sshrl.u32 s31, $0x1F;
	s7 =	smulhi.u32 $0x78787879, s7  }
0x4a7: {  	vm11 =	vmand vm11, vm13;
	vm13 =	vcmask $0x2F2C;
	v21 =	vsel vm7, s0, v21;
	s18 =	sshra.s32 s8, $0x1F;
	s3 =	spop (v2sf);
	s30 =	smulhi.u32 $0x78787879, s8  }
0x4a8: {  	v25 =	vcombine.low v28, v25;
	vm14 =	vgt.s32 v20, $0x0;
	v21 =	vsel vm13, s1, v21;
	s8 =	smov.u32 s31;
	s23 =	sshrl.u32 s6, $0x1F;
	s13 =	smul.u32 $0x78787879, s13  }
0x4a9: {  	v22 =	vnsel vm14, $0x0, v20;
	vm14 =	vcmask $0x3734;
	v21 =	vsel vm8, s20, v21;
	s6 =	sshra.s32 s6, $0x7;
	s16 =	sshra.s32 s3, $0x1F;
	s29 =	spop (v2sf)  }
0x4aa: {  	v23 =	vperm.xlane v25, v6;
	v21 =	vsel vm14, s2, v21;
	s12 =	sadd.s32 s10, s25;
	s3 =	smulhi.u32 $0x78787879, s3;
	s26 =	spop (v2sf)  }
0x4ab: {  	v25 =	vand.u32 $0x7F, v22;
	v22 =	vshll.u32 v22, $0x2;
	v21 =	vsel vm9, s5, v21;
	s25 =	sld [smem:$0x796];
	s21 =	sshra.s32 s26, $0x1F;
	s5 =	smulhi.u32 $0x78787879, s26  }
0x4ac: {  	vm13 =	vgt.s32 v20, $0xFFFFFFFF;
	v20 =	vand.u32 $0xFFFFFE00, v22;
	s1 =	sshra.s32 s29, $0x1F;
	s10 =	sadd.s32 s13, s7;
	s24 =	smul.u32 $0x78787879, s21  }
0x4ad: {  	v18 =	vperm.xlane v18, v7;
	v20 =	vor.u32 v20, v25;
	s0 =	spop (v2sf);
	s13 =	sshra.s32 s10, $0x7;
	s21 =	smul.u32 $0x78787879, s9  }
0x4ae: {  	v20 =	vor.u32 $0x80, v20;
	s22 =	sshra.s32 s0, $0x1F;
	s17 =	spop (v2sf);
	v22 =	vld [tilespmem:s25+$0x0];
	s9 =	smul.u32 $0x78787879, s18  }
.Ltmp10:
0x4af: {  	v18 =	vsel vm10, v18, v23;
	v23 =	vperm.xlane v21, v7;
	s25 =	sshrl.u32 s10, $0x1F;
	s18 =	sshra.s32 s11, $0x1F;
	(pc) =	sbr.rel @p1 .LBB2_16-.Ltmp10, $4  }
0x4b0: {  	v16 =	vor.u32 $0x80, v16;
	vm11 =	vmand vm11, vm13;
	vm13 =	vlt.s32 v11, $0x1;
	s11 =	rddreg [dreg:$0x1e];
	s10 =	sadd.s32 s24, s5;
	s24 =	sshrl.u32 s12, $0x1F  }
0x4b1: {  	vm11 =	vmand vm12, vm11;
	v25 =	vmov s23;
	v24 =	vsel vm10, v23, v24;
	s20 =	spop (v2sf);
	s26 =	sshra.s32 s17, $0x1F;
	[smem:$0x797] =	sst s24  }
0x4b2: {  	v21 =	vmov s6;
	v23 =	vmov s13;
	v24 =	vadd.s32 v18, v24;
	s24 =	smul.u32 $0x78787879, s26;
	s26 =	simm.s32 $0x1200;
	s23 =	spop (v2sf)  }
0x4b3: {  	v12 =	vmovc v14;
	v14 =	vmovc v63;
	s17 =	smulhi.u32 $0x78787879, s17;
	v27 =	vmul.u32 $0xFFFFFEF0, v24;
	s2 =	sshra.s32 s20, $0x1F;
	v20 =	vld.idx.msk [tilespmem:v20+s26+$0x0], $0xffff;
	v18 =	vcvt.s32.f32 v22;
	v22 =	vand.u32 $0x7F, v15;
	s31 =	spop (v2sf)  }
0x4b4: {  	s6 =	smul.u32 $0x78787879, s18  }
0x4b5: {  	s11 =	smulhi.u32 $0x78787879, s29  }
0x4b6: {  	s13 =	smulhi.u32 $0x78787879, s0  }
0x4b7: {  	s16 =	smul.u32 $0x78787879, s16  }
0x4b8: {  	s18 =	smulhi.u32 $0x78787879, s23  }
0x4b9: {  	s1 =	smul.u32 $0x78787879, s1  }
0x4ba: {  	s5 =	rddreg [dreg:$0x1b];
	s20 =	smulhi.u32 $0x78787879, s20  }
0x4bb: {  	s0 =	sadd.s32 s9, s30;
	s26 =	sshra.s32 s31, $0x1F;
	s2 =	smul.u32 $0x78787879, s2  }
0x4bc: {  	s8 =	sshra.s32 s8, $0x7;
	v28 =	vmov s25;
	s7 =	smulhi.u32 $0x78787879, s5;
	s5 =	sadd.s32 s21, s4  }
0x4bd: {  	s21 =	smul.u32 $0x78787879, s22;
	s22 =	sshra.s32 s23, $0x1F;
	v28 =	vsel vm2, s19, v28;
	s19 =	sshra.s32 s12, $0x7  }
0x4be: {  	s3 =	sadd.s32 s16, s3;
	s16 =	sshra.s32 s5, $0x7;
	s1 =	sadd.s32 s1, s11  }
0x4bf: {  	s4 =	sadd.s32 s15, s7;
	s15 =	smul.u32 $0x78787879, s22;
	s22 =	sshra.s32 s0, $0x1F  }
0x4c0: {  	s9 =	sadd.s32 s21, s13;
	s21 =	smulhi.u32 $0x78787879, s31;
	s23 =	sshra.s32 s3, $0x7;
	v26 =	vmov s22  }
0x4c1: {  	vm12 =	vcmask $0x704;
	vm14 =	vcmask $0x2724;
	s7 =	sadd.s32 s24, s17;
	s17 =	smul.u32 $0x78787879, s26;
	s24 =	sshra.s32 s3, $0x1F;
	v26 =	vsel vm5, s23, v26  }
0x4c2: {  	vm15 =	vcmask $0x3734;
	v15 =	vshll.u32 v15, $0x3;
	s2 =	sadd.s32 s2, s20;
	s13 =	sshrl.u32 s5, $0x1F;
	s3 =	sshrl.u32 s3, $0x1F;
	v26 =	vsel vm12, s24, v26  }
0x4c3: {  	v23 =	vsel vm2, s8, v23;
	s5 =	sshra.s32 s5, $0x1F;
	s26 =	sshrl.u32 s10, $0x1F;
	v29 =	vmov s3;
	s17 =	sadd.s32 s17, s21;
	v26 =	vsel vm2, s16, v26  }
0x4c4: {  	v25 =	vsel vm2, s26, v25;
	s22 =	sshrl.u32 s7, $0x1F;
	s26 =	sshrl.u32 s1, $0x1F;
	v29 =	vnsel vm5, $0x0, v29;
	s21 =	sshra.s32 s17, $0x7;
	v26 =	vsel vm0, s5, v26  }
0x4c5: {  	s23 =	sshrl.u32 s9, $0x1F;
	v25 =	vsel vm3, s22, v25;
	s22 =	sshra.s32 s9, $0x7;
	v29 =	vsel vm2, s13, v29;
	s24 =	sshra.s32 s17, $0x1F;
	v26 =	vsel vm3, s21, v26  }
0x4c6: {  	s25 =	sshrl.u32 s17, $0x1F;
	v28 =	vsel vm3, s23, v28;
	s13 =	rddreg [dreg:$0x18];
	s17 =	sshrl.u32 s2, $0x1F;
	v25 =	vsel vm4, s26, v25;
	v26 =	vsel vm1, s24, v26  }
0x4c7: {  	vm12 =	vcmask $0x1F1C;
	v23 =	vsel vm3, s22, v23;
	s6 =	sadd.s32 s6, s13;
	s16 =	sshra.s32 s12, $0x1F;
	s21 =	sld [smem:$0x797];
	v26 =	vsel vm4, s19, v26  }
0x4c8: {  	s2 =	sshra.s32 s2, $0x7;
	v29 =	vsel vm3, s25, v29;
	v28 =	vsel vm4, s17, v28;
	s20 =	sshra.s32 s6, $0x7;
	s23 =	sshrl.u32 s6, $0x1F;
	v26 =	vsel vm12, s16, v26  }
0x4c9: {  	v23 =	vsel vm4, s2, v23;
	s6 =	sshra.s32 s6, $0x1F;
	v25 =	vcombine.low v28, v25;
	s24 =	sshra.s32 s10, $0x7;
	s19 =	sadd.s32 s15, s18;
	v26 =	vsel vm6, s20, v26  }
0x4ca: {  	s7 =	sshra.s32 s7, $0x7;
	v21 =	vsel vm2, s24, v21;
	v29 =	vsel vm4, s21, v29;
	s26 =	sshra.s32 s19, $0x7;
	v26 =	vsel vm14, s6, v26  }
0x4cb: {  	s1 =	sshra.s32 s1, $0x7;
	s3 =	sshra.s32 s19, $0x1F;
	v21 =	vsel vm3, s7, v21;
	vm12 =	vcmask $0x2F2C;
	v26 =	vsel vm7, s26, v26  }
0x4cc: {  	s10 =	sshra.s32 s4, $0x7;
	s25 =	sshrl.u32 s19, $0x1F;
	v28 =	vsel vm6, s23, v29;
	v21 =	vsel vm4, s1, v21;
	v26 =	vsel vm12, s3, v26  }
0x4cd: {  	s11 =	sshrl.u32 s4, $0x1F;
	s12 =	sshra.s32 s4, $0x1F;
	v28 =	vsel vm7, s25, v28;
	v21 =	vcombine.low v23, v21;
	v23 =	vsel vm8, s10, v26  }
0x4ce: {  	s13 =	sshrl.u32 s0, $0x1F;
	s0 =	sshra.s32 s0, $0x7;
	v25 =	vperm.xlane v25, v6;
	v28 =	vsel vm8, s11, v28;
	v23 =	vsel vm15, s12, v23  }
0x4cf: {  	v21 =	vperm.xlane v21, v6;
	v26 =	vsel vm9, s13, v28;
	v23 =	vsel vm9, s0, v23  }
0x4d0: {  	v15 =	vand.u32 $0xFFFFFC00, v15;
	v26 =	vperm.xlane v26, v7;
	v23 =	vperm.xlane v23, v7  }
0x4d1: {  	v19 =	vand.u32 $0x380, v19;
	v11 =	vadd.s32 v11, v27;
	v15 =	vadd.s32 v15, v17  }
0x4d2: {  	v17 =	vadd.s32 $0x110, v11;
	v25 =	vsel vm10, v26, v25;
	v21 =	vsel vm10, v23, v21  }
0x4d3: {  	v15 =	vor.u32 v19, v15;
	vm12 =	vne.s32 v11, $0x0;
	v21 =	vadd.s32 v25, v21  }
0x4d4: {  	vm12 =	vmand vm13, vm12;
	vm13 =	vlt.s32 v11, $0x0;
	v25 =	vmul.u32 $0xFFFFFEF0, v21  }
0x4d5: {  	v15 =	vor.u32 v22, v15;
	v27 =	vsel vm12, $0xFFFFFFFF, v9;
	v11 =	vsel vm13, v17, v11  }
0x4d6: {  	vm12 =	vlt.s32 v13, $0x1;
	v19 =	vand.u32 $0x7F, v11;
	v17 =	vadd.s32 v13, v25  }
0x4d7: {  	v11 =	vshll.u32 v11, $0x3;
	v23 =	vadd.s32 v27, v24;
	vm13 =	vne.s32 v17, $0x0  }
0x4d8: {  	v11 =	vand.u32 $0xFFFFFC00, v11;
	v24 =	vshrl.u32 v23, $0x3;
	vm12 =	vmand vm12, vm13  }
0x4d9: {  	v24 =	vmul.u32 $0xC00, v24;
	v13 =	vshll.u32 v23, $0x7;
	v22 =	vsel vm12, $0xFFFFFFFF, v9  }
0x4da: {  	vm13 =	vlt.s32 v17, $0x0;
	v21 =	vadd.s32 v22, v21;
	v22 =	vadd.s32 $0x110, v17  }
0x4db: {  	v11 =	vadd.s32 v11, v24;
	v23 =	vshrl.u32 v21, $0x3;
	v17 =	vsel vm13, v22, v17  }
0x4dc: {  	v13 =	vand.u32 $0x380, v13;
	v22 =	vmul.u32 $0xC00, v23;
	v23 =	vshll.u32 v17, $0x3  }
0x4dd: {  	v11 =	vor.u32 v13, v11;
	v13 =	vshll.u32 v21, $0x7;
	v21 =	vand.u32 $0xFFFFFC00, v23  }
0x4de: {  	v11 =	vor.u32 v19, v11;
	v13 =	vand.u32 $0x380, v13;
	v19 =	vadd.s32 v21, v22  }
0x4df: {  	v17 =	vand.u32 $0x7F, v17;
	v13 =	vor.u32 v13, v19  }
0x4e0: {  	s15 =	simm.s32 $0xA00;
	v23 =	vld [tilespmem:s28+$0x0];
	v13 =	vor.u32 v17, v13  }
0x4e1: {  	s16 =	simm.s32 $0x1A00;
	v21 =	vld.idx.msk [tilespmem:v16+s15+$0x0], $0xffff  }
0x4e2: {  	s17 =	sld [smem:$0x7F8];
	v22 =	vld.idx.msk [tilespmem:v15+s16+$0x0], $0xffff  }
0x4e3: {  	v24 =	vld.idx.msk [tilespmem:v11+s16+$0x0], $0xffff  }
0x4e4: {  	s18 =	simm.s32 $0x3;
	s0 =	simm.s32 $0x0;
	v19 =	vld [tilespmem:s14+$0x0]  }
0x4e5: {  	v17 =	vld.idx.msk [tilespmem:v13+s16+$0x0], $0xffff;
	[tilespmem:s16], [sflag:$0x2] =	stream.linear.gather [hbm4b:s17+s0], $0xE400, $0x38  }
0x4e6: {  	_ =	swait.ge [sflag:s18], $0xE400  }
0x4e7: {  	[sflag:s18] =	ssyncset.done $0x0  }
0x4e8: {  	s19 =	simm.s32 $0x400;
	[sflag:s18] =	ssyncadd.s32 $0xFFFF1C00  }
0x4e9: {  	v13 =	vld [tilespmem:s19+$0x0];
	_ =	sdelay $0x4  }
0x4ea: {  	(v2sf) =	vpush v13, $0x6  }
0x4eb: {  	(v2sf) =	vpush v13, $0x4  }
0x4ec: {  	(v2sf) =	vpush v13, $0x9;
	_ =	sdelay $0x2  }
0x4ed: {  	(v2sf) =	vpush v13, $0xC  }
0x4ee: {  	(v2sf) =	vpush v13, $0x1;
	_ =	sdelay $0x1  }
0x4ef: {  	(v2sf) =	vpush v13, $0x3;
	_ =	sdelay $0x3  }
0x4f0: {  	(v2sf) =	vpush v13, $0x8  }
0x4f1: {  	(v2sf) =	vpush v13, $0x7  }
0x4f2: {  	(v2sf) =	vpush v13, $0x0  }
0x4f3: {  	s5 =	spop (v2sf)  }
0x4f4: {  	(v2sf) =	vpush v13, $0xF;
	s12 =	spop (v2sf)  }
0x4f5: {  	(v2sf) =	vpush v13, $0xD;
	s6 =	smulhi.u32 $0x78787879, s12;
	s20 =	spop (v2sf)  }
0x4f6: {  	s12 =	sshra.s32 s12, $0x1F;
	s21 =	smulhi.u32 $0x78787879, s20  }
0x4f7: {  	s1 =	sshra.s32 s20, $0x1F;
	s12 =	smul.u32 $0x78787879, s12  }
0x4f8: {  	s22 =	spop (v2sf);
	s1 =	smul.u32 $0x78787879, s1  }
0x4f9: {  	(v2sf) =	vpush v13, $0xA;
	s8 =	spop (v2sf);
	s18 =	smulhi.u32 $0x78787879, s22  }
0x4fa: {  	s23 =	sshra.s32 s22, $0x1F;
	s16 =	smulhi.u32 $0x78787879, s8  }
0x4fb: {  	s24 =	spop (v2sf);
	s25 =	smul.u32 $0x78787879, s23  }
0x4fc: {  	(v2sf) =	vpush v13, $0xE;
	s8 =	sshra.s32 s8, $0x1F;
	s15 =	smulhi.u32 $0x78787879, s24  }
0x4fd: {  	s30 =	simm.s32 $0x1E200;
	s31 =	simm.s32 $0x20;
	s8 =	smul.u32 $0x78787879, s8  }
0x4fe: {  	s3 =	sadd.s32 s1, s21;
	s21 =	sshra.s32 s5, $0x1F;
	s5 =	smulhi.u32 $0x78787879, s5  }
0x4ff: {  	s26 =	spop (v2sf);
	s9 =	sshra.s32 s24, $0x1F;
	s21 =	smul.u32 $0x78787879, s21  }
0x500: {  	s17 =	simm.s32 $0x410;
	(v2sf) =	vpush v13, $0xB;
	s14 =	spop (v2sf);
	s9 =	smul.u32 $0x78787879, s9  }
0x501: {  	v20 =	vnsel vm11, $0x0, v20;
	(v2sf) =	vpush v13, $0x5;
	s25 =	sadd.s32 s25, s18;
	s19 =	spop (v2sf);
	s20 =	smulhi.u32 $0x78787879, s14  }
0x502: {  	v20 =	vsub.f32 v20, v21;
	s23 =	sshra.s32 s14, $0x1F;
	s14 =	smulhi.u32 $0x78787879, s26;
	s28 =	sshrl.u32 s25, $0x1F  }
0x503: {  	v21 =	vxor.u32 $0x80000000, v21;
	s13 =	spop (v2sf);
	s1 =	sadd.s32 s9, s15;
	s9 =	smulhi.u32 $0x78787879, s19  }
0x504: {  	vm11 =	vlt.f32 v20, v21;
	vm12 =	vgt.f32 v20, v21;
	v21 =	vmov s28;
	s24 =	spop (v2sf);
	s7 =	sshra.s32 s13, $0x1F;
	s28 =	smulhi.u32 $0x78787879, s13  }
0x505: {  	s22 =	sshra.s32 s26, $0x1F;
	s26 =	sshra.s32 s24, $0x1F;
	s7 =	smul.u32 $0x78787879, s7  }
0x506: {  	s4 =	simm.s32 $0x10;
	v11 =	vld [tilespmem:s17+$0x0];
	s17 =	sadd.s32 s12, s6;
	(v2sf) =	vpush v13, $0x2;
	s2 =	smul.u32 $0x78787879, s26  }
0x507: {  	s10 =	sshrl.u32 s3, $0x1F;
	s3 =	sshra.s32 s3, $0x7;
	s26 =	smul.u32 $0x78787879, s22  }
0x508: {  	v12 =	vmul.f32 v18, v12;
	v18 =	vmul.f32 v18, v22;
	s11 =	sshra.s32 s19, $0x1F;
	s18 =	spop (v2sf);
	s22 =	smulhi.u32 $0x78787879, s24  }
0x509: {  	s5 =	sadd.s32 s21, s5;
	s15 =	sshra.s32 s18, $0x1F;
	s18 =	smulhi.u32 $0x78787879, s18  }
0x50a: {  	v23 =	vcvt.s32.f32 v23;
	v12 =	vsub.f32 v18, v12;
	s6 =	sshrl.u32 s1, $0x1F;
	s15 =	smul.u32 $0x78787879, s15;
	s24 =	sadd.s32 s26, s14  }
0x50b: {  	v25 =	vmov s0;
	v16 =	vld [tilespmem:s0+$0x0];
	s2 =	sadd.s32 s2, s22;
	s22 =	sadd.s32 s8, s16;
	s14 =	spop (v2sf)  }
0x50c: {  	v14 =	vmul.f32 v23, v14;
	v22 =	vmul.f32 v23, v24;
	v12 =	vand.u32 $0x7FFFFFFF, v12;
	s21 =	sshrl.u32 s24, $0x1F;
	s13 =	sshra.s32 s22, $0x7;
	s19 =	smulhi.u32 $0x78787879, s14  }
0x50d: {  	v10 =	vadd.f32 v12, v10;
	v12 =	vcvt.s32.f32 v19;
	v19 =	vmov s21;
	s26 =	sshra.s32 s14, $0x1F;
	s14 =	smul.u32 $0x78787879, s23;
	s23 =	sshra.s32 s25, $0x7  }
0x50e: {  	v15 =	vor.u32 s0, v2;
	(v2sf) =	vpush v11, $0x6;
	v19 =	vsel vm2, s10, v19;
	s10 =	sshra.s32 s1, $0x7;
	s25 =	smul.u32 $0x78787879, s26;
	s26 =	sshra.s32 s24, $0x7  }
0x50f: {  	v14 =	vsub.f32 v22, v14;
	(v2sf) =	vpush v11, $0x4;
	v22 =	vmov s23;
	s23 =	simm.s32 $0x1E600;
	s8 =	spop (v2sf);
	s0 =	sadd.s32 s14, s20  }
0x510: {  	(v2sf) =	vpush v11, $0x9;
	v23 =	vmov s26;
	s26 =	smul.u32 $0x78787879, s11;
	s11 =	sshra.s32 s22, $0x1F;
	s20 =	spop (v2sf)  }
0x511: {  	s16 =	sshra.s32 s8, $0x1F;
	s12 =	sadd.s32 s25, s19;
	s19 =	sshrl.u32 s22, $0x1F  }
0x512: {  	vm14 =	vcmask $0x1F1C;
	vm11 =	vmor vm12, vm11;
	(v2sf) =	vpush v11, $0xC;
	s21 =	sshra.s32 s0, $0x1F;
	s14 =	sshra.s32 s20, $0x1F;
	s20 =	smulhi.u32 $0x78787879, s20  }
0x513: {  	v20 =	vnsel vm11, $0x0, v20;
	v14 =	vand.u32 $0x7FFFFFFF, v14;
	(v2sf) =	vpush v11, $0x1;
	v18 =	vld.idx.msk [tilespmem:v16+s23+$0x0], $0xffff;
	s22 =	sadd.s32 s15, s18;
	s9 =	sadd.s32 s26, s9;
	s26 =	smulhi.u32 $0x78787879, s8  }
0x514: {  	vm13 =	vcmask $0x1714;
	v14 =	vadd.f32 v14, v10;
	v10 =	vmul.f32 v12, v20;
	s25 =	sadd.s32 s7, s28;
	s24 =	smul.u32 $0x78787879, s14;
	s18 =	sshrl.u32 s9, $0x1F  }
0x515: {  	v12 =	vmul.f32 v12, v17;
	v17 =	vshll.u32 v25, $0x2;
	s28 =	sshrl.u32 s12, $0x1F;
	s14 =	spop (v2sf);
	v26 =	vmov s18;
	s18 =	sshra.s32 s1, $0x1F  }
0x516: {  	v20 =	vand.u32 $0x7F, v15;
	v17 =	vand.u32 $0x600, v17;
	(v2sf) =	vpush v11, $0x3;
	s24 =	sadd.s32 s24, s20;
	s29 =	smulhi.u32 $0x78787879, s14;
	s14 =	sshra.s32 s14, $0x1F  }
0x517: {  	v17 =	vor.u32 v20, v17;
	v23 =	vsel vm2, s3, v23;
	(v2sf) =	vpush v11, $0x8;
	s20 =	sshrl.u32 s17, $0x1F;
	s23 =	smul.u32 $0x78787879, s14;
	s14 =	sshrl.u32 s2, $0x1F  }
0x518: {  	v24 =	vmov s21;
	(v2sf) =	vpush v11, $0x7;
	vm11 =	vgt.s32 v18, $0x0;
	s15 =	sshrl.u32 s24, $0x1F;
	s8 =	sshra.s32 s24, $0x7;
	s7 =	sshra.s32 s24, $0x1F  }
0x519: {  	(v2sf) =	vpush v11, $0x0;
	v25 =	vnsel vm11, $0x0, v18;
	vm11 =	vcmask $0x300;
	s24 =	smul.u32 $0x78787879, s16;
	s16 =	sshra.s32 s17, $0x7;
	s17 =	sshra.s32 s17, $0x1F  }
0x51a: {  	(v2sf) =	vpush v11, $0xF;
	s2 =	sshra.s32 s2, $0x7;
	v21 =	vsel vm2, s14, v21;
	v26 =	vnsel vm11, $0x0, v26;
	s14 =	sshra.s32 s9, $0x1F;
	s21 =	sadd.s32 s23, s29  }
0x51b: {  	(v2sf) =	vpush v11, $0xD;
	v27 =	vshll.u32 v25, $0x2;
	v26 =	vsel vm2, s19, v26;
	s23 =	sshra.s32 s9, $0x7;
	s19 =	simm.s32 $0x610;
	s9 =	sshra.s32 s5, $0x1F  }
0x51c: {  	v25 =	vand.u32 $0x7F, v25;
	v22 =	vsel vm2, s2, v22;
	v21 =	vsel vm3, s28, v21;
	s3 =	sshrl.u32 s21, $0x1F;
	[dreg:$0x6] =	wrdreg s19;
	s19 =	sadd.s32 s24, s26  }
0x51d: {  	v27 =	vand.u32 $0xFFFFFE00, v27;
	v24 =	vsel vm11, s23, v24;
	s23 =	sshrl.u32 s22, $0x1F;
	s24 =	sshrl.u32 s25, $0x1F;
	v26 =	vsel vm3, s3, v26;
	s3 =	spop (v2sf)  }
0x51e: {  	vm11 =	vcmask $0x704;
	v20 =	vor.u32 v27, v25;
	s22 =	sshra.s32 s22, $0x7;
	s26 =	sshrl.u32 s19, $0x1F;
	v25 =	vsel vm4, s6, v26;
	s6 =	spop (v2sf)  }
0x51f: {  	v24 =	vsel vm11, s14, v24;
	v19 =	vsel vm3, s23, v19;
	v21 =	vsel vm4, s24, v21;
	s24 =	sshra.s32 s25, $0x7;
	s2 =	smulhi.u32 $0x78787879, s6;
	s23 =	spop (v2sf)  }
0x520: {  	(v2sf) =	vpush v11, $0xA;
	s14 =	sshra.s32 s12, $0x7;
	v19 =	vsel vm4, s26, v19;
	v24 =	vsel vm2, s13, v24;
	s26 =	smulhi.u32 $0x78787879, s23;
	s13 =	sshra.s32 s23, $0x1F  }
0x521: {  	s25 =	sshra.s32 s21, $0x7;
	v23 =	vsel vm3, s22, v23;
	vm11 =	vcmask $0xF0C;
	v26 =	vld.idx.msk [tilespmem:v16+s30+$0x0], $0xffff;
	v22 =	vsel vm3, s14, v22;
	s22 =	spop (v2sf);
	s14 =	smul.u32 $0x78787879, s13  }
0x522: {  	v20 =	vor.u32 $0x100, v20;
	v24 =	vsel vm11, s11, v24;
	v25 =	vsel vm6, s20, v25;
	s11 =	sshra.s32 s19, $0x7;
	s20 =	spop (v2sf);
	s19 =	smulhi.u32 $0x78787879, s22  }
0x523: {  	(v2sf) =	vpush v11, $0xE;
	s21 =	sshra.s32 s21, $0x1F;
	v24 =	vsel vm3, s25, v24;
	v25 =	vsel vm7, s15, v25;
	s23 =	sshra.s32 s22, $0x1F;
	s15 =	smulhi.u32 $0x78787879, s20  }
0x524: {  	v22 =	vsel vm4, s24, v22;
	vm11 =	vne.s32 v16, $0x0;
	s24 =	simm.s32 $0x1200;
	s25 =	sshrl.u32 s0, $0x1F;
	v16 =	vsel vm13, s21, v24;
	s21 =	smul.u32 $0x78787879, s23  }
0x525: {  	v28 =	vor.u32 s4, v2;
	vm12 =	vlt.u32 v15, $0x1F4;
	s13 =	sshra.s32 s0, $0x7;
	v16 =	vsel vm4, s10, v16;
	s10 =	sshra.s32 s3, $0x1F;
	s3 =	smulhi.u32 $0x78787879, s3  }
0x526: {  	v29 =	vld [tilespmem:s4+$0x0];
	v17 =	vor.u32 $0x100, v17;
	v27 =	vmov s4;
	s0 =	spop (v2sf);
	vm13 =	veq.s32 v26, v15;
	s4 =	sadd.s32 s14, s26;
	s10 =	smul.u32 $0x78787879, s10  }
0x527: {  	v15 =	vld.idx.msk [tilespmem:v20+s24+$0x0], $0xffff;
	v16 =	vsel vm14, s18, v16;
	s24 =	spop (v2sf);
	s26 =	smulhi.u32 $0x78787879, s0;
	vm11 =	vmand vm11, vm13;
	vm13 =	vgt.s32 v18, $0xFFFFFFFF;
	s0 =	sshra.s32 s0, $0x1F  }
0x528: {  	s12 =	sshra.s32 s5, $0x7;
	v16 =	vsel vm6, s16, v16;
	s18 =	spop (v2sf);
	vm11 =	vmand vm11, vm13;
	vm13 =	vcmask $0x2724;
	s0 =	smul.u32 $0x78787879, s0  }
0x529: {  	s5 =	sshrl.u32 s5, $0x1F;
	(v2sf) =	vpush v11, $0xB;
	s14 =	simm.s32 $0xA00;
	v18 =	vsel vm4, s11, v23;
	s11 =	smulhi.u32 $0x78787879, s18;
	v16 =	vsel vm13, s17, v16  }
0x52a: {  	(v2sf) =	vpush v11, $0x5;
	vm14 =	vcmask $0x2F2C;
	s22 =	spop (v2sf);
	s17 =	sshra.s32 s24, $0x1F;
	s24 =	smulhi.u32 $0x78787879, s24;
	v16 =	vsel vm7, s8, v16  }
0x52b: {  	vm15 =	vcmask $0x3734;
	v20 =	vsel vm8, s5, v25;
	v17 =	vld.idx.msk [tilespmem:v17+s14+$0x0], $0xffff;
	s5 =	sadd.s32 s0, s26;
	s26 =	sshra.s32 s20, $0x1F;
	v16 =	vsel vm14, s7, v16;
	s7 =	smul.u32 $0x78787879, s17  }
0x52c: {  	v24 =	vand.u32 $0x7F, v28;
	(v2sf) =	vpush v11, $0x2;
	v23 =	vshll.u32 v27, $0x2;
	s16 =	spop (v2sf);
	s8 =	sshra.s32 s22, $0x1F;
	s26 =	smul.u32 $0x78787879, s26  }
0x52d: {  	s1 =	simm.s32 $0x420;
	v26 =	vsub.f32 v12, v10;
	v20 =	vsel vm9, s25, v20;
	v23 =	vand.u32 $0x600, v23;
	s28 =	spop (v2sf);
	s8 =	smul.u32 $0x78787879, s8  }
0x52e: {  	s6 =	sshra.s32 s6, $0x1F;
	s25 =	simm.s32 $0x1E600;
	v18 =	vcombine.low v18, v22;
	v20 =	vperm.xlane v20, v7;
	vm11 =	vmand vm12, vm11;
	s20 =	smulhi.u32 $0x78787879, s28  }
0x52f: {  	s23 =	simm.s32 $0x1200;
	v25 =	vld.idx.msk [tilespmem:v29+s25+$0x0], $0xffff;
	s25 =	sshra.s32 s18, $0x1F;
	v10 =	vor.u32 v24, v23;
	v15 =	vnsel vm11, $0x0, v15;
	v16 =	vsel vm8, s12, v16;
	s12 =	smulhi.u32 $0x78787879, s22  }
0x530: {  	s21 =	sadd.s32 s21, s19;
	v24 =	vmov s31;
	v18 =	vperm.xlane v18, v6;
	s19 =	sshra.s32 s28, $0x1F;
	v15 =	vsub.f32 v15, v17;
	s22 =	smul.u32 $0x78787879, s25  }
0x531: {  	s3 =	sadd.s32 s10, s3;
	v12 =	vxor.u32 $0x80000000, v17;
	s17 =	spop (v2sf);
	v17 =	vor.u32 $0x100, v10;
	v10 =	vcombine.low v19, v21;
	s18 =	smul.u32 $0x78787879, s19  }
0x532: {  	s19 =	sshrl.u32 s4, $0x1F;
	s24 =	sadd.s32 s7, s24;
	s7 =	sshra.s32 s16, $0x1F;
	v16 =	vsel vm15, s9, v16;
	vm12 =	vlt.f32 v15, v12;
	vm13 =	vgt.f32 v15, v12  }
0x533: {  	vm11 =	vlt.u32 v28, $0x1F4;
	v16 =	vsel vm9, s13, v16;
	s13 =	sshrl.u32 s21, $0x1F;
	s7 =	smul.u32 $0x78787879, s7;
	vm13 =	vmor vm13, vm12;
	s28 =	spop (v2sf)  }
0x534: {  	v19 =	vperm.xlane v10, v6;
	s0 =	sadd.s32 s18, s20;
	s18 =	sadd.s32 s26, s15;
	v12 =	vnsel vm13, $0x0, v15;
	vm13 =	vgt.s32 v25, $0x0;
	s15 =	smulhi.u32 $0x78787879, s28  }
0x535: {  	s21 =	sshra.s32 s21, $0x7;
	vm12 =	vne.s32 v29, $0x0;
	v16 =	vperm.xlane v16, v7;
	v15 =	vld.idx.msk [tilespmem:v29+s30+$0x0], $0xffff;
	s26 =	sshra.s32 s28, $0x1F;
	s28 =	smul.u32 $0x78787879, s6;
	v10 =	vnsel vm13, $0x0, v25  }
0x536: {  	s20 =	sshra.s32 s17, $0x1F;
	v22 =	vmov s13;
	s25 =	smul.u32 $0x78787879, s26;
	s26 =	sshra.s32 s24, $0x7;
	v21 =	vshll.u32 v10, $0x2;
	v23 =	vand.u32 $0x7F, v10;
	v10 =	vld [tilespmem:s1+$0x0]  }
0x537: {  	v19 =	vsel vm10, v20, v19;
	s6 =	sshrl.u32 s5, $0x1F;
	s20 =	smul.u32 $0x78787879, s20;
	s24 =	sshrl.u32 s24, $0x1F;
	v16 =	vsel vm10, v16, v18;
	v18 =	vmov s26  }
0x538: {  	v17 =	vld.idx.msk [tilespmem:v17+s14+$0x0], $0xffff;
	s14 =	sshrl.u32 s0, $0x1F;
	s9 =	spop (v2sf);
	s1 =	sadd.s32 s22, s11;
	v20 =	vmov s24;
	v16 =	vadd.s32 v19, v16;
	v21 =	vand.u32 $0xFFFFFE00, v21  }
0x539: {  	s29 =	spop (v2sf);
	v19 =	vmul.u32 $0xFFFFFEF0, v16;
	s26 =	sshra.s32 s1, $0x1F;
	v21 =	vor.u32 v21, v23;
	v23 =	vmov s21;
	s21 =	smulhi.u32 $0x78787879, s16  }
0x53a: {  	v20 =	vsel vm2, s19, v20;
	s15 =	sadd.s32 s25, s15;
	s22 =	sshra.s32 s29, $0x1F;
	s16 =	smulhi.u32 $0x78787879, s29;
	vm13 =	veq.s32 v15, v28;
	v15 =	vor.u32 $0x100, v21  }
0x53b: {  	s25 =	sadd.s32 s8, s12;
	s24 =	spop (v2sf);
	s22 =	smul.u32 $0x78787879, s22;
	v21 =	vmov s26;
	v19 =	vadd.s32 v13, v19;
	(v2sf) =	vpush v10, $0x6  }
0x53c: {  	s13 =	sshra.s32 s9, $0x1F;
	s12 =	sshrl.u32 s25, $0x1F;
	s19 =	smulhi.u32 $0x78787879, s24;
	vm12 =	vmand vm12, vm13;
	vm13 =	vgt.s32 v25, $0xFFFFFFFF;
	(v2sf) =	vpush v10, $0x4  }
0x53d: {  	s10 =	sshra.s32 s24, $0x1F;
	s24 =	smulhi.u32 $0x78787879, s17;
	s26 =	sshrl.u32 s18, $0x1F;
	v25 =	vor.u32 s31, v2;
	vm12 =	vmand vm12, vm13;
	(v2sf) =	vpush v10, $0x9  }
0x53e: {  	s17 =	sshra.s32 s18, $0x7;
	s10 =	smul.u32 $0x78787879, s10;
	s7 =	sadd.s32 s7, s21;
	v28 =	vadd.s32 $0x110, v19;
	vm13 =	vne.s32 v19, $0x0;
	vm12 =	vmand vm11, vm12  }
0x53f: {  	s21 =	simm.s32 $0x20;
	s22 =	sadd.s32 s22, s16;
	s16 =	sshra.s32 s18, $0x1F;
	vm11 =	vlt.s32 v13, $0x1;
	v13 =	vand.u32 $0x7FFFFFFF, v26;
	(v2sf) =	vpush v10, $0xC  }
0x540: {  	s18 =	sshra.s32 s4, $0x7;
	s24 =	sadd.s32 s20, s24;
	[dreg:$0x8] =	wrdreg s21;
	vm11 =	vmand vm11, vm13;
	v13 =	vadd.f32 v13, v14;
	(v2sf) =	vpush v10, $0x1  }
0x541: {  	s21 =	smulhi.u32 $0x78787879, s9;
	s4 =	sshrl.u32 s22, $0x1F;
	s9 =	sshra.s32 s22, $0x7;
	v14 =	vsel vm2, s14, v22;
	v22 =	vmov s12;
	vm13 =	vcmask $0x300;
	v15 =	vld.idx.msk [tilespmem:v15+s23+$0x0], $0xffff  }
0x542: {  	v18 =	vsel vm2, s18, v18;
	s18 =	sshrl.u32 s15, $0x1F;
	s14 =	sadd.s32 s10, s19;
	s12 =	sshra.s32 s25, $0x7;
	v22 =	vnsel vm13, $0x0, v22;
	(v2sf) =	vpush v10, $0x3  }
0x543: {  	s10 =	sshra.s32 s22, $0x1F;
	s22 =	sshrl.u32 s24, $0x1F;
	s24 =	sshra.s32 s24, $0x7;
	v21 =	vsel vm13, s12, v21;
	v14 =	vsel vm3, s18, v14;
	(v2sf) =	vpush v10, $0x8  }
0x544: {  	s0 =	sshra.s32 s0, $0x7;
	v26 =	vld [tilespmem:s31+$0x0];
	s19 =	sshra.s32 s25, $0x1F;
	s25 =	sshrl.u32 s7, $0x1F;
	vm13 =	vcmask $0x704;
	v20 =	vsel vm3, s22, v20;
	v18 =	vsel vm3, s24, v18  }
0x545: {  	s2 =	sadd.s32 s28, s2;
	s11 =	simm.s32 $0x30;
	s13 =	smul.u32 $0x78787879, s13;
	v21 =	vsel vm13, s19, v21;
	v30 =	vsel vm4, s25, v14;
	(v2sf) =	vpush v10, $0x7  }
0x546: {  	s28 =	simm.s32 $0x620;
	s8 =	sshra.s32 s5, $0x7;
	s20 =	sshrl.u32 s2, $0x1F;
	v15 =	vnsel vm12, $0x0, v15;
	vm12 =	vlt.s32 v19, $0x0;
	(v2sf) =	vpush v10, $0x0  }
0x547: {  	s15 =	sshra.s32 s15, $0x7;
	s21 =	sadd.s32 s13, s21;
	s23 =	simm.s32 $0x1200;
	v27 =	vsub.f32 v15, v17;
	v15 =	vsel vm2, s26, v22;
	(v2sf) =	vpush v10, $0xF  }
0x548: {  	s12 =	sshra.s32 s5, $0x1F;
	s18 =	sshra.s32 s2, $0x7;
	v17 =	vxor.u32 $0x80000000, v17;
	s26 =	sshrl.u32 s14, $0x1F;
	v22 =	vsel vm11, $0xFFFFFFFF, v9;
	(v2sf) =	vpush v10, $0xD  }
0x549: {  	s13 =	sshrl.u32 s21, $0x1F;
	s22 =	sshra.s32 s7, $0x7;
	s5 =	sshra.s32 s3, $0x1F;
	v29 =	vsel vm3, s26, v15;
	v15 =	vsel vm12, v28, v19;
	v19 =	vsel vm2, s17, v21  }
0x54a: {  	s24 =	simm.s32 $0x1E600;
	s21 =	sshra.s32 s21, $0x7;
	v21 =	vsel vm2, s0, v23;
	vm11 =	vlt.f32 v27, v17;
	vm12 =	vgt.f32 v27, v17;
	s7 =	spop (v2sf)  }
0x54b: {  	s19 =	sshra.s32 s2, $0x1F;
	s25 =	sshra.s32 s14, $0x7;
	v17 =	vsel vm4, s13, v20;
	(v2sf) =	vpush v10, $0xA;
	v14 =	vsel vm4, s6, v29;
	s2 =	spop (v2sf)  }
0x54c: {  	s26 =	simm.s32 $0x430;
	v23 =	vld.idx.msk [tilespmem:v26+s24+$0x0], $0xffff;
	v21 =	vsel vm3, s15, v21;
	vm11 =	vmor vm12, vm11;
	vm12 =	vcmask $0xF0C;
	s31 =	smulhi.u32 $0x78787879, s2;
	s17 =	spop (v2sf)  }
0x54d: {  	[dreg:$0x12] =	wrdreg s26;
	v20 =	vld.idx.msk [tilespmem:v26+s30+$0x0], $0xffff;
	v19 =	vsel vm12, s16, v19;
	vm12 =	vne.s32 v26, $0x0;
	v26 =	vsel vm6, s20, v14;
	s13 =	smulhi.u32 $0x78787879, s17;
	s15 =	sshra.s32 s17, $0x1F  }
0x54e: {  	s26 =	sshra.s32 s14, $0x1F;
	v14 =	vnsel vm11, $0x0, v27;
	vm11 =	vcmask $0x1714;
	v19 =	vsel vm3, s25, v19;
	s14 =	spop (v2sf);
	s15 =	smul.u32 $0x78787879, s15  }
0x54f: {  	v18 =	vsel vm4, s21, v18;
	s0 =	sshra.s32 s3, $0x7;
	(v2sf) =	vpush v10, $0xE;
	v19 =	vsel vm11, s26, v19;
	s17 =	spop (v2sf);
	s26 =	smulhi.u32 $0x78787879, s14  }
0x550: {  	vm13 =	vcmask $0x1F1C;
	v22 =	vadd.s32 v22, v16;
	v26 =	vsel vm7, s4, v26;
	[dreg:$0x1c] =	wrdreg s7;
	s24 =	sshra.s32 s14, $0x1F;
	s4 =	smulhi.u32 $0x78787879, s17  }
0x551: {  	s3 =	sshrl.u32 s3, $0x1F;
	v21 =	vsel vm4, s22, v21;
	v19 =	vsel vm4, s8, v19;
	(v2sf) =	vpush v10, $0xB;
	s25 =	spop (v2sf);
	s21 =	smul.u32 $0x78787879, s24  }
0x552: {  	v17 =	vcombine.low v17, v30;
	v19 =	vsel vm13, s12, v19;
	(v2sf) =	vpush v10, $0x5;
	s14 =	sshra.s32 s7, $0x1F;
	s24 =	spop (v2sf);
	s8 =	smulhi.u32 $0x78787879, s25  }
0x553: {  	vm13 =	vcmask $0x2724;
	v19 =	vsel vm6, s18, v19;
	s6 =	sadd.s32 s15, s13;
	(v2sf) =	vpush v10, $0x2;
	s25 =	sshra.s32 s25, $0x1F;
	s15 =	smul.u32 $0x78787879, s14  }
0x554: {  	v18 =	vcombine.low v18, v21;
	vm11 =	veq.s32 v20, v25;
	v19 =	vsel vm13, s19, v19;
	s13 =	sshrl.u32 s1, $0x1F;
	s20 =	sadd.s32 s21, s26;
	s26 =	smul.u32 $0x78787879, s25  }
0x555: {  	v20 =	vsel vm8, s3, v26;
	vm11 =	vmand vm12, vm11;
	v19 =	vsel vm7, s9, v19;
	s1 =	sshra.s32 s1, $0x7;
	s16 =	spop (v2sf);
	s14 =	smulhi.u32 $0x78787879, s24  }
0x556: {  	vm12 =	vgt.s32 v23, $0x0;
	v19 =	vsel vm14, s10, v19;
	v20 =	vsel vm9, s13, v20;
	s13 =	sshra.s32 s24, $0x1F;
	s18 =	spop (v2sf);
	s30 =	smulhi.u32 $0x78787879, s16  }
0x557: {  	v26 =	vnsel vm12, $0x0, v23;
	vm13 =	vcmask $0x3734;
	v19 =	vsel vm8, s0, v19;
	s24 =	sshra.s32 s16, $0x1F;
	s25 =	smul.u32 $0x78787879, s13;
	s13 =	simm.s32 $0x600  }
0x558: {  	v18 =	vperm.xlane v18, v6;
	v16 =	vsel vm13, s5, v19;
	v19 =	vshll.u32 v26, $0x2;
	s29 =	spop (v2sf);
	s16 =	sshra.s32 s18, $0x1F;
	s12 =	sadd.s32 s26, s8  }
0x559: {  	vm12 =	vgt.s32 v23, $0xFFFFFFFF;
	v21 =	vand.u32 $0x7F, v26;
	s8 =	smov.u32 s6;
	s26 =	sshra.s32 s17, $0x1F;
	v19 =	vand.u32 $0xFFFFFE00, v19;
	s3 =	smulhi.u32 $0x78787879, s18  }
0x55a: {  	v23 =	vshll.u32 v24, $0x2;
	v26 =	vperm.xlane v17, v6;
	s17 =	sshra.s32 s20, $0x7;
	s9 =	smul.u32 $0x78787879, s24;
	s7 =	spop (v2sf);
	v17 =	vor.u32 v19, v21  }
0x55b: {  	v24 =	vand.u32 $0x7F, v25;
	vm11 =	vmand vm11, vm12;
	s21 =	sadd.s32 s25, s14;
	s26 =	smul.u32 $0x78787879, s26;
	s19 =	sshra.s32 s7, $0x1F;
	v27 =	vor.u32 $0x100, v17  }
0x55c: {  	vm12 =	vlt.u32 v25, $0x1F4;
	v23 =	vand.u32 $0x600, v23;
	v16 =	vsel vm9, s1, v16;
	s14 =	sshrl.u32 s20, $0x1F;
	s1 =	sshra.s32 s29, $0x1F;
	s5 =	smul.u32 $0x78787879, s19  }
0x55d: {  	v23 =	vor.u32 v24, v23;
	v20 =	vperm.xlane v20, v7;
	v28 =	vld [tilespmem:s13+$0x0];
	v29 =	vperm.xlane v16, v7;
	s0 =	spop (v2sf);
	s19 =	sshrl.u32 s6, $0x1F;
	s6 =	smulhi.u32 $0x78787879, s7  }
0x55e: {  	v24 =	vshrl.u32 v22, $0x3;
	vm11 =	vmand vm12, vm11;
	v16 =	vor.u32 $0x100, v23;
	s22 =	sshra.s32 s21, $0x7;
	s25 =	sshrl.u32 s21, $0x1F;
	s7 =	spop (v2sf)  }
0x55f: {  	v20 =	vsel vm10, v20, v26;
	v23 =	vmov s22;
	v18 =	vsel vm10, v29, v18;
	s22 =	sshra.s32 s0, $0x1F;
	s10 =	sadd.s32 s5, s6;
	s18 =	sshra.s32 s7, $0x1F  }
0x560: {  	v21 =	vmov s17;
	v17 =	vmul.u32 $0xC00, v24;
	v24 =	vadd.s32 v20, v18;
	s17 =	smulhi.u32 $0x78787879, s7;
	v20 =	vld.idx.msk [tilespmem:v27+s23+$0x0], $0xffff;
	s23 =	sshrl.u32 s12, $0x1F;
	s20 =	spop (v2sf)  }
0x561: {  	vm13 =	vlt.s32 v11, $0x1;
	v19 =	vshll.u32 v22, $0x7;
	v22 =	vand.u32 $0x7F, v15;
	s24 =	smul.u32 $0x78787879, s18;
	s18 =	sshra.s32 s2, $0x1F;
	s21 =	spop (v2sf)  }
0x562: {  	v25 =	vmov s14;
	v18 =	vcvt.s32.f32 v28;
	v27 =	vmul.u32 $0xFFFFFEF0, v24;
	[smem:$0x795] =	sst s23;
	s2 =	sshra.s32 s20, $0x1F;
	s14 =	spop (v2sf)  }
.LBB2_18:
0x563: {  	s23 =	smul.u32 $0x78787879, s18  }
0x564: {  	s6 =	sshra.s32 s21, $0x1F;
	s21 =	smulhi.u32 $0x78787879, s21  }
0x565: {  	s7 =	simm.s32 $0xA00;
	s0 =	smulhi.u32 $0x78787879, s0  }
0x566: {  	s22 =	smul.u32 $0x78787879, s22;
	s4 =	sadd.s32 s26, s4;
	s26 =	rddreg [dreg:$0x6]  }
0x567: {  	s13 =	smov.u32 s11;
	s1 =	smul.u32 $0x78787879, s1;
	s5 =	smov.u32 s26  }
0x568: {  	s18 =	sadd.s32 $0x10, s11;
	s20 =	smulhi.u32 $0x78787879, s20;
	[smem:$0x794] =	sst s5  }
0x569: {  	s2 =	smul.u32 $0x78787879, s2;
	s13 =	smov.u32 s28;
	s5 =	rddreg [dreg:$0x12]  }
0x56a: {  	[dreg:$0x1f] =	wrdreg s18;
	s18 =	smov.u32 s10;
	s10 =	smulhi.u32 $0x78787879, s29;
	v27 =	vadd.s32 v11, v27;
	v11 =	vmov v10;
	v10 =	vld [tilespmem:s5+$0x0]  }
0x56b: {  	s29 =	sadd.s32 s9, s30;
	s9 =	smulhi.u32 $0x78787879, s14;
	[dreg:$0x6] =	wrdreg s13  }
0x56c: {  	v28 =	vmov s11;
	v26 =	vor.u32 s11, v2;
	v29 =	vld.idx.msk [tilespmem:v16+s7+$0x0], $0xffff;
	s13 =	sshra.s32 s14, $0x1F;
	s7 =	sshra.s32 s4, $0x7;
	s14 =	rddreg [dreg:$0x1c]  }
0x56d: {  	v19 =	vand.u32 $0x380, v19;
	p1 =	sne.s32 s11, $0x1F0;
	v15 =	vshll.u32 v15, $0x3;
	v16 =	vshll.u32 v28, $0x2;
	[smem:$0x793] =	sst s7;
	s7 =	smul.u32 $0x78787879, s6  }
0x56e: {  	vm12 =	vlt.u32 v26, $0x1F4;
	v28 =	vand.u32 $0x7F, v26;
	s28 =	sadd.s32 $0x10, s28;
	v16 =	vand.u32 $0x600, v16;
	s26 =	sshrl.u32 s4, $0x1F;
	s11 =	smulhi.u32 $0x78787879, s14  }
0x56f: {  	s4 =	sshra.s32 s4, $0x1F;
	v16 =	vor.u32 v28, v16;
	v28 =	vmov s25;
	s25 =	sshra.s32 s29, $0x1F;
	s13 =	smul.u32 $0x78787879, s13;
	(v2sf) =	vpush v10, $0x6  }
0x570: {  	s14 =	sadd.s32 s1, s10;
	v28 =	vsel vm2, s19, v28;
	v31 =	vmov s25;
	s19 =	rddreg [dreg:$0x8];
	s25 =	smul.u32 $0x78787879, s16;
	(v2sf) =	vpush v10, $0x4  }
0x571: {  	v15 =	vand.u32 $0xFFFFFC00, v15;
	vm14 =	vne.s32 v27, $0x0;
	s16 =	sadd.s32 s24, s17;
	s5 =	sadd.s32 $0x10, s5;
	s6 =	sadd.s32 $0x10, s19;
	(v2sf) =	vpush v10, $0x9  }
0x572: {  	v15 =	vadd.s32 v15, v17;
	vm14 =	vmand vm13, vm14;
	vm13 =	vlt.s32 v27, $0x0;
	s15 =	sadd.s32 s15, s11;
	s19 =	sshra.s32 s8, $0x7;
	s21 =	sadd.s32 s7, s21  }
0x573: {  	v19 =	vor.u32 v19, v15;
	v30 =	vsel vm14, $0xFFFFFFFF, v9;
	s7 =	sadd.s32 s22, s0;
	s9 =	sadd.s32 s13, s9;
	[dreg:$0x12] =	wrdreg s5;
	v32 =	vld [tilespmem:s6+$0x0];
	(v2sf) =	vpush v10, $0xC  }
0x574: {  	v20 =	vnsel vm11, $0x0, v20;
	v24 =	vadd.s32 v30, v24;
	s10 =	sshrl.u32 s16, $0x1F;
	s5 =	sshra.s32 s29, $0x7;
	[dreg:$0x8] =	wrdreg s6;
	(v2sf) =	vpush v10, $0x1  }
0x575: {  	v22 =	vor.u32 v22, v19;
	v30 =	vshrl.u32 v24, $0x3;
	v33 =	vsub.f32 v20, v29;
	s6 =	sadd.s32 s23, s31;
	s23 =	sshrl.u32 s18, $0x1F;
	s11 =	sadd.s32 s25, s3  }
0x576: {  	v29 =	vxor.u32 $0x80000000, v29;
	s8 =	sshrl.u32 s21, $0x1F;
	s3 =	sshra.s32 s12, $0x7;
	s0 =	sshra.s32 s21, $0x7;
	v20 =	vmul.u32 $0xC00, v30;
	(v2sf) =	vpush v10, $0x3  }
0x577: {  	v19 =	vshll.u32 v24, $0x7;
	s1 =	sshra.s32 s21, $0x1F;
	s21 =	simm.s32 $0x1E200;
	v23 =	vsel vm2, s19, v23;
	s12 =	sshra.s32 s12, $0x1F;
	v25 =	vsel vm2, s23, v25  }
0x578: {  	s13 =	sshra.s32 s9, $0x1F;
	s25 =	sshrl.u32 s11, $0x1F;
	s22 =	sshrl.u32 s6, $0x1F;
	vm14 =	vlt.f32 v33, v29;
	v17 =	vmovc v20;
	v20 =	vadd.s32 $0x110, v27;
	(v2sf) =	vpush v10, $0x8  }
0x579: {  	s23 =	sshrl.u32 s9, $0x1F;
	s24 =	sshra.s32 s11, $0x7;
	v25 =	vsel vm3, s10, v25;
	s10 =	simm.s32 $0xFE00;
	v15 =	vsel vm13, v20, v27;
	(v2sf) =	vpush v10, $0x7  }
0x57a: {  	s11 =	sshra.s32 s11, $0x1F;
	s17 =	sshra.s32 s6, $0x7;
	s19 =	sshra.s32 s6, $0x1F;
	v22 =	vld.idx.msk [tilespmem:v22+s10+$0x0], $0xffff;
	v20 =	vmov s25;
	vm13 =	vgt.f32 v33, v29;
	v29 =	vsel vm5, s24, v31  }
0x57b: {  	s6 =	sshra.s32 s14, $0x7;
	s10 =	sshrl.u32 s15, $0x1F;
	s25 =	simm.s32 $0x1E600;
	v27 =	vnsel vm5, $0x0, v20;
	vm13 =	vmor vm13, vm14;
	vm14 =	vcmask $0x704;
	v24 =	vld.idx.msk [tilespmem:v32+s21+$0x0], $0xffff  }
0x57c: {  	s24 =	sld [smem:$0x795];
	v27 =	vsel vm2, s26, v27;
	s26 =	sshrl.u32 s7, $0x1F;
	v29 =	vsel vm14, s11, v29;
	s11 =	sshrl.u32 s14, $0x1F;
	(v2sf) =	vpush v10, $0x0  }
0x57d: {  	v63 =	vnsel vm13, $0x0, v33;
	s14 =	sshrl.u32 s29, $0x1F;
	v28 =	vsel vm3, s26, v28;
	s26 =	sshra.s32 s18, $0x7;
	s18 =	sld [smem:$0x793];
	(v2sf) =	vpush v10, $0xF  }
0x57e: {  	v27 =	vsel vm3, s23, v27;
	v25 =	vsel vm4, s11, v25;
	v20 =	vld.idx.msk [tilespmem:v32+s25+$0x0], $0xffff;
	s21 =	sadd.s32 s2, s20;
	s25 =	sshra.s32 s7, $0x7;
	(v2sf) =	vpush v10, $0xD;
	s23 =	spop (v2sf)  }
0x57f: {  	v27 =	vsel vm4, s24, v27;
	s2 =	sshra.s32 s15, $0x1F;
	v21 =	vsel vm2, s26, v21;
	s20 =	sshrl.u32 s21, $0x1F;
	v23 =	vsel vm3, s25, v23;
	s11 =	spop (v2sf)  }
0x580: {  	s7 =	sshra.s32 s9, $0x7;
	v28 =	vsel vm4, s20, v28;
	vm13 =	veq.s32 v24, v26;
	(v2sf) =	vpush v10, $0xA;
	s31 =	smulhi.u32 $0x78787879, s11;
	s24 =	spop (v2sf)  }
0x581: {  	s20 =	sshra.s32 s15, $0x7;
	v24 =	vsel vm2, s18, v29;
	v26 =	vmul.f32 v18, v12;
	(v2sf) =	vpush v10, $0xE;
	s26 =	smulhi.u32 $0x78787879, s24;
	s15 =	sshra.s32 s24, $0x1F  }
0x582: {  	s25 =	sshra.s32 s16, $0x7;
	v18 =	vmul.f32 v18, v22;
	v22 =	vsel vm0, s4, v24;
	v24 =	vsel vm6, s22, v27;
	s18 =	spop (v2sf);
	s15 =	smul.u32 $0x78787879, s15  }
0x583: {  	vm15 =	vcmask $0x1F1C;
	s21 =	sshra.s32 s21, $0x7;
	v24 =	vsel vm7, s8, v24;
	s9 =	spop (v2sf);
	s8 =	smulhi.u32 $0x78787879, s18  }
0x584: {  	v21 =	vsel vm3, s25, v21;
	v23 =	vsel vm4, s21, v23;
	(v2sf) =	vpush v10, $0xB;
	[dreg:$0x1c] =	wrdreg s23;
	s24 =	sshra.s32 s18, $0x1F;
	s4 =	smulhi.u32 $0x78787879, s9  }
0x585: {  	v25 =	vcombine.low v28, v25;
	v21 =	vsel vm4, s6, v21;
	v22 =	vsel vm3, s7, v22;
	s23 =	sshra.s32 s23, $0x1F;
	s25 =	spop (v2sf);
	s6 =	smul.u32 $0x78787879, s24  }
0x586: {  	v18 =	vsub.f32 v18, v26;
	v22 =	vsel vm1, s13, v22;
	(v2sf) =	vpush v10, $0x5;
	s9 =	sshra.s32 s9, $0x1F;
	s24 =	sadd.s32 s15, s26;
	s21 =	smulhi.u32 $0x78787879, s25  }
0x587: {  	v21 =	vcombine.low v23, v21;
	v22 =	vsel vm4, s3, v22;
	s7 =	spop (v2sf);
	(v2sf) =	vpush v10, $0x2;
	s25 =	sshra.s32 s25, $0x1F;
	s15 =	smul.u32 $0x78787879, s23  }
0x588: {  	v24 =	vsel vm8, s10, v24;
	v18 =	vand.u32 $0x7FFFFFFF, v18;
	v22 =	vsel vm15, s12, v22;
	s13 =	sshra.s32 s7, $0x1F;
	s26 =	spop (v2sf);
	s7 =	smulhi.u32 $0x78787879, s7  }
0x589: {  	v13 =	vadd.f32 v18, v13;
	vm15 =	vcmask $0x2724;
	v22 =	vsel vm6, s17, v22;
	s6 =	sadd.s32 s6, s8;
	s8 =	smov.u32 s24;
	s30 =	smulhi.u32 $0x78787879, s26  }
0x58a: {  	v18 =	vsel vm9, s14, v24;
	v24 =	vperm.xlane v21, v6;
	v21 =	vsel vm15, s19, v22;
	s19 =	sshrl.u32 s24, $0x1F;
	s18 =	sshra.s32 s26, $0x1F;
	s26 =	smul.u32 $0x78787879, s25  }
0x58b: {  	vm11 =	vne.s32 v32, $0x0;
	vm14 =	vgt.s32 v20, $0x0;
	s3 =	spop (v2sf);
	s25 =	sshrl.u32 s6, $0x1F;
	s13 =	smul.u32 $0x78787879, s13  }
0x58c: {  	v23 =	vperm.xlane v25, v6;
	vm11 =	vmand vm11, vm13;
	vm13 =	vgt.s32 v20, $0xFFFFFFFF;
	s16 =	sshra.s32 s3, $0x1F;
	s29 =	spop (v2sf);
	s3 =	smulhi.u32 $0x78787879, s3  }
0x58d: {  	v22 =	vnsel vm14, $0x0, v20;
	vm14 =	vcmask $0x2F2C;
	v21 =	vsel vm7, s0, v21;
	s23 =	spop (v2sf);
	s12 =	sadd.s32 s26, s21;
	s26 =	sld [smem:$0x794]  }
0x58e: {  	v25 =	vand.u32 $0x7F, v22;
	v22 =	vshll.u32 v22, $0x2;
	v21 =	vsel vm14, s1, v21;
	s6 =	sshra.s32 s6, $0x7;
	s24 =	sshra.s32 s23, $0x1F;
	s23 =	smulhi.u32 $0x78787879, s23  }
0x58f: {  	vm15 =	vcmask $0x3734;
	v20 =	vand.u32 $0xFFFFFE00, v22;
	v21 =	vsel vm8, s20, v21;
	s1 =	sshra.s32 s29, $0x1F;
	s0 =	spop (v2sf);
	s14 =	smul.u32 $0x78787879, s24  }
0x590: {  	v18 =	vperm.xlane v18, v7;
	v20 =	vor.u32 v20, v25;
	v21 =	vsel vm15, s2, v21;
	s10 =	sadd.s32 s13, s7;
	s17 =	spop (v2sf);
	v22 =	vld [tilespmem:s26+$0x0];
	s26 =	smul.u32 $0x78787879, s9  }
0x591: {  	v20 =	vor.u32 $0x100, v20;
	v21 =	vsel vm9, s5, v21;
	s13 =	sshra.s32 s10, $0x7;
	s24 =	sshra.s32 s17, $0x1F;
	s17 =	smulhi.u32 $0x78787879, s17  }
.Ltmp11:
0x592: {  	v18 =	vsel vm10, v18, v23;
	v23 =	vperm.xlane v21, v7;
	v25 =	vmov s25;
	s25 =	sshrl.u32 s10, $0x1F;
	s22 =	sshra.s32 s0, $0x1F;
	(pc) =	sbr.rel @p1 .LBB2_18-.Ltmp11, $4  }
0x593: {  	v16 =	vor.u32 $0x100, v16;
	vm11 =	vmand vm11, vm13;
	s20 =	spop (v2sf);
	s9 =	smul.u32 $0x78787879, s18;
	s18 =	sshra.s32 s11, $0x1F  }
0x594: {  	vm13 =	vlt.s32 v11, $0x1;
	vm11 =	vmand vm12, vm11;
	v24 =	vsel vm10, v23, v24;
	s11 =	rddreg [dreg:$0x1f];
	s10 =	sadd.s32 s14, s23;
	s14 =	sshrl.u32 s12, $0x1F  }
0x595: {  	v21 =	vmov s6;
	v24 =	vadd.s32 v18, v24;
	v23 =	vmov s13;
	s24 =	smul.u32 $0x78787879, s24;
	s23 =	simm.s32 $0x1200;
	s21 =	spop (v2sf)  }
0x596: {  	v12 =	vmovc v14;
	v14 =	vmovc v63;
	v27 =	vmul.u32 $0xFFFFFEF0, v24;
	s2 =	sshra.s32 s20, $0x1F;
	[smem:$0x795] =	sst s14;
	v20 =	vld.idx.msk [tilespmem:v20+s23+$0x0], $0xffff;
	v18 =	vcvt.s32.f32 v22;
	v22 =	vand.u32 $0x7F, v15;
	s14 =	spop (v2sf)  }
0x597: {  	s6 =	smul.u32 $0x78787879, s18  }
0x598: {  	s11 =	smulhi.u32 $0x78787879, s29  }
0x599: {  	s13 =	smulhi.u32 $0x78787879, s0  }
0x59a: {  	s23 =	smul.u32 $0x78787879, s22  }
0x59b: {  	s16 =	smul.u32 $0x78787879, s16  }
0x59c: {  	s18 =	sadd.s32 s26, s4;
	s26 =	sshra.s32 s21, $0x1F;
	s21 =	smulhi.u32 $0x78787879, s21  }
0x59d: {  	s1 =	smul.u32 $0x78787879, s1  }
0x59e: {  	s20 =	smulhi.u32 $0x78787879, s20  }
0x59f: {  	s5 =	rddreg [dreg:$0x1c];
	s2 =	smul.u32 $0x78787879, s2  }
0x5a0: {  	s0 =	sadd.s32 s9, s30;
	s7 =	smulhi.u32 $0x78787879, s5  }
0x5a1: {  	s8 =	sshra.s32 s8, $0x7;
	s5 =	sshra.s32 s14, $0x1F;
	s14 =	smulhi.u32 $0x78787879, s14  }
0x5a2: {  	s9 =	sadd.s32 s23, s13;
	s13 =	sshrl.u32 s18, $0x1F;
	s3 =	sadd.s32 s16, s3  }
0x5a3: {  	s16 =	sshra.s32 s18, $0x7;
	s23 =	sshra.s32 s0, $0x1F;
	s4 =	sadd.s32 s15, s7  }
0x5a4: {  	v28 =	vmov s25;
	s7 =	sadd.s32 s24, s17;
	s15 =	smul.u32 $0x78787879, s26;
	v26 =	vmov s23;
	s24 =	sshra.s32 s3, $0x7  }
0x5a5: {  	vm12 =	vcmask $0x704;
	vm15 =	vcmask $0x3734;
	s18 =	sshra.s32 s18, $0x1F;
	s17 =	smul.u32 $0x78787879, s5;
	s26 =	sshra.s32 s3, $0x1F;
	v26 =	vsel vm5, s24, v26  }
0x5a6: {  	v15 =	vshll.u32 v15, $0x3;
	v28 =	vsel vm2, s19, v28;
	s1 =	sadd.s32 s1, s11;
	s2 =	sadd.s32 s2, s20;
	s3 =	sshrl.u32 s3, $0x1F;
	v26 =	vsel vm12, s26, v26  }
0x5a7: {  	v23 =	vsel vm2, s8, v23;
	s5 =	sshrl.u32 s10, $0x1F;
	s22 =	sshra.s32 s9, $0x7;
	v29 =	vmov s3;
	s14 =	sadd.s32 s17, s14;
	v26 =	vsel vm2, s16, v26  }
0x5a8: {  	s6 =	sadd.s32 s6, s31;
	v25 =	vsel vm2, s5, v25;
	s25 =	sshrl.u32 s7, $0x1F;
	v23 =	vsel vm3, s22, v23;
	s24 =	sshra.s32 s14, $0x7;
	v26 =	vsel vm0, s18, v26  }
0x5a9: {  	s23 =	sshra.s32 s12, $0x7;
	v29 =	vnsel vm5, $0x0, v29;
	s26 =	sshrl.u32 s9, $0x1F;
	v25 =	vsel vm3, s25, v25;
	s5 =	sshra.s32 s14, $0x1F;
	v26 =	vsel vm3, s24, v26  }
0x5aa: {  	s19 =	sadd.s32 s15, s21;
	s21 =	sld [smem:$0x795];
	vm12 =	vcmask $0x1F1C;
	v29 =	vsel vm2, s13, v29;
	s14 =	sshrl.u32 s14, $0x1F;
	v26 =	vsel vm1, s5, v26  }
0x5ab: {  	s17 =	sshra.s32 s12, $0x1F;
	s16 =	sshrl.u32 s1, $0x1F;
	v28 =	vsel vm3, s26, v28;
	s18 =	sshrl.u32 s2, $0x1F;
	v29 =	vsel vm3, s14, v29;
	v26 =	vsel vm4, s23, v26  }
0x5ac: {  	s20 =	sshra.s32 s6, $0x7;
	v25 =	vsel vm4, s16, v25;
	s2 =	sshra.s32 s2, $0x7;
	v28 =	vsel vm4, s18, v28;
	v26 =	vsel vm12, s17, v26  }
0x5ad: {  	v29 =	vsel vm4, s21, v29;
	s24 =	sshra.s32 s10, $0x7;
	s23 =	sshrl.u32 s6, $0x1F;
	s6 =	sshra.s32 s6, $0x1F;
	vm12 =	vcmask $0x2724;
	v26 =	vsel vm6, s20, v26  }
0x5ae: {  	s7 =	sshra.s32 s7, $0x7;
	s26 =	sshra.s32 s19, $0x7;
	v23 =	vsel vm4, s2, v23;
	v21 =	vsel vm2, s24, v21;
	v26 =	vsel vm12, s6, v26  }
0x5af: {  	s3 =	sshra.s32 s19, $0x1F;
	s1 =	sshra.s32 s1, $0x7;
	v25 =	vcombine.low v28, v25;
	v21 =	vsel vm3, s7, v21;
	v26 =	vsel vm7, s26, v26  }
0x5b0: {  	s11 =	sshra.s32 s4, $0x7;
	s25 =	sshrl.u32 s19, $0x1F;
	v28 =	vsel vm6, s23, v29;
	v21 =	vsel vm4, s1, v21;
	v26 =	vsel vm14, s3, v26  }
0x5b1: {  	s12 =	sshrl.u32 s4, $0x1F;
	s13 =	sshra.s32 s4, $0x1F;
	v28 =	vsel vm7, s25, v28;
	v21 =	vcombine.low v23, v21;
	v23 =	vsel vm8, s11, v26  }
0x5b2: {  	s14 =	sshrl.u32 s0, $0x1F;
	s0 =	sshra.s32 s0, $0x7;
	v25 =	vperm.xlane v25, v6;
	v28 =	vsel vm8, s12, v28;
	v23 =	vsel vm15, s13, v23  }
0x5b3: {  	v21 =	vperm.xlane v21, v6;
	v26 =	vsel vm9, s14, v28;
	v23 =	vsel vm9, s0, v23  }
0x5b4: {  	v15 =	vand.u32 $0xFFFFFC00, v15;
	v26 =	vperm.xlane v26, v7;
	v23 =	vperm.xlane v23, v7  }
0x5b5: {  	v19 =	vand.u32 $0x380, v19;
	v11 =	vadd.s32 v11, v27;
	v15 =	vadd.s32 v15, v17  }
0x5b6: {  	v17 =	vadd.s32 $0x110, v11;
	v25 =	vsel vm10, v26, v25;
	v21 =	vsel vm10, v23, v21  }
0x5b7: {  	v15 =	vor.u32 v19, v15;
	vm12 =	vne.s32 v11, $0x0;
	v21 =	vadd.s32 v25, v21  }
0x5b8: {  	vm12 =	vmand vm13, vm12;
	vm13 =	vlt.s32 v11, $0x0;
	v25 =	vmul.u32 $0xFFFFFEF0, v21  }
0x5b9: {  	v15 =	vor.u32 v22, v15;
	v27 =	vsel vm12, $0xFFFFFFFF, v9;
	v11 =	vsel vm13, v17, v11  }
0x5ba: {  	vm12 =	vlt.s32 v10, $0x1;
	v19 =	vand.u32 $0x7F, v11;
	v17 =	vadd.s32 v10, v25  }
0x5bb: {  	v11 =	vshll.u32 v11, $0x3;
	v23 =	vadd.s32 v27, v24;
	vm13 =	vne.s32 v17, $0x0  }
0x5bc: {  	v11 =	vand.u32 $0xFFFFFC00, v11;
	v24 =	vshrl.u32 v23, $0x3;
	vm12 =	vmand vm12, vm13  }
0x5bd: {  	v24 =	vmul.u32 $0xC00, v24;
	v10 =	vshll.u32 v23, $0x7;
	v22 =	vsel vm12, $0xFFFFFFFF, v9  }
0x5be: {  	vm13 =	vlt.s32 v17, $0x0;
	v21 =	vadd.s32 v22, v21;
	v22 =	vadd.s32 $0x110, v17  }
0x5bf: {  	v11 =	vadd.s32 v11, v24;
	v23 =	vshrl.u32 v21, $0x3;
	v17 =	vsel vm13, v22, v17  }
0x5c0: {  	v10 =	vand.u32 $0x380, v10;
	v22 =	vmul.u32 $0xC00, v23;
	v23 =	vshll.u32 v17, $0x3  }
0x5c1: {  	v10 =	vor.u32 v10, v11;
	v11 =	vshll.u32 v21, $0x7;
	v21 =	vand.u32 $0xFFFFFC00, v23  }
0x5c2: {  	v10 =	vor.u32 v19, v10;
	v11 =	vand.u32 $0x380, v11;
	v19 =	vadd.s32 v21, v22  }
0x5c3: {  	s17 =	rddreg [dreg:$0x6];
	v17 =	vand.u32 $0x7F, v17;
	v11 =	vor.u32 v11, v19  }
0x5c4: {  	s15 =	simm.s32 $0xA00;
	v23 =	vld [tilespmem:s17+$0x0];
	v11 =	vor.u32 v17, v11  }
0x5c5: {  	s16 =	simm.s32 $0xFE00;
	v21 =	vld.idx.msk [tilespmem:v16+s15+$0x0], $0xffff  }
0x5c6: {  	v22 =	vld.idx.msk [tilespmem:v15+s16+$0x0], $0xffff  }
0x5c7: {  	v24 =	vld.idx.msk [tilespmem:v10+s16+$0x0], $0xffff  }
0x5c8: {  	s18 =	simm.s32 $0x2;
	v19 =	vld [tilespmem:s28+$0x0]  }
0x5c9: {  	v17 =	vld.idx.msk [tilespmem:v11+s16+$0x0], $0xffff;
	_ =	swait.ge [sflag:s18], $0xE400  }
0x5ca: {  	[sflag:s18] =	ssyncset.done $0x0  }
0x5cb: {  	s19 =	simm.s32 $0x400;
	[sflag:s18] =	ssyncadd.s32 $0xFFFF1C00  }
0x5cc: {  	v15 =	vld [tilespmem:s19+$0x0];
	_ =	sdelay $0x4  }
0x5cd: {  	(v2sf) =	vpush v15, $0x6  }
0x5ce: {  	(v2sf) =	vpush v15, $0x4  }
0x5cf: {  	(v2sf) =	vpush v15, $0x9;
	_ =	sdelay $0x1  }
0x5d0: {  	(v2sf) =	vpush v15, $0xC  }
0x5d1: {  	(v2sf) =	vpush v15, $0x1;
	_ =	sdelay $0x1  }
0x5d2: {  	(v2sf) =	vpush v15, $0x3;
	_ =	sdelay $0x3  }
0x5d3: {  	(v2sf) =	vpush v15, $0x8  }
0x5d4: {  	(v2sf) =	vpush v15, $0x7;
	_ =	sdelay $0x1  }
0x5d5: {  	(v2sf) =	vpush v15, $0x0  }
0x5d6: {  	s0 =	spop (v2sf)  }
0x5d7: {  	(v2sf) =	vpush v15, $0xF;
	s5 =	spop (v2sf)  }
0x5d8: {  	(v2sf) =	vpush v15, $0xD;
	s6 =	smulhi.u32 $0x78787879, s5;
	s20 =	spop (v2sf)  }
0x5d9: {  	s21 =	smulhi.u32 $0x78787879, s20;
	s1 =	sshra.s32 s20, $0x1F  }
0x5da: {  	s22 =	spop (v2sf);
	s1 =	smul.u32 $0x78787879, s1  }
0x5db: {  	(v2sf) =	vpush v15, $0xA;
	s8 =	spop (v2sf);
	s14 =	smulhi.u32 $0x78787879, s22  }
0x5dc: {  	s23 =	sshra.s32 s22, $0x1F;
	s17 =	smulhi.u32 $0x78787879, s8  }
0x5dd: {  	s24 =	spop (v2sf);
	s25 =	smul.u32 $0x78787879, s23  }
0x5de: {  	(v2sf) =	vpush v15, $0xE;
	s8 =	sshra.s32 s8, $0x1F;
	s15 =	smulhi.u32 $0x78787879, s24  }
0x5df: {  	s3 =	sadd.s32 s1, s21;
	s21 =	sshra.s32 s0, $0x1F;
	s8 =	smul.u32 $0x78787879, s8  }
0x5e0: {  	s9 =	sshra.s32 s24, $0x1F;
	s21 =	smul.u32 $0x78787879, s21  }
0x5e1: {  	s30 =	simm.s32 $0x1E200;
	s26 =	spop (v2sf);
	s9 =	smul.u32 $0x78787879, s9  }
0x5e2: {  	(v2sf) =	vpush v15, $0xB;
	s13 =	spop (v2sf);
	s22 =	sshra.s32 s26, $0x1F;
	s26 =	smulhi.u32 $0x78787879, s26  }
0x5e3: {  	s31 =	simm.s32 $0x20;
	s4 =	simm.s32 $0x10;
	s20 =	smulhi.u32 $0x78787879, s13  }
0x5e4: {  	(v2sf) =	vpush v15, $0x5;
	s25 =	sadd.s32 s25, s14;
	s19 =	spop (v2sf);
	s14 =	smul.u32 $0x78787879, s22  }
0x5e5: {  	s23 =	sshra.s32 s13, $0x1F;
	s1 =	sadd.s32 s9, s15;
	s9 =	smulhi.u32 $0x78787879, s19  }
0x5e6: {  	s16 =	simm.s32 $0x0;
	s12 =	spop (v2sf);
	s23 =	smul.u32 $0x78787879, s23  }
0x5e7: {  	s18 =	simm.s32 $0x410;
	s24 =	spop (v2sf);
	s29 =	smulhi.u32 $0x78787879, s12  }
0x5e8: {  	v16 =	vld [tilespmem:s16+$0x0];
	s5 =	sshra.s32 s5, $0x1F;
	(v2sf) =	vpush v15, $0x2;
	s13 =	sshra.s32 s24, $0x1F;
	s22 =	smulhi.u32 $0x78787879, s24  }
0x5e9: {  	v23 =	vcvt.s32.f32 v23;
	s10 =	sshrl.u32 s3, $0x1F;
	s7 =	sshra.s32 s12, $0x1F;
	s2 =	smul.u32 $0x78787879, s13  }
0x5ea: {  	v12 =	vmul.f32 v18, v12;
	v18 =	vmul.f32 v18, v22;
	s3 =	sshra.s32 s3, $0x7;
	s7 =	smul.u32 $0x78787879, s7;
	s13 =	spop (v2sf)  }
0x5eb: {  	v14 =	vmul.f32 v23, v14;
	v22 =	vmul.f32 v23, v24;
	s15 =	sshra.s32 s13, $0x1F;
	s2 =	sadd.s32 s2, s22;
	s22 =	sadd.s32 s8, s17  }
0x5ec: {  	s17 =	sshrl.u32 s25, $0x1F;
	s25 =	sshra.s32 s25, $0x7;
	s15 =	smul.u32 $0x78787879, s15  }
0x5ed: {  	v14 =	vsub.f32 v22, v14;
	s24 =	sadd.s32 s14, s26;
	v22 =	vmov s25;
	s25 =	smulhi.u32 $0x78787879, s13;
	s14 =	spop (v2sf)  }
0x5ee: {  	v20 =	vnsel vm11, $0x0, v20;
	v10 =	vld [tilespmem:s18+$0x0];
	s11 =	sshra.s32 s19, $0x1F;
	s18 =	sshra.s32 s24, $0x7;
	s19 =	smulhi.u32 $0x78787879, s14  }
0x5ef: {  	v20 =	vsub.f32 v20, v21;
	s13 =	simm.s32 $0x1E600;
	s26 =	sshra.s32 s14, $0x1F;
	s14 =	smulhi.u32 $0x78787879, s0  }
0x5f0: {  	v21 =	vxor.u32 $0x80000000, v21;
	v19 =	vcvt.s32.f32 v19;
	v12 =	vsub.f32 v18, v12;
	v18 =	vld.idx.msk [tilespmem:v16+s13+$0x0], $0xffff;
	s13 =	sshra.s32 s22, $0x7;
	s0 =	sadd.s32 s23, s20;
	s23 =	smul.u32 $0x78787879, s5  }
0x5f1: {  	vm11 =	vlt.f32 v20, v21;
	vm12 =	vgt.f32 v20, v21;
	v25 =	vmov s16;
	s26 =	smul.u32 $0x78787879, s26;
	s8 =	spop (v2sf);
	s5 =	sadd.s32 s21, s14  }
0x5f2: {  	v11 =	vor.u32 s16, v2;
	vm11 =	vmor vm12, vm11;
	v21 =	vmov s17;
	s21 =	sshrl.u32 s24, $0x1F;
	s17 =	sadd.s32 s23, s6;
	s6 =	sshrl.u32 s1, $0x1F  }
0x5f3: {  	v12 =	vand.u32 $0x7FFFFFFF, v12;
	v14 =	vand.u32 $0x7FFFFFFF, v14;
	(v2sf) =	vpush v10, $0x6;
	s23 =	sshra.s32 s0, $0x1F;
	s20 =	spop (v2sf);
	s16 =	sshra.s32 s8, $0x1F  }
0x5f4: {  	v12 =	vadd.f32 v12, v13;
	(v2sf) =	vpush v10, $0x4;
	s12 =	sadd.s32 s26, s19;
	s26 =	sshrl.u32 s22, $0x1F;
	v24 =	vmov s21;
	s21 =	sadd.s32 s15, s25  }
0x5f5: {  	v28 =	vor.u32 s4, v2;
	v20 =	vnsel vm11, $0x0, v20;
	(v2sf) =	vpush v10, $0x9;
	s25 =	sshrl.u32 s2, $0x1F;
	s14 =	sshra.s32 s20, $0x1F;
	s20 =	smulhi.u32 $0x78787879, s20  }
0x5f6: {  	v13 =	vadd.f32 v14, v12;
	v12 =	vmul.f32 v19, v20;
	v14 =	vmul.f32 v19, v17;
	s19 =	sshrl.u32 s17, $0x1F;
	s2 =	sshra.s32 s2, $0x7;
	s14 =	smul.u32 $0x78787879, s14  }
0x5f7: {  	(v2sf) =	vpush v10, $0xC;
	v24 =	vsel vm2, s10, v24;
	s10 =	sshra.s32 s1, $0x7;
	v21 =	vsel vm2, s25, v21;
	s25 =	smulhi.u32 $0x78787879, s8;
	s28 =	spop (v2sf)  }
0x5f8: {  	vm15 =	vcmask $0x1F1C;
	v23 =	vmov s18;
	(v2sf) =	vpush v10, $0x1;
	s20 =	sadd.s32 s14, s20;
	s24 =	smulhi.u32 $0x78787879, s28;
	s18 =	sshra.s32 s28, $0x1F  }
0x5f9: {  	vm13 =	vcmask $0x1714;
	v17 =	vshll.u32 v25, $0x2;
	v14 =	vsub.f32 v14, v12;
	s14 =	smul.u32 $0x78787879, s11;
	s11 =	sshra.s32 s22, $0x1F;
	s22 =	sadd.s32 s7, s29  }
0x5fa: {  	vm12 =	vlt.u32 v11, $0x1F4;
	v19 =	vand.u32 $0x7F, v11;
	v17 =	vand.u32 $0x600, v17;
	s28 =	sshrl.u32 s12, $0x1F;
	s18 =	smul.u32 $0x78787879, s18;
	s15 =	sshrl.u32 s20, $0x1F  }
0x5fb: {  	v17 =	vor.u32 v19, v17;
	v14 =	vand.u32 $0x7FFFFFFF, v14;
	(v2sf) =	vpush v10, $0x3;
	s8 =	sshra.s32 s20, $0x7;
	s7 =	sshra.s32 s20, $0x1F;
	s20 =	smul.u32 $0x78787879, s16  }
0x5fc: {  	v23 =	vsel vm2, s3, v23;
	v20 =	vmov s23;
	(v2sf) =	vpush v10, $0x8;
	s16 =	sshra.s32 s17, $0x7;
	s17 =	sshra.s32 s17, $0x1F;
	s9 =	sadd.s32 s14, s9  }
0x5fd: {  	vm11 =	vgt.s32 v18, $0x0;
	v22 =	vsel vm2, s2, v22;
	(v2sf) =	vpush v10, $0x7;
	s14 =	sshrl.u32 s9, $0x1F;
	s24 =	sadd.s32 s18, s24;
	s23 =	sshra.s32 s9, $0x7  }
0x5fe: {  	v25 =	vnsel vm11, $0x0, v18;
	vm11 =	vcmask $0x300;
	(v2sf) =	vpush v10, $0x0;
	s18 =	sshra.s32 s1, $0x1F;
	s20 =	sadd.s32 s20, s25;
	s1 =	simm.s32 $0x420  }
0x5ff: {  	v27 =	vshll.u32 v25, $0x2;
	(v2sf) =	vpush v10, $0xF;
	s25 =	sshrl.u32 s22, $0x1F;
	s22 =	sshra.s32 s22, $0x7;
	v26 =	vmov s14;
	s3 =	sshrl.u32 s24, $0x1F  }
0x600: {  	v21 =	vsel vm3, s28, v21;
	v20 =	vsel vm11, s23, v20;
	s14 =	simm.s32 $0x610;
	s23 =	sshrl.u32 s21, $0x1F;
	s21 =	sshra.s32 s21, $0x7;
	v26 =	vnsel vm11, $0x0, v26  }
0x601: {  	(v2sf) =	vpush v10, $0xD;
	v21 =	vsel vm4, s25, v21;
	s25 =	sshra.s32 s24, $0x7;
	s24 =	sshra.s32 s24, $0x1F;
	[dreg:$0x7] =	wrdreg s14;
	v26 =	vsel vm2, s26, v26  }
0x602: {  	v25 =	vand.u32 $0x7F, v25;
	v27 =	vand.u32 $0xFFFFFE00, v27;
	s14 =	sshra.s32 s12, $0x7;
	s12 =	sshra.s32 s5, $0x7;
	v26 =	vsel vm3, s3, v26;
	s3 =	spop (v2sf)  }
0x603: {  	v19 =	vor.u32 v27, v25;
	vm11 =	vcmask $0x704;
	s26 =	sshra.s32 s9, $0x1F;
	s9 =	sshra.s32 s5, $0x1F;
	v25 =	vsel vm4, s6, v26;
	s6 =	spop (v2sf)  }
0x604: {  	(v2sf) =	vpush v10, $0xA;
	v24 =	vsel vm3, s23, v24;
	v20 =	vsel vm11, s26, v20;
	s26 =	sshrl.u32 s20, $0x1F;
	s2 =	smulhi.u32 $0x78787879, s6;
	s23 =	spop (v2sf)  }
0x605: {  	s5 =	sshrl.u32 s5, $0x1F;
	vm11 =	vcmask $0xF0C;
	v24 =	vsel vm4, s26, v24;
	v20 =	vsel vm2, s13, v20;
	s26 =	smulhi.u32 $0x78787879, s23;
	s13 =	sshra.s32 s23, $0x1F  }
0x606: {  	v23 =	vsel vm3, s21, v23;
	v22 =	vsel vm3, s14, v22;
	v26 =	vld.idx.msk [tilespmem:v16+s30+$0x0], $0xffff;
	v20 =	vsel vm11, s11, v20;
	s11 =	sshra.s32 s20, $0x7;
	s21 =	spop (v2sf);
	s14 =	smul.u32 $0x78787879, s13  }
0x607: {  	v17 =	vor.u32 $0x180, v17;
	v19 =	vor.u32 $0x180, v19;
	(v2sf) =	vpush v10, $0xE;
	s6 =	sshra.s32 s6, $0x1F;
	s13 =	spop (v2sf);
	s20 =	smulhi.u32 $0x78787879, s21  }
0x608: {  	v22 =	vsel vm4, s22, v22;
	v25 =	vsel vm6, s19, v25;
	v20 =	vsel vm3, s25, v20;
	s25 =	sshrl.u32 s0, $0x1F;
	s23 =	sshra.s32 s21, $0x1F;
	s19 =	smulhi.u32 $0x78787879, s13  }
0x609: {  	vm11 =	vne.s32 v16, $0x0;
	v25 =	vsel vm7, s15, v25;
	s15 =	sshra.s32 s0, $0x7;
	v16 =	vsel vm13, s24, v20;
	s24 =	simm.s32 $0x1200;
	s22 =	smul.u32 $0x78787879, s23  }
0x60a: {  	v29 =	vld [tilespmem:s4+$0x0];
	v13 =	vadd.f32 v14, v13;
	(v2sf) =	vpush v10, $0xB;
	s0 =	spop (v2sf);
	v16 =	vsel vm4, s10, v16;
	s10 =	sshra.s32 s3, $0x1F;
	s3 =	smulhi.u32 $0x78787879, s3  }
0x60b: {  	v27 =	vmov s4;
	(v2sf) =	vpush v10, $0x5;
	s23 =	simm.s32 $0x1200;
	vm13 =	veq.s32 v26, v11;
	s4 =	sadd.s32 s14, s26;
	s26 =	smulhi.u32 $0x78787879, s0  }
0x60c: {  	v11 =	vld.idx.msk [tilespmem:v19+s24+$0x0], $0xffff;
	s24 =	spop (v2sf);
	v16 =	vsel vm15, s18, v16;
	s0 =	sshra.s32 s0, $0x1F;
	s10 =	smul.u32 $0x78787879, s10;
	vm11 =	vmand vm11, vm13;
	vm13 =	vgt.s32 v18, $0xFFFFFFFF  }
0x60d: {  	s14 =	simm.s32 $0xA00;
	s18 =	spop (v2sf);
	v16 =	vsel vm6, s16, v16;
	s0 =	smul.u32 $0x78787879, s0;
	vm11 =	vmand vm11, vm13;
	vm13 =	vcmask $0x2724  }
0x60e: {  	v20 =	vshll.u32 v27, $0x2;
	v17 =	vld.idx.msk [tilespmem:v17+s14+$0x0], $0xffff;
	v18 =	vsel vm4, s11, v23;
	s28 =	sadd.s32 s22, s20;
	s21 =	spop (v2sf);
	s11 =	smulhi.u32 $0x78787879, s18;
	v16 =	vsel vm13, s17, v16  }
0x60f: {  	(v2sf) =	vpush v10, $0x2;
	v19 =	vsel vm8, s5, v25;
	s16 =	spop (v2sf);
	s17 =	sshra.s32 s24, $0x1F;
	s24 =	smulhi.u32 $0x78787879, s24;
	v16 =	vsel vm7, s8, v16  }
0x610: {  	v20 =	vand.u32 $0x600, v20;
	v19 =	vsel vm9, s25, v19;
	s25 =	simm.s32 $0x1E600;
	s22 =	spop (v2sf);
	v16 =	vsel vm14, s7, v16;
	s7 =	smul.u32 $0x78787879, s17  }
0x611: {  	vm15 =	vcmask $0x3734;
	v23 =	vand.u32 $0x7F, v28;
	vm11 =	vmand vm12, vm11;
	s8 =	sshra.s32 s21, $0x1F;
	s20 =	sshra.s32 s22, $0x1F;
	s22 =	smulhi.u32 $0x78787879, s22  }
0x612: {  	s13 =	sshra.s32 s13, $0x1F;
	v25 =	vld.idx.msk [tilespmem:v29+s25+$0x0], $0xffff;
	s18 =	sshra.s32 s18, $0x1F;
	v12 =	vor.u32 v23, v20;
	v18 =	vcombine.low v18, v22;
	v11 =	vnsel vm11, $0x0, v11;
	s8 =	smul.u32 $0x78787879, s8  }
0x613: {  	v19 =	vperm.xlane v19, v7;
	s3 =	sadd.s32 s10, s3;
	s5 =	sadd.s32 s0, s26;
	v11 =	vsub.f32 v11, v17;
	s25 =	smul.u32 $0x78787879, s20;
	v16 =	vsel vm8, s12, v16  }
0x614: {  	v18 =	vperm.xlane v18, v6;
	s17 =	spop (v2sf);
	v17 =	vxor.u32 $0x80000000, v17;
	s20 =	sshrl.u32 s4, $0x1F;
	s12 =	smul.u32 $0x78787879, s13;
	v16 =	vsel vm15, s9, v16  }
0x615: {  	v20 =	vld.idx.msk [tilespmem:v29+s30+$0x0], $0xffff;
	s13 =	smulhi.u32 $0x78787879, s21;
	s24 =	sadd.s32 s7, s24;
	s7 =	sshra.s32 s16, $0x1F;
	vm12 =	vlt.f32 v11, v17;
	vm13 =	vgt.f32 v11, v17;
	v17 =	vor.u32 $0x180, v12  }
0x616: {  	v12 =	vcombine.low v24, v21;
	s0 =	sadd.s32 s25, s22;
	s19 =	sadd.s32 s12, s19;
	v16 =	vsel vm9, s15, v16;
	s15 =	smul.u32 $0x78787879, s18;
	vm13 =	vmor vm13, vm12  }
0x617: {  	vm11 =	vlt.u32 v28, $0x1F4;
	s12 =	sshrl.u32 s28, $0x1F;
	s18 =	sshra.s32 s28, $0x7;
	s28 =	smul.u32 $0x78787879, s6;
	v11 =	vnsel vm13, $0x0, v11;
	vm13 =	vgt.s32 v25, $0x0  }
0x618: {  	s22 =	sshra.s32 s17, $0x1F;
	s17 =	smulhi.u32 $0x78787879, s17;
	s26 =	spop (v2sf);
	v16 =	vperm.xlane v16, v7;
	v21 =	vperm.xlane v12, v6;
	v12 =	vnsel vm13, $0x0, v25  }
0x619: {  	s29 =	sshrl.u32 s24, $0x1F;
	vm12 =	vne.s32 v29, $0x0;
	s21 =	smulhi.u32 $0x78787879, s26;
	s26 =	sshra.s32 s26, $0x1F;
	v22 =	vshll.u32 v12, $0x2;
	v24 =	vand.u32 $0x7F, v12;
	v12 =	vld [tilespmem:s1+$0x0]  }
0x61a: {  	s6 =	sshrl.u32 s5, $0x1F;
	v23 =	vmov s12;
	s25 =	smul.u32 $0x78787879, s26;
	s26 =	sshra.s32 s24, $0x7;
	vm13 =	veq.s32 v20, v28;
	v16 =	vsel vm10, v16, v18  }
0x61b: {  	s13 =	sadd.s32 s8, s13;
	s7 =	smul.u32 $0x78787879, s7;
	s9 =	spop (v2sf);
	v19 =	vsel vm10, v19, v21;
	v18 =	vmov s26;
	v21 =	vmov s29  }
0x61c: {  	s8 =	sshra.s32 s5, $0x7;
	s24 =	smulhi.u32 $0x78787879, s16;
	vm12 =	vmand vm12, vm13;
	vm13 =	vgt.s32 v25, $0xFFFFFFFF;
	v25 =	vor.u32 s31, v2;
	s12 =	spop (v2sf)  }
0x61d: {  	s1 =	sadd.s32 s15, s11;
	v22 =	vand.u32 $0xFFFFFE00, v22;
	v16 =	vadd.s32 v19, v16;
	vm12 =	vmand vm12, vm13;
	s26 =	sshra.s32 s12, $0x1F;
	s15 =	smulhi.u32 $0x78787879, s12  }
0x61e: {  	s2 =	sadd.s32 s28, s2;
	v22 =	vor.u32 v22, v24;
	v24 =	vmov s18;
	s16 =	spop (v2sf);
	s11 =	smul.u32 $0x78787879, s26;
	(v2sf) =	vpush v12, $0x6  }
0x61f: {  	s29 =	sshrl.u32 s19, $0x1F;
	s18 =	sshra.s32 s9, $0x1F;
	v19 =	vmul.u32 $0xFFFFFEF0, v16;
	v20 =	vor.u32 $0x180, v22;
	s26 =	smulhi.u32 $0x78787879, s16;
	(v2sf) =	vpush v12, $0x4  }
0x620: {  	v21 =	vsel vm2, s20, v21;
	s20 =	sshra.s32 s1, $0x1F;
	vm12 =	vmand vm11, vm12;
	s10 =	sshra.s32 s16, $0x1F;
	s18 =	smul.u32 $0x78787879, s18;
	(v2sf) =	vpush v12, $0x9  }
0x621: {  	s7 =	sadd.s32 s7, s24;
	vm11 =	vlt.s32 v15, $0x1;
	s16 =	sshra.s32 s19, $0x7;
	v19 =	vadd.s32 v15, v19;
	s10 =	smul.u32 $0x78787879, s10;
	(v2sf) =	vpush v12, $0xC  }
0x622: {  	v15 =	vld.idx.msk [tilespmem:v17+s14+$0x0], $0xffff;
	v17 =	vmov s31;
	s14 =	smulhi.u32 $0x78787879, s9;
	s28 =	sadd.s32 s11, s15;
	s11 =	sadd.s32 s25, s21;
	vm13 =	vne.s32 v19, $0x0;
	(v2sf) =	vpush v12, $0x1  }
0x623: {  	v22 =	vmov s20;
	s25 =	smul.u32 $0x78787879, s22;
	s21 =	sshrl.u32 s0, $0x1F;
	s22 =	sshrl.u32 s13, $0x1F;
	v17 =	vshll.u32 v17, $0x2;
	vm11 =	vmand vm11, vm13  }
0x624: {  	s15 =	sshra.s32 s19, $0x1F;
	s19 =	sshra.s32 s4, $0x7;
	s0 =	sshra.s32 s0, $0x7;
	v14 =	vsel vm2, s21, v23;
	v23 =	vmov s22;
	vm13 =	vcmask $0x300;
	v20 =	vld.idx.msk [tilespmem:v20+s23+$0x0], $0xffff  }
0x625: {  	s24 =	sadd.s32 s10, s26;
	v18 =	vsel vm2, s19, v18;
	s19 =	sshrl.u32 s11, $0x1F;
	v24 =	vsel vm2, s0, v24;
	s21 =	sadd.s32 s25, s17;
	(v2sf) =	vpush v12, $0x3  }
0x626: {  	s22 =	sadd.s32 s18, s14;
	s25 =	simm.s32 $0x20;
	v23 =	vnsel vm13, $0x0, v23;
	v14 =	vsel vm3, s19, v14;
	s14 =	sshrl.u32 s21, $0x1F;
	(v2sf) =	vpush v12, $0x8  }
0x627: {  	[dreg:$0x9] =	wrdreg s25;
	v23 =	vsel vm2, s29, v23;
	s25 =	sshrl.u32 s24, $0x1F;
	v21 =	vsel vm3, s14, v21;
	s14 =	sshrl.u32 s7, $0x1F;
	(v2sf) =	vpush v12, $0x7  }
0x628: {  	s12 =	simm.s32 $0x30;
	s20 =	sshrl.u32 s2, $0x1F;
	s4 =	sshrl.u32 s28, $0x1F;
	v27 =	vxor.u32 $0x80000000, v15;
	v23 =	vsel vm3, s25, v23;
	v29 =	vsel vm4, s14, v14  }
0x629: {  	s9 =	sshra.s32 s28, $0x7;
	s26 =	sshra.s32 s13, $0x7;
	s13 =	sshra.s32 s13, $0x1F;
	v14 =	vsel vm4, s6, v23;
	v20 =	vnsel vm12, $0x0, v20;
	vm12 =	vlt.s32 v19, $0x0  }
0x62a: {  	v26 =	vld [tilespmem:s31+$0x0];
	s18 =	sshra.s32 s2, $0x7;
	s0 =	sshra.s32 s3, $0x7;
	s17 =	sshra.s32 s5, $0x1F;
	(v2sf) =	vpush v12, $0x0;
	v20 =	vsub.f32 v20, v15;
	v15 =	vsel vm13, s26, v22  }
0x62b: {  	s19 =	sshra.s32 s2, $0x1F;
	s5 =	sshrl.u32 s22, $0x1F;
	s21 =	sshra.s32 s21, $0x7;
	(v2sf) =	vpush v12, $0xF;
	v22 =	vsel vm11, $0xFFFFFFFF, v9;
	vm13 =	vcmask $0x704  }
0x62c: {  	s25 =	sshra.s32 s7, $0x7;
	s14 =	sshra.s32 s11, $0x7;
	s26 =	simm.s32 $0x430;
	v28 =	vsel vm13, s13, v15;
	v15 =	vadd.s32 $0x110, v19;
	vm11 =	vlt.f32 v20, v27  }
0x62d: {  	s13 =	simm.s32 $0x620;
	[dreg:$0x13] =	wrdreg s26;
	v15 =	vsel vm12, v15, v19;
	vm12 =	vgt.f32 v20, v27;
	v19 =	vsel vm4, s5, v21;
	s6 =	spop (v2sf)  }
0x62e: {  	[dreg:$0xc] =	wrdreg s13;
	s5 =	sshra.s32 s3, $0x1F;
	v21 =	vsel vm2, s16, v28;
	vm11 =	vmor vm12, vm11;
	vm12 =	vcmask $0xF0C;
	s2 =	spop (v2sf)  }
0x62f: {  	v18 =	vsel vm3, s21, v18;
	(v2sf) =	vpush v12, $0xD;
	s13 =	sshra.s32 s24, $0x7;
	v21 =	vsel vm12, s15, v21;
	s31 =	smulhi.u32 $0x78787879, s2;
	s21 =	spop (v2sf)  }
0x630: {  	v17 =	vand.u32 $0x600, v17;
	v24 =	vsel vm3, s14, v24;
	v21 =	vsel vm3, s13, v21;
	s7 =	smulhi.u32 $0x78787879, s21;
	s11 =	sshra.s32 s21, $0x1F;
	s13 =	spop (v2sf)  }
0x631: {  	v24 =	vsel vm4, s25, v24;
	(v2sf) =	vpush v12, $0xA;
	s16 =	sshra.s32 s24, $0x1F;
	v27 =	vsel vm6, s20, v14;
	s14 =	smul.u32 $0x78787879, s11;
	s11 =	spop (v2sf)  }
0x632: {  	v23 =	vld.idx.msk [tilespmem:v26+s30+$0x0], $0xffff;
	s24 =	simm.s32 $0x1E600;
	v14 =	vnsel vm11, $0x0, v20;
	v20 =	vsel vm7, s4, v27;
	vm11 =	vcmask $0x1714;
	s25 =	sshra.s32 s13, $0x1F;
	s4 =	smulhi.u32 $0x78787879, s11  }
0x633: {  	s3 =	sshrl.u32 s3, $0x1F;
	vm12 =	vne.s32 v26, $0x0;
	v26 =	vld.idx.msk [tilespmem:v26+s24+$0x0], $0xffff;
	s24 =	sshra.s32 s22, $0x7;
	(v2sf) =	vpush v12, $0xE;
	v21 =	vsel vm11, s16, v21;
	s22 =	smul.u32 $0x78787879, s25  }
0x634: {  	vm13 =	vcmask $0x1F1C;
	v21 =	vsel vm4, s8, v21;
	(v2sf) =	vpush v12, $0xB;
	s26 =	spop (v2sf);
	s8 =	sadd.s32 s14, s7;
	s7 =	smulhi.u32 $0x78787879, s13  }
0x635: {  	v18 =	vsel vm4, s24, v18;
	v20 =	vsel vm8, s3, v20;
	(v2sf) =	vpush v12, $0x5;
	s24 =	spop (v2sf);
	s3 =	smulhi.u32 $0x78787879, s26;
	s16 =	sshra.s32 s26, $0x1F  }
0x636: {  	s10 =	sshra.s32 s28, $0x1F;
	v22 =	vadd.s32 v22, v16;
	v19 =	vcombine.low v19, v29;
	(v2sf) =	vpush v12, $0x2;
	s21 =	spop (v2sf);
	s26 =	smul.u32 $0x78787879, s16  }
0x637: {  	s23 =	simm.s32 $0x1200;
	vm11 =	veq.s32 v23, v25;
	v18 =	vcombine.low v18, v24;
	v21 =	vsel vm13, s17, v21;
	s14 =	sshra.s32 s6, $0x1F;
	s30 =	smulhi.u32 $0x78787879, s21  }
0x638: {  	v24 =	vshrl.u32 v22, $0x3;
	vm13 =	vcmask $0x2724;
	v21 =	vsel vm6, s18, v21;
	s13 =	sshrl.u32 s1, $0x1F;
	s20 =	sadd.s32 s22, s7;
	s22 =	smul.u32 $0x78787879, s14  }
0x639: {  	vm11 =	vmand vm12, vm11;
	v21 =	vsel vm13, s19, v21;
	s25 =	sshra.s32 s1, $0x7;
	v20 =	vsel vm9, s13, v20;
	s13 =	sshra.s32 s24, $0x1F;
	s14 =	smulhi.u32 $0x78787879, s24  }
0x63a: {  	v18 =	vperm.xlane v18, v6;
	vm12 =	vgt.s32 v26, $0x0;
	v21 =	vsel vm7, s9, v21;
	s1 =	sshrl.u32 s8, $0x1F;
	s17 =	smul.u32 $0x78787879, s13;
	s24 =	sshra.s32 s11, $0x1F  }
0x63b: {  	v23 =	vnsel vm12, $0x0, v26;
	vm12 =	vgt.s32 v26, $0xFFFFFFFF;
	v21 =	vsel vm14, s10, v21;
	s18 =	spop (v2sf);
	s10 =	sadd.s32 s26, s3;
	s26 =	smul.u32 $0x78787879, s24  }
0x63c: {  	vm13 =	vcmask $0x3734;
	v26 =	vperm.xlane v19, v6;
	v21 =	vsel vm8, s0, v21;
	s21 =	sshra.s32 s21, $0x1F;
	s13 =	simm.s32 $0x600;
	s3 =	smulhi.u32 $0x78787879, s18  }
0x63d: {  	vm11 =	vmand vm11, vm12;
	v16 =	vsel vm13, s5, v21;
	v21 =	vshll.u32 v23, $0x2;
	s29 =	spop (v2sf);
	s15 =	sshra.s32 s18, $0x1F;
	s28 =	smul.u32 $0x78787879, s21  }
0x63e: {  	vm12 =	vlt.u32 v25, $0x1F4;
	v23 =	vand.u32 $0x7F, v23;
	v21 =	vand.u32 $0xFFFFFE00, v21;
	[smem:$0x792] =	sst s22;
	s7 =	spop (v2sf);
	s17 =	sadd.s32 s17, s14  }
0x63f: {  	v25 =	vand.u32 $0x7F, v25;
	v16 =	vsel vm9, s25, v16;
	v19 =	vor.u32 v21, v23;
	s14 =	sshrl.u32 s20, $0x1F;
	s16 =	sshra.s32 s7, $0x1F;
	s25 =	smulhi.u32 $0x78787879, s7  }
0x640: {  	v17 =	vor.u32 v25, v17;
	vm11 =	vmand vm12, vm11;
	v28 =	vld [tilespmem:s13+$0x0];
	s19 =	sshra.s32 s29, $0x1F;
	s0 =	spop (v2sf);
	v27 =	vor.u32 $0x180, v19;
	s5 =	smul.u32 $0x78787879, s16  }
0x641: {  	v21 =	vperm.xlane v20, v7;
	v29 =	vperm.xlane v16, v7;
	v25 =	vmov s14;
	s24 =	sshrl.u32 s17, $0x1F;
	s14 =	sshra.s32 s2, $0x1F;
	s16 =	sshra.s32 s20, $0x7  }
0x642: {  	vm13 =	vlt.s32 v10, $0x1;
	v16 =	vor.u32 $0x180, v17;
	v17 =	vmul.u32 $0xC00, v24;
	s11 =	sadd.s32 s5, s25;
	s25 =	sshra.s32 s17, $0x7;
	s7 =	spop (v2sf)  }
0x643: {  	v19 =	vshll.u32 v22, $0x7;
	v21 =	vsel vm10, v21, v26;
	v18 =	vsel vm10, v29, v18;
	s18 =	sshra.s32 s7, $0x1F;
	s22 =	smulhi.u32 $0x78787879, s7;
	s20 =	spop (v2sf)  }
0x644: {  	v20 =	vmov s16;
	v24 =	vadd.s32 v21, v18;
	v21 =	vand.u32 $0x7F, v15;
	s5 =	sshrl.u32 s10, $0x1F;
	s17 =	smul.u32 $0x78787879, s18;
	s21 =	spop (v2sf)  }
0x645: {  	v18 =	vcvt.s32.f32 v28;
	v23 =	vmov s25;
	v22 =	vld.idx.msk [tilespmem:v27+s23+$0x0], $0xffff;
	v27 =	vmul.u32 $0xFFFFFEF0, v24;
	s18 =	sshra.s32 s0, $0x1F;
	s2 =	sshra.s32 s20, $0x1F;
	s9 =	spop (v2sf)  }
.LBB2_20:
0x646: {  	s4 =	sadd.s32 s26, s4  }
0x647: {  	s23 =	smul.u32 $0x78787879, s14;
	s13 =	sshra.s32 s21, $0x1F;
	s7 =	simm.s32 $0xA00  }
0x648: {  	s16 =	smov.u32 s12;
	s25 =	rddreg [dreg:$0x7];
	s0 =	smulhi.u32 $0x78787879, s0  }
0x649: {  	s30 =	sadd.s32 s28, s30;
	s20 =	smulhi.u32 $0x78787879, s20;
	s14 =	smov.u32 s25  }
0x64a: {  	p1 =	sne.s32 s12, $0x1F0;
	s2 =	smul.u32 $0x78787879, s2;
	[smem:$0x790] =	sst s14  }
0x64b: {  	v29 =	vld.idx.msk [tilespmem:v16+s7+$0x0], $0xffff;
	s16 =	smov.u32 s8;
	s14 =	smov.u32 s5;
	s5 =	rddreg [dreg:$0x13]  }
0x64c: {  	v28 =	vmov s12;
	v26 =	vor.u32 s12, v2;
	v27 =	vadd.s32 v10, v27;
	v10 =	vmovc v12;
	s8 =	smov.u32 s31;
	s31 =	rddreg [dreg:$0xc];
	s7 =	sadd.s32 $0x10, s12;
	v12 =	vld [tilespmem:s5+$0x0]  }
0x64d: {  	v19 =	vand.u32 $0x380, v19;
	v22 =	vnsel vm11, $0x0, v22;
	v15 =	vshll.u32 v15, $0x3;
	s25 =	sshrl.u32 s4, $0x1F;
	s13 =	smul.u32 $0x78787879, s13;
	s12 =	sshra.s32 s30, $0x1F  }
0x64e: {  	vm15 =	vcmask $0x1F1C;
	v16 =	vshll.u32 v28, $0x2;
	v28 =	vand.u32 $0x7F, v26;
	s26 =	smov.u32 s31;
	[smem:$0x791] =	sst s7;
	s7 =	smulhi.u32 $0x78787879, s21  }
0x64f: {  	vm14 =	vne.s32 v27, $0x0;
	v16 =	vand.u32 $0x600, v16;
	s21 =	sshra.s32 s4, $0x7;
	s4 =	sshra.s32 s4, $0x1F;
	v31 =	vmov s12;
	s12 =	rddreg [dreg:$0x9]  }
0x650: {  	v15 =	vand.u32 $0xFFFFFC00, v15;
	s31 =	sadd.s32 $0x10, s31;
	[dreg:$0x7] =	wrdreg s26;
	v16 =	vor.u32 v28, v16;
	v28 =	vmov s24;
	s24 =	smulhi.u32 $0x78787879, s6  }
0x651: {  	v62 =	vadd.s32 $0x110, v27;
	vm14 =	vmand vm13, vm14;
	s6 =	sadd.s32 $0x10, s12;
	s12 =	smul.u32 $0x78787879, s15;
	s15 =	sld [smem:$0x792];
	(v2sf) =	vpush v12, $0x6  }
0x652: {  	vm13 =	vlt.s32 v27, $0x0;
	v15 =	vadd.s32 v15, v17;
	s26 =	smulhi.u32 $0x78787879, s29;
	s29 =	sshra.s32 s9, $0x1F;
	[dreg:$0xc] =	wrdreg s31;
	(v2sf) =	vpush v12, $0x4  }
0x653: {  	s9 =	smulhi.u32 $0x78787879, s9;
	v30 =	vsel vm14, $0xFFFFFFFF, v9;
	v19 =	vor.u32 v19, v15;
	s5 =	sadd.s32 $0x10, s5;
	[dreg:$0x9] =	wrdreg s6;
	v32 =	vld [tilespmem:s6+$0x0];
	(v2sf) =	vpush v12, $0x9  }
0x654: {  	v15 =	vsel vm13, v62, v27;
	v28 =	vsel vm2, s1, v28;
	v24 =	vadd.s32 v30, v24;
	s1 =	smul.u32 $0x78787879, s18;
	s6 =	sadd.s32 s23, s8;
	s18 =	sshra.s32 s16, $0x7  }
0x655: {  	s16 =	sshrl.u32 s11, $0x1F;
	s23 =	smul.u32 $0x78787879, s29;
	s13 =	sadd.s32 s13, s7;
	v27 =	vor.u32 v21, v19;
	v30 =	vshrl.u32 v24, $0x3;
	(v2sf) =	vpush v12, $0xC  }
0x656: {  	[dreg:$0x13] =	wrdreg s5;
	v25 =	vsel vm2, s16, v25;
	s16 =	sadd.s32 s17, s22;
	s12 =	sadd.s32 s12, s3;
	v19 =	vshll.u32 v24, $0x7;
	(v2sf) =	vpush v12, $0x1  }
0x657: {  	v23 =	vsel vm2, s18, v23;
	v22 =	vsub.f32 v22, v29;
	v30 =	vmul.u32 $0xC00, v30;
	s3 =	sshrl.u32 s12, $0x1F;
	s9 =	sadd.s32 s23, s9;
	s23 =	sshrl.u32 s16, $0x1F  }
0x658: {  	s17 =	simm.s32 $0x1E200;
	s15 =	sadd.s32 s15, s24;
	v29 =	vxor.u32 $0x80000000, v29;
	s24 =	smul.u32 $0x78787879, s19;
	v21 =	vmov s3;
	v25 =	vsel vm3, s23, v25  }
0x659: {  	s18 =	simm.s32 $0x1E600;
	s7 =	sadd.s32 s1, s0;
	s19 =	sshrl.u32 s6, $0x1F;
	vm14 =	vlt.f32 v22, v29;
	vm13 =	vgt.f32 v22, v29;
	(v2sf) =	vpush v12, $0x3  }
0x65a: {  	s23 =	sadd.s32 s2, s20;
	s22 =	sadd.s32 s24, s26;
	v29 =	vnsel vm5, $0x0, v21;
	s26 =	sshra.s32 s12, $0x7;
	vm13 =	vmor vm13, vm14;
	(v2sf) =	vpush v12, $0x8  }
0x65b: {  	s24 =	sshrl.u32 s9, $0x1F;
	s12 =	sshra.s32 s12, $0x1F;
	v63 =	vsel vm5, s26, v31;
	s26 =	sshrl.u32 s7, $0x1F;
	vm14 =	vcmask $0x704;
	v24 =	vld.idx.msk [tilespmem:v32+s17+$0x0], $0xffff;
	(v2sf) =	vpush v12, $0x7  }
0x65c: {  	vm12 =	vlt.u32 v26, $0x1F4;
	v17 =	vmovc v30;
	v29 =	vsel vm2, s25, v29;
	v30 =	vsel vm14, s12, v63;
	v21 =	vld.idx.msk [tilespmem:v32+s18+$0x0], $0xffff;
	s17 =	sshra.s32 s6, $0x7;
	s18 =	sshra.s32 s6, $0x1F;
	s6 =	simm.s32 $0x1A00  }
0x65d: {  	s8 =	sshrl.u32 s13, $0x1F;
	s20 =	sshrl.u32 s23, $0x1F;
	s12 =	sshrl.u32 s22, $0x1F;
	v28 =	vsel vm3, s26, v28;
	v29 =	vsel vm3, s24, v29;
	v22 =	vnsel vm13, $0x0, v22;
	v27 =	vld.idx.msk [tilespmem:v27+s6+$0x0], $0xffff  }
0x65e: {  	s0 =	sshra.s32 s13, $0x7;
	s3 =	sshra.s32 s13, $0x1F;
	s24 =	sshra.s32 s11, $0x7;
	v25 =	vsel vm4, s12, v25;
	v28 =	vsel vm4, s20, v28;
	(v2sf) =	vpush v12, $0x0  }
0x65f: {  	s13 =	sshra.s32 s22, $0x7;
	s22 =	sshra.s32 s7, $0x7;
	s26 =	sshra.s32 s16, $0x7;
	v29 =	vsel vm4, s14, v29;
	v20 =	vsel vm2, s24, v20;
	(v2sf) =	vpush v12, $0xF  }
0x660: {  	s5 =	sshra.s32 s30, $0x7;
	s1 =	sshra.s32 s10, $0x7;
	v23 =	vsel vm3, s22, v23;
	v20 =	vsel vm3, s26, v20;
	(v2sf) =	vpush v12, $0xD;
	s6 =	spop (v2sf)  }
0x661: {  	s2 =	sshra.s32 s15, $0x1F;
	s7 =	sshra.s32 s9, $0x7;
	v20 =	vsel vm4, s13, v20;
	vm13 =	veq.s32 v24, v26;
	v26 =	vmul.f32 v18, v11;
	s12 =	spop (v2sf)  }
0x662: {  	s9 =	sshra.s32 s9, $0x1F;
	v24 =	vsel vm2, s21, v30;
	v11 =	vmovc v14;
	v14 =	vmovc v22;
	v22 =	vcombine.low v28, v25;
	v18 =	vmul.f32 v18, v27;
	s31 =	smulhi.u32 $0x78787879, s12;
	s25 =	spop (v2sf)  }
0x663: {  	s20 =	sshra.s32 s15, $0x7;
	v25 =	vsel vm6, s19, v29;
	v24 =	vsel vm0, s4, v24;
	(v2sf) =	vpush v12, $0xA;
	s14 =	smulhi.u32 $0x78787879, s25;
	s21 =	sshra.s32 s25, $0x1F  }
0x664: {  	s22 =	sshrl.u32 s30, $0x1F;
	v24 =	vsel vm3, s7, v24;
	(v2sf) =	vpush v12, $0xE;
	v18 =	vsub.f32 v18, v26;
	s24 =	spop (v2sf);
	s21 =	smul.u32 $0x78787879, s21  }
0x665: {  	s15 =	sshrl.u32 s15, $0x1F;
	v25 =	vsel vm7, s8, v25;
	v24 =	vsel vm1, s9, v24;
	(v2sf) =	vpush v12, $0xB;
	s11 =	spop (v2sf);
	s16 =	smulhi.u32 $0x78787879, s24  }
0x666: {  	v25 =	vsel vm8, s15, v25;
	v24 =	vsel vm4, s1, v24;
	v18 =	vand.u32 $0x7FFFFFFF, v18;
	s25 =	sshra.s32 s23, $0x7;
	s26 =	sshra.s32 s24, $0x1F;
	s4 =	smulhi.u32 $0x78787879, s11  }
0x667: {  	s10 =	sshra.s32 s10, $0x1F;
	v13 =	vadd.f32 v18, v13;
	v18 =	vsel vm9, s22, v25;
	s22 =	sshra.s32 s6, $0x1F;
	v23 =	vsel vm4, s25, v23;
	s7 =	smul.u32 $0x78787879, s26  }
0x668: {  	(v2sf) =	vpush v12, $0x5;
	s23 =	spop (v2sf);
	v20 =	vcombine.low v23, v20;
	v23 =	vsel vm15, s10, v24;
	s10 =	smul.u32 $0x78787879, s22;
	s8 =	sadd.s32 s21, s14  }
0x669: {  	s13 =	spop (v2sf);
	(v2sf) =	vpush v12, $0x2;
	s26 =	smulhi.u32 $0x78787879, s23;
	s24 =	sshra.s32 s23, $0x1F  }
0x66a: {  	s9 =	sshra.s32 s13, $0x1F;
	s14 =	spop (v2sf);
	[smem:$0x792] =	sst s10  }
0x66b: {  	vm11 =	vne.s32 v32, $0x0;
	s7 =	sadd.s32 s7, s16;
	s10 =	smul.u32 $0x78787879, s24;
	s1 =	sshrl.u32 s8, $0x1F  }
0x66c: {  	vm14 =	vgt.s32 v21, $0x0;
	vm15 =	vcmask $0x2724;
	v23 =	vsel vm6, s17, v23;
	s13 =	smulhi.u32 $0x78787879, s13;
	s16 =	sshra.s32 s11, $0x1F;
	s25 =	sshra.s32 s14, $0x1F  }
0x66d: {  	vm11 =	vmand vm11, vm13;
	v24 =	vperm.xlane v20, v6;
	v20 =	vsel vm15, s18, v23;
	s21 =	spop (v2sf);
	s30 =	smulhi.u32 $0x78787879, s14;
	s24 =	sshrl.u32 s7, $0x1F  }
0x66e: {  	v23 =	vnsel vm14, $0x0, v21;
	vm14 =	vcmask $0x2F2C;
	v20 =	vsel vm7, s0, v20;
	s9 =	smul.u32 $0x78787879, s9;
	s7 =	sshra.s32 s7, $0x7;
	s29 =	spop (v2sf)  }
0x66f: {  	vm13 =	vgt.s32 v21, $0xFFFFFFFF;
	vm15 =	vcmask $0x3734;
	v20 =	vsel vm14, s3, v20;
	s10 =	sadd.s32 s10, s26;
	s3 =	smulhi.u32 $0x78787879, s21;
	s17 =	spop (v2sf)  }
0x670: {  	v25 =	vand.u32 $0x7F, v23;
	v23 =	vshll.u32 v23, $0x2;
	s26 =	sld [smem:$0x790];
	s28 =	smul.u32 $0x78787879, s25;
	v20 =	vsel vm8, s20, v20;
	s14 =	sshra.s32 s17, $0x1F  }
0x671: {  	v22 =	vperm.xlane v22, v6;
	s15 =	sshra.s32 s21, $0x1F;
	v21 =	vand.u32 $0xFFFFFE00, v23;
	s25 =	simm.s32 $0x1200;
	v20 =	vsel vm15, s2, v20;
	s23 =	smul.u32 $0x78787879, s14  }
0x672: {  	v18 =	vperm.xlane v18, v7;
	s19 =	sshra.s32 s29, $0x1F;
	v21 =	vor.u32 v21, v25;
	s0 =	spop (v2sf);
	v20 =	vsel vm9, s5, v20;
	s5 =	smulhi.u32 $0x78787879, s17  }
0x673: {  	v21 =	vor.u32 $0x180, v21;
	s18 =	sshra.s32 s0, $0x1F;
	s22 =	spop (v2sf);
	v26 =	vld [tilespmem:s26+$0x0];
	s26 =	smul.u32 $0x78787879, s16  }
.Ltmp12:
0x674: {  	v18 =	vsel vm10, v18, v22;
	s14 =	sadd.s32 s9, s13;
	s20 =	spop (v2sf);
	v22 =	vperm.xlane v20, v7;
	(pc) =	sbr.rel @p1 .LBB2_20-.Ltmp12, $4  }
0x675: {  	v16 =	vor.u32 $0x180, v16;
	vm11 =	vmand vm11, vm13;
	vm13 =	vlt.s32 v10, $0x1;
	s17 =	sshra.s32 s22, $0x1F;
	s16 =	sshra.s32 s14, $0x7;
	s22 =	smulhi.u32 $0x78787879, s22  }
0x676: {  	vm11 =	vmand vm12, vm11;
	v25 =	vmov s24;
	s24 =	sshrl.u32 s14, $0x1F;
	s14 =	sshra.s32 s12, $0x1F;
	s12 =	sld [smem:$0x791];
	v22 =	vsel vm10, v22, v24  }
0x677: {  	v20 =	vmov s7;
	s2 =	sshra.s32 s20, $0x1F;
	s11 =	sadd.s32 s23, s5;
	v23 =	vmov s16;
	v24 =	vadd.s32 v18, v22;
	s21 =	spop (v2sf)  }
0x678: {  	s5 =	sshrl.u32 s10, $0x1F;
	s17 =	smul.u32 $0x78787879, s17;
	v22 =	vld.idx.msk [tilespmem:v21+s25+$0x0], $0xffff;
	v21 =	vand.u32 $0x7F, v15;
	v27 =	vmul.u32 $0xFFFFFEF0, v24;
	v18 =	vcvt.s32.f32 v26;
	s9 =	spop (v2sf)  }
.Ltmp13:
0x679: {  	_ = 	snop;
	(pc) =	sbr.rel .LBB2_21-.Ltmp13, $1  }
0x67a: {  	_ =	sdelay $0x3  }
.LBB2_23:
0x67b: {  	_ =	sfence.sel $0x180000  }
0x67c: {  	[bflag:$0x0] =	sbarrier.arrive $0xFFFF  }
0x67d: {  	_ =	strace $0x90000047  }
0x67e: {  	s0 =	stileid.u32;
	[bflag:$0x2] =	sbarrier.arrive $0xFFFF  }
0x67f: {  	p0 =	sne.s32 s0, $0x0;
	s0 =	rddreg [dreg:$0x3]  }
0x680: {  	s0 =	sadd.s32 @!p0 $0x100000, s0  }
0x681: {  	[sflag:s0] =	ssyncadd.tile.s32 @!p0 $0x1;
	_ =	shalt  }
.Lfunc_end2:
_tile_overlayer_lowered:
.L_overlay_start_2:
0x682: {  	(tag) =	ssettag $0x2  }
0x683: {  	s0 =	rddreg [dreg:$0x0];
	s2 =	stileid.u32  }
0x684: {  	s1 =	rddreg [dreg:$0x1];
	p0 =	sne.s32 s2, $0x0  }
0x685: {  	s3 =	rddreg [dreg:$0x2];
	[bflag:$0x3] =	sbarrier.arrive $0xFFFF;
	s2 =	simm.s32 @!p0 $0x1C04  }
0x686: {  	[timem:s3], [sflag:s2] =	dma.local @!p0 [hbm:s0], s1  }
0x687: {  	s0 =	simm.s32 @!p0 $0x4  }
0x688: {  	_ =	swait.ge @!p0 [sflag:s0], s1  }
0x689: {  	s1 =	ssub.s32 @!p0 $0x0, s1;
	[sflag:s0] =	ssyncset.done @!p0 $0x0  }
0x68a: {  	[sflag:s0] =	ssyncadd.s32 @!p0 s1  }
0x68b: {  	[bflag:$0x3] =	sbarrier.arrive $0xFFFF  }
0x68c: {  	_ =	shalt  }

</sc_bundles>
